<compile_context>
chip_gen: v7x
topology: tpu7x:2x2x1
jax: 0.10.2.dev20260603
libtpu: 0.0.44.dev20260713+nightly
codegen_flags: <defaults>
</compile_context>

<pallas_src>
import functools

import jax
import jax.numpy as jnp
from jax import lax
from jax.experimental import pallas as pl
from jax.experimental.pallas import tpu as pltpu
from jax.experimental.pallas import tpu_sc as plsc

B = 16384
D = 64
NE = 1000000
NW = 32
BW = B // NW
NCHUNK = 4
CW = BW // NCHUNK
L = 16
W = 32768
GRID = -(-NE // W)


def _norms_body(x_ref, o_ref):
    x = x_ref[...]
    for w in range(o_ref.shape[0]):
        sq = x[:, w * 128:(w + 1) * 128]
        o_ref[pl.ds(w, 1), :] = jnp.sum(sq * sq, axis=0, keepdims=True)


def _tc_entity_norms(tt):
    return pl.pallas_call(
        _norms_body,
        grid=(GRID,),
        in_specs=[pl.BlockSpec((D, W), lambda c: (0, c))],
        out_specs=pl.BlockSpec((W // 128, 128), lambda c: (c, 0)),
        out_shape=jax.ShapeDtypeStruct((GRID * W // 128, 128), jnp.float32),
    )(tt)


def _tc_relation_norms(rt_pad):
    return pl.pallas_call(
        _norms_body,
        out_shape=jax.ShapeDtypeStruct((8, 128), jnp.float32),
    )(rt_pad)


def _sc_gather(h, t, r, s1d, sr1d):
    mesh = plsc.VectorSubcoreMesh(core_axis_name="c", subcore_axis_name="s")

    @functools.partial(
        pl.kernel,
        mesh=mesh,
        out_type=jax.ShapeDtypeStruct((3 * B,), jnp.float32),
        compiler_params=pltpu.CompilerParams(needs_layout_passes=False),
        scratch_types=[
            [pltpu.VMEM((BW,), jnp.int32) for _ in range(3)],
            [pltpu.VMEM((BW,), jnp.float32) for _ in range(3)],
            pltpu.VMEM((1024,), jnp.float32),
            pltpu.SemaphoreType.DMA,
        ],
    )
    def sc_kernel(h_hbm, t_hbm, r_hbm, s_hbm, sr_hbm, out_hbm,
                  raws, vals, srv, sem):
        wid = lax.axis_index("s") * 2 + lax.axis_index("c")
        base = wid * BW

        for k, src in enumerate((h_hbm, t_hbm, r_hbm)):
            pltpu.sync_copy(src.at[pl.ds(base, BW)], raws[k])
        pltpu.sync_copy(sr_hbm, srv)

        copies = []
        for k in range(2):
            for c in range(NCHUNK):
                sl = pl.ds(c * CW, CW)
                copies.append(pltpu.async_copy(
                    s_hbm.at[raws[k].at[sl]], vals[k].at[sl], sem))

        for g in range(BW // L):
            v = raws[2][pl.ds(g * L, L)]
            vals[2][pl.ds(g * L, L)] = plsc.load_gather(srv, [v])

        for cp in copies:
            cp.wait()
        for k in range(3):
            pltpu.sync_copy(vals[k], out_hbm.at[pl.ds(k * B + base, BW)])

    return sc_kernel(h, t, r, s1d, sr1d)


def _tc_combine(p):
    def body(p_ref, o_ref):
        n = p_ref.shape[0] // 3
        d = (jnp.sqrt(p_ref[0:n, :]) - jnp.sqrt(p_ref[n:2 * n, :])
             + jnp.sqrt(p_ref[2 * n:3 * n, :]))
        o_ref[...] = jnp.sqrt(jnp.sum(d * d)).reshape(1, 1)

    return pl.pallas_call(
        body,
        out_shape=jax.ShapeDtypeStruct((1, 1), jnp.float32),
    )(p)


def kernel(h, r, t, emb_entity, emb_relation, norm_p):
    s2 = _tc_entity_norms(emb_entity.T)
    sr = _tc_relation_norms(jnp.pad(emb_relation.T, ((0, 0), (0, 24))))
    p = _sc_gather(h, t, r, s2.reshape(-1), sr.reshape(-1))
    out = _tc_combine(p.reshape(3 * B // 128, 128))[0, 0]
    pf = jnp.asarray(norm_p, jnp.float32)
    return out * (pf / pf)

# --- scband reference (transcript-rebuilt; emitter-appended) ---
"""Pipeline reference for scband-trans-e-54752243089700 (READ-ONLY COPY).

The authoritative reference and input builder live on the scoring server;
editing this copy changes nothing except your own understanding.
"""

import jax, jax.numpy as jnp
import numpy as np

INPUT_ENTITY_SIZE = 1000000
INPUT_REL_SIZE = 1000
EMB_SIZE = 64
BATCH = 16384

def setup_inputs(seed: int = 0) -> dict:
    key = jax.random.key(seed)
    k1, k2, k3, k4, k5 = jax.random.split(key, 5)
    h = jax.random.randint(k1, (BATCH,), 0, INPUT_ENTITY_SIZE, dtype=jnp.int64 if jax.config.jax_enable_x64 else jnp.int32).astype(jnp.int32)
    r = jax.random.randint(k2, (BATCH,), 0, INPUT_REL_SIZE).astype(jnp.int32)
    t = jax.random.randint(k3, (BATCH,), 0, INPUT_ENTITY_SIZE).astype(jnp.int32)
    emb_entity = jax.random.normal(k4, (INPUT_ENTITY_SIZE, EMB_SIZE), dtype=jnp.float32)
    emb_relation = jax.random.normal(k5, (INPUT_REL_SIZE, EMB_SIZE), dtype=jnp.float32)
    return {"h": h, "r": r, "t": t, "emb_entity": emb_entity, "emb_relation": emb_relation,
            "norm_p": jnp.asarray(2, dtype=jnp.int32)}

def reference(h, r, t, emb_entity, emb_relation, norm_p=2):
    p = jnp.asarray(norm_p, dtype=jnp.float32)
    p_unit = p / p
    # get_emb_unnorm: gather embeddings
    h_emb = jnp.take(emb_entity, h, axis=0)   # [B, D]
    r_emb = jnp.take(emb_relation, r, axis=0) # [B, D]
    t_emb = jnp.take(emb_entity, t, axis=0)   # [B, D]
    # get_emb_norm: p-norm along last dim -> [B]
    h_n = jnp.linalg.norm(h_emb, ord=2, axis=-1)
    r_n = jnp.linalg.norm(r_emb, ord=2, axis=-1)
    t_n = jnp.linalg.norm(t_emb, ord=2, axis=-1)
    # final: 2-norm of (h_n - t_n + r_n) along last dim -> scalar
    return jnp.linalg.norm(h_n - t_n + r_n, ord=2, axis=-1) * p_unit

if False:  # reference __main__ guard neutralized (emitter)
    inp = setup_inputs()
    out = reference(**inp)
    print(out.shape, out.dtype)

if __name__ == "__main__":
    import jax
    _d = setup_inputs()
    print(jax.jit(kernel)(*tuple(_d.values())))

</pallas_src>

<mosaic_0001>
#map = affine_map<(d0, d1) -> (0)>
module attributes {stable_mosaic.version = 14 : i64} {
  func.func @sc_kernel(%arg0: i32, %arg1: i32, %arg2: memref<16384xi32, #tpu.memory_space<hbm>>, %arg3: memref<16384xi32, #tpu.memory_space<hbm>>, %arg4: memref<16384xi32, #tpu.memory_space<hbm>>, %arg5: memref<1015808xf32, #tpu.memory_space<hbm>>, %arg6: memref<1024xf32, #tpu.memory_space<hbm>>, %arg7: memref<49152xf32, #tpu.memory_space<hbm>>, %arg8: memref<512xi32, #tpu.memory_space<vmem>>, %arg9: memref<512xi32, #tpu.memory_space<vmem>>, %arg10: memref<512xi32, #tpu.memory_space<vmem>>, %arg11: memref<512xf32, #tpu.memory_space<vmem>>, %arg12: memref<512xf32, #tpu.memory_space<vmem>>, %arg13: memref<512xf32, #tpu.memory_space<vmem>>, %arg14: memref<1024xf32, #tpu.memory_space<vmem>>, %arg15: memref<!tpu.dma_semaphore, #tpu.memory_space<semaphore_mem>>) attributes {dimension_semantics = [#tpu.dimension_semantics<core_parallel>, #tpu.dimension_semantics<subcore_parallel>], iteration_bounds = array<i64: 2, 16>, scalar_prefetch = 0 : i64, scratch_operands = 8 : i64, tpu.core_type = #tpu.core_type<sc_vector_subcore>, window_params = [{transform_indices = #map}, {transform_indices = #map}, {transform_indices = #map}, {transform_indices = #map}, {transform_indices = #map}, {transform_indices = #map}]} {
    %mul3A = arith.constant 2 : i32
    %mul3A_0 = arith.muli %arg1, %mul3A : i32
    %add3A = arith.addi %mul3A_0, %arg0 : i32
    %mul3A_1 = arith.constant 512 : i32
    %mul3A_2 = arith.muli %add3A, %mul3A_1 : i32
    "tpu.region"() ({
      %run_scoped3A = tpu.sem_alloc : memref<!tpu.dma_semaphore, #tpu.memory_space<semaphore_mem>>
      %dma_start3A_260 = tpu.memref_slice %arg2[%mul3A_2] : memref<16384xi32, #tpu.memory_space<hbm>> -> memref<512xi32, #tpu.memory_space<hbm>>
      %dma_start3A_261 = tpu.memref_slice %arg2[%mul3A_2] : memref<16384xi32, #tpu.memory_space<hbm>> -> memref<512xi32, #tpu.memory_space<hbm>>
      tpu.enqueue_dma source(%dma_start3A_261 : memref<512xi32, #tpu.memory_space<hbm>>) target(%arg8 : memref<512xi32, #tpu.memory_space<vmem>>) target_semaphore(%run_scoped3A : memref<!tpu.dma_semaphore, #tpu.memory_space<semaphore_mem>>)
      %dma_wait3A_262 = tpu.memref_slice %arg2[%mul3A_2] : memref<16384xi32, #tpu.memory_space<hbm>> -> memref<512xi32, #tpu.memory_space<hbm>>
      %dma_wait3A_263 = tpu.memref_slice %arg2[%mul3A_2] : memref<16384xi32, #tpu.memory_space<hbm>> -> memref<512xi32, #tpu.memory_space<hbm>>
      tpu.wait_dma2 semaphore(%run_scoped3A : memref<!tpu.dma_semaphore, #tpu.memory_space<semaphore_mem>>) src(%dma_wait3A_263 : memref<512xi32, #tpu.memory_space<hbm>>) dst(%arg8 : memref<512xi32, #tpu.memory_space<vmem>>)
      tpu.yield
    }) : () -> ()
    "tpu.region"() ({
      %run_scoped3A = tpu.sem_alloc : memref<!tpu.dma_semaphore, #tpu.memory_space<semaphore_mem>>
      %dma_start3A_260 = tpu.memref_slice %arg3[%mul3A_2] : memref<16384xi32, #tpu.memory_space<hbm>> -> memref<512xi32, #tpu.memory_space<hbm>>
      %dma_start3A_261 = tpu.memref_slice %arg3[%mul3A_2] : memref<16384xi32, #tpu.memory_space<hbm>> -> memref<512xi32, #tpu.memory_space<hbm>>
      tpu.enqueue_dma source(%dma_start3A_261 : memref<512xi32, #tpu.memory_space<hbm>>) target(%arg9 : memref<512xi32, #tpu.memory_space<vmem>>) target_semaphore(%run_scoped3A : memref<!tpu.dma_semaphore, #tpu.memory_space<semaphore_mem>>)
      %dma_wait3A_262 = tpu.memref_slice %arg3[%mul3A_2] : memref<16384xi32, #tpu.memory_space<hbm>> -> memref<512xi32, #tpu.memory_space<hbm>>
      %dma_wait3A_263 = tpu.memref_slice %arg3[%mul3A_2] : memref<16384xi32, #tpu.memory_space<hbm>> -> memref<512xi32, #tpu.memory_space<hbm>>
      tpu.wait_dma2 semaphore(%run_scoped3A : memref<!tpu.dma_semaphore, #tpu.memory_space<semaphore_mem>>) src(%dma_wait3A_263 : memref<512xi32, #tpu.memory_space<hbm>>) dst(%arg9 : memref<512xi32, #tpu.memory_space<vmem>>)
      tpu.yield
    }) : () -> ()
    "tpu.region"() ({
      %run_scoped3A = tpu.sem_alloc : memref<!tpu.dma_semaphore, #tpu.memory_space<semaphore_mem>>
      %dma_start3A_260 = tpu.memref_slice %arg4[%mul3A_2] : memref<16384xi32, #tpu.memory_space<hbm>> -> memref<512xi32, #tpu.memory_space<hbm>>
      %dma_start3A_261 = tpu.memref_slice %arg4[%mul3A_2] : memref<16384xi32, #tpu.memory_space<hbm>> -> memref<512xi32, #tpu.memory_space<hbm>>
      tpu.enqueue_dma source(%dma_start3A_261 : memref<512xi32, #tpu.memory_space<hbm>>) target(%arg10 : memref<512xi32, #tpu.memory_space<vmem>>) target_semaphore(%run_scoped3A : memref<!tpu.dma_semaphore, #tpu.memory_space<semaphore_mem>>)
      %dma_wait3A_262 = tpu.memref_slice %arg4[%mul3A_2] : memref<16384xi32, #tpu.memory_space<hbm>> -> memref<512xi32, #tpu.memory_space<hbm>>
      %dma_wait3A_263 = tpu.memref_slice %arg4[%mul3A_2] : memref<16384xi32, #tpu.memory_space<hbm>> -> memref<512xi32, #tpu.memory_space<hbm>>
      tpu.wait_dma2 semaphore(%run_scoped3A : memref<!tpu.dma_semaphore, #tpu.memory_space<semaphore_mem>>) src(%dma_wait3A_263 : memref<512xi32, #tpu.memory_space<hbm>>) dst(%arg10 : memref<512xi32, #tpu.memory_space<vmem>>)
      tpu.yield
    }) : () -> ()
    "tpu.region"() ({
      %run_scoped3A = tpu.sem_alloc : memref<!tpu.dma_semaphore, #tpu.memory_space<semaphore_mem>>
      tpu.enqueue_dma source(%arg6 : memref<1024xf32, #tpu.memory_space<hbm>>) target(%arg14 : memref<1024xf32, #tpu.memory_space<vmem>>) target_semaphore(%run_scoped3A : memref<!tpu.dma_semaphore, #tpu.memory_space<semaphore_mem>>)
      tpu.wait_dma2 semaphore(%run_scoped3A : memref<!tpu.dma_semaphore, #tpu.memory_space<semaphore_mem>>) src(%arg6 : memref<1024xf32, #tpu.memory_space<hbm>>) dst(%arg14 : memref<1024xf32, #tpu.memory_space<vmem>>)
      tpu.yield
    }) : () -> ()
    %dma_start3A = arith.constant 0 : i32
    %dma_start3A_3 = tpu.memref_slice %arg11[%dma_start3A] : memref<512xf32, #tpu.memory_space<vmem>> -> memref<128xf32, #tpu.memory_space<vmem>>
    %dma_start3A_4 = arith.constant 0 : i32
    %dma_start3A_5 = tpu.memref_slice %arg8[%dma_start3A_4] : memref<512xi32, #tpu.memory_space<vmem>> -> memref<128xi32, #tpu.memory_space<vmem>>
    %dma_start3A_6 = arith.constant 0 : i32
    %dma_start3A_7 = tpu.memref_slice %arg5[%dma_start3A_6] : memref<1015808xf32, #tpu.memory_space<hbm>> -> memref<1015808xf32, #tpu.memory_space<hbm>>
    tpu.enqueue_indirect_dma source(%dma_start3A_7 : memref<1015808xf32, #tpu.memory_space<hbm>>) target(%dma_start3A_3 : memref<128xf32, #tpu.memory_space<vmem>>) offsets(%dma_start3A_5 : memref<128xi32, #tpu.memory_space<vmem>>) semaphore(%arg15 : memref<!tpu.dma_semaphore, #tpu.memory_space<semaphore_mem>>)
    %dma_start3A_8 = arith.constant 128 : i32
    %dma_start3A_9 = tpu.memref_slice %arg11[%dma_start3A_8] : memref<512xf32, #tpu.memory_space<vmem>> -> memref<128xf32, #tpu.memory_space<vmem>>
    %dma_start3A_10 = arith.constant 128 : i32
    %dma_start3A_11 = tpu.memref_slice %arg8[%dma_start3A_10] : memref<512xi32, #tpu.memory_space<vmem>> -> memref<128xi32, #tpu.memory_space<vmem>>
    %dma_start3A_12 = arith.constant 0 : i32
    %dma_start3A_13 = tpu.memref_slice %arg5[%dma_start3A_12] : memref<1015808xf32, #tpu.memory_space<hbm>> -> memref<1015808xf32, #tpu.memory_space<hbm>>
    tpu.enqueue_indirect_dma source(%dma_start3A_13 : memref<1015808xf32, #tpu.memory_space<hbm>>) target(%dma_start3A_9 : memref<128xf32, #tpu.memory_space<vmem>>) offsets(%dma_start3A_11 : memref<128xi32, #tpu.memory_space<vmem>>) semaphore(%arg15 : memref<!tpu.dma_semaphore, #tpu.memory_space<semaphore_mem>>)
    %dma_start3A_14 = arith.constant 256 : i32
    %dma_start3A_15 = tpu.memref_slice %arg11[%dma_start3A_14] : memref<512xf32, #tpu.memory_space<vmem>> -> memref<128xf32, #tpu.memory_space<vmem>>
    %dma_start3A_16 = arith.constant 256 : i32
    %dma_start3A_17 = tpu.memref_slice %arg8[%dma_start3A_16] : memref<512xi32, #tpu.memory_space<vmem>> -> memref<128xi32, #tpu.memory_space<vmem>>
    %dma_start3A_18 = arith.constant 0 : i32
    %dma_start3A_19 = tpu.memref_slice %arg5[%dma_start3A_18] : memref<1015808xf32, #tpu.memory_space<hbm>> -> memref<1015808xf32, #tpu.memory_space<hbm>>
    tpu.enqueue_indirect_dma source(%dma_start3A_19 : memref<1015808xf32, #tpu.memory_space<hbm>>) target(%dma_start3A_15 : memref<128xf32, #tpu.memory_space<vmem>>) offsets(%dma_start3A_17 : memref<128xi32, #tpu.memory_space<vmem>>) semaphore(%arg15 : memref<!tpu.dma_semaphore, #tpu.memory_space<semaphore_mem>>)
    %dma_start3A_20 = arith.constant 384 : i32
    %dma_start3A_21 = tpu.memref_slice %arg11[%dma_start3A_20] : memref<512xf32, #tpu.memory_space<vmem>> -> memref<128xf32, #tpu.memory_space<vmem>>
    %dma_start3A_22 = arith.constant 384 : i32
    %dma_start3A_23 = tpu.memref_slice %arg8[%dma_start3A_22] : memref<512xi32, #tpu.memory_space<vmem>> -> memref<128xi32, #tpu.memory_space<vmem>>
    %dma_start3A_24 = arith.constant 0 : i32
    %dma_start3A_25 = tpu.memref_slice %arg5[%dma_start3A_24] : memref<1015808xf32, #tpu.memory_space<hbm>> -> memref<1015808xf32, #tpu.memory_space<hbm>>
    tpu.enqueue_indirect_dma source(%dma_start3A_25 : memref<1015808xf32, #tpu.memory_space<hbm>>) target(%dma_start3A_21 : memref<128xf32, #tpu.memory_space<vmem>>) offsets(%dma_start3A_23 : memref<128xi32, #tpu.memory_space<vmem>>) semaphore(%arg15 : memref<!tpu.dma_semaphore, #tpu.memory_space<semaphore_mem>>)
    %dma_start3A_26 = arith.constant 0 : i32
    %dma_start3A_27 = tpu.memref_slice %arg12[%dma_start3A_26] : memref<512xf32, #tpu.memory_space<vmem>> -> memref<128xf32, #tpu.memory_space<vmem>>
    %dma_start3A_28 = arith.constant 0 : i32
    %dma_start3A_29 = tpu.memref_slice %arg9[%dma_start3A_28] : memref<512xi32, #tpu.memory_space<vmem>> -> memref<128xi32, #tpu.memory_space<vmem>>
    %dma_start3A_30 = arith.constant 0 : i32
    %dma_start3A_31 = tpu.memref_slice %arg5[%dma_start3A_30] : memref<1015808xf32, #tpu.memory_space<hbm>> -> memref<1015808xf32, #tpu.memory_space<hbm>>
    tpu.enqueue_indirect_dma source(%dma_start3A_31 : memref<1015808xf32, #tpu.memory_space<hbm>>) target(%dma_start3A_27 : memref<128xf32, #tpu.memory_space<vmem>>) offsets(%dma_start3A_29 : memref<128xi32, #tpu.memory_space<vmem>>) semaphore(%arg15 : memref<!tpu.dma_semaphore, #tpu.memory_space<semaphore_mem>>)
    %dma_start3A_32 = arith.constant 128 : i32
    %dma_start3A_33 = tpu.memref_slice %arg12[%dma_start3A_32] : memref<512xf32, #tpu.memory_space<vmem>> -> memref<128xf32, #tpu.memory_space<vmem>>
    %dma_start3A_34 = arith.constant 128 : i32
    %dma_start3A_35 = tpu.memref_slice %arg9[%dma_start3A_34] : memref<512xi32, #tpu.memory_space<vmem>> -> memref<128xi32, #tpu.memory_space<vmem>>
    %dma_start3A_36 = arith.constant 0 : i32
    %dma_start3A_37 = tpu.memref_slice %arg5[%dma_start3A_36] : memref<1015808xf32, #tpu.memory_space<hbm>> -> memref<1015808xf32, #tpu.memory_space<hbm>>
    tpu.enqueue_indirect_dma source(%dma_start3A_37 : memref<1015808xf32, #tpu.memory_space<hbm>>) target(%dma_start3A_33 : memref<128xf32, #tpu.memory_space<vmem>>) offsets(%dma_start3A_35 : memref<128xi32, #tpu.memory_space<vmem>>) semaphore(%arg15 : memref<!tpu.dma_semaphore, #tpu.memory_space<semaphore_mem>>)
    %dma_start3A_38 = arith.constant 256 : i32
    %dma_start3A_39 = tpu.memref_slice %arg12[%dma_start3A_38] : memref<512xf32, #tpu.memory_space<vmem>> -> memref<128xf32, #tpu.memory_space<vmem>>
    %dma_start3A_40 = arith.constant 256 : i32
    %dma_start3A_41 = tpu.memref_slice %arg9[%dma_start3A_40] : memref<512xi32, #tpu.memory_space<vmem>> -> memref<128xi32, #tpu.memory_space<vmem>>
    %dma_start3A_42 = arith.constant 0 : i32
    %dma_start3A_43 = tpu.memref_slice %arg5[%dma_start3A_42] : memref<1015808xf32, #tpu.memory_space<hbm>> -> memref<1015808xf32, #tpu.memory_space<hbm>>
    tpu.enqueue_indirect_dma source(%dma_start3A_43 : memref<1015808xf32, #tpu.memory_space<hbm>>) target(%dma_start3A_39 : memref<128xf32, #tpu.memory_space<vmem>>) offsets(%dma_start3A_41 : memref<128xi32, #tpu.memory_space<vmem>>) semaphore(%arg15 : memref<!tpu.dma_semaphore, #tpu.memory_space<semaphore_mem>>)
    %dma_start3A_44 = arith.constant 384 : i32
    %dma_start3A_45 = tpu.memref_slice %arg12[%dma_start3A_44] : memref<512xf32, #tpu.memory_space<vmem>> -> memref<128xf32, #tpu.memory_space<vmem>>
    %dma_start3A_46 = arith.constant 384 : i32
    %dma_start3A_47 = tpu.memref_slice %arg9[%dma_start3A_46] : memref<512xi32, #tpu.memory_space<vmem>> -> memref<128xi32, #tpu.memory_space<vmem>>
    %dma_start3A_48 = arith.constant 0 : i32
    %dma_start3A_49 = tpu.memref_slice %arg5[%dma_start3A_48] : memref<1015808xf32, #tpu.memory_space<hbm>> -> memref<1015808xf32, #tpu.memory_space<hbm>>
    tpu.enqueue_indirect_dma source(%dma_start3A_49 : memref<1015808xf32, #tpu.memory_space<hbm>>) target(%dma_start3A_45 : memref<128xf32, #tpu.memory_space<vmem>>) offsets(%dma_start3A_47 : memref<128xi32, #tpu.memory_space<vmem>>) semaphore(%arg15 : memref<!tpu.dma_semaphore, #tpu.memory_space<semaphore_mem>>)
    %get3A = arith.constant 0 : index
    %get3A_50 = tpu.vector_load %arg10[%get3A] {strides = array<i32>} : memref<512xi32, #tpu.memory_space<vmem>>, vector<16xi32>,
    %gather3A = tpu.vector_load_idx %arg14[%get3A_50] : memref<1024xf32, #tpu.memory_space<vmem>>[vector<16xi32>], vector<16xf32>,
    %swap3A = arith.constant 0 : index
    %swap3A_51 = tpu.vector_load %arg13[%swap3A] {strides = array<i32>} : memref<512xf32, #tpu.memory_space<vmem>>, vector<16xf32>,
    tpu.vector_store %arg13[%swap3A], %gather3A {strides = array<i32>} : memref<512xf32, #tpu.memory_space<vmem>>, vector<16xf32>,
    %get3A_52 = arith.constant 16 : index
    %get3A_53 = tpu.vector_load %arg10[%get3A_52] {strides = array<i32>} : memref<512xi32, #tpu.memory_space<vmem>>, vector<16xi32>,
    %gather3A_54 = tpu.vector_load_idx %arg14[%get3A_53] : memref<1024xf32, #tpu.memory_space<vmem>>[vector<16xi32>], vector<16xf32>,
    %swap3A_55 = arith.constant 16 : index
    %swap3A_56 = tpu.vector_load %arg13[%swap3A_55] {strides = array<i32>} : memref<512xf32, #tpu.memory_space<vmem>>, vector<16xf32>,
    tpu.vector_store %arg13[%swap3A_55], %gather3A_54 {strides = array<i32>} : memref<512xf32, #tpu.memory_space<vmem>>, vector<16xf32>,
    %get3A_57 = arith.constant 32 : index
    %get3A_58 = tpu.vector_load %arg10[%get3A_57] {strides = array<i32>} : memref<512xi32, #tpu.memory_space<vmem>>, vector<16xi32>,
    %gather3A_59 = tpu.vector_load_idx %arg14[%get3A_58] : memref<1024xf32, #tpu.memory_space<vmem>>[vector<16xi32>], vector<16xf32>,
    %swap3A_60 = arith.constant 32 : index
    %swap3A_61 = tpu.vector_load %arg13[%swap3A_60] {strides = array<i32>} : memref<512xf32, #tpu.memory_space<vmem>>, vector<16xf32>,
    tpu.vector_store %arg13[%swap3A_60], %gather3A_59 {strides = array<i32>} : memref<512xf32, #tpu.memory_space<vmem>>, vector<16xf32>,
    %get3A_62 = arith.constant 48 : index
    %get3A_63 = tpu.vector_load %arg10[%get3A_62] {strides = array<i32>} : memref<512xi32, #tpu.memory_space<vmem>>, vector<16xi32>,
    %gather3A_64 = tpu.vector_load_idx %arg14[%get3A_63] : memref<1024xf32, #tpu.memory_space<vmem>>[vector<16xi32>], vector<16xf32>,
    %swap3A_65 = arith.constant 48 : index
    %swap3A_66 = tpu.vector_load %arg13[%swap3A_65] {strides = array<i32>} : memref<512xf32, #tpu.memory_space<vmem>>, vector<16xf32>,
    tpu.vector_store %arg13[%swap3A_65], %gather3A_64 {strides = array<i32>} : memref<512xf32, #tpu.memory_space<vmem>>, vector<16xf32>,
    %get3A_67 = arith.constant 64 : index
    %get3A_68 = tpu.vector_load %arg10[%get3A_67] {strides = array<i32>} : memref<512xi32, #tpu.memory_space<vmem>>, vector<16xi32>,
    %gather3A_69 = tpu.vector_load_idx %arg14[%get3A_68] : memref<1024xf32, #tpu.memory_space<vmem>>[vector<16xi32>], vector<16xf32>,
    %swap3A_70 = arith.constant 64 : index
    %swap3A_71 = tpu.vector_load %arg13[%swap3A_70] {strides = array<i32>} : memref<512xf32, #tpu.memory_space<vmem>>, vector<16xf32>,
    tpu.vector_store %arg13[%swap3A_70], %gather3A_69 {strides = array<i32>} : memref<512xf32, #tpu.memory_space<vmem>>, vector<16xf32>,
    %get3A_72 = arith.constant 80 : index
    %get3A_73 = tpu.vector_load %arg10[%get3A_72] {strides = array<i32>} : memref<512xi32, #tpu.memory_space<vmem>>, vector<16xi32>,
    %gather3A_74 = tpu.vector_load_idx %arg14[%get3A_73] : memref<1024xf32, #tpu.memory_space<vmem>>[vector<16xi32>], vector<16xf32>,
    %swap3A_75 = arith.constant 80 : index
    %swap3A_76 = tpu.vector_load %arg13[%swap3A_75] {strides = array<i32>} : memref<512xf32, #tpu.memory_space<vmem>>, vector<16xf32>,
    tpu.vector_store %arg13[%swap3A_75], %gather3A_74 {strides = array<i32>} : memref<512xf32, #tpu.memory_space<vmem>>, vector<16xf32>,
    %get3A_77 = arith.constant 96 : index
    %get3A_78 = tpu.vector_load %arg10[%get3A_77] {strides = array<i32>} : memref<512xi32, #tpu.memory_space<vmem>>, vector<16xi32>,
    %gather3A_79 = tpu.vector_load_idx %arg14[%get3A_78] : memref<1024xf32, #tpu.memory_space<vmem>>[vector<16xi32>], vector<16xf32>,
    %swap3A_80 = arith.constant 96 : index
    %swap3A_81 = tpu.vector_load %arg13[%swap3A_80] {strides = array<i32>} : memref<512xf32, #tpu.memory_space<vmem>>, vector<16xf32>,
    tpu.vector_store %arg13[%swap3A_80], %gather3A_79 {strides = array<i32>} : memref<512xf32, #tpu.memory_space<vmem>>, vector<16xf32>,
    %get3A_82 = arith.constant 112 : index
    %get3A_83 = tpu.vector_load %arg10[%get3A_82] {strides = array<i32>} : memref<512xi32, #tpu.memory_space<vmem>>, vector<16xi32>,
    %gather3A_84 = tpu.vector_load_idx %arg14[%get3A_83] : memref<1024xf32, #tpu.memory_space<vmem>>[vector<16xi32>], vector<16xf32>,
    %swap3A_85 = arith.constant 112 : index
    %swap3A_86 = tpu.vector_load %arg13[%swap3A_85] {strides = array<i32>} : memref<512xf32, #tpu.memory_space<vmem>>, vector<16xf32>,
    tpu.vector_store %arg13[%swap3A_85], %gather3A_84 {strides = array<i32>} : memref<512xf32, #tpu.memory_space<vmem>>, vector<16xf32>,
    %get3A_87 = arith.constant 128 : index
    %get3A_88 = tpu.vector_load %arg10[%get3A_87] {strides = array<i32>} : memref<512xi32, #tpu.memory_space<vmem>>, vector<16xi32>,
    %gather3A_89 = tpu.vector_load_idx %arg14[%get3A_88] : memref<1024xf32, #tpu.memory_space<vmem>>[vector<16xi32>], vector<16xf32>,
    %swap3A_90 = arith.constant 128 : index
    %swap3A_91 = tpu.vector_load %arg13[%swap3A_90] {strides = array<i32>} : memref<512xf32, #tpu.memory_space<vmem>>, vector<16xf32>,
    tpu.vector_store %arg13[%swap3A_90], %gather3A_89 {strides = array<i32>} : memref<512xf32, #tpu.memory_space<vmem>>, vector<16xf32>,
    %get3A_92 = arith.constant 144 : index
    %get3A_93 = tpu.vector_load %arg10[%get3A_92] {strides = array<i32>} : memref<512xi32, #tpu.memory_space<vmem>>, vector<16xi32>,
    %gather3A_94 = tpu.vector_load_idx %arg14[%get3A_93] : memref<1024xf32, #tpu.memory_space<vmem>>[vector<16xi32>], vector<16xf32>,
    %swap3A_95 = arith.constant 144 : index
    %swap3A_96 = tpu.vector_load %arg13[%swap3A_95] {strides = array<i32>} : memref<512xf32, #tpu.memory_space<vmem>>, vector<16xf32>,
    tpu.vector_store %arg13[%swap3A_95], %gather3A_94 {strides = array<i32>} : memref<512xf32, #tpu.memory_space<vmem>>, vector<16xf32>,
    %get3A_97 = arith.constant 160 : index
    %get3A_98 = tpu.vector_load %arg10[%get3A_97] {strides = array<i32>} : memref<512xi32, #tpu.memory_space<vmem>>, vector<16xi32>,
    %gather3A_99 = tpu.vector_load_idx %arg14[%get3A_98] : memref<1024xf32, #tpu.memory_space<vmem>>[vector<16xi32>], vector<16xf32>,
    %swap3A_100 = arith.constant 160 : index
    %swap3A_101 = tpu.vector_load %arg13[%swap3A_100] {strides = array<i32>} : memref<512xf32, #tpu.memory_space<vmem>>, vector<16xf32>,
    tpu.vector_store %arg13[%swap3A_100], %gather3A_99 {strides = array<i32>} : memref<512xf32, #tpu.memory_space<vmem>>, vector<16xf32>,
    %get3A_102 = arith.constant 176 : index
    %get3A_103 = tpu.vector_load %arg10[%get3A_102] {strides = array<i32>} : memref<512xi32, #tpu.memory_space<vmem>>, vector<16xi32>,
    %gather3A_104 = tpu.vector_load_idx %arg14[%get3A_103] : memref<1024xf32, #tpu.memory_space<vmem>>[vector<16xi32>], vector<16xf32>,
    %swap3A_105 = arith.constant 176 : index
    %swap3A_106 = tpu.vector_load %arg13[%swap3A_105] {strides = array<i32>} : memref<512xf32, #tpu.memory_space<vmem>>, vector<16xf32>,
    tpu.vector_store %arg13[%swap3A_105], %gather3A_104 {strides = array<i32>} : memref<512xf32, #tpu.memory_space<vmem>>, vector<16xf32>,
    %get3A_107 = arith.constant 192 : index
    %get3A_108 = tpu.vector_load %arg10[%get3A_107] {strides = array<i32>} : memref<512xi32, #tpu.memory_space<vmem>>, vector<16xi32>,
    %gather3A_109 = tpu.vector_load_idx %arg14[%get3A_108] : memref<1024xf32, #tpu.memory_space<vmem>>[vector<16xi32>], vector<16xf32>,
    %swap3A_110 = arith.constant 192 : index
    %swap3A_111 = tpu.vector_load %arg13[%swap3A_110] {strides = array<i32>} : memref<512xf32, #tpu.memory_space<vmem>>, vector<16xf32>,
    tpu.vector_store %arg13[%swap3A_110], %gather3A_109 {strides = array<i32>} : memref<512xf32, #tpu.memory_space<vmem>>, vector<16xf32>,
    %get3A_112 = arith.constant 208 : index
    %get3A_113 = tpu.vector_load %arg10[%get3A_112] {strides = array<i32>} : memref<512xi32, #tpu.memory_space<vmem>>, vector<16xi32>,
    %gather3A_114 = tpu.vector_load_idx %arg14[%get3A_113] : memref<1024xf32, #tpu.memory_space<vmem>>[vector<16xi32>], vector<16xf32>,
    %swap3A_115 = arith.constant 208 : index
    %swap3A_116 = tpu.vector_load %arg13[%swap3A_115] {strides = array<i32>} : memref<512xf32, #tpu.memory_space<vmem>>, vector<16xf32>,
    tpu.vector_store %arg13[%swap3A_115], %gather3A_114 {strides = array<i32>} : memref<512xf32, #tpu.memory_space<vmem>>, vector<16xf32>,
    %get3A_117 = arith.constant 224 : index
    %get3A_118 = tpu.vector_load %arg10[%get3A_117] {strides = array<i32>} : memref<512xi32, #tpu.memory_space<vmem>>, vector<16xi32>,
    %gather3A_119 = tpu.vector_load_idx %arg14[%get3A_118] : memref<1024xf32, #tpu.memory_space<vmem>>[vector<16xi32>], vector<16xf32>,
    %swap3A_120 = arith.constant 224 : index
    %swap3A_121 = tpu.vector_load %arg13[%swap3A_120] {strides = array<i32>} : memref<512xf32, #tpu.memory_space<vmem>>, vector<16xf32>,
    tpu.vector_store %arg13[%swap3A_120], %gather3A_119 {strides = array<i32>} : memref<512xf32, #tpu.memory_space<vmem>>, vector<16xf32>,
    %get3A_122 = arith.constant 240 : index
    %get3A_123 = tpu.vector_load %arg10[%get3A_122] {strides = array<i32>} : memref<512xi32, #tpu.memory_space<vmem>>, vector<16xi32>,
    %gather3A_124 = tpu.vector_load_idx %arg14[%get3A_123] : memref<1024xf32, #tpu.memory_space<vmem>>[vector<16xi32>], vector<16xf32>,
    %swap3A_125 = arith.constant 240 : index
    %swap3A_126 = tpu.vector_load %arg13[%swap3A_125] {strides = array<i32>} : memref<512xf32, #tpu.memory_space<vmem>>, vector<16xf32>,
    tpu.vector_store %arg13[%swap3A_125], %gather3A_124 {strides = array<i32>} : memref<512xf32, #tpu.memory_space<vmem>>, vector<16xf32>,
    %get3A_127 = arith.constant 256 : index
    %get3A_128 = tpu.vector_load %arg10[%get3A_127] {strides = array<i32>} : memref<512xi32, #tpu.memory_space<vmem>>, vector<16xi32>,
    %gather3A_129 = tpu.vector_load_idx %arg14[%get3A_128] : memref<1024xf32, #tpu.memory_space<vmem>>[vector<16xi32>], vector<16xf32>,
    %swap3A_130 = arith.constant 256 : index
    %swap3A_131 = tpu.vector_load %arg13[%swap3A_130] {strides = array<i32>} : memref<512xf32, #tpu.memory_space<vmem>>, vector<16xf32>,
    tpu.vector_store %arg13[%swap3A_130], %gather3A_129 {strides = array<i32>} : memref<512xf32, #tpu.memory_space<vmem>>, vector<16xf32>,
    %get3A_132 = arith.constant 272 : index
    %get3A_133 = tpu.vector_load %arg10[%get3A_132] {strides = array<i32>} : memref<512xi32, #tpu.memory_space<vmem>>, vector<16xi32>,
    %gather3A_134 = tpu.vector_load_idx %arg14[%get3A_133] : memref<1024xf32, #tpu.memory_space<vmem>>[vector<16xi32>], vector<16xf32>,
    %swap3A_135 = arith.constant 272 : index
    %swap3A_136 = tpu.vector_load %arg13[%swap3A_135] {strides = array<i32>} : memref<512xf32, #tpu.memory_space<vmem>>, vector<16xf32>,
    tpu.vector_store %arg13[%swap3A_135], %gather3A_134 {strides = array<i32>} : memref<512xf32, #tpu.memory_space<vmem>>, vector<16xf32>,
    %get3A_137 = arith.constant 288 : index
    %get3A_138 = tpu.vector_load %arg10[%get3A_137] {strides = array<i32>} : memref<512xi32, #tpu.memory_space<vmem>>, vector<16xi32>,
    %gather3A_139 = tpu.vector_load_idx %arg14[%get3A_138] : memref<1024xf32, #tpu.memory_space<vmem>>[vector<16xi32>], vector<16xf32>,
    %swap3A_140 = arith.constant 288 : index
    %swap3A_141 = tpu.vector_load %arg13[%swap3A_140] {strides = array<i32>} : memref<512xf32, #tpu.memory_space<vmem>>, vector<16xf32>,
    tpu.vector_store %arg13[%swap3A_140], %gather3A_139 {strides = array<i32>} : memref<512xf32, #tpu.memory_space<vmem>>, vector<16xf32>,
    %get3A_142 = arith.constant 304 : index
    %get3A_143 = tpu.vector_load %arg10[%get3A_142] {strides = array<i32>} : memref<512xi32, #tpu.memory_space<vmem>>, vector<16xi32>,
    %gather3A_144 = tpu.vector_load_idx %arg14[%get3A_143] : memref<1024xf32, #tpu.memory_space<vmem>>[vector<16xi32>], vector<16xf32>,
    %swap3A_145 = arith.constant 304 : index
    %swap3A_146 = tpu.vector_load %arg13[%swap3A_145] {strides = array<i32>} : memref<512xf32, #tpu.memory_space<vmem>>, vector<16xf32>,
    tpu.vector_store %arg13[%swap3A_145], %gather3A_144 {strides = array<i32>} : memref<512xf32, #tpu.memory_space<vmem>>, vector<16xf32>,
    %get3A_147 = arith.constant 320 : index
    %get3A_148 = tpu.vector_load %arg10[%get3A_147] {strides = array<i32>} : memref<512xi32, #tpu.memory_space<vmem>>, vector<16xi32>,
    %gather3A_149 = tpu.vector_load_idx %arg14[%get3A_148] : memref<1024xf32, #tpu.memory_space<vmem>>[vector<16xi32>], vector<16xf32>,
    %swap3A_150 = arith.constant 320 : index
    %swap3A_151 = tpu.vector_load %arg13[%swap3A_150] {strides = array<i32>} : memref<512xf32, #tpu.memory_space<vmem>>, vector<16xf32>,
    tpu.vector_store %arg13[%swap3A_150], %gather3A_149 {strides = array<i32>} : memref<512xf32, #tpu.memory_space<vmem>>, vector<16xf32>,
    %get3A_152 = arith.constant 336 : index
    %get3A_153 = tpu.vector_load %arg10[%get3A_152] {strides = array<i32>} : memref<512xi32, #tpu.memory_space<vmem>>, vector<16xi32>,
    %gather3A_154 = tpu.vector_load_idx %arg14[%get3A_153] : memref<1024xf32, #tpu.memory_space<vmem>>[vector<16xi32>], vector<16xf32>,
    %swap3A_155 = arith.constant 336 : index
    %swap3A_156 = tpu.vector_load %arg13[%swap3A_155] {strides = array<i32>} : memref<512xf32, #tpu.memory_space<vmem>>, vector<16xf32>,
    tpu.vector_store %arg13[%swap3A_155], %gather3A_154 {strides = array<i32>} : memref<512xf32, #tpu.memory_space<vmem>>, vector<16xf32>,
    %get3A_157 = arith.constant 352 : index
    %get3A_158 = tpu.vector_load %arg10[%get3A_157] {strides = array<i32>} : memref<512xi32, #tpu.memory_space<vmem>>, vector<16xi32>,
    %gather3A_159 = tpu.vector_load_idx %arg14[%get3A_158] : memref<1024xf32, #tpu.memory_space<vmem>>[vector<16xi32>], vector<16xf32>,
    %swap3A_160 = arith.constant 352 : index
    %swap3A_161 = tpu.vector_load %arg13[%swap3A_160] {strides = array<i32>} : memref<512xf32, #tpu.memory_space<vmem>>, vector<16xf32>,
    tpu.vector_store %arg13[%swap3A_160], %gather3A_159 {strides = array<i32>} : memref<512xf32, #tpu.memory_space<vmem>>, vector<16xf32>,
    %get3A_162 = arith.constant 368 : index
    %get3A_163 = tpu.vector_load %arg10[%get3A_162] {strides = array<i32>} : memref<512xi32, #tpu.memory_space<vmem>>, vector<16xi32>,
    %gather3A_164 = tpu.vector_load_idx %arg14[%get3A_163] : memref<1024xf32, #tpu.memory_space<vmem>>[vector<16xi32>], vector<16xf32>,
    %swap3A_165 = arith.constant 368 : index
    %swap3A_166 = tpu.vector_load %arg13[%swap3A_165] {strides = array<i32>} : memref<512xf32, #tpu.memory_space<vmem>>, vector<16xf32>,
    tpu.vector_store %arg13[%swap3A_165], %gather3A_164 {strides = array<i32>} : memref<512xf32, #tpu.memory_space<vmem>>, vector<16xf32>,
    %get3A_167 = arith.constant 384 : index
    %get3A_168 = tpu.vector_load %arg10[%get3A_167] {strides = array<i32>} : memref<512xi32, #tpu.memory_space<vmem>>, vector<16xi32>,
    %gather3A_169 = tpu.vector_load_idx %arg14[%get3A_168] : memref<1024xf32, #tpu.memory_space<vmem>>[vector<16xi32>], vector<16xf32>,
    %swap3A_170 = arith.constant 384 : index
    %swap3A_171 = tpu.vector_load %arg13[%swap3A_170] {strides = array<i32>} : memref<512xf32, #tpu.memory_space<vmem>>, vector<16xf32>,
    tpu.vector_store %arg13[%swap3A_170], %gather3A_169 {strides = array<i32>} : memref<512xf32, #tpu.memory_space<vmem>>, vector<16xf32>,
    %get3A_172 = arith.constant 400 : index
    %get3A_173 = tpu.vector_load %arg10[%get3A_172] {strides = array<i32>} : memref<512xi32, #tpu.memory_space<vmem>>, vector<16xi32>,
    %gather3A_174 = tpu.vector_load_idx %arg14[%get3A_173] : memref<1024xf32, #tpu.memory_space<vmem>>[vector<16xi32>], vector<16xf32>,
    %swap3A_175 = arith.constant 400 : index
    %swap3A_176 = tpu.vector_load %arg13[%swap3A_175] {strides = array<i32>} : memref<512xf32, #tpu.memory_space<vmem>>, vector<16xf32>,
    tpu.vector_store %arg13[%swap3A_175], %gather3A_174 {strides = array<i32>} : memref<512xf32, #tpu.memory_space<vmem>>, vector<16xf32>,
    %get3A_177 = arith.constant 416 : index
    %get3A_178 = tpu.vector_load %arg10[%get3A_177] {strides = array<i32>} : memref<512xi32, #tpu.memory_space<vmem>>, vector<16xi32>,
    %gather3A_179 = tpu.vector_load_idx %arg14[%get3A_178] : memref<1024xf32, #tpu.memory_space<vmem>>[vector<16xi32>], vector<16xf32>,
    %swap3A_180 = arith.constant 416 : index
    %swap3A_181 = tpu.vector_load %arg13[%swap3A_180] {strides = array<i32>} : memref<512xf32, #tpu.memory_space<vmem>>, vector<16xf32>,
    tpu.vector_store %arg13[%swap3A_180], %gather3A_179 {strides = array<i32>} : memref<512xf32, #tpu.memory_space<vmem>>, vector<16xf32>,
    %get3A_182 = arith.constant 432 : index
    %get3A_183 = tpu.vector_load %arg10[%get3A_182] {strides = array<i32>} : memref<512xi32, #tpu.memory_space<vmem>>, vector<16xi32>,
    %gather3A_184 = tpu.vector_load_idx %arg14[%get3A_183] : memref<1024xf32, #tpu.memory_space<vmem>>[vector<16xi32>], vector<16xf32>,
    %swap3A_185 = arith.constant 432 : index
    %swap3A_186 = tpu.vector_load %arg13[%swap3A_185] {strides = array<i32>} : memref<512xf32, #tpu.memory_space<vmem>>, vector<16xf32>,
    tpu.vector_store %arg13[%swap3A_185], %gather3A_184 {strides = array<i32>} : memref<512xf32, #tpu.memory_space<vmem>>, vector<16xf32>,
    %get3A_187 = arith.constant 448 : index
    %get3A_188 = tpu.vector_load %arg10[%get3A_187] {strides = array<i32>} : memref<512xi32, #tpu.memory_space<vmem>>, vector<16xi32>,
    %gather3A_189 = tpu.vector_load_idx %arg14[%get3A_188] : memref<1024xf32, #tpu.memory_space<vmem>>[vector<16xi32>], vector<16xf32>,
    %swap3A_190 = arith.constant 448 : index
    %swap3A_191 = tpu.vector_load %arg13[%swap3A_190] {strides = array<i32>} : memref<512xf32, #tpu.memory_space<vmem>>, vector<16xf32>,
    tpu.vector_store %arg13[%swap3A_190], %gather3A_189 {strides = array<i32>} : memref<512xf32, #tpu.memory_space<vmem>>, vector<16xf32>,
    %get3A_192 = arith.constant 464 : index
    %get3A_193 = tpu.vector_load %arg10[%get3A_192] {strides = array<i32>} : memref<512xi32, #tpu.memory_space<vmem>>, vector<16xi32>,
    %gather3A_194 = tpu.vector_load_idx %arg14[%get3A_193] : memref<1024xf32, #tpu.memory_space<vmem>>[vector<16xi32>], vector<16xf32>,
    %swap3A_195 = arith.constant 464 : index
    %swap3A_196 = tpu.vector_load %arg13[%swap3A_195] {strides = array<i32>} : memref<512xf32, #tpu.memory_space<vmem>>, vector<16xf32>,
    tpu.vector_store %arg13[%swap3A_195], %gather3A_194 {strides = array<i32>} : memref<512xf32, #tpu.memory_space<vmem>>, vector<16xf32>,
    %get3A_197 = arith.constant 480 : index
    %get3A_198 = tpu.vector_load %arg10[%get3A_197] {strides = array<i32>} : memref<512xi32, #tpu.memory_space<vmem>>, vector<16xi32>,
    %gather3A_199 = tpu.vector_load_idx %arg14[%get3A_198] : memref<1024xf32, #tpu.memory_space<vmem>>[vector<16xi32>], vector<16xf32>,
    %swap3A_200 = arith.constant 480 : index
    %swap3A_201 = tpu.vector_load %arg13[%swap3A_200] {strides = array<i32>} : memref<512xf32, #tpu.memory_space<vmem>>, vector<16xf32>,
    tpu.vector_store %arg13[%swap3A_200], %gather3A_199 {strides = array<i32>} : memref<512xf32, #tpu.memory_space<vmem>>, vector<16xf32>,
    %get3A_202 = arith.constant 496 : index
    %get3A_203 = tpu.vector_load %arg10[%get3A_202] {strides = array<i32>} : memref<512xi32, #tpu.memory_space<vmem>>, vector<16xi32>,
    %gather3A_204 = tpu.vector_load_idx %arg14[%get3A_203] : memref<1024xf32, #tpu.memory_space<vmem>>[vector<16xi32>], vector<16xf32>,
    %swap3A_205 = arith.constant 496 : index
    %swap3A_206 = tpu.vector_load %arg13[%swap3A_205] {strides = array<i32>} : memref<512xf32, #tpu.memory_space<vmem>>, vector<16xf32>,
    tpu.vector_store %arg13[%swap3A_205], %gather3A_204 {strides = array<i32>} : memref<512xf32, #tpu.memory_space<vmem>>, vector<16xf32>,
    %dma_wait3A = arith.constant 0 : i32
    %dma_wait3A_207 = tpu.memref_slice %arg11[%dma_wait3A] : memref<512xf32, #tpu.memory_space<vmem>> -> memref<128xf32, #tpu.memory_space<vmem>>
    %dma_wait3A_208 = arith.constant 0 : i32
    %dma_wait3A_209 = tpu.memref_slice %arg8[%dma_wait3A_208] : memref<512xi32, #tpu.memory_space<vmem>> -> memref<128xi32, #tpu.memory_space<vmem>>
    %dma_wait3A_210 = arith.constant 0 : i32
    %dma_wait3A_211 = tpu.memref_slice %arg5[%dma_wait3A_210] : memref<1015808xf32, #tpu.memory_space<hbm>> -> memref<1015808xf32, #tpu.memory_space<hbm>>
    tpu.wait_indirect_dma semaphore(%arg15 : memref<!tpu.dma_semaphore, #tpu.memory_space<semaphore_mem>>) src(%dma_wait3A_211 : memref<1015808xf32, #tpu.memory_space<hbm>>) dst(%dma_wait3A_207 : memref<128xf32, #tpu.memory_space<vmem>>)
    %dma_wait3A_212 = arith.constant 128 : i32
    %dma_wait3A_213 = tpu.memref_slice %arg11[%dma_wait3A_212] : memref<512xf32, #tpu.memory_space<vmem>> -> memref<128xf32, #tpu.memory_space<vmem>>
    %dma_wait3A_214 = arith.constant 128 : i32
    %dma_wait3A_215 = tpu.memref_slice %arg8[%dma_wait3A_214] : memref<512xi32, #tpu.memory_space<vmem>> -> memref<128xi32, #tpu.memory_space<vmem>>
    %dma_wait3A_216 = arith.constant 0 : i32
    %dma_wait3A_217 = tpu.memref_slice %arg5[%dma_wait3A_216] : memref<1015808xf32, #tpu.memory_space<hbm>> -> memref<1015808xf32, #tpu.memory_space<hbm>>
    tpu.wait_indirect_dma semaphore(%arg15 : memref<!tpu.dma_semaphore, #tpu.memory_space<semaphore_mem>>) src(%dma_wait3A_217 : memref<1015808xf32, #tpu.memory_space<hbm>>) dst(%dma_wait3A_213 : memref<128xf32, #tpu.memory_space<vmem>>)
    %dma_wait3A_218 = arith.constant 256 : i32
    %dma_wait3A_219 = tpu.memref_slice %arg11[%dma_wait3A_218] : memref<512xf32, #tpu.memory_space<vmem>> -> memref<128xf32, #tpu.memory_space<vmem>>
    %dma_wait3A_220 = arith.constant 256 : i32
    %dma_wait3A_221 = tpu.memref_slice %arg8[%dma_wait3A_220] : memref<512xi32, #tpu.memory_space<vmem>> -> memref<128xi32, #tpu.memory_space<vmem>>
    %dma_wait3A_222 = arith.constant 0 : i32
    %dma_wait3A_223 = tpu.memref_slice %arg5[%dma_wait3A_222] : memref<1015808xf32, #tpu.memory_space<hbm>> -> memref<1015808xf32, #tpu.memory_space<hbm>>
    tpu.wait_indirect_dma semaphore(%arg15 : memref<!tpu.dma_semaphore, #tpu.memory_space<semaphore_mem>>) src(%dma_wait3A_223 : memref<1015808xf32, #tpu.memory_space<hbm>>) dst(%dma_wait3A_219 : memref<128xf32, #tpu.memory_space<vmem>>)
    %dma_wait3A_224 = arith.constant 384 : i32
    %dma_wait3A_225 = tpu.memref_slice %arg11[%dma_wait3A_224] : memref<512xf32, #tpu.memory_space<vmem>> -> memref<128xf32, #tpu.memory_space<vmem>>
    %dma_wait3A_226 = arith.constant 384 : i32
    %dma_wait3A_227 = tpu.memref_slice %arg8[%dma_wait3A_226] : memref<512xi32, #tpu.memory_space<vmem>> -> memref<128xi32, #tpu.memory_space<vmem>>
    %dma_wait3A_228 = arith.constant 0 : i32
    %dma_wait3A_229 = tpu.memref_slice %arg5[%dma_wait3A_228] : memref<1015808xf32, #tpu.memory_space<hbm>> -> memref<1015808xf32, #tpu.memory_space<hbm>>
    tpu.wait_indirect_dma semaphore(%arg15 : memref<!tpu.dma_semaphore, #tpu.memory_space<semaphore_mem>>) src(%dma_wait3A_229 : memref<1015808xf32, #tpu.memory_space<hbm>>) dst(%dma_wait3A_225 : memref<128xf32, #tpu.memory_space<vmem>>)
    %dma_wait3A_230 = arith.constant 0 : i32
    %dma_wait3A_231 = tpu.memref_slice %arg12[%dma_wait3A_230] : memref<512xf32, #tpu.memory_space<vmem>> -> memref<128xf32, #tpu.memory_space<vmem>>
    %dma_wait3A_232 = arith.constant 0 : i32
    %dma_wait3A_233 = tpu.memref_slice %arg9[%dma_wait3A_232] : memref<512xi32, #tpu.memory_space<vmem>> -> memref<128xi32, #tpu.memory_space<vmem>>
    %dma_wait3A_234 = arith.constant 0 : i32
    %dma_wait3A_235 = tpu.memref_slice %arg5[%dma_wait3A_234] : memref<1015808xf32, #tpu.memory_space<hbm>> -> memref<1015808xf32, #tpu.memory_space<hbm>>
    tpu.wait_indirect_dma semaphore(%arg15 : memref<!tpu.dma_semaphore, #tpu.memory_space<semaphore_mem>>) src(%dma_wait3A_235 : memref<1015808xf32, #tpu.memory_space<hbm>>) dst(%dma_wait3A_231 : memref<128xf32, #tpu.memory_space<vmem>>)
    %dma_wait3A_236 = arith.constant 128 : i32
    %dma_wait3A_237 = tpu.memref_slice %arg12[%dma_wait3A_236] : memref<512xf32, #tpu.memory_space<vmem>> -> memref<128xf32, #tpu.memory_space<vmem>>
    %dma_wait3A_238 = arith.constant 128 : i32
    %dma_wait3A_239 = tpu.memref_slice %arg9[%dma_wait3A_238] : memref<512xi32, #tpu.memory_space<vmem>> -> memref<128xi32, #tpu.memory_space<vmem>>
    %dma_wait3A_240 = arith.constant 0 : i32
    %dma_wait3A_241 = tpu.memref_slice %arg5[%dma_wait3A_240] : memref<1015808xf32, #tpu.memory_space<hbm>> -> memref<1015808xf32, #tpu.memory_space<hbm>>
    tpu.wait_indirect_dma semaphore(%arg15 : memref<!tpu.dma_semaphore, #tpu.memory_space<semaphore_mem>>) src(%dma_wait3A_241 : memref<1015808xf32, #tpu.memory_space<hbm>>) dst(%dma_wait3A_237 : memref<128xf32, #tpu.memory_space<vmem>>)
    %dma_wait3A_242 = arith.constant 256 : i32
    %dma_wait3A_243 = tpu.memref_slice %arg12[%dma_wait3A_242] : memref<512xf32, #tpu.memory_space<vmem>> -> memref<128xf32, #tpu.memory_space<vmem>>
    %dma_wait3A_244 = arith.constant 256 : i32
    %dma_wait3A_245 = tpu.memref_slice %arg9[%dma_wait3A_244] : memref<512xi32, #tpu.memory_space<vmem>> -> memref<128xi32, #tpu.memory_space<vmem>>
    %dma_wait3A_246 = arith.constant 0 : i32
    %dma_wait3A_247 = tpu.memref_slice %arg5[%dma_wait3A_246] : memref<1015808xf32, #tpu.memory_space<hbm>> -> memref<1015808xf32, #tpu.memory_space<hbm>>
    tpu.wait_indirect_dma semaphore(%arg15 : memref<!tpu.dma_semaphore, #tpu.memory_space<semaphore_mem>>) src(%dma_wait3A_247 : memref<1015808xf32, #tpu.memory_space<hbm>>) dst(%dma_wait3A_243 : memref<128xf32, #tpu.memory_space<vmem>>)
    %dma_wait3A_248 = arith.constant 384 : i32
    %dma_wait3A_249 = tpu.memref_slice %arg12[%dma_wait3A_248] : memref<512xf32, #tpu.memory_space<vmem>> -> memref<128xf32, #tpu.memory_space<vmem>>
    %dma_wait3A_250 = arith.constant 384 : i32
    %dma_wait3A_251 = tpu.memref_slice %arg9[%dma_wait3A_250] : memref<512xi32, #tpu.memory_space<vmem>> -> memref<128xi32, #tpu.memory_space<vmem>>
    %dma_wait3A_252 = arith.constant 0 : i32
    %dma_wait3A_253 = tpu.memref_slice %arg5[%dma_wait3A_252] : memref<1015808xf32, #tpu.memory_space<hbm>> -> memref<1015808xf32, #tpu.memory_space<hbm>>
    tpu.wait_indirect_dma semaphore(%arg15 : memref<!tpu.dma_semaphore, #tpu.memory_space<semaphore_mem>>) src(%dma_wait3A_253 : memref<1015808xf32, #tpu.memory_space<hbm>>) dst(%dma_wait3A_249 : memref<128xf32, #tpu.memory_space<vmem>>)
    %add3A_254 = arith.constant 0 : i32
    %add3A_255 = arith.addi %add3A_254, %mul3A_2 : i32
    "tpu.region"() ({
      %run_scoped3A = tpu.sem_alloc : memref<!tpu.dma_semaphore, #tpu.memory_space<semaphore_mem>>
      %dma_start3A_260 = tpu.memref_slice %arg7[%add3A_255] : memref<49152xf32, #tpu.memory_space<hbm>> -> memref<512xf32, #tpu.memory_space<hbm>>
      %dma_start3A_261 = tpu.memref_slice %arg7[%add3A_255] : memref<49152xf32, #tpu.memory_space<hbm>> -> memref<512xf32, #tpu.memory_space<hbm>>
      tpu.enqueue_dma source(%arg11 : memref<512xf32, #tpu.memory_space<vmem>>) target(%dma_start3A_261 : memref<512xf32, #tpu.memory_space<hbm>>) target_semaphore(%run_scoped3A : memref<!tpu.dma_semaphore, #tpu.memory_space<semaphore_mem>>)
      %dma_wait3A_262 = tpu.memref_slice %arg7[%add3A_255] : memref<49152xf32, #tpu.memory_space<hbm>> -> memref<512xf32, #tpu.memory_space<hbm>>
      %dma_wait3A_263 = tpu.memref_slice %arg7[%add3A_255] : memref<49152xf32, #tpu.memory_space<hbm>> -> memref<512xf32, #tpu.memory_space<hbm>>
      tpu.wait_dma2 semaphore(%run_scoped3A : memref<!tpu.dma_semaphore, #tpu.memory_space<semaphore_mem>>) src(%arg11 : memref<512xf32, #tpu.memory_space<vmem>>) dst(%dma_wait3A_263 : memref<512xf32, #tpu.memory_space<hbm>>)
      tpu.yield
    }) : () -> ()
    %add3A_256 = arith.constant 16384 : i32
    %add3A_257 = arith.addi %add3A_256, %mul3A_2 : i32
    "tpu.region"() ({
      %run_scoped3A = tpu.sem_alloc : memref<!tpu.dma_semaphore, #tpu.memory_space<semaphore_mem>>
      %dma_start3A_260 = tpu.memref_slice %arg7[%add3A_257] : memref<49152xf32, #tpu.memory_space<hbm>> -> memref<512xf32, #tpu.memory_space<hbm>>
      %dma_start3A_261 = tpu.memref_slice %arg7[%add3A_257] : memref<49152xf32, #tpu.memory_space<hbm>> -> memref<512xf32, #tpu.memory_space<hbm>>
      tpu.enqueue_dma source(%arg12 : memref<512xf32, #tpu.memory_space<vmem>>) target(%dma_start3A_261 : memref<512xf32, #tpu.memory_space<hbm>>) target_semaphore(%run_scoped3A : memref<!tpu.dma_semaphore, #tpu.memory_space<semaphore_mem>>)
      %dma_wait3A_262 = tpu.memref_slice %arg7[%add3A_257] : memref<49152xf32, #tpu.memory_space<hbm>> -> memref<512xf32, #tpu.memory_space<hbm>>
      %dma_wait3A_263 = tpu.memref_slice %arg7[%add3A_257] : memref<49152xf32, #tpu.memory_space<hbm>> -> memref<512xf32, #tpu.memory_space<hbm>>
      tpu.wait_dma2 semaphore(%run_scoped3A : memref<!tpu.dma_semaphore, #tpu.memory_space<semaphore_mem>>) src(%arg12 : memref<512xf32, #tpu.memory_space<vmem>>) dst(%dma_wait3A_263 : memref<512xf32, #tpu.memory_space<hbm>>)
      tpu.yield
    }) : () -> ()
    %add3A_258 = arith.constant 32768 : i32
    %add3A_259 = arith.addi %add3A_258, %mul3A_2 : i32
    "tpu.region"() ({
      %run_scoped3A = tpu.sem_alloc : memref<!tpu.dma_semaphore, #tpu.memory_space<semaphore_mem>>
      %dma_start3A_260 = tpu.memref_slice %arg7[%add3A_259] : memref<49152xf32, #tpu.memory_space<hbm>> -> memref<512xf32, #tpu.memory_space<hbm>>
      %dma_start3A_261 = tpu.memref_slice %arg7[%add3A_259] : memref<49152xf32, #tpu.memory_space<hbm>> -> memref<512xf32, #tpu.memory_space<hbm>>
      tpu.enqueue_dma source(%arg13 : memref<512xf32, #tpu.memory_space<vmem>>) target(%dma_start3A_261 : memref<512xf32, #tpu.memory_space<hbm>>) target_semaphore(%run_scoped3A : memref<!tpu.dma_semaphore, #tpu.memory_space<semaphore_mem>>)
      %dma_wait3A_262 = tpu.memref_slice %arg7[%add3A_259] : memref<49152xf32, #tpu.memory_space<hbm>> -> memref<512xf32, #tpu.memory_space<hbm>>
      %dma_wait3A_263 = tpu.memref_slice %arg7[%add3A_259] : memref<49152xf32, #tpu.memory_space<hbm>> -> memref<512xf32, #tpu.memory_space<hbm>>
      tpu.wait_dma2 semaphore(%run_scoped3A : memref<!tpu.dma_semaphore, #tpu.memory_space<semaphore_mem>>) src(%arg13 : memref<512xf32, #tpu.memory_space<vmem>>) dst(%dma_wait3A_263 : memref<512xf32, #tpu.memory_space<hbm>>)
      tpu.yield
    }) : () -> ()
    return
  }
}

module attributes {stable_mosaic.version = 14 : i64} {
  func.func @_norms_body(%arg0: memref<64x1024xf32, #tpu.memory_space<vmem>>, %arg1: memref<8x128xf32, #tpu.memory_space<vmem>>) attributes {dimension_semantics = [], scalar_prefetch = 0 : i64, scratch_operands = 0 : i64, tpu.core_type = #tpu.core_type<tc>} {
    %get3A = arith.constant 0 : index
    %get3A_0 = arith.constant 0 : index
    %get3A_1 = vector.load %arg0[%get3A, %get3A_0] : memref<64x1024xf32, #tpu.memory_space<vmem>>, vector<64x1024xf32>
    %slice3A = vector.extract_strided_slice %get3A_1 {offsets = [0, 0], sizes = [64, 128], strides = [1, 1]} : vector<64x1024xf32> to vector<64x128xf32>
    %mul3A = arith.mulf %slice3A, %slice3A : vector<64x128xf32>
    %reduce_sum3A = arith.constant dense<0.000000e+00> : vector<128xf32>
    %reduce_sum3A_2 = vector.multi_reduction <add>, %mul3A, %reduce_sum3A [0] : vector<64x128xf32> to vector<128xf32>
    %broadcast_in_dim3A = vector.shape_cast %reduce_sum3A_2 : vector<128xf32> to vector<1x128xf32>
    %swap3A = arith.constant 0 : index
    %swap3A_3 = arith.constant 0 : index
    %swap3A_4 = vector.load %arg1[%swap3A, %swap3A_3] : memref<8x128xf32, #tpu.memory_space<vmem>>, vector<1x128xf32>
    tpu.vector_store %arg1[%swap3A, %swap3A_3], %broadcast_in_dim3A {strides = array<i32>} : memref<8x128xf32, #tpu.memory_space<vmem>>, vector<1x128xf32>,
    %slice3A_5 = vector.extract_strided_slice %get3A_1 {offsets = [0, 128], sizes = [64, 128], strides = [1, 1]} : vector<64x1024xf32> to vector<64x128xf32>
    %mul3A_6 = arith.mulf %slice3A_5, %slice3A_5 : vector<64x128xf32>
    %reduce_sum3A_7 = arith.constant dense<0.000000e+00> : vector<128xf32>
    %reduce_sum3A_8 = vector.multi_reduction <add>, %mul3A_6, %reduce_sum3A_7 [0] : vector<64x128xf32> to vector<128xf32>
    %broadcast_in_dim3A_9 = vector.shape_cast %reduce_sum3A_8 : vector<128xf32> to vector<1x128xf32>
    %swap3A_10 = arith.constant 1 : index
    %swap3A_11 = arith.constant 0 : index
    %swap3A_12 = vector.load %arg1[%swap3A_10, %swap3A_11] : memref<8x128xf32, #tpu.memory_space<vmem>>, vector<1x128xf32>
    tpu.vector_store %arg1[%swap3A_10, %swap3A_11], %broadcast_in_dim3A_9 {strides = array<i32>} : memref<8x128xf32, #tpu.memory_space<vmem>>, vector<1x128xf32>,
    %slice3A_13 = vector.extract_strided_slice %get3A_1 {offsets = [0, 256], sizes = [64, 128], strides = [1, 1]} : vector<64x1024xf32> to vector<64x128xf32>
    %mul3A_14 = arith.mulf %slice3A_13, %slice3A_13 : vector<64x128xf32>
    %reduce_sum3A_15 = arith.constant dense<0.000000e+00> : vector<128xf32>
    %reduce_sum3A_16 = vector.multi_reduction <add>, %mul3A_14, %reduce_sum3A_15 [0] : vector<64x128xf32> to vector<128xf32>
    %broadcast_in_dim3A_17 = vector.shape_cast %reduce_sum3A_16 : vector<128xf32> to vector<1x128xf32>
    %swap3A_18 = arith.constant 2 : index
    %swap3A_19 = arith.constant 0 : index
    %swap3A_20 = vector.load %arg1[%swap3A_18, %swap3A_19] : memref<8x128xf32, #tpu.memory_space<vmem>>, vector<1x128xf32>
    tpu.vector_store %arg1[%swap3A_18, %swap3A_19], %broadcast_in_dim3A_17 {strides = array<i32>} : memref<8x128xf32, #tpu.memory_space<vmem>>, vector<1x128xf32>,
    %slice3A_21 = vector.extract_strided_slice %get3A_1 {offsets = [0, 384], sizes = [64, 128], strides = [1, 1]} : vector<64x1024xf32> to vector<64x128xf32>
    %mul3A_22 = arith.mulf %slice3A_21, %slice3A_21 : vector<64x128xf32>
    %reduce_sum3A_23 = arith.constant dense<0.000000e+00> : vector<128xf32>
    %reduce_sum3A_24 = vector.multi_reduction <add>, %mul3A_22, %reduce_sum3A_23 [0] : vector<64x128xf32> to vector<128xf32>
    %broadcast_in_dim3A_25 = vector.shape_cast %reduce_sum3A_24 : vector<128xf32> to vector<1x128xf32>
    %swap3A_26 = arith.constant 3 : index
    %swap3A_27 = arith.constant 0 : index
    %swap3A_28 = vector.load %arg1[%swap3A_26, %swap3A_27] : memref<8x128xf32, #tpu.memory_space<vmem>>, vector<1x128xf32>
    tpu.vector_store %arg1[%swap3A_26, %swap3A_27], %broadcast_in_dim3A_25 {strides = array<i32>} : memref<8x128xf32, #tpu.memory_space<vmem>>, vector<1x128xf32>,
    %slice3A_29 = vector.extract_strided_slice %get3A_1 {offsets = [0, 512], sizes = [64, 128], strides = [1, 1]} : vector<64x1024xf32> to vector<64x128xf32>
    %mul3A_30 = arith.mulf %slice3A_29, %slice3A_29 : vector<64x128xf32>
    %reduce_sum3A_31 = arith.constant dense<0.000000e+00> : vector<128xf32>
    %reduce_sum3A_32 = vector.multi_reduction <add>, %mul3A_30, %reduce_sum3A_31 [0] : vector<64x128xf32> to vector<128xf32>
    %broadcast_in_dim3A_33 = vector.shape_cast %reduce_sum3A_32 : vector<128xf32> to vector<1x128xf32>
    %swap3A_34 = arith.constant 4 : index
    %swap3A_35 = arith.constant 0 : index
    %swap3A_36 = vector.load %arg1[%swap3A_34, %swap3A_35] : memref<8x128xf32, #tpu.memory_space<vmem>>, vector<1x128xf32>
    tpu.vector_store %arg1[%swap3A_34, %swap3A_35], %broadcast_in_dim3A_33 {strides = array<i32>} : memref<8x128xf32, #tpu.memory_space<vmem>>, vector<1x128xf32>,
    %slice3A_37 = vector.extract_strided_slice %get3A_1 {offsets = [0, 640], sizes = [64, 128], strides = [1, 1]} : vector<64x1024xf32> to vector<64x128xf32>
    %mul3A_38 = arith.mulf %slice3A_37, %slice3A_37 : vector<64x128xf32>
    %reduce_sum3A_39 = arith.constant dense<0.000000e+00> : vector<128xf32>
    %reduce_sum3A_40 = vector.multi_reduction <add>, %mul3A_38, %reduce_sum3A_39 [0] : vector<64x128xf32> to vector<128xf32>
    %broadcast_in_dim3A_41 = vector.shape_cast %reduce_sum3A_40 : vector<128xf32> to vector<1x128xf32>
    %swap3A_42 = arith.constant 5 : index
    %swap3A_43 = arith.constant 0 : index
    %swap3A_44 = vector.load %arg1[%swap3A_42, %swap3A_43] : memref<8x128xf32, #tpu.memory_space<vmem>>, vector<1x128xf32>
    tpu.vector_store %arg1[%swap3A_42, %swap3A_43], %broadcast_in_dim3A_41 {strides = array<i32>} : memref<8x128xf32, #tpu.memory_space<vmem>>, vector<1x128xf32>,
    %slice3A_45 = vector.extract_strided_slice %get3A_1 {offsets = [0, 768], sizes = [64, 128], strides = [1, 1]} : vector<64x1024xf32> to vector<64x128xf32>
    %mul3A_46 = arith.mulf %slice3A_45, %slice3A_45 : vector<64x128xf32>
    %reduce_sum3A_47 = arith.constant dense<0.000000e+00> : vector<128xf32>
    %reduce_sum3A_48 = vector.multi_reduction <add>, %mul3A_46, %reduce_sum3A_47 [0] : vector<64x128xf32> to vector<128xf32>
    %broadcast_in_dim3A_49 = vector.shape_cast %reduce_sum3A_48 : vector<128xf32> to vector<1x128xf32>
    %swap3A_50 = arith.constant 6 : index
    %swap3A_51 = arith.constant 0 : index
    %swap3A_52 = vector.load %arg1[%swap3A_50, %swap3A_51] : memref<8x128xf32, #tpu.memory_space<vmem>>, vector<1x128xf32>
    tpu.vector_store %arg1[%swap3A_50, %swap3A_51], %broadcast_in_dim3A_49 {strides = array<i32>} : memref<8x128xf32, #tpu.memory_space<vmem>>, vector<1x128xf32>,
    %slice3A_53 = vector.extract_strided_slice %get3A_1 {offsets = [0, 896], sizes = [64, 128], strides = [1, 1]} : vector<64x1024xf32> to vector<64x128xf32>
    %mul3A_54 = arith.mulf %slice3A_53, %slice3A_53 : vector<64x128xf32>
    %reduce_sum3A_55 = arith.constant dense<0.000000e+00> : vector<128xf32>
    %reduce_sum3A_56 = vector.multi_reduction <add>, %mul3A_54, %reduce_sum3A_55 [0] : vector<64x128xf32> to vector<128xf32>
    %broadcast_in_dim3A_57 = vector.shape_cast %reduce_sum3A_56 : vector<128xf32> to vector<1x128xf32>
    %swap3A_58 = arith.constant 7 : index
    %swap3A_59 = arith.constant 0 : index
    %swap3A_60 = vector.load %arg1[%swap3A_58, %swap3A_59] : memref<8x128xf32, #tpu.memory_space<vmem>>, vector<1x128xf32>
    tpu.vector_store %arg1[%swap3A_58, %swap3A_59], %broadcast_in_dim3A_57 {strides = array<i32>} : memref<8x128xf32, #tpu.memory_space<vmem>>, vector<1x128xf32>,
    return
  }
}

module attributes {stable_mosaic.version = 14 : i64} {
  func.func @body(%arg0: memref<384x128xf32, #tpu.memory_space<vmem>>, %arg1: memref<1x1xf32, #tpu.memory_space<vmem>>) attributes {dimension_semantics = [], scalar_prefetch = 0 : i64, scratch_operands = 0 : i64, tpu.core_type = #tpu.core_type<tc>} {
    %get3A = arith.constant 0 : index
    %get3A_0 = arith.constant 0 : index
    %get3A_1 = vector.load %arg0[%get3A, %get3A_0] : memref<384x128xf32, #tpu.memory_space<vmem>>, vector<128x128xf32>
    %sqrt3A = math.sqrt %get3A_1 : vector<128x128xf32>
    %get3A_2 = arith.constant 128 : index
    %get3A_3 = arith.constant 0 : index
    %get3A_4 = vector.load %arg0[%get3A_2, %get3A_3] : memref<384x128xf32, #tpu.memory_space<vmem>>, vector<128x128xf32>
    %sqrt3A_5 = math.sqrt %get3A_4 : vector<128x128xf32>
    %sub3A = arith.subf %sqrt3A, %sqrt3A_5 : vector<128x128xf32>
    %get3A_6 = arith.constant 256 : index
    %get3A_7 = arith.constant 0 : index
    %get3A_8 = vector.load %arg0[%get3A_6, %get3A_7] : memref<384x128xf32, #tpu.memory_space<vmem>>, vector<128x128xf32>
    %sqrt3A_9 = math.sqrt %get3A_8 : vector<128x128xf32>
    %add3A = arith.addf %sub3A, %sqrt3A_9 : vector<128x128xf32>
    %mul3A = arith.mulf %add3A, %add3A : vector<128x128xf32>
    %reduce_sum3A = vector.shape_cast %mul3A : vector<128x128xf32> to vector<1x128x128xf32>
    %reduce_sum3A_10 = arith.constant dense<0.000000e+00> : vector<1xf32>
    %reduce_sum3A_11 = vector.multi_reduction <add>, %reduce_sum3A, %reduce_sum3A_10 [1, 2] : vector<1x128x128xf32> to vector<1xf32>
    %reduce_sum3A_12 = vector.shape_cast %reduce_sum3A_11 : vector<1xf32> to vector<1x1x1xf32>
    %reduce_sum3A_13 = vector.extract %reduce_sum3A_12[0, 0, 0] : f32 from vector<1x1x1xf32>
    %sqrt3A_14 = math.sqrt %reduce_sum3A_13 : f32
    %reshape3A = vector.broadcast %sqrt3A_14 : f32 to vector<1x1xf32>
    %swap3A = arith.constant 0 : index
    %swap3A_15 = arith.constant 0 : index
    %swap3A_16 = vector.load %arg1[%swap3A, %swap3A_15] : memref<1x1xf32, #tpu.memory_space<vmem>>, vector<1x1xf32>
    tpu.vector_store %arg1[%swap3A, %swap3A_15], %reshape3A {strides = array<i32>} : memref<1x1xf32, #tpu.memory_space<vmem>>, vector<1x1xf32>,
    return
  }
}

module attributes {stable_mosaic.version = 14 : i64} {
  func.func @_norms_body(%arg0: i32, %arg1: memref<64x32768xf32, #tpu.memory_space<vmem>>, %arg2: memref<256x128xf32, #tpu.memory_space<vmem>>) attributes {dimension_semantics = [#tpu.dimension_semantics<arbitrary>], iteration_bounds = array<i64: 31>, scalar_prefetch = 0 : i64, scratch_operands = 0 : i64, tpu.core_type = #tpu.core_type<tc>, window_params = [{transform_indices = @transform_0, window_bounds = array<i64: 64, 32768>}, {transform_indices = @transform_1, window_bounds = array<i64: 256, 128>}]} {
    %get3A = arith.constant 0 : index
    %get3A_0 = arith.constant 0 : index
    %get3A_1 = vector.load %arg1[%get3A, %get3A_0] : memref<64x32768xf32, #tpu.memory_space<vmem>>, vector<64x32768xf32>
    %slice3A = vector.extract_strided_slice %get3A_1 {offsets = [0, 0], sizes = [64, 128], strides = [1, 1]} : vector<64x32768xf32> to vector<64x128xf32>
    %mul3A = arith.mulf %slice3A, %slice3A : vector<64x128xf32>
    %reduce_sum3A = arith.constant dense<0.000000e+00> : vector<128xf32>
    %reduce_sum3A_2 = vector.multi_reduction <add>, %mul3A, %reduce_sum3A [0] : vector<64x128xf32> to vector<128xf32>
    %broadcast_in_dim3A = vector.shape_cast %reduce_sum3A_2 : vector<128xf32> to vector<1x128xf32>
    %swap3A = arith.constant 0 : index
    %swap3A_3 = arith.constant 0 : index
    %swap3A_4 = vector.load %arg2[%swap3A, %swap3A_3] : memref<256x128xf32, #tpu.memory_space<vmem>>, vector<1x128xf32>
    tpu.vector_store %arg2[%swap3A, %swap3A_3], %broadcast_in_dim3A {strides = array<i32>} : memref<256x128xf32, #tpu.memory_space<vmem>>, vector<1x128xf32>,
    %slice3A_5 = vector.extract_strided_slice %get3A_1 {offsets = [0, 128], sizes = [64, 128], strides = [1, 1]} : vector<64x32768xf32> to vector<64x128xf32>
    %mul3A_6 = arith.mulf %slice3A_5, %slice3A_5 : vector<64x128xf32>
    %reduce_sum3A_7 = arith.constant dense<0.000000e+00> : vector<128xf32>
    %reduce_sum3A_8 = vector.multi_reduction <add>, %mul3A_6, %reduce_sum3A_7 [0] : vector<64x128xf32> to vector<128xf32>
    %broadcast_in_dim3A_9 = vector.shape_cast %reduce_sum3A_8 : vector<128xf32> to vector<1x128xf32>
    %swap3A_10 = arith.constant 1 : index
    %swap3A_11 = arith.constant 0 : index
    %swap3A_12 = vector.load %arg2[%swap3A_10, %swap3A_11] : memref<256x128xf32, #tpu.memory_space<vmem>>, vector<1x128xf32>
    tpu.vector_store %arg2[%swap3A_10, %swap3A_11], %broadcast_in_dim3A_9 {strides = array<i32>} : memref<256x128xf32, #tpu.memory_space<vmem>>, vector<1x128xf32>,
    %slice3A_13 = vector.extract_strided_slice %get3A_1 {offsets = [0, 256], sizes = [64, 128], strides = [1, 1]} : vector<64x32768xf32> to vector<64x128xf32>
    %mul3A_14 = arith.mulf %slice3A_13, %slice3A_13 : vector<64x128xf32>
    %reduce_sum3A_15 = arith.constant dense<0.000000e+00> : vector<128xf32>
    %reduce_sum3A_16 = vector.multi_reduction <add>, %mul3A_14, %reduce_sum3A_15 [0] : vector<64x128xf32> to vector<128xf32>
    %broadcast_in_dim3A_17 = vector.shape_cast %reduce_sum3A_16 : vector<128xf32> to vector<1x128xf32>
    %swap3A_18 = arith.constant 2 : index
    %swap3A_19 = arith.constant 0 : index
    %swap3A_20 = vector.load %arg2[%swap3A_18, %swap3A_19] : memref<256x128xf32, #tpu.memory_space<vmem>>, vector<1x128xf32>
    tpu.vector_store %arg2[%swap3A_18, %swap3A_19], %broadcast_in_dim3A_17 {strides = array<i32>} : memref<256x128xf32, #tpu.memory_space<vmem>>, vector<1x128xf32>,
    %slice3A_21 = vector.extract_strided_slice %get3A_1 {offsets = [0, 384], sizes = [64, 128], strides = [1, 1]} : vector<64x32768xf32> to vector<64x128xf32>
    %mul3A_22 = arith.mulf %slice3A_21, %slice3A_21 : vector<64x128xf32>
    %reduce_sum3A_23 = arith.constant dense<0.000000e+00> : vector<128xf32>
    %reduce_sum3A_24 = vector.multi_reduction <add>, %mul3A_22, %reduce_sum3A_23 [0] : vector<64x128xf32> to vector<128xf32>
    %broadcast_in_dim3A_25 = vector.shape_cast %reduce_sum3A_24 : vector<128xf32> to vector<1x128xf32>
    %swap3A_26 = arith.constant 3 : index
    %swap3A_27 = arith.constant 0 : index
    %swap3A_28 = vector.load %arg2[%swap3A_26, %swap3A_27] : memref<256x128xf32, #tpu.memory_space<vmem>>, vector<1x128xf32>
    tpu.vector_store %arg2[%swap3A_26, %swap3A_27], %broadcast_in_dim3A_25 {strides = array<i32>} : memref<256x128xf32, #tpu.memory_space<vmem>>, vector<1x128xf32>,
    %slice3A_29 = vector.extract_strided_slice %get3A_1 {offsets = [0, 512], sizes = [64, 128], strides = [1, 1]} : vector<64x32768xf32> to vector<64x128xf32>
    %mul3A_30 = arith.mulf %slice3A_29, %slice3A_29 : vector<64x128xf32>
    %reduce_sum3A_31 = arith.constant dense<0.000000e+00> : vector<128xf32>
    %reduce_sum3A_32 = vector.multi_reduction <add>, %mul3A_30, %reduce_sum3A_31 [0] : vector<64x128xf32> to vector<128xf32>
    %broadcast_in_dim3A_33 = vector.shape_cast %reduce_sum3A_32 : vector<128xf32> to vector<1x128xf32>
    %swap3A_34 = arith.constant 4 : index
    %swap3A_35 = arith.constant 0 : index
    %swap3A_36 = vector.load %arg2[%swap3A_34, %swap3A_35] : memref<256x128xf32, #tpu.memory_space<vmem>>, vector<1x128xf32>
    tpu.vector_store %arg2[%swap3A_34, %swap3A_35], %broadcast_in_dim3A_33 {strides = array<i32>} : memref<256x128xf32, #tpu.memory_space<vmem>>, vector<1x128xf32>,
    %slice3A_37 = vector.extract_strided_slice %get3A_1 {offsets = [0, 640], sizes = [64, 128], strides = [1, 1]} : vector<64x32768xf32> to vector<64x128xf32>
    %mul3A_38 = arith.mulf %slice3A_37, %slice3A_37 : vector<64x128xf32>
    %reduce_sum3A_39 = arith.constant dense<0.000000e+00> : vector<128xf32>
    %reduce_sum3A_40 = vector.multi_reduction <add>, %mul3A_38, %reduce_sum3A_39 [0] : vector<64x128xf32> to vector<128xf32>
    %broadcast_in_dim3A_41 = vector.shape_cast %reduce_sum3A_40 : vector<128xf32> to vector<1x128xf32>
    %swap3A_42 = arith.constant 5 : index
    %swap3A_43 = arith.constant 0 : index
    %swap3A_44 = vector.load %arg2[%swap3A_42, %swap3A_43] : memref<256x128xf32, #tpu.memory_space<vmem>>, vector<1x128xf32>
    tpu.vector_store %arg2[%swap3A_42, %swap3A_43], %broadcast_in_dim3A_41 {strides = array<i32>} : memref<256x128xf32, #tpu.memory_space<vmem>>, vector<1x128xf32>,
    %slice3A_45 = vector.extract_strided_slice %get3A_1 {offsets = [0, 768], sizes = [64, 128], strides = [1, 1]} : vector<64x32768xf32> to vector<64x128xf32>
    %mul3A_46 = arith.mulf %slice3A_45, %slice3A_45 : vector<64x128xf32>
    %reduce_sum3A_47 = arith.constant dense<0.000000e+00> : vector<128xf32>
    %reduce_sum3A_48 = vector.multi_reduction <add>, %mul3A_46, %reduce_sum3A_47 [0] : vector<64x128xf32> to vector<128xf32>
    %broadcast_in_dim3A_49 = vector.shape_cast %reduce_sum3A_48 : vector<128xf32> to vector<1x128xf32>
    %swap3A_50 = arith.constant 6 : index
    %swap3A_51 = arith.constant 0 : index
    %swap3A_52 = vector.load %arg2[%swap3A_50, %swap3A_51] : memref<256x128xf32, #tpu.memory_space<vmem>>, vector<1x128xf32>
    tpu.vector_store %arg2[%swap3A_50, %swap3A_51], %broadcast_in_dim3A_49 {strides = array<i32>} : memref<256x128xf32, #tpu.memory_space<vmem>>, vector<1x128xf32>,
    %slice3A_53 = vector.extract_strided_slice %get3A_1 {offsets = [0, 896], sizes = [64, 128], strides = [1, 1]} : vector<64x32768xf32> to vector<64x128xf32>
    %mul3A_54 = arith.mulf %slice3A_53, %slice3A_53 : vector<64x128xf32>
    %reduce_sum3A_55 = arith.constant dense<0.000000e+00> : vector<128xf32>
    %reduce_sum3A_56 = vector.multi_reduction <add>, %mul3A_54, %reduce_sum3A_55 [0] : vector<64x128xf32> to vector<128xf32>
    %broadcast_in_dim3A_57 = vector.shape_cast %reduce_sum3A_56 : vector<128xf32> to vector<1x128xf32>
    %swap3A_58 = arith.constant 7 : index
    %swap3A_59 = arith.constant 0 : index
    %swap3A_60 = vector.load %arg2[%swap3A_58, %swap3A_59] : memref<256x128xf32, #tpu.memory_space<vmem>>, vector<1x128xf32>
    tpu.vector_store %arg2[%swap3A_58, %swap3A_59], %broadcast_in_dim3A_57 {strides = array<i32>} : memref<256x128xf32, #tpu.memory_space<vmem>>, vector<1x128xf32>,
    %slice3A_61 = vector.extract_strided_slice %get3A_1 {offsets = [0, 1024], sizes = [64, 128], strides = [1, 1]} : vector<64x32768xf32> to vector<64x128xf32>
    %mul3A_62 = arith.mulf %slice3A_61, %slice3A_61 : vector<64x128xf32>
    %reduce_sum3A_63 = arith.constant dense<0.000000e+00> : vector<128xf32>
    %reduce_sum3A_64 = vector.multi_reduction <add>, %mul3A_62, %reduce_sum3A_63 [0] : vector<64x128xf32> to vector<128xf32>
    %broadcast_in_dim3A_65 = vector.shape_cast %reduce_sum3A_64 : vector<128xf32> to vector<1x128xf32>
    %swap3A_66 = arith.constant 8 : index
    %swap3A_67 = arith.constant 0 : index
    %swap3A_68 = vector.load %arg2[%swap3A_66, %swap3A_67] : memref<256x128xf32, #tpu.memory_space<vmem>>, vector<1x128xf32>
    tpu.vector_store %arg2[%swap3A_66, %swap3A_67], %broadcast_in_dim3A_65 {strides = array<i32>} : memref<256x128xf32, #tpu.memory_space<vmem>>, vector<1x128xf32>,
    %slice3A_69 = vector.extract_strided_slice %get3A_1 {offsets = [0, 1152], sizes = [64, 128], strides = [1, 1]} : vector<64x32768xf32> to vector<64x128xf32>
    %mul3A_70 = arith.mulf %slice3A_69, %slice3A_69 : vector<64x128xf32>
    %reduce_sum3A_71 = arith.constant dense<0.000000e+00> : vector<128xf32>
    %reduce_sum3A_72 = vector.multi_reduction <add>, %mul3A_70, %reduce_sum3A_71 [0] : vector<64x128xf32> to vector<128xf32>
    %broadcast_in_dim3A_73 = vector.shape_cast %reduce_sum3A_72 : vector<128xf32> to vector<1x128xf32>
    %swap3A_74 = arith.constant 9 : index
    %swap3A_75 = arith.constant 0 : index
    %swap3A_76 = vector.load %arg2[%swap3A_74, %swap3A_75] : memref<256x128xf32, #tpu.memory_space<vmem>>, vector<1x128xf32>
    tpu.vector_store %arg2[%swap3A_74, %swap3A_75], %broadcast_in_dim3A_73 {strides = array<i32>} : memref<256x128xf32, #tpu.memory_space<vmem>>, vector<1x128xf32>,
    %slice3A_77 = vector.extract_strided_slice %get3A_1 {offsets = [0, 1280], sizes = [64, 128], strides = [1, 1]} : vector<64x32768xf32> to vector<64x128xf32>
    %mul3A_78 = arith.mulf %slice3A_77, %slice3A_77 : vector<64x128xf32>
    %reduce_sum3A_79 = arith.constant dense<0.000000e+00> : vector<128xf32>
    %reduce_sum3A_80 = vector.multi_reduction <add>, %mul3A_78, %reduce_sum3A_79 [0] : vector<64x128xf32> to vector<128xf32>
    %broadcast_in_dim3A_81 = vector.shape_cast %reduce_sum3A_80 : vector<128xf32> to vector<1x128xf32>
    %swap3A_82 = arith.constant 10 : index
    %swap3A_83 = arith.constant 0 : index
    %swap3A_84 = vector.load %arg2[%swap3A_82, %swap3A_83] : memref<256x128xf32, #tpu.memory_space<vmem>>, vector<1x128xf32>
    tpu.vector_store %arg2[%swap3A_82, %swap3A_83], %broadcast_in_dim3A_81 {strides = array<i32>} : memref<256x128xf32, #tpu.memory_space<vmem>>, vector<1x128xf32>,
    %slice3A_85 = vector.extract_strided_slice %get3A_1 {offsets = [0, 1408], sizes = [64, 128], strides = [1, 1]} : vector<64x32768xf32> to vector<64x128xf32>
    %mul3A_86 = arith.mulf %slice3A_85, %slice3A_85 : vector<64x128xf32>
    %reduce_sum3A_87 = arith.constant dense<0.000000e+00> : vector<128xf32>
    %reduce_sum3A_88 = vector.multi_reduction <add>, %mul3A_86, %reduce_sum3A_87 [0] : vector<64x128xf32> to vector<128xf32>
    %broadcast_in_dim3A_89 = vector.shape_cast %reduce_sum3A_88 : vector<128xf32> to vector<1x128xf32>
    %swap3A_90 = arith.constant 11 : index
    %swap3A_91 = arith.constant 0 : index
    %swap3A_92 = vector.load %arg2[%swap3A_90, %swap3A_91] : memref<256x128xf32, #tpu.memory_space<vmem>>, vector<1x128xf32>
    tpu.vector_store %arg2[%swap3A_90, %swap3A_91], %broadcast_in_dim3A_89 {strides = array<i32>} : memref<256x128xf32, #tpu.memory_space<vmem>>, vector<1x128xf32>,
    %slice3A_93 = vector.extract_strided_slice %get3A_1 {offsets = [0, 1536], sizes = [64, 128], strides = [1, 1]} : vector<64x32768xf32> to vector<64x128xf32>
    %mul3A_94 = arith.mulf %slice3A_93, %slice3A_93 : vector<64x128xf32>
    %reduce_sum3A_95 = arith.constant dense<0.000000e+00> : vector<128xf32>
    %reduce_sum3A_96 = vector.multi_reduction <add>, %mul3A_94, %reduce_sum3A_95 [0] : vector<64x128xf32> to vector<128xf32>
    %broadcast_in_dim3A_97 = vector.shape_cast %reduce_sum3A_96 : vector<128xf32> to vector<1x128xf32>
    %swap3A_98 = arith.constant 12 : index
    %swap3A_99 = arith.constant 0 : index
    %swap3A_100 = vector.load %arg2[%swap3A_98, %swap3A_99] : memref<256x128xf32, #tpu.memory_space<vmem>>, vector<1x128xf32>
    tpu.vector_store %arg2[%swap3A_98, %swap3A_99], %broadcast_in_dim3A_97 {strides = array<i32>} : memref<256x128xf32, #tpu.memory_space<vmem>>, vector<1x128xf32>,
    %slice3A_101 = vector.extract_strided_slice %get3A_1 {offsets = [0, 1664], sizes = [64, 128], strides = [1, 1]} : vector<64x32768xf32> to vector<64x128xf32>
    %mul3A_102 = arith.mulf %slice3A_101, %slice3A_101 : vector<64x128xf32>
    %reduce_sum3A_103 = arith.constant dense<0.000000e+00> : vector<128xf32>
    %reduce_sum3A_104 = vector.multi_reduction <add>, %mul3A_102, %reduce_sum3A_103 [0] : vector<64x128xf32> to vector<128xf32>
    %broadcast_in_dim3A_105 = vector.shape_cast %reduce_sum3A_104 : vector<128xf32> to vector<1x128xf32>
    %swap3A_106 = arith.constant 13 : index
    %swap3A_107 = arith.constant 0 : index
    %swap3A_108 = vector.load %arg2[%swap3A_106, %swap3A_107] : memref<256x128xf32, #tpu.memory_space<vmem>>, vector<1x128xf32>
    tpu.vector_store %arg2[%swap3A_106, %swap3A_107], %broadcast_in_dim3A_105 {strides = array<i32>} : memref<256x128xf32, #tpu.memory_space<vmem>>, vector<1x128xf32>,
    %slice3A_109 = vector.extract_strided_slice %get3A_1 {offsets = [0, 1792], sizes = [64, 128], strides = [1, 1]} : vector<64x32768xf32> to vector<64x128xf32>
    %mul3A_110 = arith.mulf %slice3A_109, %slice3A_109 : vector<64x128xf32>
    %reduce_sum3A_111 = arith.constant dense<0.000000e+00> : vector<128xf32>
    %reduce_sum3A_112 = vector.multi_reduction <add>, %mul3A_110, %reduce_sum3A_111 [0] : vector<64x128xf32> to vector<128xf32>
    %broadcast_in_dim3A_113 = vector.shape_cast %reduce_sum3A_112 : vector<128xf32> to vector<1x128xf32>
    %swap3A_114 = arith.constant 14 : index
    %swap3A_115 = arith.constant 0 : index
    %swap3A_116 = vector.load %arg2[%swap3A_114, %swap3A_115] : memref<256x128xf32, #tpu.memory_space<vmem>>, vector<1x128xf32>
    tpu.vector_store %arg2[%swap3A_114, %swap3A_115], %broadcast_in_dim3A_113 {strides = array<i32>} : memref<256x128xf32, #tpu.memory_space<vmem>>, vector<1x128xf32>,
    %slice3A_117 = vector.extract_strided_slice %get3A_1 {offsets = [0, 1920], sizes = [64, 128], strides = [1, 1]} : vector<64x32768xf32> to vector<64x128xf32>
    %mul3A_118 = arith.mulf %slice3A_117, %slice3A_117 : vector<64x128xf32>
    %reduce_sum3A_119 = arith.constant dense<0.000000e+00> : vector<128xf32>
    %reduce_sum3A_120 = vector.multi_reduction <add>, %mul3A_118, %reduce_sum3A_119 [0] : vector<64x128xf32> to vector<128xf32>
    %broadcast_in_dim3A_121 = vector.shape_cast %reduce_sum3A_120 : vector<128xf32> to vector<1x128xf32>
    %swap3A_122 = arith.constant 15 : index
    %swap3A_123 = arith.constant 0 : index
    %swap3A_124 = vector.load %arg2[%swap3A_122, %swap3A_123] : memref<256x128xf32, #tpu.memory_space<vmem>>, vector<1x128xf32>
    tpu.vector_store %arg2[%swap3A_122, %swap3A_123], %broadcast_in_dim3A_121 {strides = array<i32>} : memref<256x128xf32, #tpu.memory_space<vmem>>, vector<1x128xf32>,
    %slice3A_125 = vector.extract_strided_slice %get3A_1 {offsets = [0, 2048], sizes = [64, 128], strides = [1, 1]} : vector<64x32768xf32> to vector<64x128xf32>
    %mul3A_126 = arith.mulf %slice3A_125, %slice3A_125 : vector<64x128xf32>
    %reduce_sum3A_127 = arith.constant dense<0.000000e+00> : vector<128xf32>
    %reduce_sum3A_128 = vector.multi_reduction <add>, %mul3A_126, %reduce_sum3A_127 [0] : vector<64x128xf32> to vector<128xf32>
    %broadcast_in_dim3A_129 = vector.shape_cast %reduce_sum3A_128 : vector<128xf32> to vector<1x128xf32>
    %swap3A_130 = arith.constant 16 : index
    %swap3A_131 = arith.constant 0 : index
    %swap3A_132 = vector.load %arg2[%swap3A_130, %swap3A_131] : memref<256x128xf32, #tpu.memory_space<vmem>>, vector<1x128xf32>
    tpu.vector_store %arg2[%swap3A_130, %swap3A_131], %broadcast_in_dim3A_129 {strides = array<i32>} : memref<256x128xf32, #tpu.memory_space<vmem>>, vector<1x128xf32>,
    %slice3A_133 = vector.extract_strided_slice %get3A_1 {offsets = [0, 2176], sizes = [64, 128], strides = [1, 1]} : vector<64x32768xf32> to vector<64x128xf32>
    %mul3A_134 = arith.mulf %slice3A_133, %slice3A_133 : vector<64x128xf32>
    %reduce_sum3A_135 = arith.constant dense<0.000000e+00> : vector<128xf32>
    %reduce_sum3A_136 = vector.multi_reduction <add>, %mul3A_134, %reduce_sum3A_135 [0] : vector<64x128xf32> to vector<128xf32>
    %broadcast_in_dim3A_137 = vector.shape_cast %reduce_sum3A_136 : vector<128xf32> to vector<1x128xf32>
    %swap3A_138 = arith.constant 17 : index
    %swap3A_139 = arith.constant 0 : index
    %swap3A_140 = vector.load %arg2[%swap3A_138, %swap3A_139] : memref<256x128xf32, #tpu.memory_space<vmem>>, vector<1x128xf32>
    tpu.vector_store %arg2[%swap3A_138, %swap3A_139], %broadcast_in_dim3A_137 {strides = array<i32>} : memref<256x128xf32, #tpu.memory_space<vmem>>, vector<1x128xf32>,
    %slice3A_141 = vector.extract_strided_slice %get3A_1 {offsets = [0, 2304], sizes = [64, 128], strides = [1, 1]} : vector<64x32768xf32> to vector<64x128xf32>
    %mul3A_142 = arith.mulf %slice3A_141, %slice3A_141 : vector<64x128xf32>
    %reduce_sum3A_143 = arith.constant dense<0.000000e+00> : vector<128xf32>
    %reduce_sum3A_144 = vector.multi_reduction <add>, %mul3A_142, %reduce_sum3A_143 [0] : vector<64x128xf32> to vector<128xf32>
    %broadcast_in_dim3A_145 = vector.shape_cast %reduce_sum3A_144 : vector<128xf32> to vector<1x128xf32>
    %swap3A_146 = arith.constant 18 : index
    %swap3A_147 = arith.constant 0 : index
    %swap3A_148 = vector.load %arg2[%swap3A_146, %swap3A_147] : memref<256x128xf32, #tpu.memory_space<vmem>>, vector<1x128xf32>
    tpu.vector_store %arg2[%swap3A_146, %swap3A_147], %broadcast_in_dim3A_145 {strides = array<i32>} : memref<256x128xf32, #tpu.memory_space<vmem>>, vector<1x128xf32>,
    %slice3A_149 = vector.extract_strided_slice %get3A_1 {offsets = [0, 2432], sizes = [64, 128], strides = [1, 1]} : vector<64x32768xf32> to vector<64x128xf32>
    %mul3A_150 = arith.mulf %slice3A_149, %slice3A_149 : vector<64x128xf32>
    %reduce_sum3A_151 = arith.constant dense<0.000000e+00> : vector<128xf32>
    %reduce_sum3A_152 = vector.multi_reduction <add>, %mul3A_150, %reduce_sum3A_151 [0] : vector<64x128xf32> to vector<128xf32>
    %broadcast_in_dim3A_153 = vector.shape_cast %reduce_sum3A_152 : vector<128xf32> to vector<1x128xf32>
    %swap3A_154 = arith.constant 19 : index
    %swap3A_155 = arith.constant 0 : index
    %swap3A_156 = vector.load %arg2[%swap3A_154, %swap3A_155] : memref<256x128xf32, #tpu.memory_space<vmem>>, vector<1x128xf32>
    tpu.vector_store %arg2[%swap3A_154, %swap3A_155], %broadcast_in_dim3A_153 {strides = array<i32>} : memref<256x128xf32, #tpu.memory_space<vmem>>, vector<1x128xf32>,
    %slice3A_157 = vector.extract_strided_slice %get3A_1 {offsets = [0, 2560], sizes = [64, 128], strides = [1, 1]} : vector<64x32768xf32> to vector<64x128xf32>
    %mul3A_158 = arith.mulf %slice3A_157, %slice3A_157 : vector<64x128xf32>
    %reduce_sum3A_159 = arith.constant dense<0.000000e+00> : vector<128xf32>
    %reduce_sum3A_160 = vector.multi_reduction <add>, %mul3A_158, %reduce_sum3A_159 [0] : vector<64x128xf32> to vector<128xf32>
    %broadcast_in_dim3A_161 = vector.shape_cast %reduce_sum3A_160 : vector<128xf32> to vector<1x128xf32>
    %swap3A_162 = arith.constant 20 : index
    %swap3A_163 = arith.constant 0 : index
    %swap3A_164 = vector.load %arg2[%swap3A_162, %swap3A_163] : memref<256x128xf32, #tpu.memory_space<vmem>>, vector<1x128xf32>
    tpu.vector_store %arg2[%swap3A_162, %swap3A_163], %broadcast_in_dim3A_161 {strides = array<i32>} : memref<256x128xf32, #tpu.memory_space<vmem>>, vector<1x128xf32>,
    %slice3A_165 = vector.extract_strided_slice %get3A_1 {offsets = [0, 2688], sizes = [64, 128], strides = [1, 1]} : vector<64x32768xf32> to vector<64x128xf32>
    %mul3A_166 = arith.mulf %slice3A_165, %slice3A_165 : vector<64x128xf32>
    %reduce_sum3A_167 = arith.constant dense<0.000000e+00> : vector<128xf32>
    %reduce_sum3A_168 = vector.multi_reduction <add>, %mul3A_166, %reduce_sum3A_167 [0] : vector<64x128xf32> to vector<128xf32>
    %broadcast_in_dim3A_169 = vector.shape_cast %reduce_sum3A_168 : vector<128xf32> to vector<1x128xf32>
    %swap3A_170 = arith.constant 21 : index
    %swap3A_171 = arith.constant 0 : index
    %swap3A_172 = vector.load %arg2[%swap3A_170, %swap3A_171] : memref<256x128xf32, #tpu.memory_space<vmem>>, vector<1x128xf32>
    tpu.vector_store %arg2[%swap3A_170, %swap3A_171], %broadcast_in_dim3A_169 {strides = array<i32>} : memref<256x128xf32, #tpu.memory_space<vmem>>, vector<1x128xf32>,
    %slice3A_173 = vector.extract_strided_slice %get3A_1 {offsets = [0, 2816], sizes = [64, 128], strides = [1, 1]} : vector<64x32768xf32> to vector<64x128xf32>
    %mul3A_174 = arith.mulf %slice3A_173, %slice3A_173 : vector<64x128xf32>
    %reduce_sum3A_175 = arith.constant dense<0.000000e+00> : vector<128xf32>
    %reduce_sum3A_176 = vector.multi_reduction <add>, %mul3A_174, %reduce_sum3A_175 [0] : vector<64x128xf32> to vector<128xf32>
    %broadcast_in_dim3A_177 = vector.shape_cast %reduce_sum3A_176 : vector<128xf32> to vector<1x128xf32>
    %swap3A_178 = arith.constant 22 : index
    %swap3A_179 = arith.constant 0 : index
    %swap3A_180 = vector.load %arg2[%swap3A_178, %swap3A_179] : memref<256x128xf32, #tpu.memory_space<vmem>>, vector<1x128xf32>
    tpu.vector_store %arg2[%swap3A_178, %swap3A_179], %broadcast_in_dim3A_177 {strides = array<i32>} : memref<256x128xf32, #tpu.memory_space<vmem>>, vector<1x128xf32>,
    %slice3A_181 = vector.extract_strided_slice %get3A_1 {offsets = [0, 2944], sizes = [64, 128], strides = [1, 1]} : vector<64x32768xf32> to vector<64x128xf32>
    %mul3A_182 = arith.mulf %slice3A_181, %slice3A_181 : vector<64x128xf32>
    %reduce_sum3A_183 = arith.constant dense<0.000000e+00> : vector<128xf32>
    %reduce_sum3A_184 = vector.multi_reduction <add>, %mul3A_182, %reduce_sum3A_183 [0] : vector<64x128xf32> to vector<128xf32>
    %broadcast_in_dim3A_185 = vector.shape_cast %reduce_sum3A_184 : vector<128xf32> to vector<1x128xf32>
    %swap3A_186 = arith.constant 23 : index
    %swap3A_187 = arith.constant 0 : index
    %swap3A_188 = vector.load %arg2[%swap3A_186, %swap3A_187] : memref<256x128xf32, #tpu.memory_space<vmem>>, vector<1x128xf32>
    tpu.vector_store %arg2[%swap3A_186, %swap3A_187], %broadcast_in_dim3A_185 {strides = array<i32>} : memref<256x128xf32, #tpu.memory_space<vmem>>, vector<1x128xf32>,
    %slice3A_189 = vector.extract_strided_slice %get3A_1 {offsets = [0, 3072], sizes = [64, 128], strides = [1, 1]} : vector<64x32768xf32> to vector<64x128xf32>
    %mul3A_190 = arith.mulf %slice3A_189, %slice3A_189 : vector<64x128xf32>
    %reduce_sum3A_191 = arith.constant dense<0.000000e+00> : vector<128xf32>
    %reduce_sum3A_192 = vector.multi_reduction <add>, %mul3A_190, %reduce_sum3A_191 [0] : vector<64x128xf32> to vector<128xf32>
    %broadcast_in_dim3A_193 = vector.shape_cast %reduce_sum3A_192 : vector<128xf32> to vector<1x128xf32>
    %swap3A_194 = arith.constant 24 : index
    %swap3A_195 = arith.constant 0 : index
    %swap3A_196 = vector.load %arg2[%swap3A_194, %swap3A_195] : memref<256x128xf32, #tpu.memory_space<vmem>>, vector<1x128xf32>
    tpu.vector_store %arg2[%swap3A_194, %swap3A_195], %broadcast_in_dim3A_193 {strides = array<i32>} : memref<256x128xf32, #tpu.memory_space<vmem>>, vector<1x128xf32>,
    %slice3A_197 = vector.extract_strided_slice %get3A_1 {offsets = [0, 3200], sizes = [64, 128], strides = [1, 1]} : vector<64x32768xf32> to vector<64x128xf32>
    %mul3A_198 = arith.mulf %slice3A_197, %slice3A_197 : vector<64x128xf32>
    %reduce_sum3A_199 = arith.constant dense<0.000000e+00> : vector<128xf32>
    %reduce_sum3A_200 = vector.multi_reduction <add>, %mul3A_198, %reduce_sum3A_199 [0] : vector<64x128xf32> to vector<128xf32>
    %broadcast_in_dim3A_201 = vector.shape_cast %reduce_sum3A_200 : vector<128xf32> to vector<1x128xf32>
    %swap3A_202 = arith.constant 25 : index
    %swap3A_203 = arith.constant 0 : index
    %swap3A_204 = vector.load %arg2[%swap3A_202, %swap3A_203] : memref<256x128xf32, #tpu.memory_space<vmem>>, vector<1x128xf32>
    tpu.vector_store %arg2[%swap3A_202, %swap3A_203], %broadcast_in_dim3A_201 {strides = array<i32>} : memref<256x128xf32, #tpu.memory_space<vmem>>, vector<1x128xf32>,
    %slice3A_205 = vector.extract_strided_slice %get3A_1 {offsets = [0, 3328], sizes = [64, 128], strides = [1, 1]} : vector<64x32768xf32> to vector<64x128xf32>
    %mul3A_206 = arith.mulf %slice3A_205, %slice3A_205 : vector<64x128xf32>
    %reduce_sum3A_207 = arith.constant dense<0.000000e+00> : vector<128xf32>
    %reduce_sum3A_208 = vector.multi_reduction <add>, %mul3A_206, %reduce_sum3A_207 [0] : vector<64x128xf32> to vector<128xf32>
    %broadcast_in_dim3A_209 = vector.shape_cast %reduce_sum3A_208 : vector<128xf32> to vector<1x128xf32>
    %swap3A_210 = arith.constant 26 : index
    %swap3A_211 = arith.constant 0 : index
    %swap3A_212 = vector.load %arg2[%swap3A_210, %swap3A_211] : memref<256x128xf32, #tpu.memory_space<vmem>>, vector<1x128xf32>
    tpu.vector_store %arg2[%swap3A_210, %swap3A_211], %broadcast_in_dim3A_209 {strides = array<i32>} : memref<256x128xf32, #tpu.memory_space<vmem>>, vector<1x128xf32>,
    %slice3A_213 = vector.extract_strided_slice %get3A_1 {offsets = [0, 3456], sizes = [64, 128], strides = [1, 1]} : vector<64x32768xf32> to vector<64x128xf32>
    %mul3A_214 = arith.mulf %slice3A_213, %slice3A_213 : vector<64x128xf32>
    %reduce_sum3A_215 = arith.constant dense<0.000000e+00> : vector<128xf32>
    %reduce_sum3A_216 = vector.multi_reduction <add>, %mul3A_214, %reduce_sum3A_215 [0] : vector<64x128xf32> to vector<128xf32>
    %broadcast_in_dim3A_217 = vector.shape_cast %reduce_sum3A_216 : vector<128xf32> to vector<1x128xf32>
    %swap3A_218 = arith.constant 27 : index
    %swap3A_219 = arith.constant 0 : index
    %swap3A_220 = vector.load %arg2[%swap3A_218, %swap3A_219] : memref<256x128xf32, #tpu.memory_space<vmem>>, vector<1x128xf32>
    tpu.vector_store %arg2[%swap3A_218, %swap3A_219], %broadcast_in_dim3A_217 {strides = array<i32>} : memref<256x128xf32, #tpu.memory_space<vmem>>, vector<1x128xf32>,
    %slice3A_221 = vector.extract_strided_slice %get3A_1 {offsets = [0, 3584], sizes = [64, 128], strides = [1, 1]} : vector<64x32768xf32> to vector<64x128xf32>
    %mul3A_222 = arith.mulf %slice3A_221, %slice3A_221 : vector<64x128xf32>
    %reduce_sum3A_223 = arith.constant dense<0.000000e+00> : vector<128xf32>
    %reduce_sum3A_224 = vector.multi_reduction <add>, %mul3A_222, %reduce_sum3A_223 [0] : vector<64x128xf32> to vector<128xf32>
    %broadcast_in_dim3A_225 = vector.shape_cast %reduce_sum3A_224 : vector<128xf32> to vector<1x128xf32>
    %swap3A_226 = arith.constant 28 : index
    %swap3A_227 = arith.constant 0 : index
    %swap3A_228 = vector.load %arg2[%swap3A_226, %swap3A_227] : memref<256x128xf32, #tpu.memory_space<vmem>>, vector<1x128xf32>
    tpu.vector_store %arg2[%swap3A_226, %swap3A_227], %broadcast_in_dim3A_225 {strides = array<i32>} : memref<256x128xf32, #tpu.memory_space<vmem>>, vector<1x128xf32>,
    %slice3A_229 = vector.extract_strided_slice %get3A_1 {offsets = [0, 3712], sizes = [64, 128], strides = [1, 1]} : vector<64x32768xf32> to vector<64x128xf32>
    %mul3A_230 = arith.mulf %slice3A_229, %slice3A_229 : vector<64x128xf32>
    %reduce_sum3A_231 = arith.constant dense<0.000000e+00> : vector<128xf32>
    %reduce_sum3A_232 = vector.multi_reduction <add>, %mul3A_230, %reduce_sum3A_231 [0] : vector<64x128xf32> to vector<128xf32>
    %broadcast_in_dim3A_233 = vector.shape_cast %reduce_sum3A_232 : vector<128xf32> to vector<1x128xf32>
    %swap3A_234 = arith.constant 29 : index
    %swap3A_235 = arith.constant 0 : index
    %swap3A_236 = vector.load %arg2[%swap3A_234, %swap3A_235] : memref<256x128xf32, #tpu.memory_space<vmem>>, vector<1x128xf32>
    tpu.vector_store %arg2[%swap3A_234, %swap3A_235], %broadcast_in_dim3A_233 {strides = array<i32>} : memref<256x128xf32, #tpu.memory_space<vmem>>, vector<1x128xf32>,
    %slice3A_237 = vector.extract_strided_slice %get3A_1 {offsets = [0, 3840], sizes = [64, 128], strides = [1, 1]} : vector<64x32768xf32> to vector<64x128xf32>
    %mul3A_238 = arith.mulf %slice3A_237, %slice3A_237 : vector<64x128xf32>
    %reduce_sum3A_239 = arith.constant dense<0.000000e+00> : vector<128xf32>
    %reduce_sum3A_240 = vector.multi_reduction <add>, %mul3A_238, %reduce_sum3A_239 [0] : vector<64x128xf32> to vector<128xf32>
    %broadcast_in_dim3A_241 = vector.shape_cast %reduce_sum3A_240 : vector<128xf32> to vector<1x128xf32>
    %swap3A_242 = arith.constant 30 : index
    %swap3A_243 = arith.constant 0 : index
    %swap3A_244 = vector.load %arg2[%swap3A_242, %swap3A_243] : memref<256x128xf32, #tpu.memory_space<vmem>>, vector<1x128xf32>
    tpu.vector_store %arg2[%swap3A_242, %swap3A_243], %broadcast_in_dim3A_241 {strides = array<i32>} : memref<256x128xf32, #tpu.memory_space<vmem>>, vector<1x128xf32>,
    %slice3A_245 = vector.extract_strided_slice %get3A_1 {offsets = [0, 3968], sizes = [64, 128], strides = [1, 1]} : vector<64x32768xf32> to vector<64x128xf32>
    %mul3A_246 = arith.mulf %slice3A_245, %slice3A_245 : vector<64x128xf32>
    %reduce_sum3A_247 = arith.constant dense<0.000000e+00> : vector<128xf32>
    %reduce_sum3A_248 = vector.multi_reduction <add>, %mul3A_246, %reduce_sum3A_247 [0] : vector<64x128xf32> to vector<128xf32>
    %broadcast_in_dim3A_249 = vector.shape_cast %reduce_sum3A_248 : vector<128xf32> to vector<1x128xf32>
    %swap3A_250 = arith.constant 31 : index
    %swap3A_251 = arith.constant 0 : index
    %swap3A_252 = vector.load %arg2[%swap3A_250, %swap3A_251] : memref<256x128xf32, #tpu.memory_space<vmem>>, vector<1x128xf32>
    tpu.vector_store %arg2[%swap3A_250, %swap3A_251], %broadcast_in_dim3A_249 {strides = array<i32>} : memref<256x128xf32, #tpu.memory_space<vmem>>, vector<1x128xf32>,
    %slice3A_253 = vector.extract_strided_slice %get3A_1 {offsets = [0, 4096], sizes = [64, 128], strides = [1, 1]} : vector<64x32768xf32> to vector<64x128xf32>
    %mul3A_254 = arith.mulf %slice3A_253, %slice3A_253 : vector<64x128xf32>
    %reduce_sum3A_255 = arith.constant dense<0.000000e+00> : vector<128xf32>
    %reduce_sum3A_256 = vector.multi_reduction <add>, %mul3A_254, %reduce_sum3A_255 [0] : vector<64x128xf32> to vector<128xf32>
    %broadcast_in_dim3A_257 = vector.shape_cast %reduce_sum3A_256 : vector<128xf32> to vector<1x128xf32>
    %swap3A_258 = arith.constant 32 : index
    %swap3A_259 = arith.constant 0 : index
    %swap3A_260 = vector.load %arg2[%swap3A_258, %swap3A_259] : memref<256x128xf32, #tpu.memory_space<vmem>>, vector<1x128xf32>
    tpu.vector_store %arg2[%swap3A_258, %swap3A_259], %broadcast_in_dim3A_257 {strides = array<i32>} : memref<256x128xf32, #tpu.memory_space<vmem>>, vector<1x128xf32>,
    %slice3A_261 = vector.extract_strided_slice %get3A_1 {offsets = [0, 4224], sizes = [64, 128], strides = [1, 1]} : vector<64x32768xf32> to vector<64x128xf32>
    %mul3A_262 = arith.mulf %slice3A_261, %slice3A_261 : vector<64x128xf32>
    %reduce_sum3A_263 = arith.constant dense<0.000000e+00> : vector<128xf32>
    %reduce_sum3A_264 = vector.multi_reduction <add>, %mul3A_262, %reduce_sum3A_263 [0] : vector<64x128xf32> to vector<128xf32>
    %broadcast_in_dim3A_265 = vector.shape_cast %reduce_sum3A_264 : vector<128xf32> to vector<1x128xf32>
    %swap3A_266 = arith.constant 33 : index
    %swap3A_267 = arith.constant 0 : index
    %swap3A_268 = vector.load %arg2[%swap3A_266, %swap3A_267] : memref<256x128xf32, #tpu.memory_space<vmem>>, vector<1x128xf32>
    tpu.vector_store %arg2[%swap3A_266, %swap3A_267], %broadcast_in_dim3A_265 {strides = array<i32>} : memref<256x128xf32, #tpu.memory_space<vmem>>, vector<1x128xf32>,
    %slice3A_269 = vector.extract_strided_slice %get3A_1 {offsets = [0, 4352], sizes = [64, 128], strides = [1, 1]} : vector<64x32768xf32> to vector<64x128xf32>
    %mul3A_270 = arith.mulf %slice3A_269, %slice3A_269 : vector<64x128xf32>
    %reduce_sum3A_271 = arith.constant dense<0.000000e+00> : vector<128xf32>
    %reduce_sum3A_272 = vector.multi_reduction <add>, %mul3A_270, %reduce_sum3A_271 [0] : vector<64x128xf32> to vector<128xf32>
    %broadcast_in_dim3A_273 = vector.shape_cast %reduce_sum3A_272 : vector<128xf32> to vector<1x128xf32>
    %swap3A_274 = arith.constant 34 : index
    %swap3A_275 = arith.constant 0 : index
    %swap3A_276 = vector.load %arg2[%swap3A_274, %swap3A_275] : memref<256x128xf32, #tpu.memory_space<vmem>>, vector<1x128xf32>
    tpu.vector_store %arg2[%swap3A_274, %swap3A_275], %broadcast_in_dim3A_273 {strides = array<i32>} : memref<256x128xf32, #tpu.memory_space<vmem>>, vector<1x128xf32>,
    %slice3A_277 = vector.extract_strided_slice %get3A_1 {offsets = [0, 4480], sizes = [64, 128], strides = [1, 1]} : vector<64x32768xf32> to vector<64x128xf32>
    %mul3A_278 = arith.mulf %slice3A_277, %slice3A_277 : vector<64x128xf32>
    %reduce_sum3A_279 = arith.constant dense<0.000000e+00> : vector<128xf32>
    %reduce_sum3A_280 = vector.multi_reduction <add>, %mul3A_278, %reduce_sum3A_279 [0] : vector<64x128xf32> to vector<128xf32>
    %broadcast_in_dim3A_281 = vector.shape_cast %reduce_sum3A_280 : vector<128xf32> to vector<1x128xf32>
    %swap3A_282 = arith.constant 35 : index
    %swap3A_283 = arith.constant 0 : index
    %swap3A_284 = vector.load %arg2[%swap3A_282, %swap3A_283] : memref<256x128xf32, #tpu.memory_space<vmem>>, vector<1x128xf32>
    tpu.vector_store %arg2[%swap3A_282, %swap3A_283], %broadcast_in_dim3A_281 {strides = array<i32>} : memref<256x128xf32, #tpu.memory_space<vmem>>, vector<1x128xf32>,
    %slice3A_285 = vector.extract_strided_slice %get3A_1 {offsets = [0, 4608], sizes = [64, 128], strides = [1, 1]} : vector<64x32768xf32> to vector<64x128xf32>
    %mul3A_286 = arith.mulf %slice3A_285, %slice3A_285 : vector<64x128xf32>
    %reduce_sum3A_287 = arith.constant dense<0.000000e+00> : vector<128xf32>
    %reduce_sum3A_288 = vector.multi_reduction <add>, %mul3A_286, %reduce_sum3A_287 [0] : vector<64x128xf32> to vector<128xf32>
    %broadcast_in_dim3A_289 = vector.shape_cast %reduce_sum3A_288 : vector<128xf32> to vector<1x128xf32>
    %swap3A_290 = arith.constant 36 : index
    %swap3A_291 = arith.constant 0 : index
    %swap3A_292 = vector.load %arg2[%swap3A_290, %swap3A_291] : memref<256x128xf32, #tpu.memory_space<vmem>>, vector<1x128xf32>
    tpu.vector_store %arg2[%swap3A_290, %swap3A_291], %broadcast_in_dim3A_289 {strides = array<i32>} : memref<256x128xf32, #tpu.memory_space<vmem>>, vector<1x128xf32>,
    %slice3A_293 = vector.extract_strided_slice %get3A_1 {offsets = [0, 4736], sizes = [64, 128], strides = [1, 1]} : vector<64x32768xf32> to vector<64x128xf32>
    %mul3A_294 = arith.mulf %slice3A_293, %slice3A_293 : vector<64x128xf32>
    %reduce_sum3A_295 = arith.constant dense<0.000000e+00> : vector<128xf32>
    %reduce_sum3A_296 = vector.multi_reduction <add>, %mul3A_294, %reduce_sum3A_295 [0] : vector<64x128xf32> to vector<128xf32>
    %broadcast_in_dim3A_297 = vector.shape_cast %reduce_sum3A_296 : vector<128xf32> to vector<1x128xf32>
    %swap3A_298 = arith.constant 37 : index
    %swap3A_299 = arith.constant 0 : index
    %swap3A_300 = vector.load %arg2[%swap3A_298, %swap3A_299] : memref<256x128xf32, #tpu.memory_space<vmem>>, vector<1x128xf32>
    tpu.vector_store %arg2[%swap3A_298, %swap3A_299], %broadcast_in_dim3A_297 {strides = array<i32>} : memref<256x128xf32, #tpu.memory_space<vmem>>, vector<1x128xf32>,
    %slice3A_301 = vector.extract_strided_slice %get3A_1 {offsets = [0, 4864], sizes = [64, 128], strides = [1, 1]} : vector<64x32768xf32> to vector<64x128xf32>
    %mul3A_302 = arith.mulf %slice3A_301, %slice3A_301 : vector<64x128xf32>
    %reduce_sum3A_303 = arith.constant dense<0.000000e+00> : vector<128xf32>
    %reduce_sum3A_304 = vector.multi_reduction <add>, %mul3A_302, %reduce_sum3A_303 [0] : vector<64x128xf32> to vector<128xf32>
    %broadcast_in_dim3A_305 = vector.shape_cast %reduce_sum3A_304 : vector<128xf32> to vector<1x128xf32>
    %swap3A_306 = arith.constant 38 : index
    %swap3A_307 = arith.constant 0 : index
    %swap3A_308 = vector.load %arg2[%swap3A_306, %swap3A_307] : memref<256x128xf32, #tpu.memory_space<vmem>>, vector<1x128xf32>
    tpu.vector_store %arg2[%swap3A_306, %swap3A_307], %broadcast_in_dim3A_305 {strides = array<i32>} : memref<256x128xf32, #tpu.memory_space<vmem>>, vector<1x128xf32>,
    %slice3A_309 = vector.extract_strided_slice %get3A_1 {offsets = [0, 4992], sizes = [64, 128], strides = [1, 1]} : vector<64x32768xf32> to vector<64x128xf32>
    %mul3A_310 = arith.mulf %slice3A_309, %slice3A_309 : vector<64x128xf32>
    %reduce_sum3A_311 = arith.constant dense<0.000000e+00> : vector<128xf32>
    %reduce_sum3A_312 = vector.multi_reduction <add>, %mul3A_310, %reduce_sum3A_311 [0] : vector<64x128xf32> to vector<128xf32>
    %broadcast_in_dim3A_313 = vector.shape_cast %reduce_sum3A_312 : vector<128xf32> to vector<1x128xf32>
    %swap3A_314 = arith.constant 39 : index
    %swap3A_315 = arith.constant 0 : index
    %swap3A_316 = vector.load %arg2[%swap3A_314, %swap3A_315] : memref<256x128xf32, #tpu.memory_space<vmem>>, vector<1x128xf32>
    tpu.vector_store %arg2[%swap3A_314, %swap3A_315], %broadcast_in_dim3A_313 {strides = array<i32>} : memref<256x128xf32, #tpu.memory_space<vmem>>, vector<1x128xf32>,
    %slice3A_317 = vector.extract_strided_slice %get3A_1 {offsets = [0, 5120], sizes = [64, 128], strides = [1, 1]} : vector<64x32768xf32> to vector<64x128xf32>
    %mul3A_318 = arith.mulf %slice3A_317, %slice3A_317 : vector<64x128xf32>
    %reduce_sum3A_319 = arith.constant dense<0.000000e+00> : vector<128xf32>
    %reduce_sum3A_320 = vector.multi_reduction <add>, %mul3A_318, %reduce_sum3A_319 [0] : vector<64x128xf32> to vector<128xf32>
    %broadcast_in_dim3A_321 = vector.shape_cast %reduce_sum3A_320 : vector<128xf32> to vector<1x128xf32>
    %swap3A_322 = arith.constant 40 : index
    %swap3A_323 = arith.constant 0 : index
    %swap3A_324 = vector.load %arg2[%swap3A_322, %swap3A_323] : memref<256x128xf32, #tpu.memory_space<vmem>>, vector<1x128xf32>
    tpu.vector_store %arg2[%swap3A_322, %swap3A_323], %broadcast_in_dim3A_321 {strides = array<i32>} : memref<256x128xf32, #tpu.memory_space<vmem>>, vector<1x128xf32>,
    %slice3A_325 = vector.extract_strided_slice %get3A_1 {offsets = [0, 5248], sizes = [64, 128], strides = [1, 1]} : vector<64x32768xf32> to vector<64x128xf32>
    %mul3A_326 = arith.mulf %slice3A_325, %slice3A_325 : vector<64x128xf32>
    %reduce_sum3A_327 = arith.constant dense<0.000000e+00> : vector<128xf32>
    %reduce_sum3A_328 = vector.multi_reduction <add>, %mul3A_326, %reduce_sum3A_327 [0] : vector<64x128xf32> to vector<128xf32>
    %broadcast_in_dim3A_329 = vector.shape_cast %reduce_sum3A_328 : vector<128xf32> to vector<1x128xf32>
    %swap3A_330 = arith.constant 41 : index
    %swap3A_331 = arith.constant 0 : index
    %swap3A_332 = vector.load %arg2[%swap3A_330, %swap3A_331] : memref<256x128xf32, #tpu.memory_space<vmem>>, vector<1x128xf32>
    tpu.vector_store %arg2[%swap3A_330, %swap3A_331], %broadcast_in_dim3A_329 {strides = array<i32>} : memref<256x128xf32, #tpu.memory_space<vmem>>, vector<1x128xf32>,
    %slice3A_333 = vector.extract_strided_slice %get3A_1 {offsets = [0, 5376], sizes = [64, 128], strides = [1, 1]} : vector<64x32768xf32> to vector<64x128xf32>
    %mul3A_334 = arith.mulf %slice3A_333, %slice3A_333 : vector<64x128xf32>
    %reduce_sum3A_335 = arith.constant dense<0.000000e+00> : vector<128xf32>
    %reduce_sum3A_336 = vector.multi_reduction <add>, %mul3A_334, %reduce_sum3A_335 [0] : vector<64x128xf32> to vector<128xf32>
    %broadcast_in_dim3A_337 = vector.shape_cast %reduce_sum3A_336 : vector<128xf32> to vector<1x128xf32>
    %swap3A_338 = arith.constant 42 : index
    %swap3A_339 = arith.constant 0 : index
    %swap3A_340 = vector.load %arg2[%swap3A_338, %swap3A_339] : memref<256x128xf32, #tpu.memory_space<vmem>>, vector<1x128xf32>
    tpu.vector_store %arg2[%swap3A_338, %swap3A_339], %broadcast_in_dim3A_337 {strides = array<i32>} : memref<256x128xf32, #tpu.memory_space<vmem>>, vector<1x128xf32>,
    %slice3A_341 = vector.extract_strided_slice %get3A_1 {offsets = [0, 5504], sizes = [64, 128], strides = [1, 1]} : vector<64x32768xf32> to vector<64x128xf32>
    %mul3A_342 = arith.mulf %slice3A_341, %slice3A_341 : vector<64x128xf32>
    %reduce_sum3A_343 = arith.constant dense<0.000000e+00> : vector<128xf32>
    %reduce_sum3A_344 = vector.multi_reduction <add>, %mul3A_342, %reduce_sum3A_343 [0] : vector<64x128xf32> to vector<128xf32>
    %broadcast_in_dim3A_345 = vector.shape_cast %reduce_sum3A_344 : vector<128xf32> to vector<1x128xf32>
    %swap3A_346 = arith.constant 43 : index
    %swap3A_347 = arith.constant 0 : index
    %swap3A_348 = vector.load %arg2[%swap3A_346, %swap3A_347] : memref<256x128xf32, #tpu.memory_space<vmem>>, vector<1x128xf32>
    tpu.vector_store %arg2[%swap3A_346, %swap3A_347], %broadcast_in_dim3A_345 {strides = array<i32>} : memref<256x128xf32, #tpu.memory_space<vmem>>, vector<1x128xf32>,
    %slice3A_349 = vector.extract_strided_slice %get3A_1 {offsets = [0, 5632], sizes = [64, 128], strides = [1, 1]} : vector<64x32768xf32> to vector<64x128xf32>
    %mul3A_350 = arith.mulf %slice3A_349, %slice3A_349 : vector<64x128xf32>
    %reduce_sum3A_351 = arith.constant dense<0.000000e+00> : vector<128xf32>
    %reduce_sum3A_352 = vector.multi_reduction <add>, %mul3A_350, %reduce_sum3A_351 [0] : vector<64x128xf32> to vector<128xf32>
    %broadcast_in_dim3A_353 = vector.shape_cast %reduce_sum3A_352 : vector<128xf32> to vector<1x128xf32>
    %swap3A_354 = arith.constant 44 : index
    %swap3A_355 = arith.constant 0 : index
    %swap3A_356 = vector.load %arg2[%swap3A_354, %swap3A_355] : memref<256x128xf32, #tpu.memory_space<vmem>>, vector<1x128xf32>
    tpu.vector_store %arg2[%swap3A_354, %swap3A_355], %broadcast_in_dim3A_353 {strides = array<i32>} : memref<256x128xf32, #tpu.memory_space<vmem>>, vector<1x128xf32>,
    %slice3A_357 = vector.extract_strided_slice %get3A_1 {offsets = [0, 5760], sizes = [64, 128], strides = [1, 1]} : vector<64x32768xf32> to vector<64x128xf32>
    %mul3A_358 = arith.mulf %slice3A_357, %slice3A_357 : vector<64x128xf32>
    %reduce_sum3A_359 = arith.constant dense<0.000000e+00> : vector<128xf32>
    %reduce_sum3A_360 = vector.multi_reduction <add>, %mul3A_358, %reduce_sum3A_359 [0] : vector<64x128xf32> to vector<128xf32>
    %broadcast_in_dim3A_361 = vector.shape_cast %reduce_sum3A_360 : vector<128xf32> to vector<1x128xf32>
    %swap3A_362 = arith.constant 45 : index
    %swap3A_363 = arith.constant 0 : index
    %swap3A_364 = vector.load %arg2[%swap3A_362, %swap3A_363] : memref<256x128xf32, #tpu.memory_space<vmem>>, vector<1x128xf32>
    tpu.vector_store %arg2[%swap3A_362, %swap3A_363], %broadcast_in_dim3A_361 {strides = array<i32>} : memref<256x128xf32, #tpu.memory_space<vmem>>, vector<1x128xf32>,
    %slice3A_365 = vector.extract_strided_slice %get3A_1 {offsets = [0, 5888], sizes = [64, 128], strides = [1, 1]} : vector<64x32768xf32> to vector<64x128xf32>
    %mul3A_366 = arith.mulf %slice3A_365, %slice3A_365 : vector<64x128xf32>
    %reduce_sum3A_367 = arith.constant dense<0.000000e+00> : vector<128xf32>
    %reduce_sum3A_368 = vector.multi_reduction <add>, %mul3A_366, %reduce_sum3A_367 [0] : vector<64x128xf32> to vector<128xf32>
    %broadcast_in_dim3A_369 = vector.shape_cast %reduce_sum3A_368 : vector<128xf32> to vector<1x128xf32>
    %swap3A_370 = arith.constant 46 : index
    %swap3A_371 = arith.constant 0 : index
    %swap3A_372 = vector.load %arg2[%swap3A_370, %swap3A_371] : memref<256x128xf32, #tpu.memory_space<vmem>>, vector<1x128xf32>
    tpu.vector_store %arg2[%swap3A_370, %swap3A_371], %broadcast_in_dim3A_369 {strides = array<i32>} : memref<256x128xf32, #tpu.memory_space<vmem>>, vector<1x128xf32>,
    %slice3A_373 = vector.extract_strided_slice %get3A_1 {offsets = [0, 6016], sizes = [64, 128], strides = [1, 1]} : vector<64x32768xf32> to vector<64x128xf32>
    %mul3A_374 = arith.mulf %slice3A_373, %slice3A_373 : vector<64x128xf32>
    %reduce_sum3A_375 = arith.constant dense<0.000000e+00> : vector<128xf32>
    %reduce_sum3A_376 = vector.multi_reduction <add>, %mul3A_374, %reduce_sum3A_375 [0] : vector<64x128xf32> to vector<128xf32>
    %broadcast_in_dim3A_377 = vector.shape_cast %reduce_sum3A_376 : vector<128xf32> to vector<1x128xf32>
    %swap3A_378 = arith.constant 47 : index
    %swap3A_379 = arith.constant 0 : index
    %swap3A_380 = vector.load %arg2[%swap3A_378, %swap3A_379] : memref<256x128xf32, #tpu.memory_space<vmem>>, vector<1x128xf32>
    tpu.vector_store %arg2[%swap3A_378, %swap3A_379], %broadcast_in_dim3A_377 {strides = array<i32>} : memref<256x128xf32, #tpu.memory_space<vmem>>, vector<1x128xf32>,
    %slice3A_381 = vector.extract_strided_slice %get3A_1 {offsets = [0, 6144], sizes = [64, 128], strides = [1, 1]} : vector<64x32768xf32> to vector<64x128xf32>
    %mul3A_382 = arith.mulf %slice3A_381, %slice3A_381 : vector<64x128xf32>
    %reduce_sum3A_383 = arith.constant dense<0.000000e+00> : vector<128xf32>
    %reduce_sum3A_384 = vector.multi_reduction <add>, %mul3A_382, %reduce_sum3A_383 [0] : vector<64x128xf32> to vector<128xf32>
    %broadcast_in_dim3A_385 = vector.shape_cast %reduce_sum3A_384 : vector<128xf32> to vector<1x128xf32>
    %swap3A_386 = arith.constant 48 : index
    %swap3A_387 = arith.constant 0 : index
    %swap3A_388 = vector.load %arg2[%swap3A_386, %swap3A_387] : memref<256x128xf32, #tpu.memory_space<vmem>>, vector<1x128xf32>
    tpu.vector_store %arg2[%swap3A_386, %swap3A_387], %broadcast_in_dim3A_385 {strides = array<i32>} : memref<256x128xf32, #tpu.memory_space<vmem>>, vector<1x128xf32>,
    %slice3A_389 = vector.extract_strided_slice %get3A_1 {offsets = [0, 6272], sizes = [64, 128], strides = [1, 1]} : vector<64x32768xf32> to vector<64x128xf32>
    %mul3A_390 = arith.mulf %slice3A_389, %slice3A_389 : vector<64x128xf32>
    %reduce_sum3A_391 = arith.constant dense<0.000000e+00> : vector<128xf32>
    %reduce_sum3A_392 = vector.multi_reduction <add>, %mul3A_390, %reduce_sum3A_391 [0] : vector<64x128xf32> to vector<128xf32>
    %broadcast_in_dim3A_393 = vector.shape_cast %reduce_sum3A_392 : vector<128xf32> to vector<1x128xf32>
    %swap3A_394 = arith.constant 49 : index
    %swap3A_395 = arith.constant 0 : index
    %swap3A_396 = vector.load %arg2[%swap3A_394, %swap3A_395] : memref<256x128xf32, #tpu.memory_space<vmem>>, vector<1x128xf32>
    tpu.vector_store %arg2[%swap3A_394, %swap3A_395], %broadcast_in_dim3A_393 {strides = array<i32>} : memref<256x128xf32, #tpu.memory_space<vmem>>, vector<1x128xf32>,
    %slice3A_397 = vector.extract_strided_slice %get3A_1 {offsets = [0, 6400], sizes = [64, 128], strides = [1, 1]} : vector<64x32768xf32> to vector<64x128xf32>
    %mul3A_398 = arith.mulf %slice3A_397, %slice3A_397 : vector<64x128xf32>
    %reduce_sum3A_399 = arith.constant dense<0.000000e+00> : vector<128xf32>
    %reduce_sum3A_400 = vector.multi_reduction <add>, %mul3A_398, %reduce_sum3A_399 [0] : vector<64x128xf32> to vector<128xf32>
    %broadcast_in_dim3A_401 = vector.shape_cast %reduce_sum3A_400 : vector<128xf32> to vector<1x128xf32>
    %swap3A_402 = arith.constant 50 : index
    %swap3A_403 = arith.constant 0 : index
    %swap3A_404 = vector.load %arg2[%swap3A_402, %swap3A_403] : memref<256x128xf32, #tpu.memory_space<vmem>>, vector<1x128xf32>
    tpu.vector_store %arg2[%swap3A_402, %swap3A_403], %broadcast_in_dim3A_401 {strides = array<i32>} : memref<256x128xf32, #tpu.memory_space<vmem>>, vector<1x128xf32>,
    %slice3A_405 = vector.extract_strided_slice %get3A_1 {offsets = [0, 6528], sizes = [64, 128], strides = [1, 1]} : vector<64x32768xf32> to vector<64x128xf32>
    %mul3A_406 = arith.mulf %slice3A_405, %slice3A_405 : vector<64x128xf32>
    %reduce_sum3A_407 = arith.constant dense<0.000000e+00> : vector<128xf32>
    %reduce_sum3A_408 = vector.multi_reduction <add>, %mul3A_406, %reduce_sum3A_407 [0] : vector<64x128xf32> to vector<128xf32>
    %broadcast_in_dim3A_409 = vector.shape_cast %reduce_sum3A_408 : vector<128xf32> to vector<1x128xf32>
    %swap3A_410 = arith.constant 51 : index
    %swap3A_411 = arith.constant 0 : index
    %swap3A_412 = vector.load %arg2[%swap3A_410, %swap3A_411] : memref<256x128xf32, #tpu.memory_space<vmem>>, vector<1x128xf32>
    tpu.vector_store %arg2[%swap3A_410, %swap3A_411], %broadcast_in_dim3A_409 {strides = array<i32>} : memref<256x128xf32, #tpu.memory_space<vmem>>, vector<1x128xf32>,
    %slice3A_413 = vector.extract_strided_slice %get3A_1 {offsets = [0, 6656], sizes = [64, 128], strides = [1, 1]} : vector<64x32768xf32> to vector<64x128xf32>
    %mul3A_414 = arith.mulf %slice3A_413, %slice3A_413 : vector<64x128xf32>
    %reduce_sum3A_415 = arith.constant dense<0.000000e+00> : vector<128xf32>
    %reduce_sum3A_416 = vector.multi_reduction <add>, %mul3A_414, %reduce_sum3A_415 [0] : vector<64x128xf32> to vector<128xf32>
    %broadcast_in_dim3A_417 = vector.shape_cast %reduce_sum3A_416 : vector<128xf32> to vector<1x128xf32>
    %swap3A_418 = arith.constant 52 : index
    %swap3A_419 = arith.constant 0 : index
    %swap3A_420 = vector.load %arg2[%swap3A_418, %swap3A_419] : memref<256x128xf32, #tpu.memory_space<vmem>>, vector<1x128xf32>
    tpu.vector_store %arg2[%swap3A_418, %swap3A_419], %broadcast_in_dim3A_417 {strides = array<i32>} : memref<256x128xf32, #tpu.memory_space<vmem>>, vector<1x128xf32>,
    %slice3A_421 = vector.extract_strided_slice %get3A_1 {offsets = [0, 6784], sizes = [64, 128], strides = [1, 1]} : vector<64x32768xf32> to vector<64x128xf32>
    %mul3A_422 = arith.mulf %slice3A_421, %slice3A_421 : vector<64x128xf32>
    %reduce_sum3A_423 = arith.constant dense<0.000000e+00> : vector<128xf32>
    %reduce_sum3A_424 = vector.multi_reduction <add>, %mul3A_422, %reduce_sum3A_423 [0] : vector<64x128xf32> to vector<128xf32>
    %broadcast_in_dim3A_425 = vector.shape_cast %reduce_sum3A_424 : vector<128xf32> to vector<1x128xf32>
    %swap3A_426 = arith.constant 53 : index
    %swap3A_427 = arith.constant 0 : index
    %swap3A_428 = vector.load %arg2[%swap3A_426, %swap3A_427] : memref<256x128xf32, #tpu.memory_space<vmem>>, vector<1x128xf32>
    tpu.vector_store %arg2[%swap3A_426, %swap3A_427], %broadcast_in_dim3A_425 {strides = array<i32>} : memref<256x128xf32, #tpu.memory_space<vmem>>, vector<1x128xf32>,
    %slice3A_429 = vector.extract_strided_slice %get3A_1 {offsets = [0, 6912], sizes = [64, 128], strides = [1, 1]} : vector<64x32768xf32> to vector<64x128xf32>
    %mul3A_430 = arith.mulf %slice3A_429, %slice3A_429 : vector<64x128xf32>
    %reduce_sum3A_431 = arith.constant dense<0.000000e+00> : vector<128xf32>
    %reduce_sum3A_432 = vector.multi_reduction <add>, %mul3A_430, %reduce_sum3A_431 [0] : vector<64x128xf32> to vector<128xf32>
    %broadcast_in_dim3A_433 = vector.shape_cast %reduce_sum3A_432 : vector<128xf32> to vector<1x128xf32>
    %swap3A_434 = arith.constant 54 : index
    %swap3A_435 = arith.constant 0 : index
    %swap3A_436 = vector.load %arg2[%swap3A_434, %swap3A_435] : memref<256x128xf32, #tpu.memory_space<vmem>>, vector<1x128xf32>
    tpu.vector_store %arg2[%swap3A_434, %swap3A_435], %broadcast_in_dim3A_433 {strides = array<i32>} : memref<256x128xf32, #tpu.memory_space<vmem>>, vector<1x128xf32>,
    %slice3A_437 = vector.extract_strided_slice %get3A_1 {offsets = [0, 7040], sizes = [64, 128], strides = [1, 1]} : vector<64x32768xf32> to vector<64x128xf32>
    %mul3A_438 = arith.mulf %slice3A_437, %slice3A_437 : vector<64x128xf32>
    %reduce_sum3A_439 = arith.constant dense<0.000000e+00> : vector<128xf32>
    %reduce_sum3A_440 = vector.multi_reduction <add>, %mul3A_438, %reduce_sum3A_439 [0] : vector<64x128xf32> to vector<128xf32>
    %broadcast_in_dim3A_441 = vector.shape_cast %reduce_sum3A_440 : vector<128xf32> to vector<1x128xf32>
    %swap3A_442 = arith.constant 55 : index
    %swap3A_443 = arith.constant 0 : index
    %swap3A_444 = vector.load %arg2[%swap3A_442, %swap3A_443] : memref<256x128xf32, #tpu.memory_space<vmem>>, vector<1x128xf32>
    tpu.vector_store %arg2[%swap3A_442, %swap3A_443], %broadcast_in_dim3A_441 {strides = array<i32>} : memref<256x128xf32, #tpu.memory_space<vmem>>, vector<1x128xf32>,
    %slice3A_445 = vector.extract_strided_slice %get3A_1 {offsets = [0, 7168], sizes = [64, 128], strides = [1, 1]} : vector<64x32768xf32> to vector<64x128xf32>
    %mul3A_446 = arith.mulf %slice3A_445, %slice3A_445 : vector<64x128xf32>
    %reduce_sum3A_447 = arith.constant dense<0.000000e+00> : vector<128xf32>
    %reduce_sum3A_448 = vector.multi_reduction <add>, %mul3A_446, %reduce_sum3A_447 [0] : vector<64x128xf32> to vector<128xf32>
    %broadcast_in_dim3A_449 = vector.shape_cast %reduce_sum3A_448 : vector<128xf32> to vector<1x128xf32>
    %swap3A_450 = arith.constant 56 : index
    %swap3A_451 = arith.constant 0 : index
    %swap3A_452 = vector.load %arg2[%swap3A_450, %swap3A_451] : memref<256x128xf32, #tpu.memory_space<vmem>>, vector<1x128xf32>
    tpu.vector_store %arg2[%swap3A_450, %swap3A_451], %broadcast_in_dim3A_449 {strides = array<i32>} : memref<256x128xf32, #tpu.memory_space<vmem>>, vector<1x128xf32>,
    %slice3A_453 = vector.extract_strided_slice %get3A_1 {offsets = [0, 7296], sizes = [64, 128], strides = [1, 1]} : vector<64x32768xf32> to vector<64x128xf32>
    %mul3A_454 = arith.mulf %slice3A_453, %slice3A_453 : vector<64x128xf32>
    %reduce_sum3A_455 = arith.constant dense<0.000000e+00> : vector<128xf32>
    %reduce_sum3A_456 = vector.multi_reduction <add>, %mul3A_454, %reduce_sum3A_455 [0] : vector<64x128xf32> to vector<128xf32>
    %broadcast_in_dim3A_457 = vector.shape_cast %reduce_sum3A_456 : vector<128xf32> to vector<1x128xf32>
    %swap3A_458 = arith.constant 57 : index
    %swap3A_459 = arith.constant 0 : index
    %swap3A_460 = vector.load %arg2[%swap3A_458, %swap3A_459] : memref<256x128xf32, #tpu.memory_space<vmem>>, vector<1x128xf32>
    tpu.vector_store %arg2[%swap3A_458, %swap3A_459], %broadcast_in_dim3A_457 {strides = array<i32>} : memref<256x128xf32, #tpu.memory_space<vmem>>, vector<1x128xf32>,
    %slice3A_461 = vector.extract_strided_slice %get3A_1 {offsets = [0, 7424], sizes = [64, 128], strides = [1, 1]} : vector<64x32768xf32> to vector<64x128xf32>
    %mul3A_462 = arith.mulf %slice3A_461, %slice3A_461 : vector<64x128xf32>
    %reduce_sum3A_463 = arith.constant dense<0.000000e+00> : vector<128xf32>
    %reduce_sum3A_464 = vector.multi_reduction <add>, %mul3A_462, %reduce_sum3A_463 [0] : vector<64x128xf32> to vector<128xf32>
    %broadcast_in_dim3A_465 = vector.shape_cast %reduce_sum3A_464 : vector<128xf32> to vector<1x128xf32>
    %swap3A_466 = arith.constant 58 : index
    %swap3A_467 = arith.constant 0 : index
    %swap3A_468 = vector.load %arg2[%swap3A_466, %swap3A_467] : memref<256x128xf32, #tpu.memory_space<vmem>>, vector<1x128xf32>
    tpu.vector_store %arg2[%swap3A_466, %swap3A_467], %broadcast_in_dim3A_465 {strides = array<i32>} : memref<256x128xf32, #tpu.memory_space<vmem>>, vector<1x128xf32>,
    %slice3A_469 = vector.extract_strided_slice %get3A_1 {offsets = [0, 7552], sizes = [64, 128], strides = [1, 1]} : vector<64x32768xf32> to vector<64x128xf32>
    %mul3A_470 = arith.mulf %slice3A_469, %slice3A_469 : vector<64x128xf32>
    %reduce_sum3A_471 = arith.constant dense<0.000000e+00> : vector<128xf32>
    %reduce_sum3A_472 = vector.multi_reduction <add>, %mul3A_470, %reduce_sum3A_471 [0] : vector<64x128xf32> to vector<128xf32>
    %broadcast_in_dim3A_473 = vector.shape_cast %reduce_sum3A_472 : vector<128xf32> to vector<1x128xf32>
    %swap3A_474 = arith.constant 59 : index
    %swap3A_475 = arith.constant 0 : index
    %swap3A_476 = vector.load %arg2[%swap3A_474, %swap3A_475] : memref<256x128xf32, #tpu.memory_space<vmem>>, vector<1x128xf32>
    tpu.vector_store %arg2[%swap3A_474, %swap3A_475], %broadcast_in_dim3A_473 {strides = array<i32>} : memref<256x128xf32, #tpu.memory_space<vmem>>, vector<1x128xf32>,
    %slice3A_477 = vector.extract_strided_slice %get3A_1 {offsets = [0, 7680], sizes = [64, 128], strides = [1, 1]} : vector<64x32768xf32> to vector<64x128xf32>
    %mul3A_478 = arith.mulf %slice3A_477, %slice3A_477 : vector<64x128xf32>
    %reduce_sum3A_479 = arith.constant dense<0.000000e+00> : vector<128xf32>
    %reduce_sum3A_480 = vector.multi_reduction <add>, %mul3A_478, %reduce_sum3A_479 [0] : vector<64x128xf32> to vector<128xf32>
    %broadcast_in_dim3A_481 = vector.shape_cast %reduce_sum3A_480 : vector<128xf32> to vector<1x128xf32>
    %swap3A_482 = arith.constant 60 : index
    %swap3A_483 = arith.constant 0 : index
    %swap3A_484 = vector.load %arg2[%swap3A_482, %swap3A_483] : memref<256x128xf32, #tpu.memory_space<vmem>>, vector<1x128xf32>
    tpu.vector_store %arg2[%swap3A_482, %swap3A_483], %broadcast_in_dim3A_481 {strides = array<i32>} : memref<256x128xf32, #tpu.memory_space<vmem>>, vector<1x128xf32>,
    %slice3A_485 = vector.extract_strided_slice %get3A_1 {offsets = [0, 7808], sizes = [64, 128], strides = [1, 1]} : vector<64x32768xf32> to vector<64x128xf32>
    %mul3A_486 = arith.mulf %slice3A_485, %slice3A_485 : vector<64x128xf32>
    %reduce_sum3A_487 = arith.constant dense<0.000000e+00> : vector<128xf32>
    %reduce_sum3A_488 = vector.multi_reduction <add>, %mul3A_486, %reduce_sum3A_487 [0] : vector<64x128xf32> to vector<128xf32>
    %broadcast_in_dim3A_489 = vector.shape_cast %reduce_sum3A_488 : vector<128xf32> to vector<1x128xf32>
    %swap3A_490 = arith.constant 61 : index
    %swap3A_491 = arith.constant 0 : index
    %swap3A_492 = vector.load %arg2[%swap3A_490, %swap3A_491] : memref<256x128xf32, #tpu.memory_space<vmem>>, vector<1x128xf32>
    tpu.vector_store %arg2[%swap3A_490, %swap3A_491], %broadcast_in_dim3A_489 {strides = array<i32>} : memref<256x128xf32, #tpu.memory_space<vmem>>, vector<1x128xf32>,
    %slice3A_493 = vector.extract_strided_slice %get3A_1 {offsets = [0, 7936], sizes = [64, 128], strides = [1, 1]} : vector<64x32768xf32> to vector<64x128xf32>
    %mul3A_494 = arith.mulf %slice3A_493, %slice3A_493 : vector<64x128xf32>
    %reduce_sum3A_495 = arith.constant dense<0.000000e+00> : vector<128xf32>
    %reduce_sum3A_496 = vector.multi_reduction <add>, %mul3A_494, %reduce_sum3A_495 [0] : vector<64x128xf32> to vector<128xf32>
    %broadcast_in_dim3A_497 = vector.shape_cast %reduce_sum3A_496 : vector<128xf32> to vector<1x128xf32>
    %swap3A_498 = arith.constant 62 : index
    %swap3A_499 = arith.constant 0 : index
    %swap3A_500 = vector.load %arg2[%swap3A_498, %swap3A_499] : memref<256x128xf32, #tpu.memory_space<vmem>>, vector<1x128xf32>
    tpu.vector_store %arg2[%swap3A_498, %swap3A_499], %broadcast_in_dim3A_497 {strides = array<i32>} : memref<256x128xf32, #tpu.memory_space<vmem>>, vector<1x128xf32>,
    %slice3A_501 = vector.extract_strided_slice %get3A_1 {offsets = [0, 8064], sizes = [64, 128], strides = [1, 1]} : vector<64x32768xf32> to vector<64x128xf32>
    %mul3A_502 = arith.mulf %slice3A_501, %slice3A_501 : vector<64x128xf32>
    %reduce_sum3A_503 = arith.constant dense<0.000000e+00> : vector<128xf32>
    %reduce_sum3A_504 = vector.multi_reduction <add>, %mul3A_502, %reduce_sum3A_503 [0] : vector<64x128xf32> to vector<128xf32>
    %broadcast_in_dim3A_505 = vector.shape_cast %reduce_sum3A_504 : vector<128xf32> to vector<1x128xf32>
    %swap3A_506 = arith.constant 63 : index
    %swap3A_507 = arith.constant 0 : index
    %swap3A_508 = vector.load %arg2[%swap3A_506, %swap3A_507] : memref<256x128xf32, #tpu.memory_space<vmem>>, vector<1x128xf32>
    tpu.vector_store %arg2[%swap3A_506, %swap3A_507], %broadcast_in_dim3A_505 {strides = array<i32>} : memref<256x128xf32, #tpu.memory_space<vmem>>, vector<1x128xf32>,
    %slice3A_509 = vector.extract_strided_slice %get3A_1 {offsets = [0, 8192], sizes = [64, 128], strides = [1, 1]} : vector<64x32768xf32> to vector<64x128xf32>
    %mul3A_510 = arith.mulf %slice3A_509, %slice3A_509 : vector<64x128xf32>
    %reduce_sum3A_511 = arith.constant dense<0.000000e+00> : vector<128xf32>
    %reduce_sum3A_512 = vector.multi_reduction <add>, %mul3A_510, %reduce_sum3A_511 [0] : vector<64x128xf32> to vector<128xf32>
    %broadcast_in_dim3A_513 = vector.shape_cast %reduce_sum3A_512 : vector<128xf32> to vector<1x128xf32>
    %swap3A_514 = arith.constant 64 : index
    %swap3A_515 = arith.constant 0 : index
    %swap3A_516 = vector.load %arg2[%swap3A_514, %swap3A_515] : memref<256x128xf32, #tpu.memory_space<vmem>>, vector<1x128xf32>
    tpu.vector_store %arg2[%swap3A_514, %swap3A_515], %broadcast_in_dim3A_513 {strides = array<i32>} : memref<256x128xf32, #tpu.memory_space<vmem>>, vector<1x128xf32>,
    %slice3A_517 = vector.extract_strided_slice %get3A_1 {offsets = [0, 8320], sizes = [64, 128], strides = [1, 1]} : vector<64x32768xf32> to vector<64x128xf32>
    %mul3A_518 = arith.mulf %slice3A_517, %slice3A_517 : vector<64x128xf32>
    %reduce_sum3A_519 = arith.constant dense<0.000000e+00> : vector<128xf32>
    %reduce_sum3A_520 = vector.multi_reduction <add>, %mul3A_518, %reduce_sum3A_519 [0] : vector<64x128xf32> to vector<128xf32>
    %broadcast_in_dim3A_521 = vector.shape_cast %reduce_sum3A_520 : vector<128xf32> to vector<1x128xf32>
    %swap3A_522 = arith.constant 65 : index
    %swap3A_523 = arith.constant 0 : index
    %swap3A_524 = vector.load %arg2[%swap3A_522, %swap3A_523] : memref<256x128xf32, #tpu.memory_space<vmem>>, vector<1x128xf32>
    tpu.vector_store %arg2[%swap3A_522, %swap3A_523], %broadcast_in_dim3A_521 {strides = array<i32>} : memref<256x128xf32, #tpu.memory_space<vmem>>, vector<1x128xf32>,
    %slice3A_525 = vector.extract_strided_slice %get3A_1 {offsets = [0, 8448], sizes = [64, 128], strides = [1, 1]} : vector<64x32768xf32> to vector<64x128xf32>
    %mul3A_526 = arith.mulf %slice3A_525, %slice3A_525 : vector<64x128xf32>
    %reduce_sum3A_527 = arith.constant dense<0.000000e+00> : vector<128xf32>
    %reduce_sum3A_528 = vector.multi_reduction <add>, %mul3A_526, %reduce_sum3A_527 [0] : vector<64x128xf32> to vector<128xf32>
    %broadcast_in_dim3A_529 = vector.shape_cast %reduce_sum3A_528 : vector<128xf32> to vector<1x128xf32>
    %swap3A_530 = arith.constant 66 : index
    %swap3A_531 = arith.constant 0 : index
    %swap3A_532 = vector.load %arg2[%swap3A_530, %swap3A_531] : memref<256x128xf32, #tpu.memory_space<vmem>>, vector<1x128xf32>
    tpu.vector_store %arg2[%swap3A_530, %swap3A_531], %broadcast_in_dim3A_529 {strides = array<i32>} : memref<256x128xf32, #tpu.memory_space<vmem>>, vector<1x128xf32>,
    %slice3A_533 = vector.extract_strided_slice %get3A_1 {offsets = [0, 8576], sizes = [64, 128], strides = [1, 1]} : vector<64x32768xf32> to vector<64x128xf32>
    %mul3A_534 = arith.mulf %slice3A_533, %slice3A_533 : vector<64x128xf32>
    %reduce_sum3A_535 = arith.constant dense<0.000000e+00> : vector<128xf32>
    %reduce_sum3A_536 = vector.multi_reduction <add>, %mul3A_534, %reduce_sum3A_535 [0] : vector<64x128xf32> to vector<128xf32>
    %broadcast_in_dim3A_537 = vector.shape_cast %reduce_sum3A_536 : vector<128xf32> to vector<1x128xf32>
    %swap3A_538 = arith.constant 67 : index
    %swap3A_539 = arith.constant 0 : index
    %swap3A_540 = vector.load %arg2[%swap3A_538, %swap3A_539] : memref<256x128xf32, #tpu.memory_space<vmem>>, vector<1x128xf32>
    tpu.vector_store %arg2[%swap3A_538, %swap3A_539], %broadcast_in_dim3A_537 {strides = array<i32>} : memref<256x128xf32, #tpu.memory_space<vmem>>, vector<1x128xf32>,
    %slice3A_541 = vector.extract_strided_slice %get3A_1 {offsets = [0, 8704], sizes = [64, 128], strides = [1, 1]} : vector<64x32768xf32> to vector<64x128xf32>
    %mul3A_542 = arith.mulf %slice3A_541, %slice3A_541 : vector<64x128xf32>
    %reduce_sum3A_543 = arith.constant dense<0.000000e+00> : vector<128xf32>
    %reduce_sum3A_544 = vector.multi_reduction <add>, %mul3A_542, %reduce_sum3A_543 [0] : vector<64x128xf32> to vector<128xf32>
    %broadcast_in_dim3A_545 = vector.shape_cast %reduce_sum3A_544 : vector<128xf32> to vector<1x128xf32>
    %swap3A_546 = arith.constant 68 : index
    %swap3A_547 = arith.constant 0 : index
    %swap3A_548 = vector.load %arg2[%swap3A_546, %swap3A_547] : memref<256x128xf32, #tpu.memory_space<vmem>>, vector<1x128xf32>
    tpu.vector_store %arg2[%swap3A_546, %swap3A_547], %broadcast_in_dim3A_545 {strides = array<i32>} : memref<256x128xf32, #tpu.memory_space<vmem>>, vector<1x128xf32>,
    %slice3A_549 = vector.extract_strided_slice %get3A_1 {offsets = [0, 8832], sizes = [64, 128], strides = [1, 1]} : vector<64x32768xf32> to vector<64x128xf32>
    %mul3A_550 = arith.mulf %slice3A_549, %slice3A_549 : vector<64x128xf32>
    %reduce_sum3A_551 = arith.constant dense<0.000000e+00> : vector<128xf32>
    %reduce_sum3A_552 = vector.multi_reduction <add>, %mul3A_550, %reduce_sum3A_551 [0] : vector<64x128xf32> to vector<128xf32>
    %broadcast_in_dim3A_553 = vector.shape_cast %reduce_sum3A_552 : vector<128xf32> to vector<1x128xf32>
    %swap3A_554 = arith.constant 69 : index
    %swap3A_555 = arith.constant 0 : index
    %swap3A_556 = vector.load %arg2[%swap3A_554, %swap3A_555] : memref<256x128xf32, #tpu.memory_space<vmem>>, vector<1x128xf32>
    tpu.vector_store %arg2[%swap3A_554, %swap3A_555], %broadcast_in_dim3A_553 {strides = array<i32>} : memref<256x128xf32, #tpu.memory_space<vmem>>, vector<1x128xf32>,
    %slice3A_557 = vector.extract_strided_slice %get3A_1 {offsets = [0, 8960], sizes = [64, 128], strides = [1, 1]} : vector<64x32768xf32> to vector<64x128xf32>
    %mul3A_558 = arith.mulf %slice3A_557, %slice3A_557 : vector<64x128xf32>
    %reduce_sum3A_559 = arith.constant dense<0.000000e+00> : vector<128xf32>
    %reduce_sum3A_560 = vector.multi_reduction <add>, %mul3A_558, %reduce_sum3A_559 [0] : vector<64x128xf32> to vector<128xf32>
    %broadcast_in_dim3A_561 = vector.shape_cast %reduce_sum3A_560 : vector<128xf32> to vector<1x128xf32>
    %swap3A_562 = arith.constant 70 : index
    %swap3A_563 = arith.constant 0 : index
    %swap3A_564 = vector.load %arg2[%swap3A_562, %swap3A_563] : memref<256x128xf32, #tpu.memory_space<vmem>>, vector<1x128xf32>
    tpu.vector_store %arg2[%swap3A_562, %swap3A_563], %broadcast_in_dim3A_561 {strides = array<i32>} : memref<256x128xf32, #tpu.memory_space<vmem>>, vector<1x128xf32>,
    %slice3A_565 = vector.extract_strided_slice %get3A_1 {offsets = [0, 9088], sizes = [64, 128], strides = [1, 1]} : vector<64x32768xf32> to vector<64x128xf32>
    %mul3A_566 = arith.mulf %slice3A_565, %slice3A_565 : vector<64x128xf32>
    %reduce_sum3A_567 = arith.constant dense<0.000000e+00> : vector<128xf32>
    %reduce_sum3A_568 = vector.multi_reduction <add>, %mul3A_566, %reduce_sum3A_567 [0] : vector<64x128xf32> to vector<128xf32>
    %broadcast_in_dim3A_569 = vector.shape_cast %reduce_sum3A_568 : vector<128xf32> to vector<1x128xf32>
    %swap3A_570 = arith.constant 71 : index
    %swap3A_571 = arith.constant 0 : index
    %swap3A_572 = vector.load %arg2[%swap3A_570, %swap3A_571] : memref<256x128xf32, #tpu.memory_space<vmem>>, vector<1x128xf32>
    tpu.vector_store %arg2[%swap3A_570, %swap3A_571], %broadcast_in_dim3A_569 {strides = array<i32>} : memref<256x128xf32, #tpu.memory_space<vmem>>, vector<1x128xf32>,
    %slice3A_573 = vector.extract_strided_slice %get3A_1 {offsets = [0, 9216], sizes = [64, 128], strides = [1, 1]} : vector<64x32768xf32> to vector<64x128xf32>
    %mul3A_574 = arith.mulf %slice3A_573, %slice3A_573 : vector<64x128xf32>
    %reduce_sum3A_575 = arith.constant dense<0.000000e+00> : vector<128xf32>
    %reduce_sum3A_576 = vector.multi_reduction <add>, %mul3A_574, %reduce_sum3A_575 [0] : vector<64x128xf32> to vector<128xf32>
    %broadcast_in_dim3A_577 = vector.shape_cast %reduce_sum3A_576 : vector<128xf32> to vector<1x128xf32>
    %swap3A_578 = arith.constant 72 : index
    %swap3A_579 = arith.constant 0 : index
    %swap3A_580 = vector.load %arg2[%swap3A_578, %swap3A_579] : memref<256x128xf32, #tpu.memory_space<vmem>>, vector<1x128xf32>
    tpu.vector_store %arg2[%swap3A_578, %swap3A_579], %broadcast_in_dim3A_577 {strides = array<i32>} : memref<256x128xf32, #tpu.memory_space<vmem>>, vector<1x128xf32>,
    %slice3A_581 = vector.extract_strided_slice %get3A_1 {offsets = [0, 9344], sizes = [64, 128], strides = [1, 1]} : vector<64x32768xf32> to vector<64x128xf32>
    %mul3A_582 = arith.mulf %slice3A_581, %slice3A_581 : vector<64x128xf32>
    %reduce_sum3A_583 = arith.constant dense<0.000000e+00> : vector<128xf32>
    %reduce_sum3A_584 = vector.multi_reduction <add>, %mul3A_582, %reduce_sum3A_583 [0] : vector<64x128xf32> to vector<128xf32>
    %broadcast_in_dim3A_585 = vector.shape_cast %reduce_sum3A_584 : vector<128xf32> to vector<1x128xf32>
    %swap3A_586 = arith.constant 73 : index
    %swap3A_587 = arith.constant 0 : index
    %swap3A_588 = vector.load %arg2[%swap3A_586, %swap3A_587] : memref<256x128xf32, #tpu.memory_space<vmem>>, vector<1x128xf32>
    tpu.vector_store %arg2[%swap3A_586, %swap3A_587], %broadcast_in_dim3A_585 {strides = array<i32>} : memref<256x128xf32, #tpu.memory_space<vmem>>, vector<1x128xf32>,
    %slice3A_589 = vector.extract_strided_slice %get3A_1 {offsets = [0, 9472], sizes = [64, 128], strides = [1, 1]} : vector<64x32768xf32> to vector<64x128xf32>
    %mul3A_590 = arith.mulf %slice3A_589, %slice3A_589 : vector<64x128xf32>
    %reduce_sum3A_591 = arith.constant dense<0.000000e+00> : vector<128xf32>
    %reduce_sum3A_592 = vector.multi_reduction <add>, %mul3A_590, %reduce_sum3A_591 [0] : vector<64x128xf32> to vector<128xf32>
    %broadcast_in_dim3A_593 = vector.shape_cast %reduce_sum3A_592 : vector<128xf32> to vector<1x128xf32>
    %swap3A_594 = arith.constant 74 : index
    %swap3A_595 = arith.constant 0 : index
    %swap3A_596 = vector.load %arg2[%swap3A_594, %swap3A_595] : memref<256x128xf32, #tpu.memory_space<vmem>>, vector<1x128xf32>
    tpu.vector_store %arg2[%swap3A_594, %swap3A_595], %broadcast_in_dim3A_593 {strides = array<i32>} : memref<256x128xf32, #tpu.memory_space<vmem>>, vector<1x128xf32>,
    %slice3A_597 = vector.extract_strided_slice %get3A_1 {offsets = [0, 9600], sizes = [64, 128], strides = [1, 1]} : vector<64x32768xf32> to vector<64x128xf32>
    %mul3A_598 = arith.mulf %slice3A_597, %slice3A_597 : vector<64x128xf32>
    %reduce_sum3A_599 = arith.constant dense<0.000000e+00> : vector<128xf32>
    %reduce_sum3A_600 = vector.multi_reduction <add>, %mul3A_598, %reduce_sum3A_599 [0] : vector<64x128xf32> to vector<128xf32>
    %broadcast_in_dim3A_601 = vector.shape_cast %reduce_sum3A_600 : vector<128xf32> to vector<1x128xf32>
    %swap3A_602 = arith.constant 75 : index
    %swap3A_603 = arith.constant 0 : index
    %swap3A_604 = vector.load %arg2[%swap3A_602, %swap3A_603] : memref<256x128xf32, #tpu.memory_space<vmem>>, vector<1x128xf32>
    tpu.vector_store %arg2[%swap3A_602, %swap3A_603], %broadcast_in_dim3A_601 {strides = array<i32>} : memref<256x128xf32, #tpu.memory_space<vmem>>, vector<1x128xf32>,
    %slice3A_605 = vector.extract_strided_slice %get3A_1 {offsets = [0, 9728], sizes = [64, 128], strides = [1, 1]} : vector<64x32768xf32> to vector<64x128xf32>
    %mul3A_606 = arith.mulf %slice3A_605, %slice3A_605 : vector<64x128xf32>
    %reduce_sum3A_607 = arith.constant dense<0.000000e+00> : vector<128xf32>
    %reduce_sum3A_608 = vector.multi_reduction <add>, %mul3A_606, %reduce_sum3A_607 [0] : vector<64x128xf32> to vector<128xf32>
    %broadcast_in_dim3A_609 = vector.shape_cast %reduce_sum3A_608 : vector<128xf32> to vector<1x128xf32>
    %swap3A_610 = arith.constant 76 : index
    %swap3A_611 = arith.constant 0 : index
    %swap3A_612 = vector.load %arg2[%swap3A_610, %swap3A_611] : memref<256x128xf32, #tpu.memory_space<vmem>>, vector<1x128xf32>
    tpu.vector_store %arg2[%swap3A_610, %swap3A_611], %broadcast_in_dim3A_609 {strides = array<i32>} : memref<256x128xf32, #tpu.memory_space<vmem>>, vector<1x128xf32>,
    %slice3A_613 = vector.extract_strided_slice %get3A_1 {offsets = [0, 9856], sizes = [64, 128], strides = [1, 1]} : vector<64x32768xf32> to vector<64x128xf32>
    %mul3A_614 = arith.mulf %slice3A_613, %slice3A_613 : vector<64x128xf32>
    %reduce_sum3A_615 = arith.constant dense<0.000000e+00> : vector<128xf32>
    %reduce_sum3A_616 = vector.multi_reduction <add>, %mul3A_614, %reduce_sum3A_615 [0] : vector<64x128xf32> to vector<128xf32>
    %broadcast_in_dim3A_617 = vector.shape_cast %reduce_sum3A_616 : vector<128xf32> to vector<1x128xf32>
    %swap3A_618 = arith.constant 77 : index
    %swap3A_619 = arith.constant 0 : index
    %swap3A_620 = vector.load %arg2[%swap3A_618, %swap3A_619] : memref<256x128xf32, #tpu.memory_space<vmem>>, vector<1x128xf32>
    tpu.vector_store %arg2[%swap3A_618, %swap3A_619], %broadcast_in_dim3A_617 {strides = array<i32>} : memref<256x128xf32, #tpu.memory_space<vmem>>, vector<1x128xf32>,
    %slice3A_621 = vector.extract_strided_slice %get3A_1 {offsets = [0, 9984], sizes = [64, 128], strides = [1, 1]} : vector<64x32768xf32> to vector<64x128xf32>
    %mul3A_622 = arith.mulf %slice3A_621, %slice3A_621 : vector<64x128xf32>
    %reduce_sum3A_623 = arith.constant dense<0.000000e+00> : vector<128xf32>
    %reduce_sum3A_624 = vector.multi_reduction <add>, %mul3A_622, %reduce_sum3A_623 [0] : vector<64x128xf32> to vector<128xf32>
    %broadcast_in_dim3A_625 = vector.shape_cast %reduce_sum3A_624 : vector<128xf32> to vector<1x128xf32>
    %swap3A_626 = arith.constant 78 : index
    %swap3A_627 = arith.constant 0 : index
    %swap3A_628 = vector.load %arg2[%swap3A_626, %swap3A_627] : memref<256x128xf32, #tpu.memory_space<vmem>>, vector<1x128xf32>
    tpu.vector_store %arg2[%swap3A_626, %swap3A_627], %broadcast_in_dim3A_625 {strides = array<i32>} : memref<256x128xf32, #tpu.memory_space<vmem>>, vector<1x128xf32>,
    %slice3A_629 = vector.extract_strided_slice %get3A_1 {offsets = [0, 10112], sizes = [64, 128], strides = [1, 1]} : vector<64x32768xf32> to vector<64x128xf32>
    %mul3A_630 = arith.mulf %slice3A_629, %slice3A_629 : vector<64x128xf32>
    %reduce_sum3A_631 = arith.constant dense<0.000000e+00> : vector<128xf32>
    %reduce_sum3A_632 = vector.multi_reduction <add>, %mul3A_630, %reduce_sum3A_631 [0] : vector<64x128xf32> to vector<128xf32>
    %broadcast_in_dim3A_633 = vector.shape_cast %reduce_sum3A_632 : vector<128xf32> to vector<1x128xf32>
    %swap3A_634 = arith.constant 79 : index
    %swap3A_635 = arith.constant 0 : index
    %swap3A_636 = vector.load %arg2[%swap3A_634, %swap3A_635] : memref<256x128xf32, #tpu.memory_space<vmem>>, vector<1x128xf32>
    tpu.vector_store %arg2[%swap3A_634, %swap3A_635], %broadcast_in_dim3A_633 {strides = array<i32>} : memref<256x128xf32, #tpu.memory_space<vmem>>, vector<1x128xf32>,
    %slice3A_637 = vector.extract_strided_slice %get3A_1 {offsets = [0, 10240], sizes = [64, 128], strides = [1, 1]} : vector<64x32768xf32> to vector<64x128xf32>
    %mul3A_638 = arith.mulf %slice3A_637, %slice3A_637 : vector<64x128xf32>
    %reduce_sum3A_639 = arith.constant dense<0.000000e+00> : vector<128xf32>
    %reduce_sum3A_640 = vector.multi_reduction <add>, %mul3A_638, %reduce_sum3A_639 [0] : vector<64x128xf32> to vector<128xf32>
    %broadcast_in_dim3A_641 = vector.shape_cast %reduce_sum3A_640 : vector<128xf32> to vector<1x128xf32>
    %swap3A_642 = arith.constant 80 : index
    %swap3A_643 = arith.constant 0 : index
    %swap3A_644 = vector.load %arg2[%swap3A_642, %swap3A_643] : memref<256x128xf32, #tpu.memory_space<vmem>>, vector<1x128xf32>
    tpu.vector_store %arg2[%swap3A_642, %swap3A_643], %broadcast_in_dim3A_641 {strides = array<i32>} : memref<256x128xf32, #tpu.memory_space<vmem>>, vector<1x128xf32>,
    %slice3A_645 = vector.extract_strided_slice %get3A_1 {offsets = [0, 10368], sizes = [64, 128], strides = [1, 1]} : vector<64x32768xf32> to vector<64x128xf32>
    %mul3A_646 = arith.mulf %slice3A_645, %slice3A_645 : vector<64x128xf32>
    %reduce_sum3A_647 = arith.constant dense<0.000000e+00> : vector<128xf32>
    %reduce_sum3A_648 = vector.multi_reduction <add>, %mul3A_646, %reduce_sum3A_647 [0] : vector<64x128xf32> to vector<128xf32>
    %broadcast_in_dim3A_649 = vector.shape_cast %reduce_sum3A_648 : vector<128xf32> to vector<1x128xf32>
    %swap3A_650 = arith.constant 81 : index
    %swap3A_651 = arith.constant 0 : index
    %swap3A_652 = vector.load %arg2[%swap3A_650, %swap3A_651] : memref<256x128xf32, #tpu.memory_space<vmem>>, vector<1x128xf32>
    tpu.vector_store %arg2[%swap3A_650, %swap3A_651], %broadcast_in_dim3A_649 {strides = array<i32>} : memref<256x128xf32, #tpu.memory_space<vmem>>, vector<1x128xf32>,
    %slice3A_653 = vector.extract_strided_slice %get3A_1 {offsets = [0, 10496], sizes = [64, 128], strides = [1, 1]} : vector<64x32768xf32> to vector<64x128xf32>
    %mul3A_654 = arith.mulf %slice3A_653, %slice3A_653 : vector<64x128xf32>
    %reduce_sum3A_655 = arith.constant dense<0.000000e+00> : vector<128xf32>
    %reduce_sum3A_656 = vector.multi_reduction <add>, %mul3A_654, %reduce_sum3A_655 [0] : vector<64x128xf32> to vector<128xf32>
    %broadcast_in_dim3A_657 = vector.shape_cast %reduce_sum3A_656 : vector<128xf32> to vector<1x128xf32>
    %swap3A_658 = arith.constant 82 : index
    %swap3A_659 = arith.constant 0 : index
    %swap3A_660 = vector.load %arg2[%swap3A_658, %swap3A_659] : memref<256x128xf32, #tpu.memory_space<vmem>>, vector<1x128xf32>
    tpu.vector_store %arg2[%swap3A_658, %swap3A_659], %broadcast_in_dim3A_657 {strides = array<i32>} : memref<256x128xf32, #tpu.memory_space<vmem>>, vector<1x128xf32>,
    %slice3A_661 = vector.extract_strided_slice %get3A_1 {offsets = [0, 10624], sizes = [64, 128], strides = [1, 1]} : vector<64x32768xf32> to vector<64x128xf32>
    %mul3A_662 = arith.mulf %slice3A_661, %slice3A_661 : vector<64x128xf32>
    %reduce_sum3A_663 = arith.constant dense<0.000000e+00> : vector<128xf32>
    %reduce_sum3A_664 = vector.multi_reduction <add>, %mul3A_662, %reduce_sum3A_663 [0] : vector<64x128xf32> to vector<128xf32>
    %broadcast_in_dim3A_665 = vector.shape_cast %reduce_sum3A_664 : vector<128xf32> to vector<1x128xf32>
    %swap3A_666 = arith.constant 83 : index
    %swap3A_667 = arith.constant 0 : index
    %swap3A_668 = vector.load %arg2[%swap3A_666, %swap3A_667] : memref<256x128xf32, #tpu.memory_space<vmem>>, vector<1x128xf32>
    tpu.vector_store %arg2[%swap3A_666, %swap3A_667], %broadcast_in_dim3A_665 {strides = array<i32>} : memref<256x128xf32, #tpu.memory_space<vmem>>, vector<1x128xf32>,
    %slice3A_669 = vector.extract_strided_slice %get3A_1 {offsets = [0, 10752], sizes = [64, 128], strides = [1, 1]} : vector<64x32768xf32> to vector<64x128xf32>
    %mul3A_670 = arith.mulf %slice3A_669, %slice3A_669 : vector<64x128xf32>
    %reduce_sum3A_671 = arith.constant dense<0.000000e+00> : vector<128xf32>
    %reduce_sum3A_672 = vector.multi_reduction <add>, %mul3A_670, %reduce_sum3A_671 [0] : vector<64x128xf32> to vector<128xf32>
    %broadcast_in_dim3A_673 = vector.shape_cast %reduce_sum3A_672 : vector<128xf32> to vector<1x128xf32>
    %swap3A_674 = arith.constant 84 : index
    %swap3A_675 = arith.constant 0 : index
    %swap3A_676 = vector.load %arg2[%swap3A_674, %swap3A_675] : memref<256x128xf32, #tpu.memory_space<vmem>>, vector<1x128xf32>
    tpu.vector_store %arg2[%swap3A_674, %swap3A_675], %broadcast_in_dim3A_673 {strides = array<i32>} : memref<256x128xf32, #tpu.memory_space<vmem>>, vector<1x128xf32>,
    %slice3A_677 = vector.extract_strided_slice %get3A_1 {offsets = [0, 10880], sizes = [64, 128], strides = [1, 1]} : vector<64x32768xf32> to vector<64x128xf32>
    %mul3A_678 = arith.mulf %slice3A_677, %slice3A_677 : vector<64x128xf32>
    %reduce_sum3A_679 = arith.constant dense<0.000000e+00> : vector<128xf32>
    %reduce_sum3A_680 = vector.multi_reduction <add>, %mul3A_678, %reduce_sum3A_679 [0] : vector<64x128xf32> to vector<128xf32>
    %broadcast_in_dim3A_681 = vector.shape_cast %reduce_sum3A_680 : vector<128xf32> to vector<1x128xf32>
    %swap3A_682 = arith.constant 85 : index
    %swap3A_683 = arith.constant 0 : index
    %swap3A_684 = vector.load %arg2[%swap3A_682, %swap3A_683] : memref<256x128xf32, #tpu.memory_space<vmem>>, vector<1x128xf32>
    tpu.vector_store %arg2[%swap3A_682, %swap3A_683], %broadcast_in_dim3A_681 {strides = array<i32>} : memref<256x128xf32, #tpu.memory_space<vmem>>, vector<1x128xf32>,
    %slice3A_685 = vector.extract_strided_slice %get3A_1 {offsets = [0, 11008], sizes = [64, 128], strides = [1, 1]} : vector<64x32768xf32> to vector<64x128xf32>
    %mul3A_686 = arith.mulf %slice3A_685, %slice3A_685 : vector<64x128xf32>
    %reduce_sum3A_687 = arith.constant dense<0.000000e+00> : vector<128xf32>
    %reduce_sum3A_688 = vector.multi_reduction <add>, %mul3A_686, %reduce_sum3A_687 [0] : vector<64x128xf32> to vector<128xf32>
    %broadcast_in_dim3A_689 = vector.shape_cast %reduce_sum3A_688 : vector<128xf32> to vector<1x128xf32>
    %swap3A_690 = arith.constant 86 : index
    %swap3A_691 = arith.constant 0 : index
    %swap3A_692 = vector.load %arg2[%swap3A_690, %swap3A_691] : memref<256x128xf32, #tpu.memory_space<vmem>>, vector<1x128xf32>
    tpu.vector_store %arg2[%swap3A_690, %swap3A_691], %broadcast_in_dim3A_689 {strides = array<i32>} : memref<256x128xf32, #tpu.memory_space<vmem>>, vector<1x128xf32>,
    %slice3A_693 = vector.extract_strided_slice %get3A_1 {offsets = [0, 11136], sizes = [64, 128], strides = [1, 1]} : vector<64x32768xf32> to vector<64x128xf32>
    %mul3A_694 = arith.mulf %slice3A_693, %slice3A_693 : vector<64x128xf32>
    %reduce_sum3A_695 = arith.constant dense<0.000000e+00> : vector<128xf32>
    %reduce_sum3A_696 = vector.multi_reduction <add>, %mul3A_694, %reduce_sum3A_695 [0] : vector<64x128xf32> to vector<128xf32>
    %broadcast_in_dim3A_697 = vector.shape_cast %reduce_sum3A_696 : vector<128xf32> to vector<1x128xf32>
    %swap3A_698 = arith.constant 87 : index
    %swap3A_699 = arith.constant 0 : index
    %swap3A_700 = vector.load %arg2[%swap3A_698, %swap3A_699] : memref<256x128xf32, #tpu.memory_space<vmem>>, vector<1x128xf32>
    tpu.vector_store %arg2[%swap3A_698, %swap3A_699], %broadcast_in_dim3A_697 {strides = array<i32>} : memref<256x128xf32, #tpu.memory_space<vmem>>, vector<1x128xf32>,
    %slice3A_701 = vector.extract_strided_slice %get3A_1 {offsets = [0, 11264], sizes = [64, 128], strides = [1, 1]} : vector<64x32768xf32> to vector<64x128xf32>
    %mul3A_702 = arith.mulf %slice3A_701, %slice3A_701 : vector<64x128xf32>
    %reduce_sum3A_703 = arith.constant dense<0.000000e+00> : vector<128xf32>
    %reduce_sum3A_704 = vector.multi_reduction <add>, %mul3A_702, %reduce_sum3A_703 [0] : vector<64x128xf32> to vector<128xf32>
    %broadcast_in_dim3A_705 = vector.shape_cast %reduce_sum3A_704 : vector<128xf32> to vector<1x128xf32>
    %swap3A_706 = arith.constant 88 : index
    %swap3A_707 = arith.constant 0 : index
    %swap3A_708 = vector.load %arg2[%swap3A_706, %swap3A_707] : memref<256x128xf32, #tpu.memory_space<vmem>>, vector<1x128xf32>
    tpu.vector_store %arg2[%swap3A_706, %swap3A_707], %broadcast_in_dim3A_705 {strides = array<i32>} : memref<256x128xf32, #tpu.memory_space<vmem>>, vector<1x128xf32>,
    %slice3A_709 = vector.extract_strided_slice %get3A_1 {offsets = [0, 11392], sizes = [64, 128], strides = [1, 1]} : vector<64x32768xf32> to vector<64x128xf32>
    %mul3A_710 = arith.mulf %slice3A_709, %slice3A_709 : vector<64x128xf32>
    %reduce_sum3A_711 = arith.constant dense<0.000000e+00> : vector<128xf32>
    %reduce_sum3A_712 = vector.multi_reduction <add>, %mul3A_710, %reduce_sum3A_711 [0] : vector<64x128xf32> to vector<128xf32>
    %broadcast_in_dim3A_713 = vector.shape_cast %reduce_sum3A_712 : vector<128xf32> to vector<1x128xf32>
    %swap3A_714 = arith.constant 89 : index
    %swap3A_715 = arith.constant 0 : index
    %swap3A_716 = vector.load %arg2[%swap3A_714, %swap3A_715] : memref<256x128xf32, #tpu.memory_space<vmem>>, vector<1x128xf32>
    tpu.vector_store %arg2[%swap3A_714, %swap3A_715], %broadcast_in_dim3A_713 {strides = array<i32>} : memref<256x128xf32, #tpu.memory_space<vmem>>, vector<1x128xf32>,
    %slice3A_717 = vector.extract_strided_slice %get3A_1 {offsets = [0, 11520], sizes = [64, 128], strides = [1, 1]} : vector<64x32768xf32> to vector<64x128xf32>
    %mul3A_718 = arith.mulf %slice3A_717, %slice3A_717 : vector<64x128xf32>
    %reduce_sum3A_719 = arith.constant dense<0.000000e+00> : vector<128xf32>
    %reduce_sum3A_720 = vector.multi_reduction <add>, %mul3A_718, %reduce_sum3A_719 [0] : vector<64x128xf32> to vector<128xf32>
    %broadcast_in_dim3A_721 = vector.shape_cast %reduce_sum3A_720 : vector<128xf32> to vector<1x128xf32>
    %swap3A_722 = arith.constant 90 : index
    %swap3A_723 = arith.constant 0 : index
    %swap3A_724 = vector.load %arg2[%swap3A_722, %swap3A_723] : memref<256x128xf32, #tpu.memory_space<vmem>>, vector<1x128xf32>
    tpu.vector_store %arg2[%swap3A_722, %swap3A_723], %broadcast_in_dim3A_721 {strides = array<i32>} : memref<256x128xf32, #tpu.memory_space<vmem>>, vector<1x128xf32>,
    %slice3A_725 = vector.extract_strided_slice %get3A_1 {offsets = [0, 11648], sizes = [64, 128], strides = [1, 1]} : vector<64x32768xf32> to vector<64x128xf32>
    %mul3A_726 = arith.mulf %slice3A_725, %slice3A_725 : vector<64x128xf32>
    %reduce_sum3A_727 = arith.constant dense<0.000000e+00> : vector<128xf32>
    %reduce_sum3A_728 = vector.multi_reduction <add>, %mul3A_726, %reduce_sum3A_727 [0] : vector<64x128xf32> to vector<128xf32>
    %broadcast_in_dim3A_729 = vector.shape_cast %reduce_sum3A_728 : vector<128xf32> to vector<1x128xf32>
    %swap3A_730 = arith.constant 91 : index
    %swap3A_731 = arith.constant 0 : index
    %swap3A_732 = vector.load %arg2[%swap3A_730, %swap3A_731] : memref<256x128xf32, #tpu.memory_space<vmem>>, vector<1x128xf32>
    tpu.vector_store %arg2[%swap3A_730, %swap3A_731], %broadcast_in_dim3A_729 {strides = array<i32>} : memref<256x128xf32, #tpu.memory_space<vmem>>, vector<1x128xf32>,
    %slice3A_733 = vector.extract_strided_slice %get3A_1 {offsets = [0, 11776], sizes = [64, 128], strides = [1, 1]} : vector<64x32768xf32> to vector<64x128xf32>
    %mul3A_734 = arith.mulf %slice3A_733, %slice3A_733 : vector<64x128xf32>
    %reduce_sum3A_735 = arith.constant dense<0.000000e+00> : vector<128xf32>
    %reduce_sum3A_736 = vector.multi_reduction <add>, %mul3A_734, %reduce_sum3A_735 [0] : vector<64x128xf32> to vector<128xf32>
    %broadcast_in_dim3A_737 = vector.shape_cast %reduce_sum3A_736 : vector<128xf32> to vector<1x128xf32>
    %swap3A_738 = arith.constant 92 : index
    %swap3A_739 = arith.constant 0 : index
    %swap3A_740 = vector.load %arg2[%swap3A_738, %swap3A_739] : memref<256x128xf32, #tpu.memory_space<vmem>>, vector<1x128xf32>
    tpu.vector_store %arg2[%swap3A_738, %swap3A_739], %broadcast_in_dim3A_737 {strides = array<i32>} : memref<256x128xf32, #tpu.memory_space<vmem>>, vector<1x128xf32>,
    %slice3A_741 = vector.extract_strided_slice %get3A_1 {offsets = [0, 11904], sizes = [64, 128], strides = [1, 1]} : vector<64x32768xf32> to vector<64x128xf32>
    %mul3A_742 = arith.mulf %slice3A_741, %slice3A_741 : vector<64x128xf32>
    %reduce_sum3A_743 = arith.constant dense<0.000000e+00> : vector<128xf32>
    %reduce_sum3A_744 = vector.multi_reduction <add>, %mul3A_742, %reduce_sum3A_743 [0] : vector<64x128xf32> to vector<128xf32>
    %broadcast_in_dim3A_745 = vector.shape_cast %reduce_sum3A_744 : vector<128xf32> to vector<1x128xf32>
    %swap3A_746 = arith.constant 93 : index
    %swap3A_747 = arith.constant 0 : index
    %swap3A_748 = vector.load %arg2[%swap3A_746, %swap3A_747] : memref<256x128xf32, #tpu.memory_space<vmem>>, vector<1x128xf32>
    tpu.vector_store %arg2[%swap3A_746, %swap3A_747], %broadcast_in_dim3A_745 {strides = array<i32>} : memref<256x128xf32, #tpu.memory_space<vmem>>, vector<1x128xf32>,
    %slice3A_749 = vector.extract_strided_slice %get3A_1 {offsets = [0, 12032], sizes = [64, 128], strides = [1, 1]} : vector<64x32768xf32> to vector<64x128xf32>
    %mul3A_750 = arith.mulf %slice3A_749, %slice3A_749 : vector<64x128xf32>
    %reduce_sum3A_751 = arith.constant dense<0.000000e+00> : vector<128xf32>
    %reduce_sum3A_752 = vector.multi_reduction <add>, %mul3A_750, %reduce_sum3A_751 [0] : vector<64x128xf32> to vector<128xf32>
    %broadcast_in_dim3A_753 = vector.shape_cast %reduce_sum3A_752 : vector<128xf32> to vector<1x128xf32>
    %swap3A_754 = arith.constant 94 : index
    %swap3A_755 = arith.constant 0 : index
    %swap3A_756 = vector.load %arg2[%swap3A_754, %swap3A_755] : memref<256x128xf32, #tpu.memory_space<vmem>>, vector<1x128xf32>
    tpu.vector_store %arg2[%swap3A_754, %swap3A_755], %broadcast_in_dim3A_753 {strides = array<i32>} : memref<256x128xf32, #tpu.memory_space<vmem>>, vector<1x128xf32>,
    %slice3A_757 = vector.extract_strided_slice %get3A_1 {offsets = [0, 12160], sizes = [64, 128], strides = [1, 1]} : vector<64x32768xf32> to vector<64x128xf32>
    %mul3A_758 = arith.mulf %slice3A_757, %slice3A_757 : vector<64x128xf32>
    %reduce_sum3A_759 = arith.constant dense<0.000000e+00> : vector<128xf32>
    %reduce_sum3A_760 = vector.multi_reduction <add>, %mul3A_758, %reduce_sum3A_759 [0] : vector<64x128xf32> to vector<128xf32>
    %broadcast_in_dim3A_761 = vector.shape_cast %reduce_sum3A_760 : vector<128xf32> to vector<1x128xf32>
    %swap3A_762 = arith.constant 95 : index
    %swap3A_763 = arith.constant 0 : index
    %swap3A_764 = vector.load %arg2[%swap3A_762, %swap3A_763] : memref<256x128xf32, #tpu.memory_space<vmem>>, vector<1x128xf32>
    tpu.vector_store %arg2[%swap3A_762, %swap3A_763], %broadcast_in_dim3A_761 {strides = array<i32>} : memref<256x128xf32, #tpu.memory_space<vmem>>, vector<1x128xf32>,
    %slice3A_765 = vector.extract_strided_slice %get3A_1 {offsets = [0, 12288], sizes = [64, 128], strides = [1, 1]} : vector<64x32768xf32> to vector<64x128xf32>
    %mul3A_766 = arith.mulf %slice3A_765, %slice3A_765 : vector<64x128xf32>
    %reduce_sum3A_767 = arith.constant dense<0.000000e+00> : vector<128xf32>
    %reduce_sum3A_768 = vector.multi_reduction <add>, %mul3A_766, %reduce_sum3A_767 [0] : vector<64x128xf32> to vector<128xf32>
    %broadcast_in_dim3A_769 = vector.shape_cast %reduce_sum3A_768 : vector<128xf32> to vector<1x128xf32>
    %swap3A_770 = arith.constant 96 : index
    %swap3A_771 = arith.constant 0 : index
    %swap3A_772 = vector.load %arg2[%swap3A_770, %swap3A_771] : memref<256x128xf32, #tpu.memory_space<vmem>>, vector<1x128xf32>
    tpu.vector_store %arg2[%swap3A_770, %swap3A_771], %broadcast_in_dim3A_769 {strides = array<i32>} : memref<256x128xf32, #tpu.memory_space<vmem>>, vector<1x128xf32>,
    %slice3A_773 = vector.extract_strided_slice %get3A_1 {offsets = [0, 12416], sizes = [64, 128], strides = [1, 1]} : vector<64x32768xf32> to vector<64x128xf32>
    %mul3A_774 = arith.mulf %slice3A_773, %slice3A_773 : vector<64x128xf32>
    %reduce_sum3A_775 = arith.constant dense<0.000000e+00> : vector<128xf32>
    %reduce_sum3A_776 = vector.multi_reduction <add>, %mul3A_774, %reduce_sum3A_775 [0] : vector<64x128xf32> to vector<128xf32>
    %broadcast_in_dim3A_777 = vector.shape_cast %reduce_sum3A_776 : vector<128xf32> to vector<1x128xf32>
    %swap3A_778 = arith.constant 97 : index
    %swap3A_779 = arith.constant 0 : index
    %swap3A_780 = vector.load %arg2[%swap3A_778, %swap3A_779] : memref<256x128xf32, #tpu.memory_space<vmem>>, vector<1x128xf32>
    tpu.vector_store %arg2[%swap3A_778, %swap3A_779], %broadcast_in_dim3A_777 {strides = array<i32>} : memref<256x128xf32, #tpu.memory_space<vmem>>, vector<1x128xf32>,
    %slice3A_781 = vector.extract_strided_slice %get3A_1 {offsets = [0, 12544], sizes = [64, 128], strides = [1, 1]} : vector<64x32768xf32> to vector<64x128xf32>
    %mul3A_782 = arith.mulf %slice3A_781, %slice3A_781 : vector<64x128xf32>
    %reduce_sum3A_783 = arith.constant dense<0.000000e+00> : vector<128xf32>
    %reduce_sum3A_784 = vector.multi_reduction <add>, %mul3A_782, %reduce_sum3A_783 [0] : vector<64x128xf32> to vector<128xf32>
    %broadcast_in_dim3A_785 = vector.shape_cast %reduce_sum3A_784 : vector<128xf32> to vector<1x128xf32>
    %swap3A_786 = arith.constant 98 : index
    %swap3A_787 = arith.constant 0 : index
    %swap3A_788 = vector.load %arg2[%swap3A_786, %swap3A_787] : memref<256x128xf32, #tpu.memory_space<vmem>>, vector<1x128xf32>
    tpu.vector_store %arg2[%swap3A_786, %swap3A_787], %broadcast_in_dim3A_785 {strides = array<i32>} : memref<256x128xf32, #tpu.memory_space<vmem>>, vector<1x128xf32>,
    %slice3A_789 = vector.extract_strided_slice %get3A_1 {offsets = [0, 12672], sizes = [64, 128], strides = [1, 1]} : vector<64x32768xf32> to vector<64x128xf32>
    %mul3A_790 = arith.mulf %slice3A_789, %slice3A_789 : vector<64x128xf32>
    %reduce_sum3A_791 = arith.constant dense<0.000000e+00> : vector<128xf32>
    %reduce_sum3A_792 = vector.multi_reduction <add>, %mul3A_790, %reduce_sum3A_791 [0] : vector<64x128xf32> to vector<128xf32>
    %broadcast_in_dim3A_793 = vector.shape_cast %reduce_sum3A_792 : vector<128xf32> to vector<1x128xf32>
    %swap3A_794 = arith.constant 99 : index
    %swap3A_795 = arith.constant 0 : index
    %swap3A_796 = vector.load %arg2[%swap3A_794, %swap3A_795] : memref<256x128xf32, #tpu.memory_space<vmem>>, vector<1x128xf32>
    tpu.vector_store %arg2[%swap3A_794, %swap3A_795], %broadcast_in_dim3A_793 {strides = array<i32>} : memref<256x128xf32, #tpu.memory_space<vmem>>, vector<1x128xf32>,
    %slice3A_797 = vector.extract_strided_slice %get3A_1 {offsets = [0, 12800], sizes = [64, 128], strides = [1, 1]} : vector<64x32768xf32> to vector<64x128xf32>
    %mul3A_798 = arith.mulf %slice3A_797, %slice3A_797 : vector<64x128xf32>
    %reduce_sum3A_799 = arith.constant dense<0.000000e+00> : vector<128xf32>
    %reduce_sum3A_800 = vector.multi_reduction <add>, %mul3A_798, %reduce_sum3A_799 [0] : vector<64x128xf32> to vector<128xf32>
    %broadcast_in_dim3A_801 = vector.shape_cast %reduce_sum3A_800 : vector<128xf32> to vector<1x128xf32>
    %swap3A_802 = arith.constant 100 : index
    %swap3A_803 = arith.constant 0 : index
    %swap3A_804 = vector.load %arg2[%swap3A_802, %swap3A_803] : memref<256x128xf32, #tpu.memory_space<vmem>>, vector<1x128xf32>
    tpu.vector_store %arg2[%swap3A_802, %swap3A_803], %broadcast_in_dim3A_801 {strides = array<i32>} : memref<256x128xf32, #tpu.memory_space<vmem>>, vector<1x128xf32>,
    %slice3A_805 = vector.extract_strided_slice %get3A_1 {offsets = [0, 12928], sizes = [64, 128], strides = [1, 1]} : vector<64x32768xf32> to vector<64x128xf32>
    %mul3A_806 = arith.mulf %slice3A_805, %slice3A_805 : vector<64x128xf32>
    %reduce_sum3A_807 = arith.constant dense<0.000000e+00> : vector<128xf32>
    %reduce_sum3A_808 = vector.multi_reduction <add>, %mul3A_806, %reduce_sum3A_807 [0] : vector<64x128xf32> to vector<128xf32>
    %broadcast_in_dim3A_809 = vector.shape_cast %reduce_sum3A_808 : vector<128xf32> to vector<1x128xf32>
    %swap3A_810 = arith.constant 101 : index
    %swap3A_811 = arith.constant 0 : index
    %swap3A_812 = vector.load %arg2[%swap3A_810, %swap3A_811] : memref<256x128xf32, #tpu.memory_space<vmem>>, vector<1x128xf32>
    tpu.vector_store %arg2[%swap3A_810, %swap3A_811], %broadcast_in_dim3A_809 {strides = array<i32>} : memref<256x128xf32, #tpu.memory_space<vmem>>, vector<1x128xf32>,
    %slice3A_813 = vector.extract_strided_slice %get3A_1 {offsets = [0, 13056], sizes = [64, 128], strides = [1, 1]} : vector<64x32768xf32> to vector<64x128xf32>
    %mul3A_814 = arith.mulf %slice3A_813, %slice3A_813 : vector<64x128xf32>
    %reduce_sum3A_815 = arith.constant dense<0.000000e+00> : vector<128xf32>
    %reduce_sum3A_816 = vector.multi_reduction <add>, %mul3A_814, %reduce_sum3A_815 [0] : vector<64x128xf32> to vector<128xf32>
    %broadcast_in_dim3A_817 = vector.shape_cast %reduce_sum3A_816 : vector<128xf32> to vector<1x128xf32>
    %swap3A_818 = arith.constant 102 : index
    %swap3A_819 = arith.constant 0 : index
    %swap3A_820 = vector.load %arg2[%swap3A_818, %swap3A_819] : memref<256x128xf32, #tpu.memory_space<vmem>>, vector<1x128xf32>
    tpu.vector_store %arg2[%swap3A_818, %swap3A_819], %broadcast_in_dim3A_817 {strides = array<i32>} : memref<256x128xf32, #tpu.memory_space<vmem>>, vector<1x128xf32>,
    %slice3A_821 = vector.extract_strided_slice %get3A_1 {offsets = [0, 13184], sizes = [64, 128], strides = [1, 1]} : vector<64x32768xf32> to vector<64x128xf32>
    %mul3A_822 = arith.mulf %slice3A_821, %slice3A_821 : vector<64x128xf32>
    %reduce_sum3A_823 = arith.constant dense<0.000000e+00> : vector<128xf32>
    %reduce_sum3A_824 = vector.multi_reduction <add>, %mul3A_822, %reduce_sum3A_823 [0] : vector<64x128xf32> to vector<128xf32>
    %broadcast_in_dim3A_825 = vector.shape_cast %reduce_sum3A_824 : vector<128xf32> to vector<1x128xf32>
    %swap3A_826 = arith.constant 103 : index
    %swap3A_827 = arith.constant 0 : index
    %swap3A_828 = vector.load %arg2[%swap3A_826, %swap3A_827] : memref<256x128xf32, #tpu.memory_space<vmem>>, vector<1x128xf32>
    tpu.vector_store %arg2[%swap3A_826, %swap3A_827], %broadcast_in_dim3A_825 {strides = array<i32>} : memref<256x128xf32, #tpu.memory_space<vmem>>, vector<1x128xf32>,
    %slice3A_829 = vector.extract_strided_slice %get3A_1 {offsets = [0, 13312], sizes = [64, 128], strides = [1, 1]} : vector<64x32768xf32> to vector<64x128xf32>
    %mul3A_830 = arith.mulf %slice3A_829, %slice3A_829 : vector<64x128xf32>
    %reduce_sum3A_831 = arith.constant dense<0.000000e+00> : vector<128xf32>
    %reduce_sum3A_832 = vector.multi_reduction <add>, %mul3A_830, %reduce_sum3A_831 [0] : vector<64x128xf32> to vector<128xf32>
    %broadcast_in_dim3A_833 = vector.shape_cast %reduce_sum3A_832 : vector<128xf32> to vector<1x128xf32>
    %swap3A_834 = arith.constant 104 : index
    %swap3A_835 = arith.constant 0 : index
    %swap3A_836 = vector.load %arg2[%swap3A_834, %swap3A_835] : memref<256x128xf32, #tpu.memory_space<vmem>>, vector<1x128xf32>
    tpu.vector_store %arg2[%swap3A_834, %swap3A_835], %broadcast_in_dim3A_833 {strides = array<i32>} : memref<256x128xf32, #tpu.memory_space<vmem>>, vector<1x128xf32>,
    %slice3A_837 = vector.extract_strided_slice %get3A_1 {offsets = [0, 13440], sizes = [64, 128], strides = [1, 1]} : vector<64x32768xf32> to vector<64x128xf32>
    %mul3A_838 = arith.mulf %slice3A_837, %slice3A_837 : vector<64x128xf32>
    %reduce_sum3A_839 = arith.constant dense<0.000000e+00> : vector<128xf32>
    %reduce_sum3A_840 = vector.multi_reduction <add>, %mul3A_838, %reduce_sum3A_839 [0] : vector<64x128xf32> to vector<128xf32>
    %broadcast_in_dim3A_841 = vector.shape_cast %reduce_sum3A_840 : vector<128xf32> to vector<1x128xf32>
    %swap3A_842 = arith.constant 105 : index
    %swap3A_843 = arith.constant 0 : index
    %swap3A_844 = vector.load %arg2[%swap3A_842, %swap3A_843] : memref<256x128xf32, #tpu.memory_space<vmem>>, vector<1x128xf32>
    tpu.vector_store %arg2[%swap3A_842, %swap3A_843], %broadcast_in_dim3A_841 {strides = array<i32>} : memref<256x128xf32, #tpu.memory_space<vmem>>, vector<1x128xf32>,
    %slice3A_845 = vector.extract_strided_slice %get3A_1 {offsets = [0, 13568], sizes = [64, 128], strides = [1, 1]} : vector<64x32768xf32> to vector<64x128xf32>
    %mul3A_846 = arith.mulf %slice3A_845, %slice3A_845 : vector<64x128xf32>
    %reduce_sum3A_847 = arith.constant dense<0.000000e+00> : vector<128xf32>
    %reduce_sum3A_848 = vector.multi_reduction <add>, %mul3A_846, %reduce_sum3A_847 [0] : vector<64x128xf32> to vector<128xf32>
    %broadcast_in_dim3A_849 = vector.shape_cast %reduce_sum3A_848 : vector<128xf32> to vector<1x128xf32>
    %swap3A_850 = arith.constant 106 : index
    %swap3A_851 = arith.constant 0 : index
    %swap3A_852 = vector.load %arg2[%swap3A_850, %swap3A_851] : memref<256x128xf32, #tpu.memory_space<vmem>>, vector<1x128xf32>
    tpu.vector_store %arg2[%swap3A_850, %swap3A_851], %broadcast_in_dim3A_849 {strides = array<i32>} : memref<256x128xf32, #tpu.memory_space<vmem>>, vector<1x128xf32>,
    %slice3A_853 = vector.extract_strided_slice %get3A_1 {offsets = [0, 13696], sizes = [64, 128], strides = [1, 1]} : vector<64x32768xf32> to vector<64x128xf32>
    %mul3A_854 = arith.mulf %slice3A_853, %slice3A_853 : vector<64x128xf32>
    %reduce_sum3A_855 = arith.constant dense<0.000000e+00> : vector<128xf32>
    %reduce_sum3A_856 = vector.multi_reduction <add>, %mul3A_854, %reduce_sum3A_855 [0] : vector<64x128xf32> to vector<128xf32>
    %broadcast_in_dim3A_857 = vector.shape_cast %reduce_sum3A_856 : vector<128xf32> to vector<1x128xf32>
    %swap3A_858 = arith.constant 107 : index
    %swap3A_859 = arith.constant 0 : index
    %swap3A_860 = vector.load %arg2[%swap3A_858, %swap3A_859] : memref<256x128xf32, #tpu.memory_space<vmem>>, vector<1x128xf32>
    tpu.vector_store %arg2[%swap3A_858, %swap3A_859], %broadcast_in_dim3A_857 {strides = array<i32>} : memref<256x128xf32, #tpu.memory_space<vmem>>, vector<1x128xf32>,
    %slice3A_861 = vector.extract_strided_slice %get3A_1 {offsets = [0, 13824], sizes = [64, 128], strides = [1, 1]} : vector<64x32768xf32> to vector<64x128xf32>
    %mul3A_862 = arith.mulf %slice3A_861, %slice3A_861 : vector<64x128xf32>
    %reduce_sum3A_863 = arith.constant dense<0.000000e+00> : vector<128xf32>
    %reduce_sum3A_864 = vector.multi_reduction <add>, %mul3A_862, %reduce_sum3A_863 [0] : vector<64x128xf32> to vector<128xf32>
    %broadcast_in_dim3A_865 = vector.shape_cast %reduce_sum3A_864 : vector<128xf32> to vector<1x128xf32>
    %swap3A_866 = arith.constant 108 : index
    %swap3A_867 = arith.constant 0 : index
    %swap3A_868 = vector.load %arg2[%swap3A_866, %swap3A_867] : memref<256x128xf32, #tpu.memory_space<vmem>>, vector<1x128xf32>
    tpu.vector_store %arg2[%swap3A_866, %swap3A_867], %broadcast_in_dim3A_865 {strides = array<i32>} : memref<256x128xf32, #tpu.memory_space<vmem>>, vector<1x128xf32>,
    %slice3A_869 = vector.extract_strided_slice %get3A_1 {offsets = [0, 13952], sizes = [64, 128], strides = [1, 1]} : vector<64x32768xf32> to vector<64x128xf32>
    %mul3A_870 = arith.mulf %slice3A_869, %slice3A_869 : vector<64x128xf32>
    %reduce_sum3A_871 = arith.constant dense<0.000000e+00> : vector<128xf32>
    %reduce_sum3A_872 = vector.multi_reduction <add>, %mul3A_870, %reduce_sum3A_871 [0] : vector<64x128xf32> to vector<128xf32>
    %broadcast_in_dim3A_873 = vector.shape_cast %reduce_sum3A_872 : vector<128xf32> to vector<1x128xf32>
    %swap3A_874 = arith.constant 109 : index
    %swap3A_875 = arith.constant 0 : index
    %swap3A_876 = vector.load %arg2[%swap3A_874, %swap3A_875] : memref<256x128xf32, #tpu.memory_space<vmem>>, vector<1x128xf32>
    tpu.vector_store %arg2[%swap3A_874, %swap3A_875], %broadcast_in_dim3A_873 {strides = array<i32>} : memref<256x128xf32, #tpu.memory_space<vmem>>, vector<1x128xf32>,
    %slice3A_877 = vector.extract_strided_slice %get3A_1 {offsets = [0, 14080], sizes = [64, 128], strides = [1, 1]} : vector<64x32768xf32> to vector<64x128xf32>
    %mul3A_878 = arith.mulf %slice3A_877, %slice3A_877 : vector<64x128xf32>
    %reduce_sum3A_879 = arith.constant dense<0.000000e+00> : vector<128xf32>
    %reduce_sum3A_880 = vector.multi_reduction <add>, %mul3A_878, %reduce_sum3A_879 [0] : vector<64x128xf32> to vector<128xf32>
    %broadcast_in_dim3A_881 = vector.shape_cast %reduce_sum3A_880 : vector<128xf32> to vector<1x128xf32>
    %swap3A_882 = arith.constant 110 : index
    %swap3A_883 = arith.constant 0 : index
    %swap3A_884 = vector.load %arg2[%swap3A_882, %swap3A_883] : memref<256x128xf32, #tpu.memory_space<vmem>>, vector<1x128xf32>
    tpu.vector_store %arg2[%swap3A_882, %swap3A_883], %broadcast_in_dim3A_881 {strides = array<i32>} : memref<256x128xf32, #tpu.memory_space<vmem>>, vector<1x128xf32>,
    %slice3A_885 = vector.extract_strided_slice %get3A_1 {offsets = [0, 14208], sizes = [64, 128], strides = [1, 1]} : vector<64x32768xf32> to vector<64x128xf32>
    %mul3A_886 = arith.mulf %slice3A_885, %slice3A_885 : vector<64x128xf32>
    %reduce_sum3A_887 = arith.constant dense<0.000000e+00> : vector<128xf32>
    %reduce_sum3A_888 = vector.multi_reduction <add>, %mul3A_886, %reduce_sum3A_887 [0] : vector<64x128xf32> to vector<128xf32>
    %broadcast_in_dim3A_889 = vector.shape_cast %reduce_sum3A_888 : vector<128xf32> to vector<1x128xf32>
    %swap3A_890 = arith.constant 111 : index
    %swap3A_891 = arith.constant 0 : index
    %swap3A_892 = vector.load %arg2[%swap3A_890, %swap3A_891] : memref<256x128xf32, #tpu.memory_space<vmem>>, vector<1x128xf32>
    tpu.vector_store %arg2[%swap3A_890, %swap3A_891], %broadcast_in_dim3A_889 {strides = array<i32>} : memref<256x128xf32, #tpu.memory_space<vmem>>, vector<1x128xf32>,
    %slice3A_893 = vector.extract_strided_slice %get3A_1 {offsets = [0, 14336], sizes = [64, 128], strides = [1, 1]} : vector<64x32768xf32> to vector<64x128xf32>
    %mul3A_894 = arith.mulf %slice3A_893, %slice3A_893 : vector<64x128xf32>
    %reduce_sum3A_895 = arith.constant dense<0.000000e+00> : vector<128xf32>
    %reduce_sum3A_896 = vector.multi_reduction <add>, %mul3A_894, %reduce_sum3A_895 [0] : vector<64x128xf32> to vector<128xf32>
    %broadcast_in_dim3A_897 = vector.shape_cast %reduce_sum3A_896 : vector<128xf32> to vector<1x128xf32>
    %swap3A_898 = arith.constant 112 : index
    %swap3A_899 = arith.constant 0 : index
    %swap3A_900 = vector.load %arg2[%swap3A_898, %swap3A_899] : memref<256x128xf32, #tpu.memory_space<vmem>>, vector<1x128xf32>
    tpu.vector_store %arg2[%swap3A_898, %swap3A_899], %broadcast_in_dim3A_897 {strides = array<i32>} : memref<256x128xf32, #tpu.memory_space<vmem>>, vector<1x128xf32>,
    %slice3A_901 = vector.extract_strided_slice %get3A_1 {offsets = [0, 14464], sizes = [64, 128], strides = [1, 1]} : vector<64x32768xf32> to vector<64x128xf32>
    %mul3A_902 = arith.mulf %slice3A_901, %slice3A_901 : vector<64x128xf32>
    %reduce_sum3A_903 = arith.constant dense<0.000000e+00> : vector<128xf32>
    %reduce_sum3A_904 = vector.multi_reduction <add>, %mul3A_902, %reduce_sum3A_903 [0] : vector<64x128xf32> to vector<128xf32>
    %broadcast_in_dim3A_905 = vector.shape_cast %reduce_sum3A_904 : vector<128xf32> to vector<1x128xf32>
    %swap3A_906 = arith.constant 113 : index
    %swap3A_907 = arith.constant 0 : index
    %swap3A_908 = vector.load %arg2[%swap3A_906, %swap3A_907] : memref<256x128xf32, #tpu.memory_space<vmem>>, vector<1x128xf32>
    tpu.vector_store %arg2[%swap3A_906, %swap3A_907], %broadcast_in_dim3A_905 {strides = array<i32>} : memref<256x128xf32, #tpu.memory_space<vmem>>, vector<1x128xf32>,
    %slice3A_909 = vector.extract_strided_slice %get3A_1 {offsets = [0, 14592], sizes = [64, 128], strides = [1, 1]} : vector<64x32768xf32> to vector<64x128xf32>
    %mul3A_910 = arith.mulf %slice3A_909, %slice3A_909 : vector<64x128xf32>
    %reduce_sum3A_911 = arith.constant dense<0.000000e+00> : vector<128xf32>
    %reduce_sum3A_912 = vector.multi_reduction <add>, %mul3A_910, %reduce_sum3A_911 [0] : vector<64x128xf32> to vector<128xf32>
    %broadcast_in_dim3A_913 = vector.shape_cast %reduce_sum3A_912 : vector<128xf32> to vector<1x128xf32>
    %swap3A_914 = arith.constant 114 : index
    %swap3A_915 = arith.constant 0 : index
    %swap3A_916 = vector.load %arg2[%swap3A_914, %swap3A_915] : memref<256x128xf32, #tpu.memory_space<vmem>>, vector<1x128xf32>
    tpu.vector_store %arg2[%swap3A_914, %swap3A_915], %broadcast_in_dim3A_913 {strides = array<i32>} : memref<256x128xf32, #tpu.memory_space<vmem>>, vector<1x128xf32>,
    %slice3A_917 = vector.extract_strided_slice %get3A_1 {offsets = [0, 14720], sizes = [64, 128], strides = [1, 1]} : vector<64x32768xf32> to vector<64x128xf32>
    %mul3A_918 = arith.mulf %slice3A_917, %slice3A_917 : vector<64x128xf32>
    %reduce_sum3A_919 = arith.constant dense<0.000000e+00> : vector<128xf32>
    %reduce_sum3A_920 = vector.multi_reduction <add>, %mul3A_918, %reduce_sum3A_919 [0] : vector<64x128xf32> to vector<128xf32>
    %broadcast_in_dim3A_921 = vector.shape_cast %reduce_sum3A_920 : vector<128xf32> to vector<1x128xf32>
    %swap3A_922 = arith.constant 115 : index
    %swap3A_923 = arith.constant 0 : index
    %swap3A_924 = vector.load %arg2[%swap3A_922, %swap3A_923] : memref<256x128xf32, #tpu.memory_space<vmem>>, vector<1x128xf32>
    tpu.vector_store %arg2[%swap3A_922, %swap3A_923], %broadcast_in_dim3A_921 {strides = array<i32>} : memref<256x128xf32, #tpu.memory_space<vmem>>, vector<1x128xf32>,
    %slice3A_925 = vector.extract_strided_slice %get3A_1 {offsets = [0, 14848], sizes = [64, 128], strides = [1, 1]} : vector<64x32768xf32> to vector<64x128xf32>
    %mul3A_926 = arith.mulf %slice3A_925, %slice3A_925 : vector<64x128xf32>
    %reduce_sum3A_927 = arith.constant dense<0.000000e+00> : vector<128xf32>
    %reduce_sum3A_928 = vector.multi_reduction <add>, %mul3A_926, %reduce_sum3A_927 [0] : vector<64x128xf32> to vector<128xf32>
    %broadcast_in_dim3A_929 = vector.shape_cast %reduce_sum3A_928 : vector<128xf32> to vector<1x128xf32>
    %swap3A_930 = arith.constant 116 : index
    %swap3A_931 = arith.constant 0 : index
    %swap3A_932 = vector.load %arg2[%swap3A_930, %swap3A_931] : memref<256x128xf32, #tpu.memory_space<vmem>>, vector<1x128xf32>
    tpu.vector_store %arg2[%swap3A_930, %swap3A_931], %broadcast_in_dim3A_929 {strides = array<i32>} : memref<256x128xf32, #tpu.memory_space<vmem>>, vector<1x128xf32>,
    %slice3A_933 = vector.extract_strided_slice %get3A_1 {offsets = [0, 14976], sizes = [64, 128], strides = [1, 1]} : vector<64x32768xf32> to vector<64x128xf32>
    %mul3A_934 = arith.mulf %slice3A_933, %slice3A_933 : vector<64x128xf32>
    %reduce_sum3A_935 = arith.constant dense<0.000000e+00> : vector<128xf32>
    %reduce_sum3A_936 = vector.multi_reduction <add>, %mul3A_934, %reduce_sum3A_935 [0] : vector<64x128xf32> to vector<128xf32>
    %broadcast_in_dim3A_937 = vector.shape_cast %reduce_sum3A_936 : vector<128xf32> to vector<1x128xf32>
    %swap3A_938 = arith.constant 117 : index
    %swap3A_939 = arith.constant 0 : index
    %swap3A_940 = vector.load %arg2[%swap3A_938, %swap3A_939] : memref<256x128xf32, #tpu.memory_space<vmem>>, vector<1x128xf32>
    tpu.vector_store %arg2[%swap3A_938, %swap3A_939], %broadcast_in_dim3A_937 {strides = array<i32>} : memref<256x128xf32, #tpu.memory_space<vmem>>, vector<1x128xf32>,
    %slice3A_941 = vector.extract_strided_slice %get3A_1 {offsets = [0, 15104], sizes = [64, 128], strides = [1, 1]} : vector<64x32768xf32> to vector<64x128xf32>
    %mul3A_942 = arith.mulf %slice3A_941, %slice3A_941 : vector<64x128xf32>
    %reduce_sum3A_943 = arith.constant dense<0.000000e+00> : vector<128xf32>
    %reduce_sum3A_944 = vector.multi_reduction <add>, %mul3A_942, %reduce_sum3A_943 [0] : vector<64x128xf32> to vector<128xf32>
    %broadcast_in_dim3A_945 = vector.shape_cast %reduce_sum3A_944 : vector<128xf32> to vector<1x128xf32>
    %swap3A_946 = arith.constant 118 : index
    %swap3A_947 = arith.constant 0 : index
    %swap3A_948 = vector.load %arg2[%swap3A_946, %swap3A_947] : memref<256x128xf32, #tpu.memory_space<vmem>>, vector<1x128xf32>
    tpu.vector_store %arg2[%swap3A_946, %swap3A_947], %broadcast_in_dim3A_945 {strides = array<i32>} : memref<256x128xf32, #tpu.memory_space<vmem>>, vector<1x128xf32>,
    %slice3A_949 = vector.extract_strided_slice %get3A_1 {offsets = [0, 15232], sizes = [64, 128], strides = [1, 1]} : vector<64x32768xf32> to vector<64x128xf32>
    %mul3A_950 = arith.mulf %slice3A_949, %slice3A_949 : vector<64x128xf32>
    %reduce_sum3A_951 = arith.constant dense<0.000000e+00> : vector<128xf32>
    %reduce_sum3A_952 = vector.multi_reduction <add>, %mul3A_950, %reduce_sum3A_951 [0] : vector<64x128xf32> to vector<128xf32>
    %broadcast_in_dim3A_953 = vector.shape_cast %reduce_sum3A_952 : vector<128xf32> to vector<1x128xf32>
    %swap3A_954 = arith.constant 119 : index
    %swap3A_955 = arith.constant 0 : index
    %swap3A_956 = vector.load %arg2[%swap3A_954, %swap3A_955] : memref<256x128xf32, #tpu.memory_space<vmem>>, vector<1x128xf32>
    tpu.vector_store %arg2[%swap3A_954, %swap3A_955], %broadcast_in_dim3A_953 {strides = array<i32>} : memref<256x128xf32, #tpu.memory_space<vmem>>, vector<1x128xf32>,
    %slice3A_957 = vector.extract_strided_slice %get3A_1 {offsets = [0, 15360], sizes = [64, 128], strides = [1, 1]} : vector<64x32768xf32> to vector<64x128xf32>
    %mul3A_958 = arith.mulf %slice3A_957, %slice3A_957 : vector<64x128xf32>
    %reduce_sum3A_959 = arith.constant dense<0.000000e+00> : vector<128xf32>
    %reduce_sum3A_960 = vector.multi_reduction <add>, %mul3A_958, %reduce_sum3A_959 [0] : vector<64x128xf32> to vector<128xf32>
    %broadcast_in_dim3A_961 = vector.shape_cast %reduce_sum3A_960 : vector<128xf32> to vector<1x128xf32>
    %swap3A_962 = arith.constant 120 : index
    %swap3A_963 = arith.constant 0 : index
    %swap3A_964 = vector.load %arg2[%swap3A_962, %swap3A_963] : memref<256x128xf32, #tpu.memory_space<vmem>>, vector<1x128xf32>
    tpu.vector_store %arg2[%swap3A_962, %swap3A_963], %broadcast_in_dim3A_961 {strides = array<i32>} : memref<256x128xf32, #tpu.memory_space<vmem>>, vector<1x128xf32>,
    %slice3A_965 = vector.extract_strided_slice %get3A_1 {offsets = [0, 15488], sizes = [64, 128], strides = [1, 1]} : vector<64x32768xf32> to vector<64x128xf32>
    %mul3A_966 = arith.mulf %slice3A_965, %slice3A_965 : vector<64x128xf32>
    %reduce_sum3A_967 = arith.constant dense<0.000000e+00> : vector<128xf32>
    %reduce_sum3A_968 = vector.multi_reduction <add>, %mul3A_966, %reduce_sum3A_967 [0] : vector<64x128xf32> to vector<128xf32>
    %broadcast_in_dim3A_969 = vector.shape_cast %reduce_sum3A_968 : vector<128xf32> to vector<1x128xf32>
    %swap3A_970 = arith.constant 121 : index
    %swap3A_971 = arith.constant 0 : index
    %swap3A_972 = vector.load %arg2[%swap3A_970, %swap3A_971] : memref<256x128xf32, #tpu.memory_space<vmem>>, vector<1x128xf32>
    tpu.vector_store %arg2[%swap3A_970, %swap3A_971], %broadcast_in_dim3A_969 {strides = array<i32>} : memref<256x128xf32, #tpu.memory_space<vmem>>, vector<1x128xf32>,
    %slice3A_973 = vector.extract_strided_slice %get3A_1 {offsets = [0, 15616], sizes = [64, 128], strides = [1, 1]} : vector<64x32768xf32> to vector<64x128xf32>
    %mul3A_974 = arith.mulf %slice3A_973, %slice3A_973 : vector<64x128xf32>
    %reduce_sum3A_975 = arith.constant dense<0.000000e+00> : vector<128xf32>
    %reduce_sum3A_976 = vector.multi_reduction <add>, %mul3A_974, %reduce_sum3A_975 [0] : vector<64x128xf32> to vector<128xf32>
    %broadcast_in_dim3A_977 = vector.shape_cast %reduce_sum3A_976 : vector<128xf32> to vector<1x128xf32>
    %swap3A_978 = arith.constant 122 : index
    %swap3A_979 = arith.constant 0 : index
    %swap3A_980 = vector.load %arg2[%swap3A_978, %swap3A_979] : memref<256x128xf32, #tpu.memory_space<vmem>>, vector<1x128xf32>
    tpu.vector_store %arg2[%swap3A_978, %swap3A_979], %broadcast_in_dim3A_977 {strides = array<i32>} : memref<256x128xf32, #tpu.memory_space<vmem>>, vector<1x128xf32>,
    %slice3A_981 = vector.extract_strided_slice %get3A_1 {offsets = [0, 15744], sizes = [64, 128], strides = [1, 1]} : vector<64x32768xf32> to vector<64x128xf32>
    %mul3A_982 = arith.mulf %slice3A_981, %slice3A_981 : vector<64x128xf32>
    %reduce_sum3A_983 = arith.constant dense<0.000000e+00> : vector<128xf32>
    %reduce_sum3A_984 = vector.multi_reduction <add>, %mul3A_982, %reduce_sum3A_983 [0] : vector<64x128xf32> to vector<128xf32>
    %broadcast_in_dim3A_985 = vector.shape_cast %reduce_sum3A_984 : vector<128xf32> to vector<1x128xf32>
    %swap3A_986 = arith.constant 123 : index
    %swap3A_987 = arith.constant 0 : index
    %swap3A_988 = vector.load %arg2[%swap3A_986, %swap3A_987] : memref<256x128xf32, #tpu.memory_space<vmem>>, vector<1x128xf32>
    tpu.vector_store %arg2[%swap3A_986, %swap3A_987], %broadcast_in_dim3A_985 {strides = array<i32>} : memref<256x128xf32, #tpu.memory_space<vmem>>, vector<1x128xf32>,
    %slice3A_989 = vector.extract_strided_slice %get3A_1 {offsets = [0, 15872], sizes = [64, 128], strides = [1, 1]} : vector<64x32768xf32> to vector<64x128xf32>
    %mul3A_990 = arith.mulf %slice3A_989, %slice3A_989 : vector<64x128xf32>
    %reduce_sum3A_991 = arith.constant dense<0.000000e+00> : vector<128xf32>
    %reduce_sum3A_992 = vector.multi_reduction <add>, %mul3A_990, %reduce_sum3A_991 [0] : vector<64x128xf32> to vector<128xf32>
    %broadcast_in_dim3A_993 = vector.shape_cast %reduce_sum3A_992 : vector<128xf32> to vector<1x128xf32>
    %swap3A_994 = arith.constant 124 : index
    %swap3A_995 = arith.constant 0 : index
    %swap3A_996 = vector.load %arg2[%swap3A_994, %swap3A_995] : memref<256x128xf32, #tpu.memory_space<vmem>>, vector<1x128xf32>
    tpu.vector_store %arg2[%swap3A_994, %swap3A_995], %broadcast_in_dim3A_993 {strides = array<i32>} : memref<256x128xf32, #tpu.memory_space<vmem>>, vector<1x128xf32>,
    %slice3A_997 = vector.extract_strided_slice %get3A_1 {offsets = [0, 16000], sizes = [64, 128], strides = [1, 1]} : vector<64x32768xf32> to vector<64x128xf32>
    %mul3A_998 = arith.mulf %slice3A_997, %slice3A_997 : vector<64x128xf32>
    %reduce_sum3A_999 = arith.constant dense<0.000000e+00> : vector<128xf32>
    %reduce_sum3A_1000 = vector.multi_reduction <add>, %mul3A_998, %reduce_sum3A_999 [0] : vector<64x128xf32> to vector<128xf32>
    %broadcast_in_dim3A_1001 = vector.shape_cast %reduce_sum3A_1000 : vector<128xf32> to vector<1x128xf32>
    %swap3A_1002 = arith.constant 125 : index
    %swap3A_1003 = arith.constant 0 : index
    %swap3A_1004 = vector.load %arg2[%swap3A_1002, %swap3A_1003] : memref<256x128xf32, #tpu.memory_space<vmem>>, vector<1x128xf32>
    tpu.vector_store %arg2[%swap3A_1002, %swap3A_1003], %broadcast_in_dim3A_1001 {strides = array<i32>} : memref<256x128xf32, #tpu.memory_space<vmem>>, vector<1x128xf32>,
    %slice3A_1005 = vector.extract_strided_slice %get3A_1 {offsets = [0, 16128], sizes = [64, 128], strides = [1, 1]} : vector<64x32768xf32> to vector<64x128xf32>
    %mul3A_1006 = arith.mulf %slice3A_1005, %slice3A_1005 : vector<64x128xf32>
    %reduce_sum3A_1007 = arith.constant dense<0.000000e+00> : vector<128xf32>
    %reduce_sum3A_1008 = vector.multi_reduction <add>, %mul3A_1006, %reduce_sum3A_1007 [0] : vector<64x128xf32> to vector<128xf32>
    %broadcast_in_dim3A_1009 = vector.shape_cast %reduce_sum3A_1008 : vector<128xf32> to vector<1x128xf32>
    %swap3A_1010 = arith.constant 126 : index
    %swap3A_1011 = arith.constant 0 : index
    %swap3A_1012 = vector.load %arg2[%swap3A_1010, %swap3A_1011] : memref<256x128xf32, #tpu.memory_space<vmem>>, vector<1x128xf32>
    tpu.vector_store %arg2[%swap3A_1010, %swap3A_1011], %broadcast_in_dim3A_1009 {strides = array<i32>} : memref<256x128xf32, #tpu.memory_space<vmem>>, vector<1x128xf32>,
    %slice3A_1013 = vector.extract_strided_slice %get3A_1 {offsets = [0, 16256], sizes = [64, 128], strides = [1, 1]} : vector<64x32768xf32> to vector<64x128xf32>
    %mul3A_1014 = arith.mulf %slice3A_1013, %slice3A_1013 : vector<64x128xf32>
    %reduce_sum3A_1015 = arith.constant dense<0.000000e+00> : vector<128xf32>
    %reduce_sum3A_1016 = vector.multi_reduction <add>, %mul3A_1014, %reduce_sum3A_1015 [0] : vector<64x128xf32> to vector<128xf32>
    %broadcast_in_dim3A_1017 = vector.shape_cast %reduce_sum3A_1016 : vector<128xf32> to vector<1x128xf32>
    %swap3A_1018 = arith.constant 127 : index
    %swap3A_1019 = arith.constant 0 : index
    %swap3A_1020 = vector.load %arg2[%swap3A_1018, %swap3A_1019] : memref<256x128xf32, #tpu.memory_space<vmem>>, vector<1x128xf32>
    tpu.vector_store %arg2[%swap3A_1018, %swap3A_1019], %broadcast_in_dim3A_1017 {strides = array<i32>} : memref<256x128xf32, #tpu.memory_space<vmem>>, vector<1x128xf32>,
    %slice3A_1021 = vector.extract_strided_slice %get3A_1 {offsets = [0, 16384], sizes = [64, 128], strides = [1, 1]} : vector<64x32768xf32> to vector<64x128xf32>
    %mul3A_1022 = arith.mulf %slice3A_1021, %slice3A_1021 : vector<64x128xf32>
    %reduce_sum3A_1023 = arith.constant dense<0.000000e+00> : vector<128xf32>
    %reduce_sum3A_1024 = vector.multi_reduction <add>, %mul3A_1022, %reduce_sum3A_1023 [0] : vector<64x128xf32> to vector<128xf32>
    %broadcast_in_dim3A_1025 = vector.shape_cast %reduce_sum3A_1024 : vector<128xf32> to vector<1x128xf32>
    %swap3A_1026 = arith.constant 128 : index
    %swap3A_1027 = arith.constant 0 : index
    %swap3A_1028 = vector.load %arg2[%swap3A_1026, %swap3A_1027] : memref<256x128xf32, #tpu.memory_space<vmem>>, vector<1x128xf32>
    tpu.vector_store %arg2[%swap3A_1026, %swap3A_1027], %broadcast_in_dim3A_1025 {strides = array<i32>} : memref<256x128xf32, #tpu.memory_space<vmem>>, vector<1x128xf32>,
    %slice3A_1029 = vector.extract_strided_slice %get3A_1 {offsets = [0, 16512], sizes = [64, 128], strides = [1, 1]} : vector<64x32768xf32> to vector<64x128xf32>
    %mul3A_1030 = arith.mulf %slice3A_1029, %slice3A_1029 : vector<64x128xf32>
    %reduce_sum3A_1031 = arith.constant dense<0.000000e+00> : vector<128xf32>
    %reduce_sum3A_1032 = vector.multi_reduction <add>, %mul3A_1030, %reduce_sum3A_1031 [0] : vector<64x128xf32> to vector<128xf32>
    %broadcast_in_dim3A_1033 = vector.shape_cast %reduce_sum3A_1032 : vector<128xf32> to vector<1x128xf32>
    %swap3A_1034 = arith.constant 129 : index
    %swap3A_1035 = arith.constant 0 : index
    %swap3A_1036 = vector.load %arg2[%swap3A_1034, %swap3A_1035] : memref<256x128xf32, #tpu.memory_space<vmem>>, vector<1x128xf32>
    tpu.vector_store %arg2[%swap3A_1034, %swap3A_1035], %broadcast_in_dim3A_1033 {strides = array<i32>} : memref<256x128xf32, #tpu.memory_space<vmem>>, vector<1x128xf32>,
    %slice3A_1037 = vector.extract_strided_slice %get3A_1 {offsets = [0, 16640], sizes = [64, 128], strides = [1, 1]} : vector<64x32768xf32> to vector<64x128xf32>
    %mul3A_1038 = arith.mulf %slice3A_1037, %slice3A_1037 : vector<64x128xf32>
    %reduce_sum3A_1039 = arith.constant dense<0.000000e+00> : vector<128xf32>
    %reduce_sum3A_1040 = vector.multi_reduction <add>, %mul3A_1038, %reduce_sum3A_1039 [0] : vector<64x128xf32> to vector<128xf32>
    %broadcast_in_dim3A_1041 = vector.shape_cast %reduce_sum3A_1040 : vector<128xf32> to vector<1x128xf32>
    %swap3A_1042 = arith.constant 130 : index
    %swap3A_1043 = arith.constant 0 : index
    %swap3A_1044 = vector.load %arg2[%swap3A_1042, %swap3A_1043] : memref<256x128xf32, #tpu.memory_space<vmem>>, vector<1x128xf32>
    tpu.vector_store %arg2[%swap3A_1042, %swap3A_1043], %broadcast_in_dim3A_1041 {strides = array<i32>} : memref<256x128xf32, #tpu.memory_space<vmem>>, vector<1x128xf32>,
    %slice3A_1045 = vector.extract_strided_slice %get3A_1 {offsets = [0, 16768], sizes = [64, 128], strides = [1, 1]} : vector<64x32768xf32> to vector<64x128xf32>
    %mul3A_1046 = arith.mulf %slice3A_1045, %slice3A_1045 : vector<64x128xf32>
    %reduce_sum3A_1047 = arith.constant dense<0.000000e+00> : vector<128xf32>
    %reduce_sum3A_1048 = vector.multi_reduction <add>, %mul3A_1046, %reduce_sum3A_1047 [0] : vector<64x128xf32> to vector<128xf32>
    %broadcast_in_dim3A_1049 = vector.shape_cast %reduce_sum3A_1048 : vector<128xf32> to vector<1x128xf32>
    %swap3A_1050 = arith.constant 131 : index
    %swap3A_1051 = arith.constant 0 : index
    %swap3A_1052 = vector.load %arg2[%swap3A_1050, %swap3A_1051] : memref<256x128xf32, #tpu.memory_space<vmem>>, vector<1x128xf32>
    tpu.vector_store %arg2[%swap3A_1050, %swap3A_1051], %broadcast_in_dim3A_1049 {strides = array<i32>} : memref<256x128xf32, #tpu.memory_space<vmem>>, vector<1x128xf32>,
    %slice3A_1053 = vector.extract_strided_slice %get3A_1 {offsets = [0, 16896], sizes = [64, 128], strides = [1, 1]} : vector<64x32768xf32> to vector<64x128xf32>
    %mul3A_1054 = arith.mulf %slice3A_1053, %slice3A_1053 : vector<64x128xf32>
    %reduce_sum3A_1055 = arith.constant dense<0.000000e+00> : vector<128xf32>
    %reduce_sum3A_1056 = vector.multi_reduction <add>, %mul3A_1054, %reduce_sum3A_1055 [0] : vector<64x128xf32> to vector<128xf32>
    %broadcast_in_dim3A_1057 = vector.shape_cast %reduce_sum3A_1056 : vector<128xf32> to vector<1x128xf32>
    %swap3A_1058 = arith.constant 132 : index
    %swap3A_1059 = arith.constant 0 : index
    %swap3A_1060 = vector.load %arg2[%swap3A_1058, %swap3A_1059] : memref<256x128xf32, #tpu.memory_space<vmem>>, vector<1x128xf32>
    tpu.vector_store %arg2[%swap3A_1058, %swap3A_1059], %broadcast_in_dim3A_1057 {strides = array<i32>} : memref<256x128xf32, #tpu.memory_space<vmem>>, vector<1x128xf32>,
    %slice3A_1061 = vector.extract_strided_slice %get3A_1 {offsets = [0, 17024], sizes = [64, 128], strides = [1, 1]} : vector<64x32768xf32> to vector<64x128xf32>
    %mul3A_1062 = arith.mulf %slice3A_1061, %slice3A_1061 : vector<64x128xf32>
    %reduce_sum3A_1063 = arith.constant dense<0.000000e+00> : vector<128xf32>
    %reduce_sum3A_1064 = vector.multi_reduction <add>, %mul3A_1062, %reduce_sum3A_1063 [0] : vector<64x128xf32> to vector<128xf32>
    %broadcast_in_dim3A_1065 = vector.shape_cast %reduce_sum3A_1064 : vector<128xf32> to vector<1x128xf32>
    %swap3A_1066 = arith.constant 133 : index
    %swap3A_1067 = arith.constant 0 : index
    %swap3A_1068 = vector.load %arg2[%swap3A_1066, %swap3A_1067] : memref<256x128xf32, #tpu.memory_space<vmem>>, vector<1x128xf32>
    tpu.vector_store %arg2[%swap3A_1066, %swap3A_1067], %broadcast_in_dim3A_1065 {strides = array<i32>} : memref<256x128xf32, #tpu.memory_space<vmem>>, vector<1x128xf32>,
    %slice3A_1069 = vector.extract_strided_slice %get3A_1 {offsets = [0, 17152], sizes = [64, 128], strides = [1, 1]} : vector<64x32768xf32> to vector<64x128xf32>
    %mul3A_1070 = arith.mulf %slice3A_1069, %slice3A_1069 : vector<64x128xf32>
    %reduce_sum3A_1071 = arith.constant dense<0.000000e+00> : vector<128xf32>
    %reduce_sum3A_1072 = vector.multi_reduction <add>, %mul3A_1070, %reduce_sum3A_1071 [0] : vector<64x128xf32> to vector<128xf32>
    %broadcast_in_dim3A_1073 = vector.shape_cast %reduce_sum3A_1072 : vector<128xf32> to vector<1x128xf32>
    %swap3A_1074 = arith.constant 134 : index
    %swap3A_1075 = arith.constant 0 : index
    %swap3A_1076 = vector.load %arg2[%swap3A_1074, %swap3A_1075] : memref<256x128xf32, #tpu.memory_space<vmem>>, vector<1x128xf32>
    tpu.vector_store %arg2[%swap3A_1074, %swap3A_1075], %broadcast_in_dim3A_1073 {strides = array<i32>} : memref<256x128xf32, #tpu.memory_space<vmem>>, vector<1x128xf32>,
    %slice3A_1077 = vector.extract_strided_slice %get3A_1 {offsets = [0, 17280], sizes = [64, 128], strides = [1, 1]} : vector<64x32768xf32> to vector<64x128xf32>
    %mul3A_1078 = arith.mulf %slice3A_1077, %slice3A_1077 : vector<64x128xf32>
    %reduce_sum3A_1079 = arith.constant dense<0.000000e+00> : vector<128xf32>
    %reduce_sum3A_1080 = vector.multi_reduction <add>, %mul3A_1078, %reduce_sum3A_1079 [0] : vector<64x128xf32> to vector<128xf32>
    %broadcast_in_dim3A_1081 = vector.shape_cast %reduce_sum3A_1080 : vector<128xf32> to vector<1x128xf32>
    %swap3A_1082 = arith.constant 135 : index
    %swap3A_1083 = arith.constant 0 : index
    %swap3A_1084 = vector.load %arg2[%swap3A_1082, %swap3A_1083] : memref<256x128xf32, #tpu.memory_space<vmem>>, vector<1x128xf32>
    tpu.vector_store %arg2[%swap3A_1082, %swap3A_1083], %broadcast_in_dim3A_1081 {strides = array<i32>} : memref<256x128xf32, #tpu.memory_space<vmem>>, vector<1x128xf32>,
    %slice3A_1085 = vector.extract_strided_slice %get3A_1 {offsets = [0, 17408], sizes = [64, 128], strides = [1, 1]} : vector<64x32768xf32> to vector<64x128xf32>
    %mul3A_1086 = arith.mulf %slice3A_1085, %slice3A_1085 : vector<64x128xf32>
    %reduce_sum3A_1087 = arith.constant dense<0.000000e+00> : vector<128xf32>
    %reduce_sum3A_1088 = vector.multi_reduction <add>, %mul3A_1086, %reduce_sum3A_1087 [0] : vector<64x128xf32> to vector<128xf32>
    %broadcast_in_dim3A_1089 = vector.shape_cast %reduce_sum3A_1088 : vector<128xf32> to vector<1x128xf32>
    %swap3A_1090 = arith.constant 136 : index
    %swap3A_1091 = arith.constant 0 : index
    %swap3A_1092 = vector.load %arg2[%swap3A_1090, %swap3A_1091] : memref<256x128xf32, #tpu.memory_space<vmem>>, vector<1x128xf32>
    tpu.vector_store %arg2[%swap3A_1090, %swap3A_1091], %broadcast_in_dim3A_1089 {strides = array<i32>} : memref<256x128xf32, #tpu.memory_space<vmem>>, vector<1x128xf32>,
    %slice3A_1093 = vector.extract_strided_slice %get3A_1 {offsets = [0, 17536], sizes = [64, 128], strides = [1, 1]} : vector<64x32768xf32> to vector<64x128xf32>
    %mul3A_1094 = arith.mulf %slice3A_1093, %slice3A_1093 : vector<64x128xf32>
    %reduce_sum3A_1095 = arith.constant dense<0.000000e+00> : vector<128xf32>
    %reduce_sum3A_1096 = vector.multi_reduction <add>, %mul3A_1094, %reduce_sum3A_1095 [0] : vector<64x128xf32> to vector<128xf32>
    %broadcast_in_dim3A_1097 = vector.shape_cast %reduce_sum3A_1096 : vector<128xf32> to vector<1x128xf32>
    %swap3A_1098 = arith.constant 137 : index
    %swap3A_1099 = arith.constant 0 : index
    %swap3A_1100 = vector.load %arg2[%swap3A_1098, %swap3A_1099] : memref<256x128xf32, #tpu.memory_space<vmem>>, vector<1x128xf32>
    tpu.vector_store %arg2[%swap3A_1098, %swap3A_1099], %broadcast_in_dim3A_1097 {strides = array<i32>} : memref<256x128xf32, #tpu.memory_space<vmem>>, vector<1x128xf32>,
    %slice3A_1101 = vector.extract_strided_slice %get3A_1 {offsets = [0, 17664], sizes = [64, 128], strides = [1, 1]} : vector<64x32768xf32> to vector<64x128xf32>
    %mul3A_1102 = arith.mulf %slice3A_1101, %slice3A_1101 : vector<64x128xf32>
    %reduce_sum3A_1103 = arith.constant dense<0.000000e+00> : vector<128xf32>
    %reduce_sum3A_1104 = vector.multi_reduction <add>, %mul3A_1102, %reduce_sum3A_1103 [0] : vector<64x128xf32> to vector<128xf32>
    %broadcast_in_dim3A_1105 = vector.shape_cast %reduce_sum3A_1104 : vector<128xf32> to vector<1x128xf32>
    %swap3A_1106 = arith.constant 138 : index
    %swap3A_1107 = arith.constant 0 : index
    %swap3A_1108 = vector.load %arg2[%swap3A_1106, %swap3A_1107] : memref<256x128xf32, #tpu.memory_space<vmem>>, vector<1x128xf32>
    tpu.vector_store %arg2[%swap3A_1106, %swap3A_1107], %broadcast_in_dim3A_1105 {strides = array<i32>} : memref<256x128xf32, #tpu.memory_space<vmem>>, vector<1x128xf32>,
    %slice3A_1109 = vector.extract_strided_slice %get3A_1 {offsets = [0, 17792], sizes = [64, 128], strides = [1, 1]} : vector<64x32768xf32> to vector<64x128xf32>
    %mul3A_1110 = arith.mulf %slice3A_1109, %slice3A_1109 : vector<64x128xf32>
    %reduce_sum3A_1111 = arith.constant dense<0.000000e+00> : vector<128xf32>
    %reduce_sum3A_1112 = vector.multi_reduction <add>, %mul3A_1110, %reduce_sum3A_1111 [0] : vector<64x128xf32> to vector<128xf32>
    %broadcast_in_dim3A_1113 = vector.shape_cast %reduce_sum3A_1112 : vector<128xf32> to vector<1x128xf32>
    %swap3A_1114 = arith.constant 139 : index
    %swap3A_1115 = arith.constant 0 : index
    %swap3A_1116 = vector.load %arg2[%swap3A_1114, %swap3A_1115] : memref<256x128xf32, #tpu.memory_space<vmem>>, vector<1x128xf32>
    tpu.vector_store %arg2[%swap3A_1114, %swap3A_1115], %broadcast_in_dim3A_1113 {strides = array<i32>} : memref<256x128xf32, #tpu.memory_space<vmem>>, vector<1x128xf32>,
    %slice3A_1117 = vector.extract_strided_slice %get3A_1 {offsets = [0, 17920], sizes = [64, 128], strides = [1, 1]} : vector<64x32768xf32> to vector<64x128xf32>
    %mul3A_1118 = arith.mulf %slice3A_1117, %slice3A_1117 : vector<64x128xf32>
    %reduce_sum3A_1119 = arith.constant dense<0.000000e+00> : vector<128xf32>
    %reduce_sum3A_1120 = vector.multi_reduction <add>, %mul3A_1118, %reduce_sum3A_1119 [0] : vector<64x128xf32> to vector<128xf32>
    %broadcast_in_dim3A_1121 = vector.shape_cast %reduce_sum3A_1120 : vector<128xf32> to vector<1x128xf32>
    %swap3A_1122 = arith.constant 140 : index
    %swap3A_1123 = arith.constant 0 : index
    %swap3A_1124 = vector.load %arg2[%swap3A_1122, %swap3A_1123] : memref<256x128xf32, #tpu.memory_space<vmem>>, vector<1x128xf32>
    tpu.vector_store %arg2[%swap3A_1122, %swap3A_1123], %broadcast_in_dim3A_1121 {strides = array<i32>} : memref<256x128xf32, #tpu.memory_space<vmem>>, vector<1x128xf32>,
    %slice3A_1125 = vector.extract_strided_slice %get3A_1 {offsets = [0, 18048], sizes = [64, 128], strides = [1, 1]} : vector<64x32768xf32> to vector<64x128xf32>
    %mul3A_1126 = arith.mulf %slice3A_1125, %slice3A_1125 : vector<64x128xf32>
    %reduce_sum3A_1127 = arith.constant dense<0.000000e+00> : vector<128xf32>
    %reduce_sum3A_1128 = vector.multi_reduction <add>, %mul3A_1126, %reduce_sum3A_1127 [0] : vector<64x128xf32> to vector<128xf32>
    %broadcast_in_dim3A_1129 = vector.shape_cast %reduce_sum3A_1128 : vector<128xf32> to vector<1x128xf32>
    %swap3A_1130 = arith.constant 141 : index
    %swap3A_1131 = arith.constant 0 : index
    %swap3A_1132 = vector.load %arg2[%swap3A_1130, %swap3A_1131] : memref<256x128xf32, #tpu.memory_space<vmem>>, vector<1x128xf32>
    tpu.vector_store %arg2[%swap3A_1130, %swap3A_1131], %broadcast_in_dim3A_1129 {strides = array<i32>} : memref<256x128xf32, #tpu.memory_space<vmem>>, vector<1x128xf32>,
    %slice3A_1133 = vector.extract_strided_slice %get3A_1 {offsets = [0, 18176], sizes = [64, 128], strides = [1, 1]} : vector<64x32768xf32> to vector<64x128xf32>
    %mul3A_1134 = arith.mulf %slice3A_1133, %slice3A_1133 : vector<64x128xf32>
    %reduce_sum3A_1135 = arith.constant dense<0.000000e+00> : vector<128xf32>
    %reduce_sum3A_1136 = vector.multi_reduction <add>, %mul3A_1134, %reduce_sum3A_1135 [0] : vector<64x128xf32> to vector<128xf32>
    %broadcast_in_dim3A_1137 = vector.shape_cast %reduce_sum3A_1136 : vector<128xf32> to vector<1x128xf32>
    %swap3A_1138 = arith.constant 142 : index
    %swap3A_1139 = arith.constant 0 : index
    %swap3A_1140 = vector.load %arg2[%swap3A_1138, %swap3A_1139] : memref<256x128xf32, #tpu.memory_space<vmem>>, vector<1x128xf32>
    tpu.vector_store %arg2[%swap3A_1138, %swap3A_1139], %broadcast_in_dim3A_1137 {strides = array<i32>} : memref<256x128xf32, #tpu.memory_space<vmem>>, vector<1x128xf32>,
    %slice3A_1141 = vector.extract_strided_slice %get3A_1 {offsets = [0, 18304], sizes = [64, 128], strides = [1, 1]} : vector<64x32768xf32> to vector<64x128xf32>
    %mul3A_1142 = arith.mulf %slice3A_1141, %slice3A_1141 : vector<64x128xf32>
    %reduce_sum3A_1143 = arith.constant dense<0.000000e+00> : vector<128xf32>
    %reduce_sum3A_1144 = vector.multi_reduction <add>, %mul3A_1142, %reduce_sum3A_1143 [0] : vector<64x128xf32> to vector<128xf32>
    %broadcast_in_dim3A_1145 = vector.shape_cast %reduce_sum3A_1144 : vector<128xf32> to vector<1x128xf32>
    %swap3A_1146 = arith.constant 143 : index
    %swap3A_1147 = arith.constant 0 : index
    %swap3A_1148 = vector.load %arg2[%swap3A_1146, %swap3A_1147] : memref<256x128xf32, #tpu.memory_space<vmem>>, vector<1x128xf32>
    tpu.vector_store %arg2[%swap3A_1146, %swap3A_1147], %broadcast_in_dim3A_1145 {strides = array<i32>} : memref<256x128xf32, #tpu.memory_space<vmem>>, vector<1x128xf32>,
    %slice3A_1149 = vector.extract_strided_slice %get3A_1 {offsets = [0, 18432], sizes = [64, 128], strides = [1, 1]} : vector<64x32768xf32> to vector<64x128xf32>
    %mul3A_1150 = arith.mulf %slice3A_1149, %slice3A_1149 : vector<64x128xf32>
    %reduce_sum3A_1151 = arith.constant dense<0.000000e+00> : vector<128xf32>
    %reduce_sum3A_1152 = vector.multi_reduction <add>, %mul3A_1150, %reduce_sum3A_1151 [0] : vector<64x128xf32> to vector<128xf32>
    %broadcast_in_dim3A_1153 = vector.shape_cast %reduce_sum3A_1152 : vector<128xf32> to vector<1x128xf32>
    %swap3A_1154 = arith.constant 144 : index
    %swap3A_1155 = arith.constant 0 : index
    %swap3A_1156 = vector.load %arg2[%swap3A_1154, %swap3A_1155] : memref<256x128xf32, #tpu.memory_space<vmem>>, vector<1x128xf32>
    tpu.vector_store %arg2[%swap3A_1154, %swap3A_1155], %broadcast_in_dim3A_1153 {strides = array<i32>} : memref<256x128xf32, #tpu.memory_space<vmem>>, vector<1x128xf32>,
    %slice3A_1157 = vector.extract_strided_slice %get3A_1 {offsets = [0, 18560], sizes = [64, 128], strides = [1, 1]} : vector<64x32768xf32> to vector<64x128xf32>
    %mul3A_1158 = arith.mulf %slice3A_1157, %slice3A_1157 : vector<64x128xf32>
    %reduce_sum3A_1159 = arith.constant dense<0.000000e+00> : vector<128xf32>
    %reduce_sum3A_1160 = vector.multi_reduction <add>, %mul3A_1158, %reduce_sum3A_1159 [0] : vector<64x128xf32> to vector<128xf32>
    %broadcast_in_dim3A_1161 = vector.shape_cast %reduce_sum3A_1160 : vector<128xf32> to vector<1x128xf32>
    %swap3A_1162 = arith.constant 145 : index
    %swap3A_1163 = arith.constant 0 : index
    %swap3A_1164 = vector.load %arg2[%swap3A_1162, %swap3A_1163] : memref<256x128xf32, #tpu.memory_space<vmem>>, vector<1x128xf32>
    tpu.vector_store %arg2[%swap3A_1162, %swap3A_1163], %broadcast_in_dim3A_1161 {strides = array<i32>} : memref<256x128xf32, #tpu.memory_space<vmem>>, vector<1x128xf32>,
    %slice3A_1165 = vector.extract_strided_slice %get3A_1 {offsets = [0, 18688], sizes = [64, 128], strides = [1, 1]} : vector<64x32768xf32> to vector<64x128xf32>
    %mul3A_1166 = arith.mulf %slice3A_1165, %slice3A_1165 : vector<64x128xf32>
    %reduce_sum3A_1167 = arith.constant dense<0.000000e+00> : vector<128xf32>
    %reduce_sum3A_1168 = vector.multi_reduction <add>, %mul3A_1166, %reduce_sum3A_1167 [0] : vector<64x128xf32> to vector<128xf32>
    %broadcast_in_dim3A_1169 = vector.shape_cast %reduce_sum3A_1168 : vector<128xf32> to vector<1x128xf32>
    %swap3A_1170 = arith.constant 146 : index
    %swap3A_1171 = arith.constant 0 : index
    %swap3A_1172 = vector.load %arg2[%swap3A_1170, %swap3A_1171] : memref<256x128xf32, #tpu.memory_space<vmem>>, vector<1x128xf32>
    tpu.vector_store %arg2[%swap3A_1170, %swap3A_1171], %broadcast_in_dim3A_1169 {strides = array<i32>} : memref<256x128xf32, #tpu.memory_space<vmem>>, vector<1x128xf32>,
    %slice3A_1173 = vector.extract_strided_slice %get3A_1 {offsets = [0, 18816], sizes = [64, 128], strides = [1, 1]} : vector<64x32768xf32> to vector<64x128xf32>
    %mul3A_1174 = arith.mulf %slice3A_1173, %slice3A_1173 : vector<64x128xf32>
    %reduce_sum3A_1175 = arith.constant dense<0.000000e+00> : vector<128xf32>
    %reduce_sum3A_1176 = vector.multi_reduction <add>, %mul3A_1174, %reduce_sum3A_1175 [0] : vector<64x128xf32> to vector<128xf32>
    %broadcast_in_dim3A_1177 = vector.shape_cast %reduce_sum3A_1176 : vector<128xf32> to vector<1x128xf32>
    %swap3A_1178 = arith.constant 147 : index
    %swap3A_1179 = arith.constant 0 : index
    %swap3A_1180 = vector.load %arg2[%swap3A_1178, %swap3A_1179] : memref<256x128xf32, #tpu.memory_space<vmem>>, vector<1x128xf32>
    tpu.vector_store %arg2[%swap3A_1178, %swap3A_1179], %broadcast_in_dim3A_1177 {strides = array<i32>} : memref<256x128xf32, #tpu.memory_space<vmem>>, vector<1x128xf32>,
    %slice3A_1181 = vector.extract_strided_slice %get3A_1 {offsets = [0, 18944], sizes = [64, 128], strides = [1, 1]} : vector<64x32768xf32> to vector<64x128xf32>
    %mul3A_1182 = arith.mulf %slice3A_1181, %slice3A_1181 : vector<64x128xf32>
    %reduce_sum3A_1183 = arith.constant dense<0.000000e+00> : vector<128xf32>
    %reduce_sum3A_1184 = vector.multi_reduction <add>, %mul3A_1182, %reduce_sum3A_1183 [0] : vector<64x128xf32> to vector<128xf32>
    %broadcast_in_dim3A_1185 = vector.shape_cast %reduce_sum3A_1184 : vector<128xf32> to vector<1x128xf32>
    %swap3A_1186 = arith.constant 148 : index
    %swap3A_1187 = arith.constant 0 : index
    %swap3A_1188 = vector.load %arg2[%swap3A_1186, %swap3A_1187] : memref<256x128xf32, #tpu.memory_space<vmem>>, vector<1x128xf32>
    tpu.vector_store %arg2[%swap3A_1186, %swap3A_1187], %broadcast_in_dim3A_1185 {strides = array<i32>} : memref<256x128xf32, #tpu.memory_space<vmem>>, vector<1x128xf32>,
    %slice3A_1189 = vector.extract_strided_slice %get3A_1 {offsets = [0, 19072], sizes = [64, 128], strides = [1, 1]} : vector<64x32768xf32> to vector<64x128xf32>
    %mul3A_1190 = arith.mulf %slice3A_1189, %slice3A_1189 : vector<64x128xf32>
    %reduce_sum3A_1191 = arith.constant dense<0.000000e+00> : vector<128xf32>
    %reduce_sum3A_1192 = vector.multi_reduction <add>, %mul3A_1190, %reduce_sum3A_1191 [0] : vector<64x128xf32> to vector<128xf32>
    %broadcast_in_dim3A_1193 = vector.shape_cast %reduce_sum3A_1192 : vector<128xf32> to vector<1x128xf32>
    %swap3A_1194 = arith.constant 149 : index
    %swap3A_1195 = arith.constant 0 : index
    %swap3A_1196 = vector.load %arg2[%swap3A_1194, %swap3A_1195] : memref<256x128xf32, #tpu.memory_space<vmem>>, vector<1x128xf32>
    tpu.vector_store %arg2[%swap3A_1194, %swap3A_1195], %broadcast_in_dim3A_1193 {strides = array<i32>} : memref<256x128xf32, #tpu.memory_space<vmem>>, vector<1x128xf32>,
    %slice3A_1197 = vector.extract_strided_slice %get3A_1 {offsets = [0, 19200], sizes = [64, 128], strides = [1, 1]} : vector<64x32768xf32> to vector<64x128xf32>
    %mul3A_1198 = arith.mulf %slice3A_1197, %slice3A_1197 : vector<64x128xf32>
    %reduce_sum3A_1199 = arith.constant dense<0.000000e+00> : vector<128xf32>
    %reduce_sum3A_1200 = vector.multi_reduction <add>, %mul3A_1198, %reduce_sum3A_1199 [0] : vector<64x128xf32> to vector<128xf32>
    %broadcast_in_dim3A_1201 = vector.shape_cast %reduce_sum3A_1200 : vector<128xf32> to vector<1x128xf32>
    %swap3A_1202 = arith.constant 150 : index
    %swap3A_1203 = arith.constant 0 : index
    %swap3A_1204 = vector.load %arg2[%swap3A_1202, %swap3A_1203] : memref<256x128xf32, #tpu.memory_space<vmem>>, vector<1x128xf32>
    tpu.vector_store %arg2[%swap3A_1202, %swap3A_1203], %broadcast_in_dim3A_1201 {strides = array<i32>} : memref<256x128xf32, #tpu.memory_space<vmem>>, vector<1x128xf32>,
    %slice3A_1205 = vector.extract_strided_slice %get3A_1 {offsets = [0, 19328], sizes = [64, 128], strides = [1, 1]} : vector<64x32768xf32> to vector<64x128xf32>
    %mul3A_1206 = arith.mulf %slice3A_1205, %slice3A_1205 : vector<64x128xf32>
    %reduce_sum3A_1207 = arith.constant dense<0.000000e+00> : vector<128xf32>
    %reduce_sum3A_1208 = vector.multi_reduction <add>, %mul3A_1206, %reduce_sum3A_1207 [0] : vector<64x128xf32> to vector<128xf32>
    %broadcast_in_dim3A_1209 = vector.shape_cast %reduce_sum3A_1208 : vector<128xf32> to vector<1x128xf32>
    %swap3A_1210 = arith.constant 151 : index
    %swap3A_1211 = arith.constant 0 : index
    %swap3A_1212 = vector.load %arg2[%swap3A_1210, %swap3A_1211] : memref<256x128xf32, #tpu.memory_space<vmem>>, vector<1x128xf32>
    tpu.vector_store %arg2[%swap3A_1210, %swap3A_1211], %broadcast_in_dim3A_1209 {strides = array<i32>} : memref<256x128xf32, #tpu.memory_space<vmem>>, vector<1x128xf32>,
    %slice3A_1213 = vector.extract_strided_slice %get3A_1 {offsets = [0, 19456], sizes = [64, 128], strides = [1, 1]} : vector<64x32768xf32> to vector<64x128xf32>
    %mul3A_1214 = arith.mulf %slice3A_1213, %slice3A_1213 : vector<64x128xf32>
    %reduce_sum3A_1215 = arith.constant dense<0.000000e+00> : vector<128xf32>
    %reduce_sum3A_1216 = vector.multi_reduction <add>, %mul3A_1214, %reduce_sum3A_1215 [0] : vector<64x128xf32> to vector<128xf32>
    %broadcast_in_dim3A_1217 = vector.shape_cast %reduce_sum3A_1216 : vector<128xf32> to vector<1x128xf32>
    %swap3A_1218 = arith.constant 152 : index
    %swap3A_1219 = arith.constant 0 : index
    %swap3A_1220 = vector.load %arg2[%swap3A_1218, %swap3A_1219] : memref<256x128xf32, #tpu.memory_space<vmem>>, vector<1x128xf32>
    tpu.vector_store %arg2[%swap3A_1218, %swap3A_1219], %broadcast_in_dim3A_1217 {strides = array<i32>} : memref<256x128xf32, #tpu.memory_space<vmem>>, vector<1x128xf32>,
    %slice3A_1221 = vector.extract_strided_slice %get3A_1 {offsets = [0, 19584], sizes = [64, 128], strides = [1, 1]} : vector<64x32768xf32> to vector<64x128xf32>
    %mul3A_1222 = arith.mulf %slice3A_1221, %slice3A_1221 : vector<64x128xf32>
    %reduce_sum3A_1223 = arith.constant dense<0.000000e+00> : vector<128xf32>
    %reduce_sum3A_1224 = vector.multi_reduction <add>, %mul3A_1222, %reduce_sum3A_1223 [0] : vector<64x128xf32> to vector<128xf32>
    %broadcast_in_dim3A_1225 = vector.shape_cast %reduce_sum3A_1224 : vector<128xf32> to vector<1x128xf32>
    %swap3A_1226 = arith.constant 153 : index
    %swap3A_1227 = arith.constant 0 : index
    %swap3A_1228 = vector.load %arg2[%swap3A_1226, %swap3A_1227] : memref<256x128xf32, #tpu.memory_space<vmem>>, vector<1x128xf32>
    tpu.vector_store %arg2[%swap3A_1226, %swap3A_1227], %broadcast_in_dim3A_1225 {strides = array<i32>} : memref<256x128xf32, #tpu.memory_space<vmem>>, vector<1x128xf32>,
    %slice3A_1229 = vector.extract_strided_slice %get3A_1 {offsets = [0, 19712], sizes = [64, 128], strides = [1, 1]} : vector<64x32768xf32> to vector<64x128xf32>
    %mul3A_1230 = arith.mulf %slice3A_1229, %slice3A_1229 : vector<64x128xf32>
    %reduce_sum3A_1231 = arith.constant dense<0.000000e+00> : vector<128xf32>
    %reduce_sum3A_1232 = vector.multi_reduction <add>, %mul3A_1230, %reduce_sum3A_1231 [0] : vector<64x128xf32> to vector<128xf32>
    %broadcast_in_dim3A_1233 = vector.shape_cast %reduce_sum3A_1232 : vector<128xf32> to vector<1x128xf32>
    %swap3A_1234 = arith.constant 154 : index
    %swap3A_1235 = arith.constant 0 : index
    %swap3A_1236 = vector.load %arg2[%swap3A_1234, %swap3A_1235] : memref<256x128xf32, #tpu.memory_space<vmem>>, vector<1x128xf32>
    tpu.vector_store %arg2[%swap3A_1234, %swap3A_1235], %broadcast_in_dim3A_1233 {strides = array<i32>} : memref<256x128xf32, #tpu.memory_space<vmem>>, vector<1x128xf32>,
    %slice3A_1237 = vector.extract_strided_slice %get3A_1 {offsets = [0, 19840], sizes = [64, 128], strides = [1, 1]} : vector<64x32768xf32> to vector<64x128xf32>
    %mul3A_1238 = arith.mulf %slice3A_1237, %slice3A_1237 : vector<64x128xf32>
    %reduce_sum3A_1239 = arith.constant dense<0.000000e+00> : vector<128xf32>
    %reduce_sum3A_1240 = vector.multi_reduction <add>, %mul3A_1238, %reduce_sum3A_1239 [0] : vector<64x128xf32> to vector<128xf32>
    %broadcast_in_dim3A_1241 = vector.shape_cast %reduce_sum3A_1240 : vector<128xf32> to vector<1x128xf32>
    %swap3A_1242 = arith.constant 155 : index
    %swap3A_1243 = arith.constant 0 : index
    %swap3A_1244 = vector.load %arg2[%swap3A_1242, %swap3A_1243] : memref<256x128xf32, #tpu.memory_space<vmem>>, vector<1x128xf32>
    tpu.vector_store %arg2[%swap3A_1242, %swap3A_1243], %broadcast_in_dim3A_1241 {strides = array<i32>} : memref<256x128xf32, #tpu.memory_space<vmem>>, vector<1x128xf32>,
    %slice3A_1245 = vector.extract_strided_slice %get3A_1 {offsets = [0, 19968], sizes = [64, 128], strides = [1, 1]} : vector<64x32768xf32> to vector<64x128xf32>
    %mul3A_1246 = arith.mulf %slice3A_1245, %slice3A_1245 : vector<64x128xf32>
    %reduce_sum3A_1247 = arith.constant dense<0.000000e+00> : vector<128xf32>
    %reduce_sum3A_1248 = vector.multi_reduction <add>, %mul3A_1246, %reduce_sum3A_1247 [0] : vector<64x128xf32> to vector<128xf32>
    %broadcast_in_dim3A_1249 = vector.shape_cast %reduce_sum3A_1248 : vector<128xf32> to vector<1x128xf32>
    %swap3A_1250 = arith.constant 156 : index
    %swap3A_1251 = arith.constant 0 : index
    %swap3A_1252 = vector.load %arg2[%swap3A_1250, %swap3A_1251] : memref<256x128xf32, #tpu.memory_space<vmem>>, vector<1x128xf32>
    tpu.vector_store %arg2[%swap3A_1250, %swap3A_1251], %broadcast_in_dim3A_1249 {strides = array<i32>} : memref<256x128xf32, #tpu.memory_space<vmem>>, vector<1x128xf32>,
    %slice3A_1253 = vector.extract_strided_slice %get3A_1 {offsets = [0, 20096], sizes = [64, 128], strides = [1, 1]} : vector<64x32768xf32> to vector<64x128xf32>
    %mul3A_1254 = arith.mulf %slice3A_1253, %slice3A_1253 : vector<64x128xf32>
    %reduce_sum3A_1255 = arith.constant dense<0.000000e+00> : vector<128xf32>
    %reduce_sum3A_1256 = vector.multi_reduction <add>, %mul3A_1254, %reduce_sum3A_1255 [0] : vector<64x128xf32> to vector<128xf32>
    %broadcast_in_dim3A_1257 = vector.shape_cast %reduce_sum3A_1256 : vector<128xf32> to vector<1x128xf32>
    %swap3A_1258 = arith.constant 157 : index
    %swap3A_1259 = arith.constant 0 : index
    %swap3A_1260 = vector.load %arg2[%swap3A_1258, %swap3A_1259] : memref<256x128xf32, #tpu.memory_space<vmem>>, vector<1x128xf32>
    tpu.vector_store %arg2[%swap3A_1258, %swap3A_1259], %broadcast_in_dim3A_1257 {strides = array<i32>} : memref<256x128xf32, #tpu.memory_space<vmem>>, vector<1x128xf32>,
    %slice3A_1261 = vector.extract_strided_slice %get3A_1 {offsets = [0, 20224], sizes = [64, 128], strides = [1, 1]} : vector<64x32768xf32> to vector<64x128xf32>
    %mul3A_1262 = arith.mulf %slice3A_1261, %slice3A_1261 : vector<64x128xf32>
    %reduce_sum3A_1263 = arith.constant dense<0.000000e+00> : vector<128xf32>
    %reduce_sum3A_1264 = vector.multi_reduction <add>, %mul3A_1262, %reduce_sum3A_1263 [0] : vector<64x128xf32> to vector<128xf32>
    %broadcast_in_dim3A_1265 = vector.shape_cast %reduce_sum3A_1264 : vector<128xf32> to vector<1x128xf32>
    %swap3A_1266 = arith.constant 158 : index
    %swap3A_1267 = arith.constant 0 : index
    %swap3A_1268 = vector.load %arg2[%swap3A_1266, %swap3A_1267] : memref<256x128xf32, #tpu.memory_space<vmem>>, vector<1x128xf32>
    tpu.vector_store %arg2[%swap3A_1266, %swap3A_1267], %broadcast_in_dim3A_1265 {strides = array<i32>} : memref<256x128xf32, #tpu.memory_space<vmem>>, vector<1x128xf32>,
    %slice3A_1269 = vector.extract_strided_slice %get3A_1 {offsets = [0, 20352], sizes = [64, 128], strides = [1, 1]} : vector<64x32768xf32> to vector<64x128xf32>
    %mul3A_1270 = arith.mulf %slice3A_1269, %slice3A_1269 : vector<64x128xf32>
    %reduce_sum3A_1271 = arith.constant dense<0.000000e+00> : vector<128xf32>
    %reduce_sum3A_1272 = vector.multi_reduction <add>, %mul3A_1270, %reduce_sum3A_1271 [0] : vector<64x128xf32> to vector<128xf32>
    %broadcast_in_dim3A_1273 = vector.shape_cast %reduce_sum3A_1272 : vector<128xf32> to vector<1x128xf32>
    %swap3A_1274 = arith.constant 159 : index
    %swap3A_1275 = arith.constant 0 : index
    %swap3A_1276 = vector.load %arg2[%swap3A_1274, %swap3A_1275] : memref<256x128xf32, #tpu.memory_space<vmem>>, vector<1x128xf32>
    tpu.vector_store %arg2[%swap3A_1274, %swap3A_1275], %broadcast_in_dim3A_1273 {strides = array<i32>} : memref<256x128xf32, #tpu.memory_space<vmem>>, vector<1x128xf32>,
    %slice3A_1277 = vector.extract_strided_slice %get3A_1 {offsets = [0, 20480], sizes = [64, 128], strides = [1, 1]} : vector<64x32768xf32> to vector<64x128xf32>
    %mul3A_1278 = arith.mulf %slice3A_1277, %slice3A_1277 : vector<64x128xf32>
    %reduce_sum3A_1279 = arith.constant dense<0.000000e+00> : vector<128xf32>
    %reduce_sum3A_1280 = vector.multi_reduction <add>, %mul3A_1278, %reduce_sum3A_1279 [0] : vector<64x128xf32> to vector<128xf32>
    %broadcast_in_dim3A_1281 = vector.shape_cast %reduce_sum3A_1280 : vector<128xf32> to vector<1x128xf32>
    %swap3A_1282 = arith.constant 160 : index
    %swap3A_1283 = arith.constant 0 : index
    %swap3A_1284 = vector.load %arg2[%swap3A_1282, %swap3A_1283] : memref<256x128xf32, #tpu.memory_space<vmem>>, vector<1x128xf32>
    tpu.vector_store %arg2[%swap3A_1282, %swap3A_1283], %broadcast_in_dim3A_1281 {strides = array<i32>} : memref<256x128xf32, #tpu.memory_space<vmem>>, vector<1x128xf32>,
    %slice3A_1285 = vector.extract_strided_slice %get3A_1 {offsets = [0, 20608], sizes = [64, 128], strides = [1, 1]} : vector<64x32768xf32> to vector<64x128xf32>
    %mul3A_1286 = arith.mulf %slice3A_1285, %slice3A_1285 : vector<64x128xf32>
    %reduce_sum3A_1287 = arith.constant dense<0.000000e+00> : vector<128xf32>
    %reduce_sum3A_1288 = vector.multi_reduction <add>, %mul3A_1286, %reduce_sum3A_1287 [0] : vector<64x128xf32> to vector<128xf32>
    %broadcast_in_dim3A_1289 = vector.shape_cast %reduce_sum3A_1288 : vector<128xf32> to vector<1x128xf32>
    %swap3A_1290 = arith.constant 161 : index
    %swap3A_1291 = arith.constant 0 : index
    %swap3A_1292 = vector.load %arg2[%swap3A_1290, %swap3A_1291] : memref<256x128xf32, #tpu.memory_space<vmem>>, vector<1x128xf32>
    tpu.vector_store %arg2[%swap3A_1290, %swap3A_1291], %broadcast_in_dim3A_1289 {strides = array<i32>} : memref<256x128xf32, #tpu.memory_space<vmem>>, vector<1x128xf32>,
    %slice3A_1293 = vector.extract_strided_slice %get3A_1 {offsets = [0, 20736], sizes = [64, 128], strides = [1, 1]} : vector<64x32768xf32> to vector<64x128xf32>
    %mul3A_1294 = arith.mulf %slice3A_1293, %slice3A_1293 : vector<64x128xf32>
    %reduce_sum3A_1295 = arith.constant dense<0.000000e+00> : vector<128xf32>
    %reduce_sum3A_1296 = vector.multi_reduction <add>, %mul3A_1294, %reduce_sum3A_1295 [0] : vector<64x128xf32> to vector<128xf32>
    %broadcast_in_dim3A_1297 = vector.shape_cast %reduce_sum3A_1296 : vector<128xf32> to vector<1x128xf32>
    %swap3A_1298 = arith.constant 162 : index
    %swap3A_1299 = arith.constant 0 : index
    %swap3A_1300 = vector.load %arg2[%swap3A_1298, %swap3A_1299] : memref<256x128xf32, #tpu.memory_space<vmem>>, vector<1x128xf32>
    tpu.vector_store %arg2[%swap3A_1298, %swap3A_1299], %broadcast_in_dim3A_1297 {strides = array<i32>} : memref<256x128xf32, #tpu.memory_space<vmem>>, vector<1x128xf32>,
    %slice3A_1301 = vector.extract_strided_slice %get3A_1 {offsets = [0, 20864], sizes = [64, 128], strides = [1, 1]} : vector<64x32768xf32> to vector<64x128xf32>
    %mul3A_1302 = arith.mulf %slice3A_1301, %slice3A_1301 : vector<64x128xf32>
    %reduce_sum3A_1303 = arith.constant dense<0.000000e+00> : vector<128xf32>
    %reduce_sum3A_1304 = vector.multi_reduction <add>, %mul3A_1302, %reduce_sum3A_1303 [0] : vector<64x128xf32> to vector<128xf32>
    %broadcast_in_dim3A_1305 = vector.shape_cast %reduce_sum3A_1304 : vector<128xf32> to vector<1x128xf32>
    %swap3A_1306 = arith.constant 163 : index
    %swap3A_1307 = arith.constant 0 : index
    %swap3A_1308 = vector.load %arg2[%swap3A_1306, %swap3A_1307] : memref<256x128xf32, #tpu.memory_space<vmem>>, vector<1x128xf32>
    tpu.vector_store %arg2[%swap3A_1306, %swap3A_1307], %broadcast_in_dim3A_1305 {strides = array<i32>} : memref<256x128xf32, #tpu.memory_space<vmem>>, vector<1x128xf32>,
    %slice3A_1309 = vector.extract_strided_slice %get3A_1 {offsets = [0, 20992], sizes = [64, 128], strides = [1, 1]} : vector<64x32768xf32> to vector<64x128xf32>
    %mul3A_1310 = arith.mulf %slice3A_1309, %slice3A_1309 : vector<64x128xf32>
    %reduce_sum3A_1311 = arith.constant dense<0.000000e+00> : vector<128xf32>
    %reduce_sum3A_1312 = vector.multi_reduction <add>, %mul3A_1310, %reduce_sum3A_1311 [0] : vector<64x128xf32> to vector<128xf32>
    %broadcast_in_dim3A_1313 = vector.shape_cast %reduce_sum3A_1312 : vector<128xf32> to vector<1x128xf32>
    %swap3A_1314 = arith.constant 164 : index
    %swap3A_1315 = arith.constant 0 : index
    %swap3A_1316 = vector.load %arg2[%swap3A_1314, %swap3A_1315] : memref<256x128xf32, #tpu.memory_space<vmem>>, vector<1x128xf32>
    tpu.vector_store %arg2[%swap3A_1314, %swap3A_1315], %broadcast_in_dim3A_1313 {strides = array<i32>} : memref<256x128xf32, #tpu.memory_space<vmem>>, vector<1x128xf32>,
    %slice3A_1317 = vector.extract_strided_slice %get3A_1 {offsets = [0, 21120], sizes = [64, 128], strides = [1, 1]} : vector<64x32768xf32> to vector<64x128xf32>
    %mul3A_1318 = arith.mulf %slice3A_1317, %slice3A_1317 : vector<64x128xf32>
    %reduce_sum3A_1319 = arith.constant dense<0.000000e+00> : vector<128xf32>
    %reduce_sum3A_1320 = vector.multi_reduction <add>, %mul3A_1318, %reduce_sum3A_1319 [0] : vector<64x128xf32> to vector<128xf32>
    %broadcast_in_dim3A_1321 = vector.shape_cast %reduce_sum3A_1320 : vector<128xf32> to vector<1x128xf32>
    %swap3A_1322 = arith.constant 165 : index
    %swap3A_1323 = arith.constant 0 : index
    %swap3A_1324 = vector.load %arg2[%swap3A_1322, %swap3A_1323] : memref<256x128xf32, #tpu.memory_space<vmem>>, vector<1x128xf32>
    tpu.vector_store %arg2[%swap3A_1322, %swap3A_1323], %broadcast_in_dim3A_1321 {strides = array<i32>} : memref<256x128xf32, #tpu.memory_space<vmem>>, vector<1x128xf32>,
    %slice3A_1325 = vector.extract_strided_slice %get3A_1 {offsets = [0, 21248], sizes = [64, 128], strides = [1, 1]} : vector<64x32768xf32> to vector<64x128xf32>
    %mul3A_1326 = arith.mulf %slice3A_1325, %slice3A_1325 : vector<64x128xf32>
    %reduce_sum3A_1327 = arith.constant dense<0.000000e+00> : vector<128xf32>
    %reduce_sum3A_1328 = vector.multi_reduction <add>, %mul3A_1326, %reduce_sum3A_1327 [0] : vector<64x128xf32> to vector<128xf32>
    %broadcast_in_dim3A_1329 = vector.shape_cast %reduce_sum3A_1328 : vector<128xf32> to vector<1x128xf32>
    %swap3A_1330 = arith.constant 166 : index
    %swap3A_1331 = arith.constant 0 : index
    %swap3A_1332 = vector.load %arg2[%swap3A_1330, %swap3A_1331] : memref<256x128xf32, #tpu.memory_space<vmem>>, vector<1x128xf32>
    tpu.vector_store %arg2[%swap3A_1330, %swap3A_1331], %broadcast_in_dim3A_1329 {strides = array<i32>} : memref<256x128xf32, #tpu.memory_space<vmem>>, vector<1x128xf32>,
    %slice3A_1333 = vector.extract_strided_slice %get3A_1 {offsets = [0, 21376], sizes = [64, 128], strides = [1, 1]} : vector<64x32768xf32> to vector<64x128xf32>
    %mul3A_1334 = arith.mulf %slice3A_1333, %slice3A_1333 : vector<64x128xf32>
    %reduce_sum3A_1335 = arith.constant dense<0.000000e+00> : vector<128xf32>
    %reduce_sum3A_1336 = vector.multi_reduction <add>, %mul3A_1334, %reduce_sum3A_1335 [0] : vector<64x128xf32> to vector<128xf32>
    %broadcast_in_dim3A_1337 = vector.shape_cast %reduce_sum3A_1336 : vector<128xf32> to vector<1x128xf32>
    %swap3A_1338 = arith.constant 167 : index
    %swap3A_1339 = arith.constant 0 : index
    %swap3A_1340 = vector.load %arg2[%swap3A_1338, %swap3A_1339] : memref<256x128xf32, #tpu.memory_space<vmem>>, vector<1x128xf32>
    tpu.vector_store %arg2[%swap3A_1338, %swap3A_1339], %broadcast_in_dim3A_1337 {strides = array<i32>} : memref<256x128xf32, #tpu.memory_space<vmem>>, vector<1x128xf32>,
    %slice3A_1341 = vector.extract_strided_slice %get3A_1 {offsets = [0, 21504], sizes = [64, 128], strides = [1, 1]} : vector<64x32768xf32> to vector<64x128xf32>
    %mul3A_1342 = arith.mulf %slice3A_1341, %slice3A_1341 : vector<64x128xf32>
    %reduce_sum3A_1343 = arith.constant dense<0.000000e+00> : vector<128xf32>
    %reduce_sum3A_1344 = vector.multi_reduction <add>, %mul3A_1342, %reduce_sum3A_1343 [0] : vector<64x128xf32> to vector<128xf32>
    %broadcast_in_dim3A_1345 = vector.shape_cast %reduce_sum3A_1344 : vector<128xf32> to vector<1x128xf32>
    %swap3A_1346 = arith.constant 168 : index
    %swap3A_1347 = arith.constant 0 : index
    %swap3A_1348 = vector.load %arg2[%swap3A_1346, %swap3A_1347] : memref<256x128xf32, #tpu.memory_space<vmem>>, vector<1x128xf32>
    tpu.vector_store %arg2[%swap3A_1346, %swap3A_1347], %broadcast_in_dim3A_1345 {strides = array<i32>} : memref<256x128xf32, #tpu.memory_space<vmem>>, vector<1x128xf32>,
    %slice3A_1349 = vector.extract_strided_slice %get3A_1 {offsets = [0, 21632], sizes = [64, 128], strides = [1, 1]} : vector<64x32768xf32> to vector<64x128xf32>
    %mul3A_1350 = arith.mulf %slice3A_1349, %slice3A_1349 : vector<64x128xf32>
    %reduce_sum3A_1351 = arith.constant dense<0.000000e+00> : vector<128xf32>
    %reduce_sum3A_1352 = vector.multi_reduction <add>, %mul3A_1350, %reduce_sum3A_1351 [0] : vector<64x128xf32> to vector<128xf32>
    %broadcast_in_dim3A_1353 = vector.shape_cast %reduce_sum3A_1352 : vector<128xf32> to vector<1x128xf32>
    %swap3A_1354 = arith.constant 169 : index
    %swap3A_1355 = arith.constant 0 : index
    %swap3A_1356 = vector.load %arg2[%swap3A_1354, %swap3A_1355] : memref<256x128xf32, #tpu.memory_space<vmem>>, vector<1x128xf32>
    tpu.vector_store %arg2[%swap3A_1354, %swap3A_1355], %broadcast_in_dim3A_1353 {strides = array<i32>} : memref<256x128xf32, #tpu.memory_space<vmem>>, vector<1x128xf32>,
    %slice3A_1357 = vector.extract_strided_slice %get3A_1 {offsets = [0, 21760], sizes = [64, 128], strides = [1, 1]} : vector<64x32768xf32> to vector<64x128xf32>
    %mul3A_1358 = arith.mulf %slice3A_1357, %slice3A_1357 : vector<64x128xf32>
    %reduce_sum3A_1359 = arith.constant dense<0.000000e+00> : vector<128xf32>
    %reduce_sum3A_1360 = vector.multi_reduction <add>, %mul3A_1358, %reduce_sum3A_1359 [0] : vector<64x128xf32> to vector<128xf32>
    %broadcast_in_dim3A_1361 = vector.shape_cast %reduce_sum3A_1360 : vector<128xf32> to vector<1x128xf32>
    %swap3A_1362 = arith.constant 170 : index
    %swap3A_1363 = arith.constant 0 : index
    %swap3A_1364 = vector.load %arg2[%swap3A_1362, %swap3A_1363] : memref<256x128xf32, #tpu.memory_space<vmem>>, vector<1x128xf32>
    tpu.vector_store %arg2[%swap3A_1362, %swap3A_1363], %broadcast_in_dim3A_1361 {strides = array<i32>} : memref<256x128xf32, #tpu.memory_space<vmem>>, vector<1x128xf32>,
    %slice3A_1365 = vector.extract_strided_slice %get3A_1 {offsets = [0, 21888], sizes = [64, 128], strides = [1, 1]} : vector<64x32768xf32> to vector<64x128xf32>
    %mul3A_1366 = arith.mulf %slice3A_1365, %slice3A_1365 : vector<64x128xf32>
    %reduce_sum3A_1367 = arith.constant dense<0.000000e+00> : vector<128xf32>
    %reduce_sum3A_1368 = vector.multi_reduction <add>, %mul3A_1366, %reduce_sum3A_1367 [0] : vector<64x128xf32> to vector<128xf32>
    %broadcast_in_dim3A_1369 = vector.shape_cast %reduce_sum3A_1368 : vector<128xf32> to vector<1x128xf32>
    %swap3A_1370 = arith.constant 171 : index
    %swap3A_1371 = arith.constant 0 : index
    %swap3A_1372 = vector.load %arg2[%swap3A_1370, %swap3A_1371] : memref<256x128xf32, #tpu.memory_space<vmem>>, vector<1x128xf32>
    tpu.vector_store %arg2[%swap3A_1370, %swap3A_1371], %broadcast_in_dim3A_1369 {strides = array<i32>} : memref<256x128xf32, #tpu.memory_space<vmem>>, vector<1x128xf32>,
    %slice3A_1373 = vector.extract_strided_slice %get3A_1 {offsets = [0, 22016], sizes = [64, 128], strides = [1, 1]} : vector<64x32768xf32> to vector<64x128xf32>
    %mul3A_1374 = arith.mulf %slice3A_1373, %slice3A_1373 : vector<64x128xf32>
    %reduce_sum3A_1375 = arith.constant dense<0.000000e+00> : vector<128xf32>
    %reduce_sum3A_1376 = vector.multi_reduction <add>, %mul3A_1374, %reduce_sum3A_1375 [0] : vector<64x128xf32> to vector<128xf32>
    %broadcast_in_dim3A_1377 = vector.shape_cast %reduce_sum3A_1376 : vector<128xf32> to vector<1x128xf32>
    %swap3A_1378 = arith.constant 172 : index
    %swap3A_1379 = arith.constant 0 : index
    %swap3A_1380 = vector.load %arg2[%swap3A_1378, %swap3A_1379] : memref<256x128xf32, #tpu.memory_space<vmem>>, vector<1x128xf32>
    tpu.vector_store %arg2[%swap3A_1378, %swap3A_1379], %broadcast_in_dim3A_1377 {strides = array<i32>} : memref<256x128xf32, #tpu.memory_space<vmem>>, vector<1x128xf32>,
    %slice3A_1381 = vector.extract_strided_slice %get3A_1 {offsets = [0, 22144], sizes = [64, 128], strides = [1, 1]} : vector<64x32768xf32> to vector<64x128xf32>
    %mul3A_1382 = arith.mulf %slice3A_1381, %slice3A_1381 : vector<64x128xf32>
    %reduce_sum3A_1383 = arith.constant dense<0.000000e+00> : vector<128xf32>
    %reduce_sum3A_1384 = vector.multi_reduction <add>, %mul3A_1382, %reduce_sum3A_1383 [0] : vector<64x128xf32> to vector<128xf32>
    %broadcast_in_dim3A_1385 = vector.shape_cast %reduce_sum3A_1384 : vector<128xf32> to vector<1x128xf32>
    %swap3A_1386 = arith.constant 173 : index
    %swap3A_1387 = arith.constant 0 : index
    %swap3A_1388 = vector.load %arg2[%swap3A_1386, %swap3A_1387] : memref<256x128xf32, #tpu.memory_space<vmem>>, vector<1x128xf32>
    tpu.vector_store %arg2[%swap3A_1386, %swap3A_1387], %broadcast_in_dim3A_1385 {strides = array<i32>} : memref<256x128xf32, #tpu.memory_space<vmem>>, vector<1x128xf32>,
    %slice3A_1389 = vector.extract_strided_slice %get3A_1 {offsets = [0, 22272], sizes = [64, 128], strides = [1, 1]} : vector<64x32768xf32> to vector<64x128xf32>
    %mul3A_1390 = arith.mulf %slice3A_1389, %slice3A_1389 : vector<64x128xf32>
    %reduce_sum3A_1391 = arith.constant dense<0.000000e+00> : vector<128xf32>
    %reduce_sum3A_1392 = vector.multi_reduction <add>, %mul3A_1390, %reduce_sum3A_1391 [0] : vector<64x128xf32> to vector<128xf32>
    %broadcast_in_dim3A_1393 = vector.shape_cast %reduce_sum3A_1392 : vector<128xf32> to vector<1x128xf32>
    %swap3A_1394 = arith.constant 174 : index
    %swap3A_1395 = arith.constant 0 : index
    %swap3A_1396 = vector.load %arg2[%swap3A_1394, %swap3A_1395] : memref<256x128xf32, #tpu.memory_space<vmem>>, vector<1x128xf32>
    tpu.vector_store %arg2[%swap3A_1394, %swap3A_1395], %broadcast_in_dim3A_1393 {strides = array<i32>} : memref<256x128xf32, #tpu.memory_space<vmem>>, vector<1x128xf32>,
    %slice3A_1397 = vector.extract_strided_slice %get3A_1 {offsets = [0, 22400], sizes = [64, 128], strides = [1, 1]} : vector<64x32768xf32> to vector<64x128xf32>
    %mul3A_1398 = arith.mulf %slice3A_1397, %slice3A_1397 : vector<64x128xf32>
    %reduce_sum3A_1399 = arith.constant dense<0.000000e+00> : vector<128xf32>
    %reduce_sum3A_1400 = vector.multi_reduction <add>, %mul3A_1398, %reduce_sum3A_1399 [0] : vector<64x128xf32> to vector<128xf32>
    %broadcast_in_dim3A_1401 = vector.shape_cast %reduce_sum3A_1400 : vector<128xf32> to vector<1x128xf32>
    %swap3A_1402 = arith.constant 175 : index
    %swap3A_1403 = arith.constant 0 : index
    %swap3A_1404 = vector.load %arg2[%swap3A_1402, %swap3A_1403] : memref<256x128xf32, #tpu.memory_space<vmem>>, vector<1x128xf32>
    tpu.vector_store %arg2[%swap3A_1402, %swap3A_1403], %broadcast_in_dim3A_1401 {strides = array<i32>} : memref<256x128xf32, #tpu.memory_space<vmem>>, vector<1x128xf32>,
    %slice3A_1405 = vector.extract_strided_slice %get3A_1 {offsets = [0, 22528], sizes = [64, 128], strides = [1, 1]} : vector<64x32768xf32> to vector<64x128xf32>
    %mul3A_1406 = arith.mulf %slice3A_1405, %slice3A_1405 : vector<64x128xf32>
    %reduce_sum3A_1407 = arith.constant dense<0.000000e+00> : vector<128xf32>
    %reduce_sum3A_1408 = vector.multi_reduction <add>, %mul3A_1406, %reduce_sum3A_1407 [0] : vector<64x128xf32> to vector<128xf32>
    %broadcast_in_dim3A_1409 = vector.shape_cast %reduce_sum3A_1408 : vector<128xf32> to vector<1x128xf32>
    %swap3A_1410 = arith.constant 176 : index
    %swap3A_1411 = arith.constant 0 : index
    %swap3A_1412 = vector.load %arg2[%swap3A_1410, %swap3A_1411] : memref<256x128xf32, #tpu.memory_space<vmem>>, vector<1x128xf32>
    tpu.vector_store %arg2[%swap3A_1410, %swap3A_1411], %broadcast_in_dim3A_1409 {strides = array<i32>} : memref<256x128xf32, #tpu.memory_space<vmem>>, vector<1x128xf32>,
    %slice3A_1413 = vector.extract_strided_slice %get3A_1 {offsets = [0, 22656], sizes = [64, 128], strides = [1, 1]} : vector<64x32768xf32> to vector<64x128xf32>
    %mul3A_1414 = arith.mulf %slice3A_1413, %slice3A_1413 : vector<64x128xf32>
    %reduce_sum3A_1415 = arith.constant dense<0.000000e+00> : vector<128xf32>
    %reduce_sum3A_1416 = vector.multi_reduction <add>, %mul3A_1414, %reduce_sum3A_1415 [0] : vector<64x128xf32> to vector<128xf32>
    %broadcast_in_dim3A_1417 = vector.shape_cast %reduce_sum3A_1416 : vector<128xf32> to vector<1x128xf32>
    %swap3A_1418 = arith.constant 177 : index
    %swap3A_1419 = arith.constant 0 : index
    %swap3A_1420 = vector.load %arg2[%swap3A_1418, %swap3A_1419] : memref<256x128xf32, #tpu.memory_space<vmem>>, vector<1x128xf32>
    tpu.vector_store %arg2[%swap3A_1418, %swap3A_1419], %broadcast_in_dim3A_1417 {strides = array<i32>} : memref<256x128xf32, #tpu.memory_space<vmem>>, vector<1x128xf32>,
    %slice3A_1421 = vector.extract_strided_slice %get3A_1 {offsets = [0, 22784], sizes = [64, 128], strides = [1, 1]} : vector<64x32768xf32> to vector<64x128xf32>
    %mul3A_1422 = arith.mulf %slice3A_1421, %slice3A_1421 : vector<64x128xf32>
    %reduce_sum3A_1423 = arith.constant dense<0.000000e+00> : vector<128xf32>
    %reduce_sum3A_1424 = vector.multi_reduction <add>, %mul3A_1422, %reduce_sum3A_1423 [0] : vector<64x128xf32> to vector<128xf32>
    %broadcast_in_dim3A_1425 = vector.shape_cast %reduce_sum3A_1424 : vector<128xf32> to vector<1x128xf32>
    %swap3A_1426 = arith.constant 178 : index
    %swap3A_1427 = arith.constant 0 : index
    %swap3A_1428 = vector.load %arg2[%swap3A_1426, %swap3A_1427] : memref<256x128xf32, #tpu.memory_space<vmem>>, vector<1x128xf32>
    tpu.vector_store %arg2[%swap3A_1426, %swap3A_1427], %broadcast_in_dim3A_1425 {strides = array<i32>} : memref<256x128xf32, #tpu.memory_space<vmem>>, vector<1x128xf32>,
    %slice3A_1429 = vector.extract_strided_slice %get3A_1 {offsets = [0, 22912], sizes = [64, 128], strides = [1, 1]} : vector<64x32768xf32> to vector<64x128xf32>
    %mul3A_1430 = arith.mulf %slice3A_1429, %slice3A_1429 : vector<64x128xf32>
    %reduce_sum3A_1431 = arith.constant dense<0.000000e+00> : vector<128xf32>
    %reduce_sum3A_1432 = vector.multi_reduction <add>, %mul3A_1430, %reduce_sum3A_1431 [0] : vector<64x128xf32> to vector<128xf32>
    %broadcast_in_dim3A_1433 = vector.shape_cast %reduce_sum3A_1432 : vector<128xf32> to vector<1x128xf32>
    %swap3A_1434 = arith.constant 179 : index
    %swap3A_1435 = arith.constant 0 : index
    %swap3A_1436 = vector.load %arg2[%swap3A_1434, %swap3A_1435] : memref<256x128xf32, #tpu.memory_space<vmem>>, vector<1x128xf32>
    tpu.vector_store %arg2[%swap3A_1434, %swap3A_1435], %broadcast_in_dim3A_1433 {strides = array<i32>} : memref<256x128xf32, #tpu.memory_space<vmem>>, vector<1x128xf32>,
    %slice3A_1437 = vector.extract_strided_slice %get3A_1 {offsets = [0, 23040], sizes = [64, 128], strides = [1, 1]} : vector<64x32768xf32> to vector<64x128xf32>
    %mul3A_1438 = arith.mulf %slice3A_1437, %slice3A_1437 : vector<64x128xf32>
    %reduce_sum3A_1439 = arith.constant dense<0.000000e+00> : vector<128xf32>
    %reduce_sum3A_1440 = vector.multi_reduction <add>, %mul3A_1438, %reduce_sum3A_1439 [0] : vector<64x128xf32> to vector<128xf32>
    %broadcast_in_dim3A_1441 = vector.shape_cast %reduce_sum3A_1440 : vector<128xf32> to vector<1x128xf32>
    %swap3A_1442 = arith.constant 180 : index
    %swap3A_1443 = arith.constant 0 : index
    %swap3A_1444 = vector.load %arg2[%swap3A_1442, %swap3A_1443] : memref<256x128xf32, #tpu.memory_space<vmem>>, vector<1x128xf32>
    tpu.vector_store %arg2[%swap3A_1442, %swap3A_1443], %broadcast_in_dim3A_1441 {strides = array<i32>} : memref<256x128xf32, #tpu.memory_space<vmem>>, vector<1x128xf32>,
    %slice3A_1445 = vector.extract_strided_slice %get3A_1 {offsets = [0, 23168], sizes = [64, 128], strides = [1, 1]} : vector<64x32768xf32> to vector<64x128xf32>
    %mul3A_1446 = arith.mulf %slice3A_1445, %slice3A_1445 : vector<64x128xf32>
    %reduce_sum3A_1447 = arith.constant dense<0.000000e+00> : vector<128xf32>
    %reduce_sum3A_1448 = vector.multi_reduction <add>, %mul3A_1446, %reduce_sum3A_1447 [0] : vector<64x128xf32> to vector<128xf32>
    %broadcast_in_dim3A_1449 = vector.shape_cast %reduce_sum3A_1448 : vector<128xf32> to vector<1x128xf32>
    %swap3A_1450 = arith.constant 181 : index
    %swap3A_1451 = arith.constant 0 : index
    %swap3A_1452 = vector.load %arg2[%swap3A_1450, %swap3A_1451] : memref<256x128xf32, #tpu.memory_space<vmem>>, vector<1x128xf32>
    tpu.vector_store %arg2[%swap3A_1450, %swap3A_1451], %broadcast_in_dim3A_1449 {strides = array<i32>} : memref<256x128xf32, #tpu.memory_space<vmem>>, vector<1x128xf32>,
    %slice3A_1453 = vector.extract_strided_slice %get3A_1 {offsets = [0, 23296], sizes = [64, 128], strides = [1, 1]} : vector<64x32768xf32> to vector<64x128xf32>
    %mul3A_1454 = arith.mulf %slice3A_1453, %slice3A_1453 : vector<64x128xf32>
    %reduce_sum3A_1455 = arith.constant dense<0.000000e+00> : vector<128xf32>
    %reduce_sum3A_1456 = vector.multi_reduction <add>, %mul3A_1454, %reduce_sum3A_1455 [0] : vector<64x128xf32> to vector<128xf32>
    %broadcast_in_dim3A_1457 = vector.shape_cast %reduce_sum3A_1456 : vector<128xf32> to vector<1x128xf32>
    %swap3A_1458 = arith.constant 182 : index
    %swap3A_1459 = arith.constant 0 : index
    %swap3A_1460 = vector.load %arg2[%swap3A_1458, %swap3A_1459] : memref<256x128xf32, #tpu.memory_space<vmem>>, vector<1x128xf32>
    tpu.vector_store %arg2[%swap3A_1458, %swap3A_1459], %broadcast_in_dim3A_1457 {strides = array<i32>} : memref<256x128xf32, #tpu.memory_space<vmem>>, vector<1x128xf32>,
    %slice3A_1461 = vector.extract_strided_slice %get3A_1 {offsets = [0, 23424], sizes = [64, 128], strides = [1, 1]} : vector<64x32768xf32> to vector<64x128xf32>
    %mul3A_1462 = arith.mulf %slice3A_1461, %slice3A_1461 : vector<64x128xf32>
    %reduce_sum3A_1463 = arith.constant dense<0.000000e+00> : vector<128xf32>
    %reduce_sum3A_1464 = vector.multi_reduction <add>, %mul3A_1462, %reduce_sum3A_1463 [0] : vector<64x128xf32> to vector<128xf32>
    %broadcast_in_dim3A_1465 = vector.shape_cast %reduce_sum3A_1464 : vector<128xf32> to vector<1x128xf32>
    %swap3A_1466 = arith.constant 183 : index
    %swap3A_1467 = arith.constant 0 : index
    %swap3A_1468 = vector.load %arg2[%swap3A_1466, %swap3A_1467] : memref<256x128xf32, #tpu.memory_space<vmem>>, vector<1x128xf32>
    tpu.vector_store %arg2[%swap3A_1466, %swap3A_1467], %broadcast_in_dim3A_1465 {strides = array<i32>} : memref<256x128xf32, #tpu.memory_space<vmem>>, vector<1x128xf32>,
    %slice3A_1469 = vector.extract_strided_slice %get3A_1 {offsets = [0, 23552], sizes = [64, 128], strides = [1, 1]} : vector<64x32768xf32> to vector<64x128xf32>
    %mul3A_1470 = arith.mulf %slice3A_1469, %slice3A_1469 : vector<64x128xf32>
    %reduce_sum3A_1471 = arith.constant dense<0.000000e+00> : vector<128xf32>
    %reduce_sum3A_1472 = vector.multi_reduction <add>, %mul3A_1470, %reduce_sum3A_1471 [0] : vector<64x128xf32> to vector<128xf32>
    %broadcast_in_dim3A_1473 = vector.shape_cast %reduce_sum3A_1472 : vector<128xf32> to vector<1x128xf32>
    %swap3A_1474 = arith.constant 184 : index
    %swap3A_1475 = arith.constant 0 : index
    %swap3A_1476 = vector.load %arg2[%swap3A_1474, %swap3A_1475] : memref<256x128xf32, #tpu.memory_space<vmem>>, vector<1x128xf32>
    tpu.vector_store %arg2[%swap3A_1474, %swap3A_1475], %broadcast_in_dim3A_1473 {strides = array<i32>} : memref<256x128xf32, #tpu.memory_space<vmem>>, vector<1x128xf32>,
    %slice3A_1477 = vector.extract_strided_slice %get3A_1 {offsets = [0, 23680], sizes = [64, 128], strides = [1, 1]} : vector<64x32768xf32> to vector<64x128xf32>
    %mul3A_1478 = arith.mulf %slice3A_1477, %slice3A_1477 : vector<64x128xf32>
    %reduce_sum3A_1479 = arith.constant dense<0.000000e+00> : vector<128xf32>
    %reduce_sum3A_1480 = vector.multi_reduction <add>, %mul3A_1478, %reduce_sum3A_1479 [0] : vector<64x128xf32> to vector<128xf32>
    %broadcast_in_dim3A_1481 = vector.shape_cast %reduce_sum3A_1480 : vector<128xf32> to vector<1x128xf32>
    %swap3A_1482 = arith.constant 185 : index
    %swap3A_1483 = arith.constant 0 : index
    %swap3A_1484 = vector.load %arg2[%swap3A_1482, %swap3A_1483] : memref<256x128xf32, #tpu.memory_space<vmem>>, vector<1x128xf32>
    tpu.vector_store %arg2[%swap3A_1482, %swap3A_1483], %broadcast_in_dim3A_1481 {strides = array<i32>} : memref<256x128xf32, #tpu.memory_space<vmem>>, vector<1x128xf32>,
    %slice3A_1485 = vector.extract_strided_slice %get3A_1 {offsets = [0, 23808], sizes = [64, 128], strides = [1, 1]} : vector<64x32768xf32> to vector<64x128xf32>
    %mul3A_1486 = arith.mulf %slice3A_1485, %slice3A_1485 : vector<64x128xf32>
    %reduce_sum3A_1487 = arith.constant dense<0.000000e+00> : vector<128xf32>
    %reduce_sum3A_1488 = vector.multi_reduction <add>, %mul3A_1486, %reduce_sum3A_1487 [0] : vector<64x128xf32> to vector<128xf32>
    %broadcast_in_dim3A_1489 = vector.shape_cast %reduce_sum3A_1488 : vector<128xf32> to vector<1x128xf32>
    %swap3A_1490 = arith.constant 186 : index
    %swap3A_1491 = arith.constant 0 : index
    %swap3A_1492 = vector.load %arg2[%swap3A_1490, %swap3A_1491] : memref<256x128xf32, #tpu.memory_space<vmem>>, vector<1x128xf32>
    tpu.vector_store %arg2[%swap3A_1490, %swap3A_1491], %broadcast_in_dim3A_1489 {strides = array<i32>} : memref<256x128xf32, #tpu.memory_space<vmem>>, vector<1x128xf32>,
    %slice3A_1493 = vector.extract_strided_slice %get3A_1 {offsets = [0, 23936], sizes = [64, 128], strides = [1, 1]} : vector<64x32768xf32> to vector<64x128xf32>
    %mul3A_1494 = arith.mulf %slice3A_1493, %slice3A_1493 : vector<64x128xf32>
    %reduce_sum3A_1495 = arith.constant dense<0.000000e+00> : vector<128xf32>
    %reduce_sum3A_1496 = vector.multi_reduction <add>, %mul3A_1494, %reduce_sum3A_1495 [0] : vector<64x128xf32> to vector<128xf32>
    %broadcast_in_dim3A_1497 = vector.shape_cast %reduce_sum3A_1496 : vector<128xf32> to vector<1x128xf32>
    %swap3A_1498 = arith.constant 187 : index
    %swap3A_1499 = arith.constant 0 : index
    %swap3A_1500 = vector.load %arg2[%swap3A_1498, %swap3A_1499] : memref<256x128xf32, #tpu.memory_space<vmem>>, vector<1x128xf32>
    tpu.vector_store %arg2[%swap3A_1498, %swap3A_1499], %broadcast_in_dim3A_1497 {strides = array<i32>} : memref<256x128xf32, #tpu.memory_space<vmem>>, vector<1x128xf32>,
    %slice3A_1501 = vector.extract_strided_slice %get3A_1 {offsets = [0, 24064], sizes = [64, 128], strides = [1, 1]} : vector<64x32768xf32> to vector<64x128xf32>
    %mul3A_1502 = arith.mulf %slice3A_1501, %slice3A_1501 : vector<64x128xf32>
    %reduce_sum3A_1503 = arith.constant dense<0.000000e+00> : vector<128xf32>
    %reduce_sum3A_1504 = vector.multi_reduction <add>, %mul3A_1502, %reduce_sum3A_1503 [0] : vector<64x128xf32> to vector<128xf32>
    %broadcast_in_dim3A_1505 = vector.shape_cast %reduce_sum3A_1504 : vector<128xf32> to vector<1x128xf32>
    %swap3A_1506 = arith.constant 188 : index
    %swap3A_1507 = arith.constant 0 : index
    %swap3A_1508 = vector.load %arg2[%swap3A_1506, %swap3A_1507] : memref<256x128xf32, #tpu.memory_space<vmem>>, vector<1x128xf32>
    tpu.vector_store %arg2[%swap3A_1506, %swap3A_1507], %broadcast_in_dim3A_1505 {strides = array<i32>} : memref<256x128xf32, #tpu.memory_space<vmem>>, vector<1x128xf32>,
    %slice3A_1509 = vector.extract_strided_slice %get3A_1 {offsets = [0, 24192], sizes = [64, 128], strides = [1, 1]} : vector<64x32768xf32> to vector<64x128xf32>
    %mul3A_1510 = arith.mulf %slice3A_1509, %slice3A_1509 : vector<64x128xf32>
    %reduce_sum3A_1511 = arith.constant dense<0.000000e+00> : vector<128xf32>
    %reduce_sum3A_1512 = vector.multi_reduction <add>, %mul3A_1510, %reduce_sum3A_1511 [0] : vector<64x128xf32> to vector<128xf32>
    %broadcast_in_dim3A_1513 = vector.shape_cast %reduce_sum3A_1512 : vector<128xf32> to vector<1x128xf32>
    %swap3A_1514 = arith.constant 189 : index
    %swap3A_1515 = arith.constant 0 : index
    %swap3A_1516 = vector.load %arg2[%swap3A_1514, %swap3A_1515] : memref<256x128xf32, #tpu.memory_space<vmem>>, vector<1x128xf32>
    tpu.vector_store %arg2[%swap3A_1514, %swap3A_1515], %broadcast_in_dim3A_1513 {strides = array<i32>} : memref<256x128xf32, #tpu.memory_space<vmem>>, vector<1x128xf32>,
    %slice3A_1517 = vector.extract_strided_slice %get3A_1 {offsets = [0, 24320], sizes = [64, 128], strides = [1, 1]} : vector<64x32768xf32> to vector<64x128xf32>
    %mul3A_1518 = arith.mulf %slice3A_1517, %slice3A_1517 : vector<64x128xf32>
    %reduce_sum3A_1519 = arith.constant dense<0.000000e+00> : vector<128xf32>
    %reduce_sum3A_1520 = vector.multi_reduction <add>, %mul3A_1518, %reduce_sum3A_1519 [0] : vector<64x128xf32> to vector<128xf32>
    %broadcast_in_dim3A_1521 = vector.shape_cast %reduce_sum3A_1520 : vector<128xf32> to vector<1x128xf32>
    %swap3A_1522 = arith.constant 190 : index
    %swap3A_1523 = arith.constant 0 : index
    %swap3A_1524 = vector.load %arg2[%swap3A_1522, %swap3A_1523] : memref<256x128xf32, #tpu.memory_space<vmem>>, vector<1x128xf32>
    tpu.vector_store %arg2[%swap3A_1522, %swap3A_1523], %broadcast_in_dim3A_1521 {strides = array<i32>} : memref<256x128xf32, #tpu.memory_space<vmem>>, vector<1x128xf32>,
    %slice3A_1525 = vector.extract_strided_slice %get3A_1 {offsets = [0, 24448], sizes = [64, 128], strides = [1, 1]} : vector<64x32768xf32> to vector<64x128xf32>
    %mul3A_1526 = arith.mulf %slice3A_1525, %slice3A_1525 : vector<64x128xf32>
    %reduce_sum3A_1527 = arith.constant dense<0.000000e+00> : vector<128xf32>
    %reduce_sum3A_1528 = vector.multi_reduction <add>, %mul3A_1526, %reduce_sum3A_1527 [0] : vector<64x128xf32> to vector<128xf32>
    %broadcast_in_dim3A_1529 = vector.shape_cast %reduce_sum3A_1528 : vector<128xf32> to vector<1x128xf32>
    %swap3A_1530 = arith.constant 191 : index
    %swap3A_1531 = arith.constant 0 : index
    %swap3A_1532 = vector.load %arg2[%swap3A_1530, %swap3A_1531] : memref<256x128xf32, #tpu.memory_space<vmem>>, vector<1x128xf32>
    tpu.vector_store %arg2[%swap3A_1530, %swap3A_1531], %broadcast_in_dim3A_1529 {strides = array<i32>} : memref<256x128xf32, #tpu.memory_space<vmem>>, vector<1x128xf32>,
    %slice3A_1533 = vector.extract_strided_slice %get3A_1 {offsets = [0, 24576], sizes = [64, 128], strides = [1, 1]} : vector<64x32768xf32> to vector<64x128xf32>
    %mul3A_1534 = arith.mulf %slice3A_1533, %slice3A_1533 : vector<64x128xf32>
    %reduce_sum3A_1535 = arith.constant dense<0.000000e+00> : vector<128xf32>
    %reduce_sum3A_1536 = vector.multi_reduction <add>, %mul3A_1534, %reduce_sum3A_1535 [0] : vector<64x128xf32> to vector<128xf32>
    %broadcast_in_dim3A_1537 = vector.shape_cast %reduce_sum3A_1536 : vector<128xf32> to vector<1x128xf32>
    %swap3A_1538 = arith.constant 192 : index
    %swap3A_1539 = arith.constant 0 : index
    %swap3A_1540 = vector.load %arg2[%swap3A_1538, %swap3A_1539] : memref<256x128xf32, #tpu.memory_space<vmem>>, vector<1x128xf32>
    tpu.vector_store %arg2[%swap3A_1538, %swap3A_1539], %broadcast_in_dim3A_1537 {strides = array<i32>} : memref<256x128xf32, #tpu.memory_space<vmem>>, vector<1x128xf32>,
    %slice3A_1541 = vector.extract_strided_slice %get3A_1 {offsets = [0, 24704], sizes = [64, 128], strides = [1, 1]} : vector<64x32768xf32> to vector<64x128xf32>
    %mul3A_1542 = arith.mulf %slice3A_1541, %slice3A_1541 : vector<64x128xf32>
    %reduce_sum3A_1543 = arith.constant dense<0.000000e+00> : vector<128xf32>
    %reduce_sum3A_1544 = vector.multi_reduction <add>, %mul3A_1542, %reduce_sum3A_1543 [0] : vector<64x128xf32> to vector<128xf32>
    %broadcast_in_dim3A_1545 = vector.shape_cast %reduce_sum3A_1544 : vector<128xf32> to vector<1x128xf32>
    %swap3A_1546 = arith.constant 193 : index
    %swap3A_1547 = arith.constant 0 : index
    %swap3A_1548 = vector.load %arg2[%swap3A_1546, %swap3A_1547] : memref<256x128xf32, #tpu.memory_space<vmem>>, vector<1x128xf32>
    tpu.vector_store %arg2[%swap3A_1546, %swap3A_1547], %broadcast_in_dim3A_1545 {strides = array<i32>} : memref<256x128xf32, #tpu.memory_space<vmem>>, vector<1x128xf32>,
    %slice3A_1549 = vector.extract_strided_slice %get3A_1 {offsets = [0, 24832], sizes = [64, 128], strides = [1, 1]} : vector<64x32768xf32> to vector<64x128xf32>
    %mul3A_1550 = arith.mulf %slice3A_1549, %slice3A_1549 : vector<64x128xf32>
    %reduce_sum3A_1551 = arith.constant dense<0.000000e+00> : vector<128xf32>
    %reduce_sum3A_1552 = vector.multi_reduction <add>, %mul3A_1550, %reduce_sum3A_1551 [0] : vector<64x128xf32> to vector<128xf32>
    %broadcast_in_dim3A_1553 = vector.shape_cast %reduce_sum3A_1552 : vector<128xf32> to vector<1x128xf32>
    %swap3A_1554 = arith.constant 194 : index
    %swap3A_1555 = arith.constant 0 : index
    %swap3A_1556 = vector.load %arg2[%swap3A_1554, %swap3A_1555] : memref<256x128xf32, #tpu.memory_space<vmem>>, vector<1x128xf32>
    tpu.vector_store %arg2[%swap3A_1554, %swap3A_1555], %broadcast_in_dim3A_1553 {strides = array<i32>} : memref<256x128xf32, #tpu.memory_space<vmem>>, vector<1x128xf32>,
    %slice3A_1557 = vector.extract_strided_slice %get3A_1 {offsets = [0, 24960], sizes = [64, 128], strides = [1, 1]} : vector<64x32768xf32> to vector<64x128xf32>
    %mul3A_1558 = arith.mulf %slice3A_1557, %slice3A_1557 : vector<64x128xf32>
    %reduce_sum3A_1559 = arith.constant dense<0.000000e+00> : vector<128xf32>
    %reduce_sum3A_1560 = vector.multi_reduction <add>, %mul3A_1558, %reduce_sum3A_1559 [0] : vector<64x128xf32> to vector<128xf32>
    %broadcast_in_dim3A_1561 = vector.shape_cast %reduce_sum3A_1560 : vector<128xf32> to vector<1x128xf32>
    %swap3A_1562 = arith.constant 195 : index
    %swap3A_1563 = arith.constant 0 : index
    %swap3A_1564 = vector.load %arg2[%swap3A_1562, %swap3A_1563] : memref<256x128xf32, #tpu.memory_space<vmem>>, vector<1x128xf32>
    tpu.vector_store %arg2[%swap3A_1562, %swap3A_1563], %broadcast_in_dim3A_1561 {strides = array<i32>} : memref<256x128xf32, #tpu.memory_space<vmem>>, vector<1x128xf32>,
    %slice3A_1565 = vector.extract_strided_slice %get3A_1 {offsets = [0, 25088], sizes = [64, 128], strides = [1, 1]} : vector<64x32768xf32> to vector<64x128xf32>
    %mul3A_1566 = arith.mulf %slice3A_1565, %slice3A_1565 : vector<64x128xf32>
    %reduce_sum3A_1567 = arith.constant dense<0.000000e+00> : vector<128xf32>
    %reduce_sum3A_1568 = vector.multi_reduction <add>, %mul3A_1566, %reduce_sum3A_1567 [0] : vector<64x128xf32> to vector<128xf32>
    %broadcast_in_dim3A_1569 = vector.shape_cast %reduce_sum3A_1568 : vector<128xf32> to vector<1x128xf32>
    %swap3A_1570 = arith.constant 196 : index
    %swap3A_1571 = arith.constant 0 : index
    %swap3A_1572 = vector.load %arg2[%swap3A_1570, %swap3A_1571] : memref<256x128xf32, #tpu.memory_space<vmem>>, vector<1x128xf32>
    tpu.vector_store %arg2[%swap3A_1570, %swap3A_1571], %broadcast_in_dim3A_1569 {strides = array<i32>} : memref<256x128xf32, #tpu.memory_space<vmem>>, vector<1x128xf32>,
    %slice3A_1573 = vector.extract_strided_slice %get3A_1 {offsets = [0, 25216], sizes = [64, 128], strides = [1, 1]} : vector<64x32768xf32> to vector<64x128xf32>
    %mul3A_1574 = arith.mulf %slice3A_1573, %slice3A_1573 : vector<64x128xf32>
    %reduce_sum3A_1575 = arith.constant dense<0.000000e+00> : vector<128xf32>
    %reduce_sum3A_1576 = vector.multi_reduction <add>, %mul3A_1574, %reduce_sum3A_1575 [0] : vector<64x128xf32> to vector<128xf32>
    %broadcast_in_dim3A_1577 = vector.shape_cast %reduce_sum3A_1576 : vector<128xf32> to vector<1x128xf32>
    %swap3A_1578 = arith.constant 197 : index
    %swap3A_1579 = arith.constant 0 : index
    %swap3A_1580 = vector.load %arg2[%swap3A_1578, %swap3A_1579] : memref<256x128xf32, #tpu.memory_space<vmem>>, vector<1x128xf32>
    tpu.vector_store %arg2[%swap3A_1578, %swap3A_1579], %broadcast_in_dim3A_1577 {strides = array<i32>} : memref<256x128xf32, #tpu.memory_space<vmem>>, vector<1x128xf32>,
    %slice3A_1581 = vector.extract_strided_slice %get3A_1 {offsets = [0, 25344], sizes = [64, 128], strides = [1, 1]} : vector<64x32768xf32> to vector<64x128xf32>
    %mul3A_1582 = arith.mulf %slice3A_1581, %slice3A_1581 : vector<64x128xf32>
    %reduce_sum3A_1583 = arith.constant dense<0.000000e+00> : vector<128xf32>
    %reduce_sum3A_1584 = vector.multi_reduction <add>, %mul3A_1582, %reduce_sum3A_1583 [0] : vector<64x128xf32> to vector<128xf32>
    %broadcast_in_dim3A_1585 = vector.shape_cast %reduce_sum3A_1584 : vector<128xf32> to vector<1x128xf32>
    %swap3A_1586 = arith.constant 198 : index
    %swap3A_1587 = arith.constant 0 : index
    %swap3A_1588 = vector.load %arg2[%swap3A_1586, %swap3A_1587] : memref<256x128xf32, #tpu.memory_space<vmem>>, vector<1x128xf32>
    tpu.vector_store %arg2[%swap3A_1586, %swap3A_1587], %broadcast_in_dim3A_1585 {strides = array<i32>} : memref<256x128xf32, #tpu.memory_space<vmem>>, vector<1x128xf32>,
    %slice3A_1589 = vector.extract_strided_slice %get3A_1 {offsets = [0, 25472], sizes = [64, 128], strides = [1, 1]} : vector<64x32768xf32> to vector<64x128xf32>
    %mul3A_1590 = arith.mulf %slice3A_1589, %slice3A_1589 : vector<64x128xf32>
    %reduce_sum3A_1591 = arith.constant dense<0.000000e+00> : vector<128xf32>
    %reduce_sum3A_1592 = vector.multi_reduction <add>, %mul3A_1590, %reduce_sum3A_1591 [0] : vector<64x128xf32> to vector<128xf32>
    %broadcast_in_dim3A_1593 = vector.shape_cast %reduce_sum3A_1592 : vector<128xf32> to vector<1x128xf32>
    %swap3A_1594 = arith.constant 199 : index
    %swap3A_1595 = arith.constant 0 : index
    %swap3A_1596 = vector.load %arg2[%swap3A_1594, %swap3A_1595] : memref<256x128xf32, #tpu.memory_space<vmem>>, vector<1x128xf32>
    tpu.vector_store %arg2[%swap3A_1594, %swap3A_1595], %broadcast_in_dim3A_1593 {strides = array<i32>} : memref<256x128xf32, #tpu.memory_space<vmem>>, vector<1x128xf32>,
    %slice3A_1597 = vector.extract_strided_slice %get3A_1 {offsets = [0, 25600], sizes = [64, 128], strides = [1, 1]} : vector<64x32768xf32> to vector<64x128xf32>
    %mul3A_1598 = arith.mulf %slice3A_1597, %slice3A_1597 : vector<64x128xf32>
    %reduce_sum3A_1599 = arith.constant dense<0.000000e+00> : vector<128xf32>
    %reduce_sum3A_1600 = vector.multi_reduction <add>, %mul3A_1598, %reduce_sum3A_1599 [0] : vector<64x128xf32> to vector<128xf32>
    %broadcast_in_dim3A_1601 = vector.shape_cast %reduce_sum3A_1600 : vector<128xf32> to vector<1x128xf32>
    %swap3A_1602 = arith.constant 200 : index
    %swap3A_1603 = arith.constant 0 : index
    %swap3A_1604 = vector.load %arg2[%swap3A_1602, %swap3A_1603] : memref<256x128xf32, #tpu.memory_space<vmem>>, vector<1x128xf32>
    tpu.vector_store %arg2[%swap3A_1602, %swap3A_1603], %broadcast_in_dim3A_1601 {strides = array<i32>} : memref<256x128xf32, #tpu.memory_space<vmem>>, vector<1x128xf32>,
    %slice3A_1605 = vector.extract_strided_slice %get3A_1 {offsets = [0, 25728], sizes = [64, 128], strides = [1, 1]} : vector<64x32768xf32> to vector<64x128xf32>
    %mul3A_1606 = arith.mulf %slice3A_1605, %slice3A_1605 : vector<64x128xf32>
    %reduce_sum3A_1607 = arith.constant dense<0.000000e+00> : vector<128xf32>
    %reduce_sum3A_1608 = vector.multi_reduction <add>, %mul3A_1606, %reduce_sum3A_1607 [0] : vector<64x128xf32> to vector<128xf32>
    %broadcast_in_dim3A_1609 = vector.shape_cast %reduce_sum3A_1608 : vector<128xf32> to vector<1x128xf32>
    %swap3A_1610 = arith.constant 201 : index
    %swap3A_1611 = arith.constant 0 : index
    %swap3A_1612 = vector.load %arg2[%swap3A_1610, %swap3A_1611] : memref<256x128xf32, #tpu.memory_space<vmem>>, vector<1x128xf32>
    tpu.vector_store %arg2[%swap3A_1610, %swap3A_1611], %broadcast_in_dim3A_1609 {strides = array<i32>} : memref<256x128xf32, #tpu.memory_space<vmem>>, vector<1x128xf32>,
    %slice3A_1613 = vector.extract_strided_slice %get3A_1 {offsets = [0, 25856], sizes = [64, 128], strides = [1, 1]} : vector<64x32768xf32> to vector<64x128xf32>
    %mul3A_1614 = arith.mulf %slice3A_1613, %slice3A_1613 : vector<64x128xf32>
    %reduce_sum3A_1615 = arith.constant dense<0.000000e+00> : vector<128xf32>
    %reduce_sum3A_1616 = vector.multi_reduction <add>, %mul3A_1614, %reduce_sum3A_1615 [0] : vector<64x128xf32> to vector<128xf32>
    %broadcast_in_dim3A_1617 = vector.shape_cast %reduce_sum3A_1616 : vector<128xf32> to vector<1x128xf32>
    %swap3A_1618 = arith.constant 202 : index
    %swap3A_1619 = arith.constant 0 : index
    %swap3A_1620 = vector.load %arg2[%swap3A_1618, %swap3A_1619] : memref<256x128xf32, #tpu.memory_space<vmem>>, vector<1x128xf32>
    tpu.vector_store %arg2[%swap3A_1618, %swap3A_1619], %broadcast_in_dim3A_1617 {strides = array<i32>} : memref<256x128xf32, #tpu.memory_space<vmem>>, vector<1x128xf32>,
    %slice3A_1621 = vector.extract_strided_slice %get3A_1 {offsets = [0, 25984], sizes = [64, 128], strides = [1, 1]} : vector<64x32768xf32> to vector<64x128xf32>
    %mul3A_1622 = arith.mulf %slice3A_1621, %slice3A_1621 : vector<64x128xf32>
    %reduce_sum3A_1623 = arith.constant dense<0.000000e+00> : vector<128xf32>
    %reduce_sum3A_1624 = vector.multi_reduction <add>, %mul3A_1622, %reduce_sum3A_1623 [0] : vector<64x128xf32> to vector<128xf32>
    %broadcast_in_dim3A_1625 = vector.shape_cast %reduce_sum3A_1624 : vector<128xf32> to vector<1x128xf32>
    %swap3A_1626 = arith.constant 203 : index
    %swap3A_1627 = arith.constant 0 : index
    %swap3A_1628 = vector.load %arg2[%swap3A_1626, %swap3A_1627] : memref<256x128xf32, #tpu.memory_space<vmem>>, vector<1x128xf32>
    tpu.vector_store %arg2[%swap3A_1626, %swap3A_1627], %broadcast_in_dim3A_1625 {strides = array<i32>} : memref<256x128xf32, #tpu.memory_space<vmem>>, vector<1x128xf32>,
    %slice3A_1629 = vector.extract_strided_slice %get3A_1 {offsets = [0, 26112], sizes = [64, 128], strides = [1, 1]} : vector<64x32768xf32> to vector<64x128xf32>
    %mul3A_1630 = arith.mulf %slice3A_1629, %slice3A_1629 : vector<64x128xf32>
    %reduce_sum3A_1631 = arith.constant dense<0.000000e+00> : vector<128xf32>
    %reduce_sum3A_1632 = vector.multi_reduction <add>, %mul3A_1630, %reduce_sum3A_1631 [0] : vector<64x128xf32> to vector<128xf32>
    %broadcast_in_dim3A_1633 = vector.shape_cast %reduce_sum3A_1632 : vector<128xf32> to vector<1x128xf32>
    %swap3A_1634 = arith.constant 204 : index
    %swap3A_1635 = arith.constant 0 : index
    %swap3A_1636 = vector.load %arg2[%swap3A_1634, %swap3A_1635] : memref<256x128xf32, #tpu.memory_space<vmem>>, vector<1x128xf32>
    tpu.vector_store %arg2[%swap3A_1634, %swap3A_1635], %broadcast_in_dim3A_1633 {strides = array<i32>} : memref<256x128xf32, #tpu.memory_space<vmem>>, vector<1x128xf32>,
    %slice3A_1637 = vector.extract_strided_slice %get3A_1 {offsets = [0, 26240], sizes = [64, 128], strides = [1, 1]} : vector<64x32768xf32> to vector<64x128xf32>
    %mul3A_1638 = arith.mulf %slice3A_1637, %slice3A_1637 : vector<64x128xf32>
    %reduce_sum3A_1639 = arith.constant dense<0.000000e+00> : vector<128xf32>
    %reduce_sum3A_1640 = vector.multi_reduction <add>, %mul3A_1638, %reduce_sum3A_1639 [0] : vector<64x128xf32> to vector<128xf32>
    %broadcast_in_dim3A_1641 = vector.shape_cast %reduce_sum3A_1640 : vector<128xf32> to vector<1x128xf32>
    %swap3A_1642 = arith.constant 205 : index
    %swap3A_1643 = arith.constant 0 : index
    %swap3A_1644 = vector.load %arg2[%swap3A_1642, %swap3A_1643] : memref<256x128xf32, #tpu.memory_space<vmem>>, vector<1x128xf32>
    tpu.vector_store %arg2[%swap3A_1642, %swap3A_1643], %broadcast_in_dim3A_1641 {strides = array<i32>} : memref<256x128xf32, #tpu.memory_space<vmem>>, vector<1x128xf32>,
    %slice3A_1645 = vector.extract_strided_slice %get3A_1 {offsets = [0, 26368], sizes = [64, 128], strides = [1, 1]} : vector<64x32768xf32> to vector<64x128xf32>
    %mul3A_1646 = arith.mulf %slice3A_1645, %slice3A_1645 : vector<64x128xf32>
    %reduce_sum3A_1647 = arith.constant dense<0.000000e+00> : vector<128xf32>
    %reduce_sum3A_1648 = vector.multi_reduction <add>, %mul3A_1646, %reduce_sum3A_1647 [0] : vector<64x128xf32> to vector<128xf32>
    %broadcast_in_dim3A_1649 = vector.shape_cast %reduce_sum3A_1648 : vector<128xf32> to vector<1x128xf32>
    %swap3A_1650 = arith.constant 206 : index
    %swap3A_1651 = arith.constant 0 : index
    %swap3A_1652 = vector.load %arg2[%swap3A_1650, %swap3A_1651] : memref<256x128xf32, #tpu.memory_space<vmem>>, vector<1x128xf32>
    tpu.vector_store %arg2[%swap3A_1650, %swap3A_1651], %broadcast_in_dim3A_1649 {strides = array<i32>} : memref<256x128xf32, #tpu.memory_space<vmem>>, vector<1x128xf32>,
    %slice3A_1653 = vector.extract_strided_slice %get3A_1 {offsets = [0, 26496], sizes = [64, 128], strides = [1, 1]} : vector<64x32768xf32> to vector<64x128xf32>
    %mul3A_1654 = arith.mulf %slice3A_1653, %slice3A_1653 : vector<64x128xf32>
    %reduce_sum3A_1655 = arith.constant dense<0.000000e+00> : vector<128xf32>
    %reduce_sum3A_1656 = vector.multi_reduction <add>, %mul3A_1654, %reduce_sum3A_1655 [0] : vector<64x128xf32> to vector<128xf32>
    %broadcast_in_dim3A_1657 = vector.shape_cast %reduce_sum3A_1656 : vector<128xf32> to vector<1x128xf32>
    %swap3A_1658 = arith.constant 207 : index
    %swap3A_1659 = arith.constant 0 : index
    %swap3A_1660 = vector.load %arg2[%swap3A_1658, %swap3A_1659] : memref<256x128xf32, #tpu.memory_space<vmem>>, vector<1x128xf32>
    tpu.vector_store %arg2[%swap3A_1658, %swap3A_1659], %broadcast_in_dim3A_1657 {strides = array<i32>} : memref<256x128xf32, #tpu.memory_space<vmem>>, vector<1x128xf32>,
    %slice3A_1661 = vector.extract_strided_slice %get3A_1 {offsets = [0, 26624], sizes = [64, 128], strides = [1, 1]} : vector<64x32768xf32> to vector<64x128xf32>
    %mul3A_1662 = arith.mulf %slice3A_1661, %slice3A_1661 : vector<64x128xf32>
    %reduce_sum3A_1663 = arith.constant dense<0.000000e+00> : vector<128xf32>
    %reduce_sum3A_1664 = vector.multi_reduction <add>, %mul3A_1662, %reduce_sum3A_1663 [0] : vector<64x128xf32> to vector<128xf32>
    %broadcast_in_dim3A_1665 = vector.shape_cast %reduce_sum3A_1664 : vector<128xf32> to vector<1x128xf32>
    %swap3A_1666 = arith.constant 208 : index
    %swap3A_1667 = arith.constant 0 : index
    %swap3A_1668 = vector.load %arg2[%swap3A_1666, %swap3A_1667] : memref<256x128xf32, #tpu.memory_space<vmem>>, vector<1x128xf32>
    tpu.vector_store %arg2[%swap3A_1666, %swap3A_1667], %broadcast_in_dim3A_1665 {strides = array<i32>} : memref<256x128xf32, #tpu.memory_space<vmem>>, vector<1x128xf32>,
    %slice3A_1669 = vector.extract_strided_slice %get3A_1 {offsets = [0, 26752], sizes = [64, 128], strides = [1, 1]} : vector<64x32768xf32> to vector<64x128xf32>
    %mul3A_1670 = arith.mulf %slice3A_1669, %slice3A_1669 : vector<64x128xf32>
    %reduce_sum3A_1671 = arith.constant dense<0.000000e+00> : vector<128xf32>
    %reduce_sum3A_1672 = vector.multi_reduction <add>, %mul3A_1670, %reduce_sum3A_1671 [0] : vector<64x128xf32> to vector<128xf32>
    %broadcast_in_dim3A_1673 = vector.shape_cast %reduce_sum3A_1672 : vector<128xf32> to vector<1x128xf32>
    %swap3A_1674 = arith.constant 209 : index
    %swap3A_1675 = arith.constant 0 : index
    %swap3A_1676 = vector.load %arg2[%swap3A_1674, %swap3A_1675] : memref<256x128xf32, #tpu.memory_space<vmem>>, vector<1x128xf32>
    tpu.vector_store %arg2[%swap3A_1674, %swap3A_1675], %broadcast_in_dim3A_1673 {strides = array<i32>} : memref<256x128xf32, #tpu.memory_space<vmem>>, vector<1x128xf32>,
    %slice3A_1677 = vector.extract_strided_slice %get3A_1 {offsets = [0, 26880], sizes = [64, 128], strides = [1, 1]} : vector<64x32768xf32> to vector<64x128xf32>
    %mul3A_1678 = arith.mulf %slice3A_1677, %slice3A_1677 : vector<64x128xf32>
    %reduce_sum3A_1679 = arith.constant dense<0.000000e+00> : vector<128xf32>
    %reduce_sum3A_1680 = vector.multi_reduction <add>, %mul3A_1678, %reduce_sum3A_1679 [0] : vector<64x128xf32> to vector<128xf32>
    %broadcast_in_dim3A_1681 = vector.shape_cast %reduce_sum3A_1680 : vector<128xf32> to vector<1x128xf32>
    %swap3A_1682 = arith.constant 210 : index
    %swap3A_1683 = arith.constant 0 : index
    %swap3A_1684 = vector.load %arg2[%swap3A_1682, %swap3A_1683] : memref<256x128xf32, #tpu.memory_space<vmem>>, vector<1x128xf32>
    tpu.vector_store %arg2[%swap3A_1682, %swap3A_1683], %broadcast_in_dim3A_1681 {strides = array<i32>} : memref<256x128xf32, #tpu.memory_space<vmem>>, vector<1x128xf32>,
    %slice3A_1685 = vector.extract_strided_slice %get3A_1 {offsets = [0, 27008], sizes = [64, 128], strides = [1, 1]} : vector<64x32768xf32> to vector<64x128xf32>
    %mul3A_1686 = arith.mulf %slice3A_1685, %slice3A_1685 : vector<64x128xf32>
    %reduce_sum3A_1687 = arith.constant dense<0.000000e+00> : vector<128xf32>
    %reduce_sum3A_1688 = vector.multi_reduction <add>, %mul3A_1686, %reduce_sum3A_1687 [0] : vector<64x128xf32> to vector<128xf32>
    %broadcast_in_dim3A_1689 = vector.shape_cast %reduce_sum3A_1688 : vector<128xf32> to vector<1x128xf32>
    %swap3A_1690 = arith.constant 211 : index
    %swap3A_1691 = arith.constant 0 : index
    %swap3A_1692 = vector.load %arg2[%swap3A_1690, %swap3A_1691] : memref<256x128xf32, #tpu.memory_space<vmem>>, vector<1x128xf32>
    tpu.vector_store %arg2[%swap3A_1690, %swap3A_1691], %broadcast_in_dim3A_1689 {strides = array<i32>} : memref<256x128xf32, #tpu.memory_space<vmem>>, vector<1x128xf32>,
    %slice3A_1693 = vector.extract_strided_slice %get3A_1 {offsets = [0, 27136], sizes = [64, 128], strides = [1, 1]} : vector<64x32768xf32> to vector<64x128xf32>
    %mul3A_1694 = arith.mulf %slice3A_1693, %slice3A_1693 : vector<64x128xf32>
    %reduce_sum3A_1695 = arith.constant dense<0.000000e+00> : vector<128xf32>
    %reduce_sum3A_1696 = vector.multi_reduction <add>, %mul3A_1694, %reduce_sum3A_1695 [0] : vector<64x128xf32> to vector<128xf32>
    %broadcast_in_dim3A_1697 = vector.shape_cast %reduce_sum3A_1696 : vector<128xf32> to vector<1x128xf32>
    %swap3A_1698 = arith.constant 212 : index
    %swap3A_1699 = arith.constant 0 : index
    %swap3A_1700 = vector.load %arg2[%swap3A_1698, %swap3A_1699] : memref<256x128xf32, #tpu.memory_space<vmem>>, vector<1x128xf32>
    tpu.vector_store %arg2[%swap3A_1698, %swap3A_1699], %broadcast_in_dim3A_1697 {strides = array<i32>} : memref<256x128xf32, #tpu.memory_space<vmem>>, vector<1x128xf32>,
    %slice3A_1701 = vector.extract_strided_slice %get3A_1 {offsets = [0, 27264], sizes = [64, 128], strides = [1, 1]} : vector<64x32768xf32> to vector<64x128xf32>
    %mul3A_1702 = arith.mulf %slice3A_1701, %slice3A_1701 : vector<64x128xf32>
    %reduce_sum3A_1703 = arith.constant dense<0.000000e+00> : vector<128xf32>
    %reduce_sum3A_1704 = vector.multi_reduction <add>, %mul3A_1702, %reduce_sum3A_1703 [0] : vector<64x128xf32> to vector<128xf32>
    %broadcast_in_dim3A_1705 = vector.shape_cast %reduce_sum3A_1704 : vector<128xf32> to vector<1x128xf32>
    %swap3A_1706 = arith.constant 213 : index
    %swap3A_1707 = arith.constant 0 : index
    %swap3A_1708 = vector.load %arg2[%swap3A_1706, %swap3A_1707] : memref<256x128xf32, #tpu.memory_space<vmem>>, vector<1x128xf32>
    tpu.vector_store %arg2[%swap3A_1706, %swap3A_1707], %broadcast_in_dim3A_1705 {strides = array<i32>} : memref<256x128xf32, #tpu.memory_space<vmem>>, vector<1x128xf32>,
    %slice3A_1709 = vector.extract_strided_slice %get3A_1 {offsets = [0, 27392], sizes = [64, 128], strides = [1, 1]} : vector<64x32768xf32> to vector<64x128xf32>
    %mul3A_1710 = arith.mulf %slice3A_1709, %slice3A_1709 : vector<64x128xf32>
    %reduce_sum3A_1711 = arith.constant dense<0.000000e+00> : vector<128xf32>
    %reduce_sum3A_1712 = vector.multi_reduction <add>, %mul3A_1710, %reduce_sum3A_1711 [0] : vector<64x128xf32> to vector<128xf32>
    %broadcast_in_dim3A_1713 = vector.shape_cast %reduce_sum3A_1712 : vector<128xf32> to vector<1x128xf32>
    %swap3A_1714 = arith.constant 214 : index
    %swap3A_1715 = arith.constant 0 : index
    %swap3A_1716 = vector.load %arg2[%swap3A_1714, %swap3A_1715] : memref<256x128xf32, #tpu.memory_space<vmem>>, vector<1x128xf32>
    tpu.vector_store %arg2[%swap3A_1714, %swap3A_1715], %broadcast_in_dim3A_1713 {strides = array<i32>} : memref<256x128xf32, #tpu.memory_space<vmem>>, vector<1x128xf32>,
    %slice3A_1717 = vector.extract_strided_slice %get3A_1 {offsets = [0, 27520], sizes = [64, 128], strides = [1, 1]} : vector<64x32768xf32> to vector<64x128xf32>
    %mul3A_1718 = arith.mulf %slice3A_1717, %slice3A_1717 : vector<64x128xf32>
    %reduce_sum3A_1719 = arith.constant dense<0.000000e+00> : vector<128xf32>
    %reduce_sum3A_1720 = vector.multi_reduction <add>, %mul3A_1718, %reduce_sum3A_1719 [0] : vector<64x128xf32> to vector<128xf32>
    %broadcast_in_dim3A_1721 = vector.shape_cast %reduce_sum3A_1720 : vector<128xf32> to vector<1x128xf32>
    %swap3A_1722 = arith.constant 215 : index
    %swap3A_1723 = arith.constant 0 : index
    %swap3A_1724 = vector.load %arg2[%swap3A_1722, %swap3A_1723] : memref<256x128xf32, #tpu.memory_space<vmem>>, vector<1x128xf32>
    tpu.vector_store %arg2[%swap3A_1722, %swap3A_1723], %broadcast_in_dim3A_1721 {strides = array<i32>} : memref<256x128xf32, #tpu.memory_space<vmem>>, vector<1x128xf32>,
    %slice3A_1725 = vector.extract_strided_slice %get3A_1 {offsets = [0, 27648], sizes = [64, 128], strides = [1, 1]} : vector<64x32768xf32> to vector<64x128xf32>
    %mul3A_1726 = arith.mulf %slice3A_1725, %slice3A_1725 : vector<64x128xf32>
    %reduce_sum3A_1727 = arith.constant dense<0.000000e+00> : vector<128xf32>
    %reduce_sum3A_1728 = vector.multi_reduction <add>, %mul3A_1726, %reduce_sum3A_1727 [0] : vector<64x128xf32> to vector<128xf32>
    %broadcast_in_dim3A_1729 = vector.shape_cast %reduce_sum3A_1728 : vector<128xf32> to vector<1x128xf32>
    %swap3A_1730 = arith.constant 216 : index
    %swap3A_1731 = arith.constant 0 : index
    %swap3A_1732 = vector.load %arg2[%swap3A_1730, %swap3A_1731] : memref<256x128xf32, #tpu.memory_space<vmem>>, vector<1x128xf32>
    tpu.vector_store %arg2[%swap3A_1730, %swap3A_1731], %broadcast_in_dim3A_1729 {strides = array<i32>} : memref<256x128xf32, #tpu.memory_space<vmem>>, vector<1x128xf32>,
    %slice3A_1733 = vector.extract_strided_slice %get3A_1 {offsets = [0, 27776], sizes = [64, 128], strides = [1, 1]} : vector<64x32768xf32> to vector<64x128xf32>
    %mul3A_1734 = arith.mulf %slice3A_1733, %slice3A_1733 : vector<64x128xf32>
    %reduce_sum3A_1735 = arith.constant dense<0.000000e+00> : vector<128xf32>
    %reduce_sum3A_1736 = vector.multi_reduction <add>, %mul3A_1734, %reduce_sum3A_1735 [0] : vector<64x128xf32> to vector<128xf32>
    %broadcast_in_dim3A_1737 = vector.shape_cast %reduce_sum3A_1736 : vector<128xf32> to vector<1x128xf32>
    %swap3A_1738 = arith.constant 217 : index
    %swap3A_1739 = arith.constant 0 : index
    %swap3A_1740 = vector.load %arg2[%swap3A_1738, %swap3A_1739] : memref<256x128xf32, #tpu.memory_space<vmem>>, vector<1x128xf32>
    tpu.vector_store %arg2[%swap3A_1738, %swap3A_1739], %broadcast_in_dim3A_1737 {strides = array<i32>} : memref<256x128xf32, #tpu.memory_space<vmem>>, vector<1x128xf32>,
    %slice3A_1741 = vector.extract_strided_slice %get3A_1 {offsets = [0, 27904], sizes = [64, 128], strides = [1, 1]} : vector<64x32768xf32> to vector<64x128xf32>
    %mul3A_1742 = arith.mulf %slice3A_1741, %slice3A_1741 : vector<64x128xf32>
    %reduce_sum3A_1743 = arith.constant dense<0.000000e+00> : vector<128xf32>
    %reduce_sum3A_1744 = vector.multi_reduction <add>, %mul3A_1742, %reduce_sum3A_1743 [0] : vector<64x128xf32> to vector<128xf32>
    %broadcast_in_dim3A_1745 = vector.shape_cast %reduce_sum3A_1744 : vector<128xf32> to vector<1x128xf32>
    %swap3A_1746 = arith.constant 218 : index
    %swap3A_1747 = arith.constant 0 : index
    %swap3A_1748 = vector.load %arg2[%swap3A_1746, %swap3A_1747] : memref<256x128xf32, #tpu.memory_space<vmem>>, vector<1x128xf32>
    tpu.vector_store %arg2[%swap3A_1746, %swap3A_1747], %broadcast_in_dim3A_1745 {strides = array<i32>} : memref<256x128xf32, #tpu.memory_space<vmem>>, vector<1x128xf32>,
    %slice3A_1749 = vector.extract_strided_slice %get3A_1 {offsets = [0, 28032], sizes = [64, 128], strides = [1, 1]} : vector<64x32768xf32> to vector<64x128xf32>
    %mul3A_1750 = arith.mulf %slice3A_1749, %slice3A_1749 : vector<64x128xf32>
    %reduce_sum3A_1751 = arith.constant dense<0.000000e+00> : vector<128xf32>
    %reduce_sum3A_1752 = vector.multi_reduction <add>, %mul3A_1750, %reduce_sum3A_1751 [0] : vector<64x128xf32> to vector<128xf32>
    %broadcast_in_dim3A_1753 = vector.shape_cast %reduce_sum3A_1752 : vector<128xf32> to vector<1x128xf32>
    %swap3A_1754 = arith.constant 219 : index
    %swap3A_1755 = arith.constant 0 : index
    %swap3A_1756 = vector.load %arg2[%swap3A_1754, %swap3A_1755] : memref<256x128xf32, #tpu.memory_space<vmem>>, vector<1x128xf32>
    tpu.vector_store %arg2[%swap3A_1754, %swap3A_1755], %broadcast_in_dim3A_1753 {strides = array<i32>} : memref<256x128xf32, #tpu.memory_space<vmem>>, vector<1x128xf32>,
    %slice3A_1757 = vector.extract_strided_slice %get3A_1 {offsets = [0, 28160], sizes = [64, 128], strides = [1, 1]} : vector<64x32768xf32> to vector<64x128xf32>
    %mul3A_1758 = arith.mulf %slice3A_1757, %slice3A_1757 : vector<64x128xf32>
    %reduce_sum3A_1759 = arith.constant dense<0.000000e+00> : vector<128xf32>
    %reduce_sum3A_1760 = vector.multi_reduction <add>, %mul3A_1758, %reduce_sum3A_1759 [0] : vector<64x128xf32> to vector<128xf32>
    %broadcast_in_dim3A_1761 = vector.shape_cast %reduce_sum3A_1760 : vector<128xf32> to vector<1x128xf32>
    %swap3A_1762 = arith.constant 220 : index
    %swap3A_1763 = arith.constant 0 : index
    %swap3A_1764 = vector.load %arg2[%swap3A_1762, %swap3A_1763] : memref<256x128xf32, #tpu.memory_space<vmem>>, vector<1x128xf32>
    tpu.vector_store %arg2[%swap3A_1762, %swap3A_1763], %broadcast_in_dim3A_1761 {strides = array<i32>} : memref<256x128xf32, #tpu.memory_space<vmem>>, vector<1x128xf32>,
    %slice3A_1765 = vector.extract_strided_slice %get3A_1 {offsets = [0, 28288], sizes = [64, 128], strides = [1, 1]} : vector<64x32768xf32> to vector<64x128xf32>
    %mul3A_1766 = arith.mulf %slice3A_1765, %slice3A_1765 : vector<64x128xf32>
    %reduce_sum3A_1767 = arith.constant dense<0.000000e+00> : vector<128xf32>
    %reduce_sum3A_1768 = vector.multi_reduction <add>, %mul3A_1766, %reduce_sum3A_1767 [0] : vector<64x128xf32> to vector<128xf32>
    %broadcast_in_dim3A_1769 = vector.shape_cast %reduce_sum3A_1768 : vector<128xf32> to vector<1x128xf32>
    %swap3A_1770 = arith.constant 221 : index
    %swap3A_1771 = arith.constant 0 : index
    %swap3A_1772 = vector.load %arg2[%swap3A_1770, %swap3A_1771] : memref<256x128xf32, #tpu.memory_space<vmem>>, vector<1x128xf32>
    tpu.vector_store %arg2[%swap3A_1770, %swap3A_1771], %broadcast_in_dim3A_1769 {strides = array<i32>} : memref<256x128xf32, #tpu.memory_space<vmem>>, vector<1x128xf32>,
    %slice3A_1773 = vector.extract_strided_slice %get3A_1 {offsets = [0, 28416], sizes = [64, 128], strides = [1, 1]} : vector<64x32768xf32> to vector<64x128xf32>
    %mul3A_1774 = arith.mulf %slice3A_1773, %slice3A_1773 : vector<64x128xf32>
    %reduce_sum3A_1775 = arith.constant dense<0.000000e+00> : vector<128xf32>
    %reduce_sum3A_1776 = vector.multi_reduction <add>, %mul3A_1774, %reduce_sum3A_1775 [0] : vector<64x128xf32> to vector<128xf32>
    %broadcast_in_dim3A_1777 = vector.shape_cast %reduce_sum3A_1776 : vector<128xf32> to vector<1x128xf32>
    %swap3A_1778 = arith.constant 222 : index
    %swap3A_1779 = arith.constant 0 : index
    %swap3A_1780 = vector.load %arg2[%swap3A_1778, %swap3A_1779] : memref<256x128xf32, #tpu.memory_space<vmem>>, vector<1x128xf32>
    tpu.vector_store %arg2[%swap3A_1778, %swap3A_1779], %broadcast_in_dim3A_1777 {strides = array<i32>} : memref<256x128xf32, #tpu.memory_space<vmem>>, vector<1x128xf32>,
    %slice3A_1781 = vector.extract_strided_slice %get3A_1 {offsets = [0, 28544], sizes = [64, 128], strides = [1, 1]} : vector<64x32768xf32> to vector<64x128xf32>
    %mul3A_1782 = arith.mulf %slice3A_1781, %slice3A_1781 : vector<64x128xf32>
    %reduce_sum3A_1783 = arith.constant dense<0.000000e+00> : vector<128xf32>
    %reduce_sum3A_1784 = vector.multi_reduction <add>, %mul3A_1782, %reduce_sum3A_1783 [0] : vector<64x128xf32> to vector<128xf32>
    %broadcast_in_dim3A_1785 = vector.shape_cast %reduce_sum3A_1784 : vector<128xf32> to vector<1x128xf32>
    %swap3A_1786 = arith.constant 223 : index
    %swap3A_1787 = arith.constant 0 : index
    %swap3A_1788 = vector.load %arg2[%swap3A_1786, %swap3A_1787] : memref<256x128xf32, #tpu.memory_space<vmem>>, vector<1x128xf32>
    tpu.vector_store %arg2[%swap3A_1786, %swap3A_1787], %broadcast_in_dim3A_1785 {strides = array<i32>} : memref<256x128xf32, #tpu.memory_space<vmem>>, vector<1x128xf32>,
    %slice3A_1789 = vector.extract_strided_slice %get3A_1 {offsets = [0, 28672], sizes = [64, 128], strides = [1, 1]} : vector<64x32768xf32> to vector<64x128xf32>
    %mul3A_1790 = arith.mulf %slice3A_1789, %slice3A_1789 : vector<64x128xf32>
    %reduce_sum3A_1791 = arith.constant dense<0.000000e+00> : vector<128xf32>
    %reduce_sum3A_1792 = vector.multi_reduction <add>, %mul3A_1790, %reduce_sum3A_1791 [0] : vector<64x128xf32> to vector<128xf32>
    %broadcast_in_dim3A_1793 = vector.shape_cast %reduce_sum3A_1792 : vector<128xf32> to vector<1x128xf32>
    %swap3A_1794 = arith.constant 224 : index
    %swap3A_1795 = arith.constant 0 : index
    %swap3A_1796 = vector.load %arg2[%swap3A_1794, %swap3A_1795] : memref<256x128xf32, #tpu.memory_space<vmem>>, vector<1x128xf32>
    tpu.vector_store %arg2[%swap3A_1794, %swap3A_1795], %broadcast_in_dim3A_1793 {strides = array<i32>} : memref<256x128xf32, #tpu.memory_space<vmem>>, vector<1x128xf32>,
    %slice3A_1797 = vector.extract_strided_slice %get3A_1 {offsets = [0, 28800], sizes = [64, 128], strides = [1, 1]} : vector<64x32768xf32> to vector<64x128xf32>
    %mul3A_1798 = arith.mulf %slice3A_1797, %slice3A_1797 : vector<64x128xf32>
    %reduce_sum3A_1799 = arith.constant dense<0.000000e+00> : vector<128xf32>
    %reduce_sum3A_1800 = vector.multi_reduction <add>, %mul3A_1798, %reduce_sum3A_1799 [0] : vector<64x128xf32> to vector<128xf32>
    %broadcast_in_dim3A_1801 = vector.shape_cast %reduce_sum3A_1800 : vector<128xf32> to vector<1x128xf32>
    %swap3A_1802 = arith.constant 225 : index
    %swap3A_1803 = arith.constant 0 : index
    %swap3A_1804 = vector.load %arg2[%swap3A_1802, %swap3A_1803] : memref<256x128xf32, #tpu.memory_space<vmem>>, vector<1x128xf32>
    tpu.vector_store %arg2[%swap3A_1802, %swap3A_1803], %broadcast_in_dim3A_1801 {strides = array<i32>} : memref<256x128xf32, #tpu.memory_space<vmem>>, vector<1x128xf32>,
    %slice3A_1805 = vector.extract_strided_slice %get3A_1 {offsets = [0, 28928], sizes = [64, 128], strides = [1, 1]} : vector<64x32768xf32> to vector<64x128xf32>
    %mul3A_1806 = arith.mulf %slice3A_1805, %slice3A_1805 : vector<64x128xf32>
    %reduce_sum3A_1807 = arith.constant dense<0.000000e+00> : vector<128xf32>
    %reduce_sum3A_1808 = vector.multi_reduction <add>, %mul3A_1806, %reduce_sum3A_1807 [0] : vector<64x128xf32> to vector<128xf32>
    %broadcast_in_dim3A_1809 = vector.shape_cast %reduce_sum3A_1808 : vector<128xf32> to vector<1x128xf32>
    %swap3A_1810 = arith.constant 226 : index
    %swap3A_1811 = arith.constant 0 : index
    %swap3A_1812 = vector.load %arg2[%swap3A_1810, %swap3A_1811] : memref<256x128xf32, #tpu.memory_space<vmem>>, vector<1x128xf32>
    tpu.vector_store %arg2[%swap3A_1810, %swap3A_1811], %broadcast_in_dim3A_1809 {strides = array<i32>} : memref<256x128xf32, #tpu.memory_space<vmem>>, vector<1x128xf32>,
    %slice3A_1813 = vector.extract_strided_slice %get3A_1 {offsets = [0, 29056], sizes = [64, 128], strides = [1, 1]} : vector<64x32768xf32> to vector<64x128xf32>
    %mul3A_1814 = arith.mulf %slice3A_1813, %slice3A_1813 : vector<64x128xf32>
    %reduce_sum3A_1815 = arith.constant dense<0.000000e+00> : vector<128xf32>
    %reduce_sum3A_1816 = vector.multi_reduction <add>, %mul3A_1814, %reduce_sum3A_1815 [0] : vector<64x128xf32> to vector<128xf32>
    %broadcast_in_dim3A_1817 = vector.shape_cast %reduce_sum3A_1816 : vector<128xf32> to vector<1x128xf32>
    %swap3A_1818 = arith.constant 227 : index
    %swap3A_1819 = arith.constant 0 : index
    %swap3A_1820 = vector.load %arg2[%swap3A_1818, %swap3A_1819] : memref<256x128xf32, #tpu.memory_space<vmem>>, vector<1x128xf32>
    tpu.vector_store %arg2[%swap3A_1818, %swap3A_1819], %broadcast_in_dim3A_1817 {strides = array<i32>} : memref<256x128xf32, #tpu.memory_space<vmem>>, vector<1x128xf32>,
    %slice3A_1821 = vector.extract_strided_slice %get3A_1 {offsets = [0, 29184], sizes = [64, 128], strides = [1, 1]} : vector<64x32768xf32> to vector<64x128xf32>
    %mul3A_1822 = arith.mulf %slice3A_1821, %slice3A_1821 : vector<64x128xf32>
    %reduce_sum3A_1823 = arith.constant dense<0.000000e+00> : vector<128xf32>
    %reduce_sum3A_1824 = vector.multi_reduction <add>, %mul3A_1822, %reduce_sum3A_1823 [0] : vector<64x128xf32> to vector<128xf32>
    %broadcast_in_dim3A_1825 = vector.shape_cast %reduce_sum3A_1824 : vector<128xf32> to vector<1x128xf32>
    %swap3A_1826 = arith.constant 228 : index
    %swap3A_1827 = arith.constant 0 : index
    %swap3A_1828 = vector.load %arg2[%swap3A_1826, %swap3A_1827] : memref<256x128xf32, #tpu.memory_space<vmem>>, vector<1x128xf32>
    tpu.vector_store %arg2[%swap3A_1826, %swap3A_1827], %broadcast_in_dim3A_1825 {strides = array<i32>} : memref<256x128xf32, #tpu.memory_space<vmem>>, vector<1x128xf32>,
    %slice3A_1829 = vector.extract_strided_slice %get3A_1 {offsets = [0, 29312], sizes = [64, 128], strides = [1, 1]} : vector<64x32768xf32> to vector<64x128xf32>
    %mul3A_1830 = arith.mulf %slice3A_1829, %slice3A_1829 : vector<64x128xf32>
    %reduce_sum3A_1831 = arith.constant dense<0.000000e+00> : vector<128xf32>
    %reduce_sum3A_1832 = vector.multi_reduction <add>, %mul3A_1830, %reduce_sum3A_1831 [0] : vector<64x128xf32> to vector<128xf32>
    %broadcast_in_dim3A_1833 = vector.shape_cast %reduce_sum3A_1832 : vector<128xf32> to vector<1x128xf32>
    %swap3A_1834 = arith.constant 229 : index
    %swap3A_1835 = arith.constant 0 : index
    %swap3A_1836 = vector.load %arg2[%swap3A_1834, %swap3A_1835] : memref<256x128xf32, #tpu.memory_space<vmem>>, vector<1x128xf32>
    tpu.vector_store %arg2[%swap3A_1834, %swap3A_1835], %broadcast_in_dim3A_1833 {strides = array<i32>} : memref<256x128xf32, #tpu.memory_space<vmem>>, vector<1x128xf32>,
    %slice3A_1837 = vector.extract_strided_slice %get3A_1 {offsets = [0, 29440], sizes = [64, 128], strides = [1, 1]} : vector<64x32768xf32> to vector<64x128xf32>
    %mul3A_1838 = arith.mulf %slice3A_1837, %slice3A_1837 : vector<64x128xf32>
    %reduce_sum3A_1839 = arith.constant dense<0.000000e+00> : vector<128xf32>
    %reduce_sum3A_1840 = vector.multi_reduction <add>, %mul3A_1838, %reduce_sum3A_1839 [0] : vector<64x128xf32> to vector<128xf32>
    %broadcast_in_dim3A_1841 = vector.shape_cast %reduce_sum3A_1840 : vector<128xf32> to vector<1x128xf32>
    %swap3A_1842 = arith.constant 230 : index
    %swap3A_1843 = arith.constant 0 : index
    %swap3A_1844 = vector.load %arg2[%swap3A_1842, %swap3A_1843] : memref<256x128xf32, #tpu.memory_space<vmem>>, vector<1x128xf32>
    tpu.vector_store %arg2[%swap3A_1842, %swap3A_1843], %broadcast_in_dim3A_1841 {strides = array<i32>} : memref<256x128xf32, #tpu.memory_space<vmem>>, vector<1x128xf32>,
    %slice3A_1845 = vector.extract_strided_slice %get3A_1 {offsets = [0, 29568], sizes = [64, 128], strides = [1, 1]} : vector<64x32768xf32> to vector<64x128xf32>
    %mul3A_1846 = arith.mulf %slice3A_1845, %slice3A_1845 : vector<64x128xf32>
    %reduce_sum3A_1847 = arith.constant dense<0.000000e+00> : vector<128xf32>
    %reduce_sum3A_1848 = vector.multi_reduction <add>, %mul3A_1846, %reduce_sum3A_1847 [0] : vector<64x128xf32> to vector<128xf32>
    %broadcast_in_dim3A_1849 = vector.shape_cast %reduce_sum3A_1848 : vector<128xf32> to vector<1x128xf32>
    %swap3A_1850 = arith.constant 231 : index
    %swap3A_1851 = arith.constant 0 : index
    %swap3A_1852 = vector.load %arg2[%swap3A_1850, %swap3A_1851] : memref<256x128xf32, #tpu.memory_space<vmem>>, vector<1x128xf32>
    tpu.vector_store %arg2[%swap3A_1850, %swap3A_1851], %broadcast_in_dim3A_1849 {strides = array<i32>} : memref<256x128xf32, #tpu.memory_space<vmem>>, vector<1x128xf32>,
    %slice3A_1853 = vector.extract_strided_slice %get3A_1 {offsets = [0, 29696], sizes = [64, 128], strides = [1, 1]} : vector<64x32768xf32> to vector<64x128xf32>
    %mul3A_1854 = arith.mulf %slice3A_1853, %slice3A_1853 : vector<64x128xf32>
    %reduce_sum3A_1855 = arith.constant dense<0.000000e+00> : vector<128xf32>
    %reduce_sum3A_1856 = vector.multi_reduction <add>, %mul3A_1854, %reduce_sum3A_1855 [0] : vector<64x128xf32> to vector<128xf32>
    %broadcast_in_dim3A_1857 = vector.shape_cast %reduce_sum3A_1856 : vector<128xf32> to vector<1x128xf32>
    %swap3A_1858 = arith.constant 232 : index
    %swap3A_1859 = arith.constant 0 : index
    %swap3A_1860 = vector.load %arg2[%swap3A_1858, %swap3A_1859] : memref<256x128xf32, #tpu.memory_space<vmem>>, vector<1x128xf32>
    tpu.vector_store %arg2[%swap3A_1858, %swap3A_1859], %broadcast_in_dim3A_1857 {strides = array<i32>} : memref<256x128xf32, #tpu.memory_space<vmem>>, vector<1x128xf32>,
    %slice3A_1861 = vector.extract_strided_slice %get3A_1 {offsets = [0, 29824], sizes = [64, 128], strides = [1, 1]} : vector<64x32768xf32> to vector<64x128xf32>
    %mul3A_1862 = arith.mulf %slice3A_1861, %slice3A_1861 : vector<64x128xf32>
    %reduce_sum3A_1863 = arith.constant dense<0.000000e+00> : vector<128xf32>
    %reduce_sum3A_1864 = vector.multi_reduction <add>, %mul3A_1862, %reduce_sum3A_1863 [0] : vector<64x128xf32> to vector<128xf32>
    %broadcast_in_dim3A_1865 = vector.shape_cast %reduce_sum3A_1864 : vector<128xf32> to vector<1x128xf32>
    %swap3A_1866 = arith.constant 233 : index
    %swap3A_1867 = arith.constant 0 : index
    %swap3A_1868 = vector.load %arg2[%swap3A_1866, %swap3A_1867] : memref<256x128xf32, #tpu.memory_space<vmem>>, vector<1x128xf32>
    tpu.vector_store %arg2[%swap3A_1866, %swap3A_1867], %broadcast_in_dim3A_1865 {strides = array<i32>} : memref<256x128xf32, #tpu.memory_space<vmem>>, vector<1x128xf32>,
    %slice3A_1869 = vector.extract_strided_slice %get3A_1 {offsets = [0, 29952], sizes = [64, 128], strides = [1, 1]} : vector<64x32768xf32> to vector<64x128xf32>
    %mul3A_1870 = arith.mulf %slice3A_1869, %slice3A_1869 : vector<64x128xf32>
    %reduce_sum3A_1871 = arith.constant dense<0.000000e+00> : vector<128xf32>
    %reduce_sum3A_1872 = vector.multi_reduction <add>, %mul3A_1870, %reduce_sum3A_1871 [0] : vector<64x128xf32> to vector<128xf32>
    %broadcast_in_dim3A_1873 = vector.shape_cast %reduce_sum3A_1872 : vector<128xf32> to vector<1x128xf32>
    %swap3A_1874 = arith.constant 234 : index
    %swap3A_1875 = arith.constant 0 : index
    %swap3A_1876 = vector.load %arg2[%swap3A_1874, %swap3A_1875] : memref<256x128xf32, #tpu.memory_space<vmem>>, vector<1x128xf32>
    tpu.vector_store %arg2[%swap3A_1874, %swap3A_1875], %broadcast_in_dim3A_1873 {strides = array<i32>} : memref<256x128xf32, #tpu.memory_space<vmem>>, vector<1x128xf32>,
    %slice3A_1877 = vector.extract_strided_slice %get3A_1 {offsets = [0, 30080], sizes = [64, 128], strides = [1, 1]} : vector<64x32768xf32> to vector<64x128xf32>
    %mul3A_1878 = arith.mulf %slice3A_1877, %slice3A_1877 : vector<64x128xf32>
    %reduce_sum3A_1879 = arith.constant dense<0.000000e+00> : vector<128xf32>
    %reduce_sum3A_1880 = vector.multi_reduction <add>, %mul3A_1878, %reduce_sum3A_1879 [0] : vector<64x128xf32> to vector<128xf32>
    %broadcast_in_dim3A_1881 = vector.shape_cast %reduce_sum3A_1880 : vector<128xf32> to vector<1x128xf32>
    %swap3A_1882 = arith.constant 235 : index
    %swap3A_1883 = arith.constant 0 : index
    %swap3A_1884 = vector.load %arg2[%swap3A_1882, %swap3A_1883] : memref<256x128xf32, #tpu.memory_space<vmem>>, vector<1x128xf32>
    tpu.vector_store %arg2[%swap3A_1882, %swap3A_1883], %broadcast_in_dim3A_1881 {strides = array<i32>} : memref<256x128xf32, #tpu.memory_space<vmem>>, vector<1x128xf32>,
    %slice3A_1885 = vector.extract_strided_slice %get3A_1 {offsets = [0, 30208], sizes = [64, 128], strides = [1, 1]} : vector<64x32768xf32> to vector<64x128xf32>
    %mul3A_1886 = arith.mulf %slice3A_1885, %slice3A_1885 : vector<64x128xf32>
    %reduce_sum3A_1887 = arith.constant dense<0.000000e+00> : vector<128xf32>
    %reduce_sum3A_1888 = vector.multi_reduction <add>, %mul3A_1886, %reduce_sum3A_1887 [0] : vector<64x128xf32> to vector<128xf32>
    %broadcast_in_dim3A_1889 = vector.shape_cast %reduce_sum3A_1888 : vector<128xf32> to vector<1x128xf32>
    %swap3A_1890 = arith.constant 236 : index
    %swap3A_1891 = arith.constant 0 : index
    %swap3A_1892 = vector.load %arg2[%swap3A_1890, %swap3A_1891] : memref<256x128xf32, #tpu.memory_space<vmem>>, vector<1x128xf32>
    tpu.vector_store %arg2[%swap3A_1890, %swap3A_1891], %broadcast_in_dim3A_1889 {strides = array<i32>} : memref<256x128xf32, #tpu.memory_space<vmem>>, vector<1x128xf32>,
    %slice3A_1893 = vector.extract_strided_slice %get3A_1 {offsets = [0, 30336], sizes = [64, 128], strides = [1, 1]} : vector<64x32768xf32> to vector<64x128xf32>
    %mul3A_1894 = arith.mulf %slice3A_1893, %slice3A_1893 : vector<64x128xf32>
    %reduce_sum3A_1895 = arith.constant dense<0.000000e+00> : vector<128xf32>
    %reduce_sum3A_1896 = vector.multi_reduction <add>, %mul3A_1894, %reduce_sum3A_1895 [0] : vector<64x128xf32> to vector<128xf32>
    %broadcast_in_dim3A_1897 = vector.shape_cast %reduce_sum3A_1896 : vector<128xf32> to vector<1x128xf32>
    %swap3A_1898 = arith.constant 237 : index
    %swap3A_1899 = arith.constant 0 : index
    %swap3A_1900 = vector.load %arg2[%swap3A_1898, %swap3A_1899] : memref<256x128xf32, #tpu.memory_space<vmem>>, vector<1x128xf32>
    tpu.vector_store %arg2[%swap3A_1898, %swap3A_1899], %broadcast_in_dim3A_1897 {strides = array<i32>} : memref<256x128xf32, #tpu.memory_space<vmem>>, vector<1x128xf32>,
    %slice3A_1901 = vector.extract_strided_slice %get3A_1 {offsets = [0, 30464], sizes = [64, 128], strides = [1, 1]} : vector<64x32768xf32> to vector<64x128xf32>
    %mul3A_1902 = arith.mulf %slice3A_1901, %slice3A_1901 : vector<64x128xf32>
    %reduce_sum3A_1903 = arith.constant dense<0.000000e+00> : vector<128xf32>
    %reduce_sum3A_1904 = vector.multi_reduction <add>, %mul3A_1902, %reduce_sum3A_1903 [0] : vector<64x128xf32> to vector<128xf32>
    %broadcast_in_dim3A_1905 = vector.shape_cast %reduce_sum3A_1904 : vector<128xf32> to vector<1x128xf32>
    %swap3A_1906 = arith.constant 238 : index
    %swap3A_1907 = arith.constant 0 : index
    %swap3A_1908 = vector.load %arg2[%swap3A_1906, %swap3A_1907] : memref<256x128xf32, #tpu.memory_space<vmem>>, vector<1x128xf32>
    tpu.vector_store %arg2[%swap3A_1906, %swap3A_1907], %broadcast_in_dim3A_1905 {strides = array<i32>} : memref<256x128xf32, #tpu.memory_space<vmem>>, vector<1x128xf32>,
    %slice3A_1909 = vector.extract_strided_slice %get3A_1 {offsets = [0, 30592], sizes = [64, 128], strides = [1, 1]} : vector<64x32768xf32> to vector<64x128xf32>
    %mul3A_1910 = arith.mulf %slice3A_1909, %slice3A_1909 : vector<64x128xf32>
    %reduce_sum3A_1911 = arith.constant dense<0.000000e+00> : vector<128xf32>
    %reduce_sum3A_1912 = vector.multi_reduction <add>, %mul3A_1910, %reduce_sum3A_1911 [0] : vector<64x128xf32> to vector<128xf32>
    %broadcast_in_dim3A_1913 = vector.shape_cast %reduce_sum3A_1912 : vector<128xf32> to vector<1x128xf32>
    %swap3A_1914 = arith.constant 239 : index
    %swap3A_1915 = arith.constant 0 : index
    %swap3A_1916 = vector.load %arg2[%swap3A_1914, %swap3A_1915] : memref<256x128xf32, #tpu.memory_space<vmem>>, vector<1x128xf32>
    tpu.vector_store %arg2[%swap3A_1914, %swap3A_1915], %broadcast_in_dim3A_1913 {strides = array<i32>} : memref<256x128xf32, #tpu.memory_space<vmem>>, vector<1x128xf32>,
    %slice3A_1917 = vector.extract_strided_slice %get3A_1 {offsets = [0, 30720], sizes = [64, 128], strides = [1, 1]} : vector<64x32768xf32> to vector<64x128xf32>
    %mul3A_1918 = arith.mulf %slice3A_1917, %slice3A_1917 : vector<64x128xf32>
    %reduce_sum3A_1919 = arith.constant dense<0.000000e+00> : vector<128xf32>
    %reduce_sum3A_1920 = vector.multi_reduction <add>, %mul3A_1918, %reduce_sum3A_1919 [0] : vector<64x128xf32> to vector<128xf32>
    %broadcast_in_dim3A_1921 = vector.shape_cast %reduce_sum3A_1920 : vector<128xf32> to vector<1x128xf32>
    %swap3A_1922 = arith.constant 240 : index
    %swap3A_1923 = arith.constant 0 : index
    %swap3A_1924 = vector.load %arg2[%swap3A_1922, %swap3A_1923] : memref<256x128xf32, #tpu.memory_space<vmem>>, vector<1x128xf32>
    tpu.vector_store %arg2[%swap3A_1922, %swap3A_1923], %broadcast_in_dim3A_1921 {strides = array<i32>} : memref<256x128xf32, #tpu.memory_space<vmem>>, vector<1x128xf32>,
    %slice3A_1925 = vector.extract_strided_slice %get3A_1 {offsets = [0, 30848], sizes = [64, 128], strides = [1, 1]} : vector<64x32768xf32> to vector<64x128xf32>
    %mul3A_1926 = arith.mulf %slice3A_1925, %slice3A_1925 : vector<64x128xf32>
    %reduce_sum3A_1927 = arith.constant dense<0.000000e+00> : vector<128xf32>
    %reduce_sum3A_1928 = vector.multi_reduction <add>, %mul3A_1926, %reduce_sum3A_1927 [0] : vector<64x128xf32> to vector<128xf32>
    %broadcast_in_dim3A_1929 = vector.shape_cast %reduce_sum3A_1928 : vector<128xf32> to vector<1x128xf32>
    %swap3A_1930 = arith.constant 241 : index
    %swap3A_1931 = arith.constant 0 : index
    %swap3A_1932 = vector.load %arg2[%swap3A_1930, %swap3A_1931] : memref<256x128xf32, #tpu.memory_space<vmem>>, vector<1x128xf32>
    tpu.vector_store %arg2[%swap3A_1930, %swap3A_1931], %broadcast_in_dim3A_1929 {strides = array<i32>} : memref<256x128xf32, #tpu.memory_space<vmem>>, vector<1x128xf32>,
    %slice3A_1933 = vector.extract_strided_slice %get3A_1 {offsets = [0, 30976], sizes = [64, 128], strides = [1, 1]} : vector<64x32768xf32> to vector<64x128xf32>
    %mul3A_1934 = arith.mulf %slice3A_1933, %slice3A_1933 : vector<64x128xf32>
    %reduce_sum3A_1935 = arith.constant dense<0.000000e+00> : vector<128xf32>
    %reduce_sum3A_1936 = vector.multi_reduction <add>, %mul3A_1934, %reduce_sum3A_1935 [0] : vector<64x128xf32> to vector<128xf32>
    %broadcast_in_dim3A_1937 = vector.shape_cast %reduce_sum3A_1936 : vector<128xf32> to vector<1x128xf32>
    %swap3A_1938 = arith.constant 242 : index
    %swap3A_1939 = arith.constant 0 : index
    %swap3A_1940 = vector.load %arg2[%swap3A_1938, %swap3A_1939] : memref<256x128xf32, #tpu.memory_space<vmem>>, vector<1x128xf32>
    tpu.vector_store %arg2[%swap3A_1938, %swap3A_1939], %broadcast_in_dim3A_1937 {strides = array<i32>} : memref<256x128xf32, #tpu.memory_space<vmem>>, vector<1x128xf32>,
    %slice3A_1941 = vector.extract_strided_slice %get3A_1 {offsets = [0, 31104], sizes = [64, 128], strides = [1, 1]} : vector<64x32768xf32> to vector<64x128xf32>
    %mul3A_1942 = arith.mulf %slice3A_1941, %slice3A_1941 : vector<64x128xf32>
    %reduce_sum3A_1943 = arith.constant dense<0.000000e+00> : vector<128xf32>
    %reduce_sum3A_1944 = vector.multi_reduction <add>, %mul3A_1942, %reduce_sum3A_1943 [0] : vector<64x128xf32> to vector<128xf32>
    %broadcast_in_dim3A_1945 = vector.shape_cast %reduce_sum3A_1944 : vector<128xf32> to vector<1x128xf32>
    %swap3A_1946 = arith.constant 243 : index
    %swap3A_1947 = arith.constant 0 : index
    %swap3A_1948 = vector.load %arg2[%swap3A_1946, %swap3A_1947] : memref<256x128xf32, #tpu.memory_space<vmem>>, vector<1x128xf32>
    tpu.vector_store %arg2[%swap3A_1946, %swap3A_1947], %broadcast_in_dim3A_1945 {strides = array<i32>} : memref<256x128xf32, #tpu.memory_space<vmem>>, vector<1x128xf32>,
    %slice3A_1949 = vector.extract_strided_slice %get3A_1 {offsets = [0, 31232], sizes = [64, 128], strides = [1, 1]} : vector<64x32768xf32> to vector<64x128xf32>
    %mul3A_1950 = arith.mulf %slice3A_1949, %slice3A_1949 : vector<64x128xf32>
    %reduce_sum3A_1951 = arith.constant dense<0.000000e+00> : vector<128xf32>
    %reduce_sum3A_1952 = vector.multi_reduction <add>, %mul3A_1950, %reduce_sum3A_1951 [0] : vector<64x128xf32> to vector<128xf32>
    %broadcast_in_dim3A_1953 = vector.shape_cast %reduce_sum3A_1952 : vector<128xf32> to vector<1x128xf32>
    %swap3A_1954 = arith.constant 244 : index
    %swap3A_1955 = arith.constant 0 : index
    %swap3A_1956 = vector.load %arg2[%swap3A_1954, %swap3A_1955] : memref<256x128xf32, #tpu.memory_space<vmem>>, vector<1x128xf32>
    tpu.vector_store %arg2[%swap3A_1954, %swap3A_1955], %broadcast_in_dim3A_1953 {strides = array<i32>} : memref<256x128xf32, #tpu.memory_space<vmem>>, vector<1x128xf32>,
    %slice3A_1957 = vector.extract_strided_slice %get3A_1 {offsets = [0, 31360], sizes = [64, 128], strides = [1, 1]} : vector<64x32768xf32> to vector<64x128xf32>
    %mul3A_1958 = arith.mulf %slice3A_1957, %slice3A_1957 : vector<64x128xf32>
    %reduce_sum3A_1959 = arith.constant dense<0.000000e+00> : vector<128xf32>
    %reduce_sum3A_1960 = vector.multi_reduction <add>, %mul3A_1958, %reduce_sum3A_1959 [0] : vector<64x128xf32> to vector<128xf32>
    %broadcast_in_dim3A_1961 = vector.shape_cast %reduce_sum3A_1960 : vector<128xf32> to vector<1x128xf32>
    %swap3A_1962 = arith.constant 245 : index
    %swap3A_1963 = arith.constant 0 : index
    %swap3A_1964 = vector.load %arg2[%swap3A_1962, %swap3A_1963] : memref<256x128xf32, #tpu.memory_space<vmem>>, vector<1x128xf32>
    tpu.vector_store %arg2[%swap3A_1962, %swap3A_1963], %broadcast_in_dim3A_1961 {strides = array<i32>} : memref<256x128xf32, #tpu.memory_space<vmem>>, vector<1x128xf32>,
    %slice3A_1965 = vector.extract_strided_slice %get3A_1 {offsets = [0, 31488], sizes = [64, 128], strides = [1, 1]} : vector<64x32768xf32> to vector<64x128xf32>
    %mul3A_1966 = arith.mulf %slice3A_1965, %slice3A_1965 : vector<64x128xf32>
    %reduce_sum3A_1967 = arith.constant dense<0.000000e+00> : vector<128xf32>
    %reduce_sum3A_1968 = vector.multi_reduction <add>, %mul3A_1966, %reduce_sum3A_1967 [0] : vector<64x128xf32> to vector<128xf32>
    %broadcast_in_dim3A_1969 = vector.shape_cast %reduce_sum3A_1968 : vector<128xf32> to vector<1x128xf32>
    %swap3A_1970 = arith.constant 246 : index
    %swap3A_1971 = arith.constant 0 : index
    %swap3A_1972 = vector.load %arg2[%swap3A_1970, %swap3A_1971] : memref<256x128xf32, #tpu.memory_space<vmem>>, vector<1x128xf32>
    tpu.vector_store %arg2[%swap3A_1970, %swap3A_1971], %broadcast_in_dim3A_1969 {strides = array<i32>} : memref<256x128xf32, #tpu.memory_space<vmem>>, vector<1x128xf32>,
    %slice3A_1973 = vector.extract_strided_slice %get3A_1 {offsets = [0, 31616], sizes = [64, 128], strides = [1, 1]} : vector<64x32768xf32> to vector<64x128xf32>
    %mul3A_1974 = arith.mulf %slice3A_1973, %slice3A_1973 : vector<64x128xf32>
    %reduce_sum3A_1975 = arith.constant dense<0.000000e+00> : vector<128xf32>
    %reduce_sum3A_1976 = vector.multi_reduction <add>, %mul3A_1974, %reduce_sum3A_1975 [0] : vector<64x128xf32> to vector<128xf32>
    %broadcast_in_dim3A_1977 = vector.shape_cast %reduce_sum3A_1976 : vector<128xf32> to vector<1x128xf32>
    %swap3A_1978 = arith.constant 247 : index
    %swap3A_1979 = arith.constant 0 : index
    %swap3A_1980 = vector.load %arg2[%swap3A_1978, %swap3A_1979] : memref<256x128xf32, #tpu.memory_space<vmem>>, vector<1x128xf32>
    tpu.vector_store %arg2[%swap3A_1978, %swap3A_1979], %broadcast_in_dim3A_1977 {strides = array<i32>} : memref<256x128xf32, #tpu.memory_space<vmem>>, vector<1x128xf32>,
    %slice3A_1981 = vector.extract_strided_slice %get3A_1 {offsets = [0, 31744], sizes = [64, 128], strides = [1, 1]} : vector<64x32768xf32> to vector<64x128xf32>
    %mul3A_1982 = arith.mulf %slice3A_1981, %slice3A_1981 : vector<64x128xf32>
    %reduce_sum3A_1983 = arith.constant dense<0.000000e+00> : vector<128xf32>
    %reduce_sum3A_1984 = vector.multi_reduction <add>, %mul3A_1982, %reduce_sum3A_1983 [0] : vector<64x128xf32> to vector<128xf32>
    %broadcast_in_dim3A_1985 = vector.shape_cast %reduce_sum3A_1984 : vector<128xf32> to vector<1x128xf32>
    %swap3A_1986 = arith.constant 248 : index
    %swap3A_1987 = arith.constant 0 : index
    %swap3A_1988 = vector.load %arg2[%swap3A_1986, %swap3A_1987] : memref<256x128xf32, #tpu.memory_space<vmem>>, vector<1x128xf32>
    tpu.vector_store %arg2[%swap3A_1986, %swap3A_1987], %broadcast_in_dim3A_1985 {strides = array<i32>} : memref<256x128xf32, #tpu.memory_space<vmem>>, vector<1x128xf32>,
    %slice3A_1989 = vector.extract_strided_slice %get3A_1 {offsets = [0, 31872], sizes = [64, 128], strides = [1, 1]} : vector<64x32768xf32> to vector<64x128xf32>
    %mul3A_1990 = arith.mulf %slice3A_1989, %slice3A_1989 : vector<64x128xf32>
    %reduce_sum3A_1991 = arith.constant dense<0.000000e+00> : vector<128xf32>
    %reduce_sum3A_1992 = vector.multi_reduction <add>, %mul3A_1990, %reduce_sum3A_1991 [0] : vector<64x128xf32> to vector<128xf32>
    %broadcast_in_dim3A_1993 = vector.shape_cast %reduce_sum3A_1992 : vector<128xf32> to vector<1x128xf32>
    %swap3A_1994 = arith.constant 249 : index
    %swap3A_1995 = arith.constant 0 : index
    %swap3A_1996 = vector.load %arg2[%swap3A_1994, %swap3A_1995] : memref<256x128xf32, #tpu.memory_space<vmem>>, vector<1x128xf32>
    tpu.vector_store %arg2[%swap3A_1994, %swap3A_1995], %broadcast_in_dim3A_1993 {strides = array<i32>} : memref<256x128xf32, #tpu.memory_space<vmem>>, vector<1x128xf32>,
    %slice3A_1997 = vector.extract_strided_slice %get3A_1 {offsets = [0, 32000], sizes = [64, 128], strides = [1, 1]} : vector<64x32768xf32> to vector<64x128xf32>
    %mul3A_1998 = arith.mulf %slice3A_1997, %slice3A_1997 : vector<64x128xf32>
    %reduce_sum3A_1999 = arith.constant dense<0.000000e+00> : vector<128xf32>
    %reduce_sum3A_2000 = vector.multi_reduction <add>, %mul3A_1998, %reduce_sum3A_1999 [0] : vector<64x128xf32> to vector<128xf32>
    %broadcast_in_dim3A_2001 = vector.shape_cast %reduce_sum3A_2000 : vector<128xf32> to vector<1x128xf32>
    %swap3A_2002 = arith.constant 250 : index
    %swap3A_2003 = arith.constant 0 : index
    %swap3A_2004 = vector.load %arg2[%swap3A_2002, %swap3A_2003] : memref<256x128xf32, #tpu.memory_space<vmem>>, vector<1x128xf32>
    tpu.vector_store %arg2[%swap3A_2002, %swap3A_2003], %broadcast_in_dim3A_2001 {strides = array<i32>} : memref<256x128xf32, #tpu.memory_space<vmem>>, vector<1x128xf32>,
    %slice3A_2005 = vector.extract_strided_slice %get3A_1 {offsets = [0, 32128], sizes = [64, 128], strides = [1, 1]} : vector<64x32768xf32> to vector<64x128xf32>
    %mul3A_2006 = arith.mulf %slice3A_2005, %slice3A_2005 : vector<64x128xf32>
    %reduce_sum3A_2007 = arith.constant dense<0.000000e+00> : vector<128xf32>
    %reduce_sum3A_2008 = vector.multi_reduction <add>, %mul3A_2006, %reduce_sum3A_2007 [0] : vector<64x128xf32> to vector<128xf32>
    %broadcast_in_dim3A_2009 = vector.shape_cast %reduce_sum3A_2008 : vector<128xf32> to vector<1x128xf32>
    %swap3A_2010 = arith.constant 251 : index
    %swap3A_2011 = arith.constant 0 : index
    %swap3A_2012 = vector.load %arg2[%swap3A_2010, %swap3A_2011] : memref<256x128xf32, #tpu.memory_space<vmem>>, vector<1x128xf32>
    tpu.vector_store %arg2[%swap3A_2010, %swap3A_2011], %broadcast_in_dim3A_2009 {strides = array<i32>} : memref<256x128xf32, #tpu.memory_space<vmem>>, vector<1x128xf32>,
    %slice3A_2013 = vector.extract_strided_slice %get3A_1 {offsets = [0, 32256], sizes = [64, 128], strides = [1, 1]} : vector<64x32768xf32> to vector<64x128xf32>
    %mul3A_2014 = arith.mulf %slice3A_2013, %slice3A_2013 : vector<64x128xf32>
    %reduce_sum3A_2015 = arith.constant dense<0.000000e+00> : vector<128xf32>
    %reduce_sum3A_2016 = vector.multi_reduction <add>, %mul3A_2014, %reduce_sum3A_2015 [0] : vector<64x128xf32> to vector<128xf32>
    %broadcast_in_dim3A_2017 = vector.shape_cast %reduce_sum3A_2016 : vector<128xf32> to vector<1x128xf32>
    %swap3A_2018 = arith.constant 252 : index
    %swap3A_2019 = arith.constant 0 : index
    %swap3A_2020 = vector.load %arg2[%swap3A_2018, %swap3A_2019] : memref<256x128xf32, #tpu.memory_space<vmem>>, vector<1x128xf32>
    tpu.vector_store %arg2[%swap3A_2018, %swap3A_2019], %broadcast_in_dim3A_2017 {strides = array<i32>} : memref<256x128xf32, #tpu.memory_space<vmem>>, vector<1x128xf32>,
    %slice3A_2021 = vector.extract_strided_slice %get3A_1 {offsets = [0, 32384], sizes = [64, 128], strides = [1, 1]} : vector<64x32768xf32> to vector<64x128xf32>
    %mul3A_2022 = arith.mulf %slice3A_2021, %slice3A_2021 : vector<64x128xf32>
    %reduce_sum3A_2023 = arith.constant dense<0.000000e+00> : vector<128xf32>
    %reduce_sum3A_2024 = vector.multi_reduction <add>, %mul3A_2022, %reduce_sum3A_2023 [0] : vector<64x128xf32> to vector<128xf32>
    %broadcast_in_dim3A_2025 = vector.shape_cast %reduce_sum3A_2024 : vector<128xf32> to vector<1x128xf32>
    %swap3A_2026 = arith.constant 253 : index
    %swap3A_2027 = arith.constant 0 : index
    %swap3A_2028 = vector.load %arg2[%swap3A_2026, %swap3A_2027] : memref<256x128xf32, #tpu.memory_space<vmem>>, vector<1x128xf32>
    tpu.vector_store %arg2[%swap3A_2026, %swap3A_2027], %broadcast_in_dim3A_2025 {strides = array<i32>} : memref<256x128xf32, #tpu.memory_space<vmem>>, vector<1x128xf32>,
    %slice3A_2029 = vector.extract_strided_slice %get3A_1 {offsets = [0, 32512], sizes = [64, 128], strides = [1, 1]} : vector<64x32768xf32> to vector<64x128xf32>
    %mul3A_2030 = arith.mulf %slice3A_2029, %slice3A_2029 : vector<64x128xf32>
    %reduce_sum3A_2031 = arith.constant dense<0.000000e+00> : vector<128xf32>
    %reduce_sum3A_2032 = vector.multi_reduction <add>, %mul3A_2030, %reduce_sum3A_2031 [0] : vector<64x128xf32> to vector<128xf32>
    %broadcast_in_dim3A_2033 = vector.shape_cast %reduce_sum3A_2032 : vector<128xf32> to vector<1x128xf32>
    %swap3A_2034 = arith.constant 254 : index
    %swap3A_2035 = arith.constant 0 : index
    %swap3A_2036 = vector.load %arg2[%swap3A_2034, %swap3A_2035] : memref<256x128xf32, #tpu.memory_space<vmem>>, vector<1x128xf32>
    tpu.vector_store %arg2[%swap3A_2034, %swap3A_2035], %broadcast_in_dim3A_2033 {strides = array<i32>} : memref<256x128xf32, #tpu.memory_space<vmem>>, vector<1x128xf32>,
    %slice3A_2037 = vector.extract_strided_slice %get3A_1 {offsets = [0, 32640], sizes = [64, 128], strides = [1, 1]} : vector<64x32768xf32> to vector<64x128xf32>
    %mul3A_2038 = arith.mulf %slice3A_2037, %slice3A_2037 : vector<64x128xf32>
    %reduce_sum3A_2039 = arith.constant dense<0.000000e+00> : vector<128xf32>
    %reduce_sum3A_2040 = vector.multi_reduction <add>, %mul3A_2038, %reduce_sum3A_2039 [0] : vector<64x128xf32> to vector<128xf32>
    %broadcast_in_dim3A_2041 = vector.shape_cast %reduce_sum3A_2040 : vector<128xf32> to vector<1x128xf32>
    %swap3A_2042 = arith.constant 255 : index
    %swap3A_2043 = arith.constant 0 : index
    %swap3A_2044 = vector.load %arg2[%swap3A_2042, %swap3A_2043] : memref<256x128xf32, #tpu.memory_space<vmem>>, vector<1x128xf32>
    tpu.vector_store %arg2[%swap3A_2042, %swap3A_2043], %broadcast_in_dim3A_2041 {strides = array<i32>} : memref<256x128xf32, #tpu.memory_space<vmem>>, vector<1x128xf32>,
    return
  }
  func.func @transform_0(%arg0: i32) -> (i32, i32) {
    %c0_i32 = arith.constant 0 : i32
    %c0_i32_0 = arith.constant 0 : i32
    return %c0_i32, %arg0 : i32, i32
  }
  func.func @transform_1(%arg0: i32) -> (i32, i32) {
    %c0_i32 = arith.constant 0 : i32
    %c0_i32_0 = arith.constant 0 : i32
    return %arg0, %c0_i32 : i32, i32
  }
}

</mosaic_0001>

<sc_bundles>
// kernel: kernel.6.cloned.1.call-start
scs
__scs_entry_jumppad:
0x0: {  	(pc) =	sbr.rel $0x88, $3  }
0x1: {  	(tag) =	ssettag $0x0;
	lr =	simm.s32 $0x1  }
0x2: {  	[smem:$0x3F9B] =	sst lr;
	_ =	strace $0xD0000000  }
0x3: {  	_ = 	snop  }
0x4: {  	_ = 	snop  }
0x5: {  	_ = 	snop  }
0x6: {  	_ = 	snop  }
0x7: {  	_ = 	snop  }
__scs_overlays_trampoline_lowered:
0x8: {  	[smem:$0x3FAA] =	sst s0  }
0x9: {  	[smem:$0x3FAB] =	sst s1  }
0xa: {  	[smem:$0x3FAC] =	sst s2  }
0xb: {  	[smem:$0x3FAD] =	sst s3  }
0xc: {  	[smem:$0x3FAE] =	sst s4  }
0xd: {  	[smem:$0x3FAF] =	sst s5  }
0xe: {  	[smem:$0x3FB0] =	sst s6  }
0xf: {  	[smem:$0x3FB1] =	sst s7  }
0x10: {  	[smem:$0x3FB2] =	sst s8  }
0x11: {  	[smem:$0x3FB3] =	sst s9;
	s0 =	simm.s32 @!p0 $0x0  }
0x12: {  	s1 =	sld [smem:$0x3F99];
	s0 =	simm.s32 @p0 $0x1  }
0x13: {  	[smem:$0x3FB4] =	sst s0;
	s0 =	simm.s32 @!p1 $0x0  }
0x14: {  	s2 =	sld [smem:$0x3F98];
	s0 =	simm.s32 @p1 $0x1  }
0x15: {  	[smem:$0x3FB5] =	sst s0;
	s0 =	simm.s32 @!p2 $0x0  }
0x16: {  	s3 =	sld [smem:$0x3FDB];
	s0 =	simm.s32 @p2 $0x1  }
0x17: {  	s4 =	simm.s32 $0x1BF5;
	[smem:$0x3FB7] =	sst s0  }
0x18: {  	s0 =	sld [smem:$0x3F9A];
	_ =	swait.ge [sflag:s4], $0x0  }
0x19: {  	s7 =	sld [smem:$0x3F9B]  }
0x1a: {  	s8 =	sadd.s32 $0xFFFFE003, lr  }
0x1b: {  	s9 =	sadd.s32 $0xFFFFFEF7, lr;
	s5 =	simm.s32 $0xFFFFFFFF;
	p2 =	slt.u32 s8, $0xFFFFF086  }
0x1c: {  	p1 =	slt.u32 s9, $0xF7A;
	s5 =	simm.s32 @!p2 $0x0  }
0x1d: {  	s5 =	simm.s32 @p1 $0x1;
	p0 =	seq.s32 s7, s2  }
0x1e: {  	s7 =	smul.u32 @!p0 $0xF7A, s2;
	p2 =	seq.s32 @!p0 s5, $0x0  }
0x1f: {  	s9 =	smul.u32 $0xF7A, s1;
	s8 =	simm.s32 @!p0 $0x1BF5;
	p2 =	por !p2, p0  }
0x20: {  	[sflag:s8] =	ssyncset.s32 @!p0 $0xFFFFF086;
	s6 =	sadd.s32 @!p0 s3, s7;
	s7 =	simm.s32 @!p0 $0x108  }
0x21: {  	s3 =	sadd.s32 s3, s9;
	s6 =	sadd.s32 @!p0 $0x88, s6;
	s7 =	simm.s32 @p2 $0x1082  }
0x22: {  	[simem:s7], [sflag:s8] =	dma.local @!p0 [hbm:s6], $0xF7A  }
0x23: {  	s9 =	sor.u32 $0xD0000000, s2;
	s6 =	simm.s32 $0x108;
	_ =	swait.ge @!p0 [sflag:s8], $0x0  }
0x24: {  	s3 =	sadd.s32 $0x88, s3;
	s6 =	simm.s32 @!p1 $0x1082;
	[sflag:s4] =	ssyncset.s32 $0xFFFFF086  }
0x25: {  	[simem:s6], [sflag:s4] =	dma.local [hbm:s3], $0xF7A  }
0x26: {  	[smem:$0x3F9B] =	sst s1;
	(tag) =	ssettag s2;
	_ =	strace s9  }
0x27: {  	s1 =	sld [smem:$0x3FAB]  }
0x28: {  	s2 =	sld [smem:$0x3FAC]  }
0x29: {  	s4 =	sld [smem:$0x3FAE]  }
0x2a: {  	p0 =	seq.s32 s5, $0x0;
	s5 =	sld [smem:$0x3FAF]  }
0x2b: {  	s6 =	sld [smem:$0x3FB0]  }
0x2c: {  	s7 =	sld [smem:$0x3FB1]  }
0x2d: {  	s3 =	simm.s32 $0x108;
	s8 =	sld [smem:$0x3FB2]  }
0x2e: {  	s3 =	simm.s32 @!p0 $0x1082;
	s9 =	sld [smem:$0x3FB3]  }
0x2f: {  	lr =	sadd.s32 s0, s3;
	s0 =	sld [smem:$0x3FAA]  }
0x30: {  	s3 =	sld [smem:$0x3FAD]  }
0x31: {  	[smem:$0x3FB6] =	sst s10  }
0x32: {  	s10 =	sld [smem:$0x3FB4];
	_ =	sdelay $0x3  }
0x33: {  	p0 =	seq.s32 s10, $0x1;
	s10 =	sld [smem:$0x3FB6];
	_ =	sdelay $0x3  }
0x34: {  	[smem:$0x3FB6] =	sst s10  }
0x35: {  	s10 =	sld [smem:$0x3FB5];
	_ =	sdelay $0x3  }
0x36: {  	p1 =	seq.s32 s10, $0x1;
	s10 =	sld [smem:$0x3FB6];
	_ =	sdelay $0x3  }
0x37: {  	[smem:$0x3FB6] =	sst s10  }
0x38: {  	s10 =	sld [smem:$0x3FB7]  }
0x39: {  	_ = 	snop;
	(pc) =	sbr.ind lr, $3  }
0x3a: {  	_ = 	snop  }
0x3b: {  	_ = 	snop  }
0x3c: {  	p2 =	seq.s32 s10, $0x1;
	s10 =	sld [smem:$0x3FB6]  }
0x3d: {  	_ =	shalt  }
0x3e: {  	_ =	shalt  }
0x3f: {  	_ =	shalt  }
0x40: {  	_ =	shalt  }
0x41: {  	_ =	shalt  }
0x42: {  	_ =	shalt  }
0x43: {  	_ =	shalt  }
0x44: {  	_ =	shalt  }
0x45: {  	_ =	shalt  }
0x46: {  	_ =	shalt  }
0x47: {  	_ =	shalt  }
0x48: {  	_ =	shalt  }
0x49: {  	_ =	shalt  }
0x4a: {  	_ =	shalt  }
0x4b: {  	_ =	shalt  }
0x4c: {  	_ =	shalt  }
0x4d: {  	_ =	shalt  }
0x4e: {  	_ =	shalt  }
0x4f: {  	_ =	shalt  }
0x50: {  	_ =	shalt  }
0x51: {  	_ =	shalt  }
0x52: {  	_ =	shalt  }
0x53: {  	_ =	shalt  }
0x54: {  	_ =	shalt  }
0x55: {  	_ =	shalt  }
0x56: {  	_ =	shalt  }
0x57: {  	_ =	shalt  }
0x58: {  	_ =	shalt  }
0x59: {  	_ =	shalt  }
0x5a: {  	_ =	shalt  }
0x5b: {  	_ =	shalt  }
0x5c: {  	_ =	shalt  }
0x5d: {  	_ =	shalt  }
0x5e: {  	_ =	shalt  }
0x5f: {  	_ =	shalt  }
0x60: {  	_ =	shalt  }
0x61: {  	_ =	shalt  }
0x62: {  	_ =	shalt  }
0x63: {  	_ =	shalt  }
0x64: {  	_ =	shalt  }
0x65: {  	_ =	shalt  }
0x66: {  	_ =	shalt  }
0x67: {  	_ =	shalt  }
0x68: {  	_ =	shalt  }
0x69: {  	_ =	shalt  }
0x6a: {  	_ =	shalt  }
0x6b: {  	_ =	shalt  }
0x6c: {  	_ =	shalt  }
0x6d: {  	_ =	shalt  }
0x6e: {  	_ =	shalt  }
0x6f: {  	_ =	shalt  }
0x70: {  	_ =	shalt  }
0x71: {  	_ =	shalt  }
0x72: {  	_ =	shalt  }
0x73: {  	_ =	shalt  }
0x74: {  	_ =	shalt  }
0x75: {  	_ =	shalt  }
0x76: {  	_ =	shalt  }
0x77: {  	_ =	shalt  }
0x78: {  	_ =	shalt  }
0x79: {  	_ =	shalt  }
0x7a: {  	_ =	shalt  }
0x7b: {  	_ =	shalt  }
0x7c: {  	_ =	shalt  }
0x7d: {  	_ =	shalt  }
0x7e: {  	_ =	shalt  }
0x7f: {  	_ =	shalt  }
0x80: {  	_ =	shalt  }
0x81: {  	_ =	shalt  }
0x82: {  	_ =	shalt  }
0x83: {  	_ =	shalt  }
0x84: {  	_ =	shalt  }
0x85: {  	_ =	shalt  }
0x86: {  	_ =	shalt  }
0x87: {  	_ =	shalt  }
.Lfunc_end0:
.L_simem_size_0:
called_computation_lowered:
.L_overlay_start_0:
0x88: {  	s2 =	sld [smem:$0x3FD9]  }
0x89: {  	s3 =	sld [smem:$0x3FFE];
	_ =	sdelay $0x1  }
0x8a: {  	s1 =	srdreg.scid  }
0x8b: {  	s0 =	sand.u32 $0x1, s1  }
0x8c: {  	s17 =	sshll.u32 s0, $0xA;
	s2 =	sadd.s32 s3, s2  }
0x8d: {  	s2 =	sadd.s32 s2, s17  }
0x8e: {  	[smem:$0x3FC2] =	sst s2  }
0x8f: {  	_ = 	snop  }
0x90: {  	s2 =	sld [smem:$0x3FC9]  }
0x91: {  	s18 =	sld [smem:$0x3FC8]  }
0x92: {  	s4 =	sld [smem:$0x3FC7];
	(tm) =	ssettm $0x1  }
0x93: {  	s5 =	sld [smem:$0x3FFB];
	_ =	sdelay $0x3  }
0x94: {  	_ =	strace s5  }
0x95: {  	s5 =	sld [smem:$0x3FFC];
	_ =	sdelay $0x3  }
0x96: {  	_ =	strace s5  }
0x97: {  	s5 =	sld [smem:$0x3FFD];
	_ =	sdelay $0x3  }
0x98: {  	_ =	strace s5  }
0x99: {  	_ =	strace $0x8FFFFFFF  }
0x9a: {  	s19 =	sld [smem:$0x3FDB];
	_ =	sdelay $0x1  }
0x9b: {  	s6 =	simm.s32 $_scs_section_size  }
0x9c: {  	s7 =	simm.s32 $_size__tile_overlayer_lowered;
	s8 =	simm.s32 $_tile_overlayer_lowered  }
0x9d: {  	s22 =	simm.s32 $0x1BFF;
	s21 =	sshll.u32 s8, $0x1;
	s5 =	sadd.s32 s6, s19  }
0x9e: {  	s9 =	simm.s32 $0x0;
	s20 =	sshll.u32 s7, $0x1;
	s7 =	sadd.s32 s21, s5  }
0x9f: {  	[timem:s9], [sflag:s22] =	dma.local [hbm:s7], s20  }
0xa0: {  	_ =	swait.ge [sflag:s22], s20  }
0xa1: {  	s6 =	ssub.s32 $0x0, s20;
	[sflag:s22] =	ssyncset.done $0x0  }
0xa2: {  	[sflag:s22] =	ssyncadd.s32 s6;
	_ =	sdelay $0x1  }
0xa3: {  	s23 =	simm.s32 $0x1B8B  }
0xa4: {  	_ =	swait.ge [sflag:s23], $0x1  }
0xa5: {  	[sflag:s23] =	ssyncset.done $0x0  }
0xa6: {  	s25 =	simm.s32 $0x1B8E;
	s24 =	sld [smem:$0x3FFE];
	[sflag:s23] =	ssyncadd.s32 $0xFFFFFFFF  }
0xa7: {  	s26 =	simm.s32 $execute0_lowered;
	[smem:$0x3FD2] =	sst s25  }
0xa8: {  	s7 =	sshll.u32 s26, $0x1;
	_ =	strace $0x80000046;
	[dreg:$0x1] =	wrdreg $0xFFFFFFFF  }
0xa9: {  	s28 =	simm.s32 $_size_execute0_lowered;
	s5 =	sadd.s32 s5, s7;
	[dreg:$0x0] =	wrdreg $0x0  }
0xaa: {  	s7 =	sshll.u32 s28, $0x1;
	[dreg:$0x2] =	wrdreg s5  }
0xab: {  	[dreg:$0x3] =	wrdreg s7  }
0xac: {  	[dreg:$0x4] =	wrdreg $0xC0  }
0xad: {  	_ =	task [dreg:s9], $0x5FFFF  }
0xae: {  	[dreg:$0x1] =	wrdreg $0xFFFFFFFF  }
0xaf: {  	[dreg:$0x0] =	wrdreg $0x60  }
0xb0: {  	[dreg:$0x2] =	wrdreg s2  }
0xb1: {  	[dreg:$0x3] =	wrdreg s4  }
0xb2: {  	[dreg:$0x4] =	wrdreg s18  }
0xb3: {  	[dreg:$0x5] =	wrdreg s24  }
0xb4: {  	[dreg:$0x6] =	wrdreg $0x9  }
0xb5: {  	_ =	task.clear_ibuf [dreg:s9], $0x7FFFF;
	_ =	strace $0x90000046  }
0xb6: {  	s29 =	simm.s32 $0x9;
	_ =	strace $0x80000048  }
0xb7: {  	_ =	swait.ge [sflag:s29], $0x1  }
0xb8: {  	[sflag:s29] =	ssyncadd.s32 $0xFFFFFFFF  }
0xb9: {  	_ =	strace $0x90000048  }
0xba: {  	_ =	sfence  }
0xbb: {  	s30 =	sld [smem:$0x0];
	_ =	sdelay $0x2  }
0xbc: {  	s31 =	sshll.u32 s1, $0xD;
	s1 =	sshrl.u32 s1, $0x2  }
0xbd: {  	s3 =	sand.u32 $0x4000, s31;
	s1 =	sadd.s32 s1, s30  }
0xbe: {  	s0 =	sor.u32 s3, s0;
	s1 =	sshll.u32 s1, $0x11  }
0xbf: {  	s0 =	sor.u32 s1, s0  }
0xc0: {  	s0 =	sadd.s32 $0x8F2B, s0  }
0xc1: {  	[sflag:s0] =	ssyncadd.remote.s32 $0x1  }
0xc2: {  	_ =	sfence.sel $0xFFFF  }
0xc3: {  	[dreg:$0x0] =	wrdreg $0xFFFFFFFF;
	(pc) =	sbr.abs _section_cstart, $3  }
0xc4: {  	[dreg:$0x1] =	wrdreg $0xFFFFFFFF  }
0xc5: {  	_ =	task.clear_ibuf [dreg:s9], $0x2FFFF;
	_ =	strace $0x9FFFFFFF  }
0xc6: {  	(tm) =	ssettm $0x7FFFFFFF  }
0xc7: {  	_ =	shalt  }
tec
execute0_lowered:
.L_overlay_start_1:
0x0: {  	(tag) =	ssettag $0x1  }
0x1: {  	s3 =	rddreg [dreg:$0x0]  }
0x2: {  	s5 =	rddreg [dreg:$0x1]  }
0x3: {  	s7 =	rddreg [dreg:$0x2]  }
0x4: {  	s26 =	rddreg [dreg:$0x3];
	s4 =	srdreg.scid  }
0x5: {  	s2 =	simm.s32 $0x0;
	s1 =	stileid.u32;
	s28 =	sand.u32 $0x1, s4  }
0x6: {  	[smem:$0x7FF] =	sst s2;
	s25 =	sshll.u32 s1, $0x7;
	s6 =	sshll.u32 s28, $0x6  }
0x7: {  	s8 =	sadd.s32 $0xA00, s26;
	_ =	strace $0x80000047;
	s29 =	sor.u32 s6, s25  }
0x8: {  	[dreg:$0x5] =	wrdreg s8;
	s4 =	sadd.s32 s3, s29;
	s3 =	simm.s32 $0x2  }
0x9: {  	[tilespmem:s2], [sflag:$0x2] =	stream.linear.gather [hbm4b:s4+s2], $0x200, $0x38;
	[tilespmem:$0x1000] =	vst v63  }
0xa: {  	_ =	swait.ge [sflag:s3], $0x200  }
0xb: {  	[sflag:s3] =	ssyncset.done $0x0  }
0xc: {  	s6 =	simm.s32 $0x200;
	s5 =	sadd.s32 s5, s29;
	[sflag:s3] =	ssyncadd.s32 $0xFFFFFE00  }
0xd: {  	[tilespmem:s6], [sflag:$0x2] =	stream.linear.gather [hbm4b:s5+s2], $0x200, $0x38;
	[tilespmem:$0x1000] =	vst v63  }
0xe: {  	_ =	swait.ge [sflag:s3], $0x200  }
0xf: {  	[sflag:s3] =	ssyncset.done $0x0  }
0x10: {  	s8 =	simm.s32 $0x400;
	s7 =	sadd.s32 s7, s29;
	[sflag:s3] =	ssyncadd.s32 $0xFFFFFE00  }
0x11: {  	[tilespmem:s8], [sflag:$0x2] =	stream.linear.gather [hbm4b:s7+s2], $0x200, $0x38;
	[tilespmem:$0x1000] =	vst v63  }
0x12: {  	_ =	swait.ge [sflag:s3], $0x200  }
0x13: {  	[sflag:s3] =	ssyncset.done $0x0  }
0x14: {  	s9 =	simm.s32 $0xC00;
	s10 =	rddreg [dreg:$0x5];
	[sflag:s3] =	ssyncadd.s32 $0xFFFFFE00  }
0x15: {  	[tilespmem:s9], [sflag:$0x2] =	stream.linear.gather [hbm4b:s10+s2], $0x400, $0x38;
	[tilespmem:$0x1000] =	vst v63  }
0x16: {  	_ =	swait.ge [sflag:s3], $0x400  }
0x17: {  	s11 =	simm.s32 $0x80;
	[sflag:s3] =	ssyncset.done $0x0  }
0x18: {  	s12 =	simm.s32 $0x600;
	s10 =	sadd.s32 $0xC00, s26;
	[sflag:s3] =	ssyncadd.s32 $0xFFFFFC00  }
0x19: {  	[tilespmem:s12], [sflag:$0x1] =	stream.indirect.gather [hbm4b:s10+s11], $0x1, s2, s11, $0xb8;
	[tilespmem:$0x1000] =	vst v63  }
0x1a: {  	s13 =	simm.s32 $0x680  }
0x1b: {  	[tilespmem:s13], [sflag:$0x1] =	stream.indirect.gather [hbm4b:s10+s11], $0x1, s11, s11, $0xb8;
	[tilespmem:$0x1000] =	vst v63  }
0x1c: {  	s14 =	simm.s32 $0x100;
	s15 =	simm.s32 $0x700  }
0x1d: {  	[tilespmem:s15], [sflag:$0x1] =	stream.indirect.gather [hbm4b:s10+s11], $0x1, s14, s11, $0xb8;
	[tilespmem:$0x1000] =	vst v63  }
0x1e: {  	s16 =	simm.s32 $0x180;
	s17 =	simm.s32 $0x780  }
0x1f: {  	[tilespmem:s17], [sflag:$0x1] =	stream.indirect.gather [hbm4b:s10+s11], $0x1, s16, s11, $0xb8;
	[tilespmem:$0x1000] =	vst v63  }
0x20: {  	s18 =	simm.s32 $0x800  }
0x21: {  	[tilespmem:s18], [sflag:$0x1] =	stream.indirect.gather [hbm4b:s10+s11], $0x1, s6, s11, $0xb8;
	[tilespmem:$0x1000] =	vst v63  }
0x22: {  	s19 =	simm.s32 $0x280;
	s20 =	simm.s32 $0x880  }
0x23: {  	[tilespmem:s20], [sflag:$0x1] =	stream.indirect.gather [hbm4b:s10+s11], $0x1, s19, s11, $0xb8;
	[tilespmem:$0x1000] =	vst v63  }
0x24: {  	s21 =	simm.s32 $0x300;
	s22 =	simm.s32 $0x900  }
0x25: {  	[tilespmem:s22], [sflag:$0x1] =	stream.indirect.gather [hbm4b:s10+s11], $0x1, s21, s11, $0xb8;
	[tilespmem:$0x1000] =	vst v63  }
0x26: {  	s23 =	simm.s32 $0x380;
	s24 =	simm.s32 $0x980  }
0x27: {  	[tilespmem:s24], [sflag:$0x1] =	stream.indirect.gather [hbm4b:s10+s11], $0x1, s23, s11, $0xb8;
	[tilespmem:$0x1000] =	vst v63  }
0x28: {  	v0 =	vld [tilespmem:$0x400];
	_ =	sdelay $0x5  }
0x29: {  	v1 =	vld [tilespmem:$0x410];
	_ =	sdelay $0x1  }
0x2a: {  	v0 =	vld.idx.msk [tilespmem:v0+s9+$0x0], $0xffff;
	_ =	sdelay $0x3  }
0x2b: {  	v2 =	vld [tilespmem:$0x420]  }
0x2c: {  	[tilespmem:$0xA00] =	vst v0  }
0x2d: {  	v0 =	vld.idx.msk [tilespmem:v1+s9+$0x0], $0xffff;
	_ =	sdelay $0x3  }
0x2e: {  	v35 =	vld [tilespmem:$0x430]  }
0x2f: {  	[tilespmem:$0xA10] =	vst v0  }
0x30: {  	v0 =	vld.idx.msk [tilespmem:v2+s9+$0x0], $0xffff;
	_ =	sdelay $0x3  }
0x31: {  	v36 =	vld [tilespmem:$0x440]  }
0x32: {  	[tilespmem:$0xA20] =	vst v0  }
0x33: {  	v0 =	vld.idx.msk [tilespmem:v35+s9+$0x0], $0xffff;
	_ =	sdelay $0x3  }
0x34: {  	v37 =	vld [tilespmem:$0x450]  }
0x35: {  	[tilespmem:$0xA30] =	vst v0  }
0x36: {  	v0 =	vld.idx.msk [tilespmem:v36+s9+$0x0], $0xffff;
	_ =	sdelay $0x3  }
0x37: {  	v38 =	vld [tilespmem:$0x460]  }
0x38: {  	[tilespmem:$0xA40] =	vst v0  }
0x39: {  	v0 =	vld.idx.msk [tilespmem:v37+s9+$0x0], $0xffff;
	_ =	sdelay $0x3  }
0x3a: {  	v39 =	vld [tilespmem:$0x470]  }
0x3b: {  	[tilespmem:$0xA50] =	vst v0  }
0x3c: {  	v0 =	vld.idx.msk [tilespmem:v38+s9+$0x0], $0xffff;
	_ =	sdelay $0x3  }
0x3d: {  	v40 =	vld [tilespmem:$0x480]  }
0x3e: {  	[tilespmem:$0xA60] =	vst v0  }
0x3f: {  	v0 =	vld.idx.msk [tilespmem:v39+s9+$0x0], $0xffff;
	_ =	sdelay $0x3  }
0x40: {  	v41 =	vld [tilespmem:$0x490]  }
0x41: {  	[tilespmem:$0xA70] =	vst v0  }
0x42: {  	v0 =	vld.idx.msk [tilespmem:v40+s9+$0x0], $0xffff;
	_ =	sdelay $0x3  }
0x43: {  	v42 =	vld [tilespmem:$0x4A0]  }
0x44: {  	[tilespmem:$0xA80] =	vst v0  }
0x45: {  	v0 =	vld.idx.msk [tilespmem:v41+s9+$0x0], $0xffff;
	_ =	sdelay $0x3  }
0x46: {  	v43 =	vld [tilespmem:$0x4B0]  }
0x47: {  	[tilespmem:$0xA90] =	vst v0  }
0x48: {  	v0 =	vld.idx.msk [tilespmem:v42+s9+$0x0], $0xffff;
	_ =	sdelay $0x3  }
0x49: {  	v44 =	vld [tilespmem:$0x4C0]  }
0x4a: {  	[tilespmem:$0xAA0] =	vst v0  }
0x4b: {  	v0 =	vld.idx.msk [tilespmem:v43+s9+$0x0], $0xffff;
	_ =	sdelay $0x3  }
0x4c: {  	v45 =	vld [tilespmem:$0x4D0]  }
0x4d: {  	[tilespmem:$0xAB0] =	vst v0  }
0x4e: {  	v0 =	vld.idx.msk [tilespmem:v44+s9+$0x0], $0xffff;
	_ =	sdelay $0x3  }
0x4f: {  	v46 =	vld [tilespmem:$0x4E0]  }
0x50: {  	[tilespmem:$0xAC0] =	vst v0  }
0x51: {  	v0 =	vld.idx.msk [tilespmem:v45+s9+$0x0], $0xffff;
	_ =	sdelay $0x3  }
0x52: {  	v47 =	vld [tilespmem:$0x4F0]  }
0x53: {  	[tilespmem:$0xAD0] =	vst v0  }
0x54: {  	v0 =	vld.idx.msk [tilespmem:v46+s9+$0x0], $0xffff;
	_ =	sdelay $0x3  }
0x55: {  	v48 =	vld [tilespmem:$0x500]  }
0x56: {  	[tilespmem:$0xAE0] =	vst v0  }
0x57: {  	v0 =	vld.idx.msk [tilespmem:v47+s9+$0x0], $0xffff;
	_ =	sdelay $0x3  }
0x58: {  	v49 =	vld [tilespmem:$0x510]  }
0x59: {  	[tilespmem:$0xAF0] =	vst v0  }
0x5a: {  	v0 =	vld.idx.msk [tilespmem:v48+s9+$0x0], $0xffff;
	_ =	sdelay $0x3  }
0x5b: {  	v50 =	vld [tilespmem:$0x520]  }
0x5c: {  	[tilespmem:$0xB00] =	vst v0  }
0x5d: {  	v0 =	vld.idx.msk [tilespmem:v49+s9+$0x0], $0xffff;
	_ =	sdelay $0x3  }
0x5e: {  	v51 =	vld [tilespmem:$0x530]  }
0x5f: {  	[tilespmem:$0xB10] =	vst v0  }
0x60: {  	v0 =	vld.idx.msk [tilespmem:v50+s9+$0x0], $0xffff;
	_ =	sdelay $0x3  }
0x61: {  	v52 =	vld [tilespmem:$0x540]  }
0x62: {  	[tilespmem:$0xB20] =	vst v0  }
0x63: {  	v0 =	vld.idx.msk [tilespmem:v51+s9+$0x0], $0xffff;
	_ =	sdelay $0x3  }
0x64: {  	v53 =	vld [tilespmem:$0x550]  }
0x65: {  	[tilespmem:$0xB30] =	vst v0  }
0x66: {  	v0 =	vld.idx.msk [tilespmem:v52+s9+$0x0], $0xffff;
	_ =	sdelay $0x3  }
0x67: {  	v54 =	vld [tilespmem:$0x560]  }
0x68: {  	[tilespmem:$0xB40] =	vst v0  }
0x69: {  	v0 =	vld.idx.msk [tilespmem:v53+s9+$0x0], $0xffff;
	_ =	sdelay $0x3  }
0x6a: {  	v55 =	vld [tilespmem:$0x570]  }
0x6b: {  	[tilespmem:$0xB50] =	vst v0  }
0x6c: {  	v0 =	vld.idx.msk [tilespmem:v54+s9+$0x0], $0xffff;
	_ =	sdelay $0x3  }
0x6d: {  	v56 =	vld [tilespmem:$0x580]  }
0x6e: {  	[tilespmem:$0xB60] =	vst v0  }
0x6f: {  	v0 =	vld.idx.msk [tilespmem:v55+s9+$0x0], $0xffff;
	_ =	sdelay $0x3  }
0x70: {  	v57 =	vld [tilespmem:$0x590]  }
0x71: {  	[tilespmem:$0xB70] =	vst v0  }
0x72: {  	v0 =	vld.idx.msk [tilespmem:v56+s9+$0x0], $0xffff;
	_ =	sdelay $0x3  }
0x73: {  	v58 =	vld [tilespmem:$0x5A0]  }
0x74: {  	[tilespmem:$0xB80] =	vst v0  }
0x75: {  	v0 =	vld.idx.msk [tilespmem:v57+s9+$0x0], $0xffff;
	_ =	sdelay $0x3  }
0x76: {  	v59 =	vld [tilespmem:$0x5B0]  }
0x77: {  	[tilespmem:$0xB90] =	vst v0  }
0x78: {  	v0 =	vld.idx.msk [tilespmem:v58+s9+$0x0], $0xffff;
	_ =	sdelay $0x3  }
0x79: {  	v60 =	vld [tilespmem:$0x5C0]  }
0x7a: {  	[tilespmem:$0xBA0] =	vst v0  }
0x7b: {  	v0 =	vld.idx.msk [tilespmem:v59+s9+$0x0], $0xffff;
	_ =	sdelay $0x3  }
0x7c: {  	v61 =	vld [tilespmem:$0x5D0]  }
0x7d: {  	[tilespmem:$0xBB0] =	vst v0  }
0x7e: {  	v0 =	vld.idx.msk [tilespmem:v60+s9+$0x0], $0xffff;
	_ =	sdelay $0x3  }
0x7f: {  	v62 =	vld [tilespmem:$0x5E0]  }
0x80: {  	[tilespmem:$0xBC0] =	vst v0  }
0x81: {  	v0 =	vld.idx.msk [tilespmem:v61+s9+$0x0], $0xffff;
	_ =	sdelay $0x3  }
0x82: {  	v63 =	vld [tilespmem:$0x5F0]  }
0x83: {  	[tilespmem:$0xBD0] =	vst v0  }
0x84: {  	v0 =	vld.idx.msk [tilespmem:v62+s9+$0x0], $0xffff;
	_ =	sdelay $0x4  }
0x85: {  	[tilespmem:$0xBE0] =	vst v0  }
0x86: {  	v0 =	vld.idx.msk [tilespmem:v63+s9+$0x0], $0xffff;
	_ =	sdelay $0x4  }
0x87: {  	s25 =	simm.s32 $0x1;
	[tilespmem:$0xBF0] =	vst v0  }
0x88: {  	_ =	swait.ge [sflag:s25], $0x80  }
0x89: {  	[sflag:s25] =	ssyncset.done $0x0  }
0x8a: {  	[sflag:s25] =	ssyncadd.s32 $0xFFFFFF80  }
0x8b: {  	_ =	swait.ge [sflag:s25], $0x80  }
0x8c: {  	[sflag:s25] =	ssyncset.done $0x0  }
0x8d: {  	[sflag:s25] =	ssyncadd.s32 $0xFFFFFF80  }
0x8e: {  	_ =	swait.ge [sflag:s25], $0x80  }
0x8f: {  	[sflag:s25] =	ssyncset.done $0x0  }
0x90: {  	[sflag:s25] =	ssyncadd.s32 $0xFFFFFF80  }
0x91: {  	_ =	swait.ge [sflag:s25], $0x80  }
0x92: {  	[sflag:s25] =	ssyncset.done $0x0  }
0x93: {  	[sflag:s25] =	ssyncadd.s32 $0xFFFFFF80  }
0x94: {  	_ =	swait.ge [sflag:s25], $0x80  }
0x95: {  	[sflag:s25] =	ssyncset.done $0x0  }
0x96: {  	[sflag:s25] =	ssyncadd.s32 $0xFFFFFF80  }
0x97: {  	_ =	swait.ge [sflag:s25], $0x80  }
0x98: {  	[sflag:s25] =	ssyncset.done $0x0  }
0x99: {  	[sflag:s25] =	ssyncadd.s32 $0xFFFFFF80  }
0x9a: {  	_ =	swait.ge [sflag:s25], $0x80  }
0x9b: {  	[sflag:s25] =	ssyncset.done $0x0  }
0x9c: {  	[sflag:s25] =	ssyncadd.s32 $0xFFFFFF80  }
0x9d: {  	_ =	swait.ge [sflag:s25], $0x80  }
0x9e: {  	s29 =	sadd.s32 s29, s26;
	[sflag:s25] =	ssyncset.done $0x0  }
0x9f: {  	s30 =	ssub.s32 $0x2, s28;
	s26 =	sadd.s32 $0x1FC00, s29;
	[sflag:s25] =	ssyncadd.s32 $0xFFFFFF80  }
0xa0: {  	[hbm4b:s26+s2] =	stream.linear.scatter [tilespmem:s12], [sflag:$0x2], $0x200, $0x38;
	[tilespmem:$0x1000] =	vst v63  }
0xa1: {  	s31 =	sshrl.u32 s30, $0x1;
	_ =	swait.ge [sflag:s3], $0x200  }
0xa2: {  	s30 =	ssub.s32 s30, s31;
	[sflag:s3] =	ssyncset.done $0x0  }
0xa3: {  	s28 =	sadd.s32 $0x20400, s29;
	s31 =	smax.u32 s30, $0x1;
	[sflag:s3] =	ssyncadd.s32 $0xFFFFFE00  }
0xa4: {  	[hbm4b:s28+s2] =	stream.linear.scatter [tilespmem:s18], [sflag:$0x2], $0x200, $0x38;
	[tilespmem:$0x1000] =	vst v63  }
0xa5: {  	p0 =	sne.s32 s31, $0x1;
	_ =	swait.ge [sflag:s3], $0x200  }
.Ltmp0:
0xa6: {  	[sflag:s3] =	ssyncset.done $0x0;
	(pc) =	sbr.rel @!p0 .LBB2_2-.Ltmp0, $4  }
0xa7: {  	s30 =	simm.s32 $0xA00;
	s29 =	sadd.s32 $0x20C00, s29;
	[sflag:s3] =	ssyncadd.s32 $0xFFFFFE00  }
0xa8: {  	[hbm4b:s29+s2] =	stream.linear.scatter [tilespmem:s30], [sflag:$0x2], $0x200, $0x38;
	[tilespmem:$0x1000] =	vst v63  }
0xa9: {  	_ =	swait.ge [sflag:s3], $0x200  }
0xaa: {  	s31 =	sadd.s32 $0xFFFFFFFF, s31;
	[sflag:s3] =	ssyncset.done $0x0  }
.LBB2_1:
0xab: {  	[sflag:s3] =	ssyncadd.s32 $0xFFFFFE00  }
0xac: {  	[tilespmem:s2], [sflag:$0x2] =	stream.linear.gather [hbm4b:s4+s2], $0x200, $0x38;
	[tilespmem:$0x1000] =	vst v63  }
0xad: {  	_ =	swait.ge [sflag:s3], $0x200  }
0xae: {  	[sflag:s3] =	ssyncset.done $0x0  }
0xaf: {  	[sflag:s3] =	ssyncadd.s32 $0xFFFFFE00  }
0xb0: {  	[tilespmem:s6], [sflag:$0x2] =	stream.linear.gather [hbm4b:s5+s2], $0x200, $0x38;
	[tilespmem:$0x1000] =	vst v63  }
0xb1: {  	_ =	swait.ge [sflag:s3], $0x200  }
0xb2: {  	[sflag:s3] =	ssyncset.done $0x0  }
0xb3: {  	[sflag:s3] =	ssyncadd.s32 $0xFFFFFE00  }
0xb4: {  	[tilespmem:s8], [sflag:$0x2] =	stream.linear.gather [hbm4b:s7+s2], $0x200, $0x38;
	[tilespmem:$0x1000] =	vst v63  }
0xb5: {  	_ =	swait.ge [sflag:s3], $0x200  }
0xb6: {  	[sflag:s3] =	ssyncset.done $0x0  }
0xb7: {  	s0 =	rddreg [dreg:$0x5];
	[sflag:s3] =	ssyncadd.s32 $0xFFFFFE00  }
0xb8: {  	[tilespmem:s9], [sflag:$0x2] =	stream.linear.gather [hbm4b:s0+s2], $0x400, $0x38;
	[tilespmem:$0x1000] =	vst v63  }
0xb9: {  	_ =	swait.ge [sflag:s3], $0x400  }
0xba: {  	[sflag:s3] =	ssyncset.done $0x0  }
0xbb: {  	[sflag:s3] =	ssyncadd.s32 $0xFFFFFC00  }
0xbc: {  	[tilespmem:s12], [sflag:$0x1] =	stream.indirect.gather [hbm4b:s10+s11], $0x1, s2, s11, $0xb8;
	[tilespmem:$0x1000] =	vst v63  }
0xbd: {  	_ = 	snop  }
0xbe: {  	[tilespmem:s13], [sflag:$0x1] =	stream.indirect.gather [hbm4b:s10+s11], $0x1, s11, s11, $0xb8;
	[tilespmem:$0x1000] =	vst v63  }
0xbf: {  	_ = 	snop  }
0xc0: {  	[tilespmem:s15], [sflag:$0x1] =	stream.indirect.gather [hbm4b:s10+s11], $0x1, s14, s11, $0xb8;
	[tilespmem:$0x1000] =	vst v63  }
0xc1: {  	_ = 	snop  }
0xc2: {  	[tilespmem:s17], [sflag:$0x1] =	stream.indirect.gather [hbm4b:s10+s11], $0x1, s16, s11, $0xb8;
	[tilespmem:$0x1000] =	vst v63  }
0xc3: {  	_ = 	snop  }
0xc4: {  	[tilespmem:s18], [sflag:$0x1] =	stream.indirect.gather [hbm4b:s10+s11], $0x1, s6, s11, $0xb8;
	[tilespmem:$0x1000] =	vst v63  }
0xc5: {  	_ = 	snop  }
0xc6: {  	[tilespmem:s20], [sflag:$0x1] =	stream.indirect.gather [hbm4b:s10+s11], $0x1, s19, s11, $0xb8;
	[tilespmem:$0x1000] =	vst v63  }
0xc7: {  	_ = 	snop  }
0xc8: {  	[tilespmem:s22], [sflag:$0x1] =	stream.indirect.gather [hbm4b:s10+s11], $0x1, s21, s11, $0xb8;
	[tilespmem:$0x1000] =	vst v63  }
0xc9: {  	_ = 	snop  }
0xca: {  	[tilespmem:s24], [sflag:$0x1] =	stream.indirect.gather [hbm4b:s10+s11], $0x1, s23, s11, $0xb8;
	[tilespmem:$0x1000] =	vst v63  }
0xcb: {  	v0 =	vld [tilespmem:$0x400];
	_ =	sdelay $0x5  }
0xcc: {  	v1 =	vld [tilespmem:$0x410];
	_ =	sdelay $0x1  }
0xcd: {  	v0 =	vld.idx.msk [tilespmem:v0+s9+$0x0], $0xffff;
	_ =	sdelay $0x3  }
0xce: {  	v2 =	vld [tilespmem:$0x420]  }
0xcf: {  	[tilespmem:$0xA00] =	vst v0  }
0xd0: {  	v0 =	vld.idx.msk [tilespmem:v1+s9+$0x0], $0xffff;
	_ =	sdelay $0x3  }
0xd1: {  	v3 =	vld [tilespmem:$0x430]  }
0xd2: {  	[tilespmem:$0xA10] =	vst v0  }
0xd3: {  	v0 =	vld.idx.msk [tilespmem:v2+s9+$0x0], $0xffff;
	_ =	sdelay $0x3  }
0xd4: {  	v18 =	vld [tilespmem:$0x440]  }
0xd5: {  	[tilespmem:$0xA20] =	vst v0  }
0xd6: {  	v0 =	vld.idx.msk [tilespmem:v3+s9+$0x0], $0xffff;
	_ =	sdelay $0x3  }
0xd7: {  	v19 =	vld [tilespmem:$0x450]  }
0xd8: {  	[tilespmem:$0xA30] =	vst v0  }
0xd9: {  	v18 =	vld.idx.msk [tilespmem:v18+s9+$0x0], $0xffff;
	_ =	sdelay $0x3  }
0xda: {  	v20 =	vld [tilespmem:$0x460]  }
0xdb: {  	[tilespmem:$0xA40] =	vst v18  }
0xdc: {  	v18 =	vld.idx.msk [tilespmem:v19+s9+$0x0], $0xffff;
	_ =	sdelay $0x3  }
0xdd: {  	v21 =	vld [tilespmem:$0x470]  }
0xde: {  	[tilespmem:$0xA50] =	vst v18  }
0xdf: {  	v18 =	vld.idx.msk [tilespmem:v20+s9+$0x0], $0xffff;
	_ =	sdelay $0x3  }
0xe0: {  	v22 =	vld [tilespmem:$0x480]  }
0xe1: {  	[tilespmem:$0xA60] =	vst v18  }
0xe2: {  	v18 =	vld.idx.msk [tilespmem:v21+s9+$0x0], $0xffff;
	_ =	sdelay $0x3  }
0xe3: {  	v23 =	vld [tilespmem:$0x490]  }
0xe4: {  	[tilespmem:$0xA70] =	vst v18  }
0xe5: {  	v18 =	vld.idx.msk [tilespmem:v22+s9+$0x0], $0xffff;
	_ =	sdelay $0x3  }
0xe6: {  	v24 =	vld [tilespmem:$0x4A0]  }
0xe7: {  	[tilespmem:$0xA80] =	vst v18  }
0xe8: {  	v18 =	vld.idx.msk [tilespmem:v23+s9+$0x0], $0xffff;
	_ =	sdelay $0x3  }
0xe9: {  	v25 =	vld [tilespmem:$0x4B0]  }
0xea: {  	[tilespmem:$0xA90] =	vst v18  }
0xeb: {  	v18 =	vld.idx.msk [tilespmem:v24+s9+$0x0], $0xffff;
	_ =	sdelay $0x3  }
0xec: {  	v26 =	vld [tilespmem:$0x4C0]  }
0xed: {  	[tilespmem:$0xAA0] =	vst v18  }
0xee: {  	v18 =	vld.idx.msk [tilespmem:v25+s9+$0x0], $0xffff;
	_ =	sdelay $0x3  }
0xef: {  	v27 =	vld [tilespmem:$0x4D0]  }
0xf0: {  	[tilespmem:$0xAB0] =	vst v18  }
0xf1: {  	v18 =	vld.idx.msk [tilespmem:v26+s9+$0x0], $0xffff;
	_ =	sdelay $0x3  }
0xf2: {  	v17 =	vld [tilespmem:$0x4E0]  }
0xf3: {  	[tilespmem:$0xAC0] =	vst v18  }
0xf4: {  	v18 =	vld.idx.msk [tilespmem:v27+s9+$0x0], $0xffff;
	_ =	sdelay $0x3  }
0xf5: {  	v16 =	vld [tilespmem:$0x4F0]  }
0xf6: {  	[tilespmem:$0xAD0] =	vst v18  }
0xf7: {  	v17 =	vld.idx.msk [tilespmem:v17+s9+$0x0], $0xffff;
	_ =	sdelay $0x3  }
0xf8: {  	v15 =	vld [tilespmem:$0x500]  }
0xf9: {  	[tilespmem:$0xAE0] =	vst v17  }
0xfa: {  	v16 =	vld.idx.msk [tilespmem:v16+s9+$0x0], $0xffff;
	_ =	sdelay $0x3  }
0xfb: {  	v14 =	vld [tilespmem:$0x510]  }
0xfc: {  	[tilespmem:$0xAF0] =	vst v16  }
0xfd: {  	v15 =	vld.idx.msk [tilespmem:v15+s9+$0x0], $0xffff;
	_ =	sdelay $0x3  }
0xfe: {  	v13 =	vld [tilespmem:$0x520]  }
0xff: {  	[tilespmem:$0xB00] =	vst v15  }
0x100: {  	v14 =	vld.idx.msk [tilespmem:v14+s9+$0x0], $0xffff;
	_ =	sdelay $0x3  }
0x101: {  	v12 =	vld [tilespmem:$0x530]  }
0x102: {  	[tilespmem:$0xB10] =	vst v14  }
0x103: {  	v13 =	vld.idx.msk [tilespmem:v13+s9+$0x0], $0xffff;
	_ =	sdelay $0x3  }
0x104: {  	v11 =	vld [tilespmem:$0x540]  }
0x105: {  	[tilespmem:$0xB20] =	vst v13  }
0x106: {  	v12 =	vld.idx.msk [tilespmem:v12+s9+$0x0], $0xffff;
	_ =	sdelay $0x3  }
0x107: {  	v10 =	vld [tilespmem:$0x550]  }
0x108: {  	[tilespmem:$0xB30] =	vst v12  }
0x109: {  	v11 =	vld.idx.msk [tilespmem:v11+s9+$0x0], $0xffff;
	_ =	sdelay $0x3  }
0x10a: {  	v9 =	vld [tilespmem:$0x560]  }
0x10b: {  	[tilespmem:$0xB40] =	vst v11  }
0x10c: {  	v10 =	vld.idx.msk [tilespmem:v10+s9+$0x0], $0xffff;
	_ =	sdelay $0x3  }
0x10d: {  	v8 =	vld [tilespmem:$0x570]  }
0x10e: {  	[tilespmem:$0xB50] =	vst v10  }
0x10f: {  	v9 =	vld.idx.msk [tilespmem:v9+s9+$0x0], $0xffff;
	_ =	sdelay $0x3  }
0x110: {  	v7 =	vld [tilespmem:$0x580]  }
0x111: {  	[tilespmem:$0xB60] =	vst v9  }
0x112: {  	v8 =	vld.idx.msk [tilespmem:v8+s9+$0x0], $0xffff;
	_ =	sdelay $0x3  }
0x113: {  	v6 =	vld [tilespmem:$0x590]  }
0x114: {  	[tilespmem:$0xB70] =	vst v8  }
0x115: {  	v7 =	vld.idx.msk [tilespmem:v7+s9+$0x0], $0xffff;
	_ =	sdelay $0x3  }
0x116: {  	v5 =	vld [tilespmem:$0x5A0]  }
0x117: {  	[tilespmem:$0xB80] =	vst v7  }
0x118: {  	v6 =	vld.idx.msk [tilespmem:v6+s9+$0x0], $0xffff;
	_ =	sdelay $0x3  }
0x119: {  	v4 =	vld [tilespmem:$0x5B0]  }
0x11a: {  	[tilespmem:$0xB90] =	vst v6  }
0x11b: {  	v5 =	vld.idx.msk [tilespmem:v5+s9+$0x0], $0xffff;
	_ =	sdelay $0x3  }
0x11c: {  	v60 =	vld [tilespmem:$0x5C0]  }
0x11d: {  	[tilespmem:$0xBA0] =	vst v5  }
0x11e: {  	v4 =	vld.idx.msk [tilespmem:v4+s9+$0x0], $0xffff;
	_ =	sdelay $0x3  }
0x11f: {  	v61 =	vld [tilespmem:$0x5D0]  }
0x120: {  	[tilespmem:$0xBB0] =	vst v4  }
0x121: {  	v3 =	vld.idx.msk [tilespmem:v60+s9+$0x0], $0xffff;
	_ =	sdelay $0x3  }
0x122: {  	v62 =	vld [tilespmem:$0x5E0]  }
0x123: {  	[tilespmem:$0xBC0] =	vst v3  }
0x124: {  	v2 =	vld.idx.msk [tilespmem:v61+s9+$0x0], $0xffff;
	_ =	sdelay $0x3  }
0x125: {  	v63 =	vld [tilespmem:$0x5F0]  }
0x126: {  	[tilespmem:$0xBD0] =	vst v2  }
0x127: {  	v1 =	vld.idx.msk [tilespmem:v62+s9+$0x0], $0xffff;
	_ =	sdelay $0x4  }
0x128: {  	[tilespmem:$0xBE0] =	vst v1  }
0x129: {  	v0 =	vld.idx.msk [tilespmem:v63+s9+$0x0], $0xffff;
	_ =	sdelay $0x4  }
0x12a: {  	[tilespmem:$0xBF0] =	vst v0  }
0x12b: {  	_ =	swait.ge [sflag:s25], $0x80  }
0x12c: {  	[sflag:s25] =	ssyncset.done $0x0  }
0x12d: {  	[sflag:s25] =	ssyncadd.s32 $0xFFFFFF80  }
0x12e: {  	_ =	swait.ge [sflag:s25], $0x80  }
0x12f: {  	[sflag:s25] =	ssyncset.done $0x0  }
0x130: {  	[sflag:s25] =	ssyncadd.s32 $0xFFFFFF80  }
0x131: {  	_ =	swait.ge [sflag:s25], $0x80  }
0x132: {  	[sflag:s25] =	ssyncset.done $0x0  }
0x133: {  	[sflag:s25] =	ssyncadd.s32 $0xFFFFFF80  }
0x134: {  	_ =	swait.ge [sflag:s25], $0x80  }
0x135: {  	[sflag:s25] =	ssyncset.done $0x0  }
0x136: {  	[sflag:s25] =	ssyncadd.s32 $0xFFFFFF80  }
0x137: {  	_ =	swait.ge [sflag:s25], $0x80  }
0x138: {  	[sflag:s25] =	ssyncset.done $0x0  }
0x139: {  	[sflag:s25] =	ssyncadd.s32 $0xFFFFFF80  }
0x13a: {  	_ =	swait.ge [sflag:s25], $0x80  }
0x13b: {  	[sflag:s25] =	ssyncset.done $0x0  }
0x13c: {  	[sflag:s25] =	ssyncadd.s32 $0xFFFFFF80  }
0x13d: {  	_ =	swait.ge [sflag:s25], $0x80  }
0x13e: {  	[sflag:s25] =	ssyncset.done $0x0  }
0x13f: {  	[sflag:s25] =	ssyncadd.s32 $0xFFFFFF80  }
0x140: {  	_ =	swait.ge [sflag:s25], $0x80  }
0x141: {  	[sflag:s25] =	ssyncset.done $0x0  }
0x142: {  	[sflag:s25] =	ssyncadd.s32 $0xFFFFFF80  }
0x143: {  	[hbm4b:s26+s2] =	stream.linear.scatter [tilespmem:s12], [sflag:$0x2], $0x200, $0x38;
	[tilespmem:$0x1000] =	vst v63  }
0x144: {  	_ =	swait.ge [sflag:s3], $0x200  }
0x145: {  	[sflag:s3] =	ssyncset.done $0x0  }
0x146: {  	[sflag:s3] =	ssyncadd.s32 $0xFFFFFE00  }
0x147: {  	[hbm4b:s28+s2] =	stream.linear.scatter [tilespmem:s18], [sflag:$0x2], $0x200, $0x38;
	[tilespmem:$0x1000] =	vst v63  }
0x148: {  	p0 =	sne.s32 s31, $0x1;
	_ =	swait.ge [sflag:s3], $0x200  }
.Ltmp1:
0x149: {  	[sflag:s3] =	ssyncset.done $0x0;
	(pc) =	sbr.rel @p0 .LBB2_1-.Ltmp1, $4  }
0x14a: {  	[sflag:s3] =	ssyncadd.s32 $0xFFFFFE00  }
0x14b: {  	[hbm4b:s29+s2] =	stream.linear.scatter [tilespmem:s30], [sflag:$0x2], $0x200, $0x38;
	[tilespmem:$0x1000] =	vst v63  }
0x14c: {  	_ =	swait.ge [sflag:s3], $0x200  }
0x14d: {  	s31 =	sadd.s32 $0xFFFFFFFF, s31;
	[sflag:s3] =	ssyncset.done $0x0  }
.LBB2_2:
0x14e: {  	[sflag:s3] =	ssyncadd.s32 $0xFFFFFE00  }
0x14f: {  	_ =	sfence.sel $0x180000  }
0x150: {  	[bflag:$0x0] =	sbarrier.arrive $0xFFFF  }
0x151: {  	_ =	strace $0x90000047  }
0x152: {  	[bflag:$0x2] =	sbarrier.arrive $0xFFFF  }
0x153: {  	p0 =	sne.s32 s1, $0x0;
	s0 =	rddreg [dreg:$0x4]  }
0x154: {  	s0 =	sadd.s32 @!p0 $0x100000, s0  }
0x155: {  	[sflag:s0] =	ssyncadd.tile.s32 @!p0 $0x1;
	_ =	shalt  }
.Lfunc_end2:
_tile_overlayer_lowered:
.L_overlay_start_2:
0x156: {  	(tag) =	ssettag $0x2  }
0x157: {  	s0 =	rddreg [dreg:$0x0];
	s2 =	stileid.u32  }
0x158: {  	s1 =	rddreg [dreg:$0x1];
	p0 =	sne.s32 s2, $0x0  }
0x159: {  	s3 =	rddreg [dreg:$0x2];
	[bflag:$0x3] =	sbarrier.arrive $0xFFFF;
	s2 =	simm.s32 @!p0 $0x1C02  }
0x15a: {  	[timem:s3], [sflag:s2] =	dma.local @!p0 [hbm:s0], s1  }
0x15b: {  	s0 =	simm.s32 @!p0 $0x2  }
0x15c: {  	_ =	swait.ge @!p0 [sflag:s0], s1  }
0x15d: {  	s1 =	ssub.s32 @!p0 $0x0, s1;
	[sflag:s0] =	ssyncset.done @!p0 $0x0  }
0x15e: {  	[sflag:s0] =	ssyncadd.s32 @!p0 s1  }
0x15f: {  	[bflag:$0x3] =	sbarrier.arrive $0xFFFF  }
0x160: {  	_ =	shalt  }

</sc_bundles>
